<compile_context>
chip_gen: v7x
topology: tpu7x:2x2x1
jax: 0.10.2.dev20260603
libtpu: 0.0.44.dev20260713+nightly
codegen_flags: <defaults>
</compile_context>

<pallas_src>
import functools

import jax
import jax.numpy as jnp
from jax import lax
from jax.experimental import pallas as pl
from jax.experimental.pallas import tpu as pltpu
from jax.experimental.pallas import tpu_sc as plsc

N = 10000
R = 8
D_IN = 514
HID = 128
LBL = 16
E = 160000

NTILES = 32
B = 128
TPB = 40
EPT = B * TPB
EP = EPT * NTILES
HTOT = EPT * 16
NPAD = 640 * 16
RPT = 640

_mesh = plsc.VectorSubcoreMesh(core_axis_name="c", subcore_axis_name="s")
_sc_params = pltpu.CompilerParams(needs_layout_passes=False,
                                  use_tc_tiling_on_sc=False)


@functools.partial(
    pl.kernel,
    out_type=jax.ShapeDtypeStruct((2, HTOT), jnp.float32),
    mesh=_mesh,
    compiler_params=_sc_params,
    scratch_types=[
        pltpu.VMEM((TPB, B), jnp.int32),
        pltpu.VMEM((B,), jnp.float32),
        pltpu.VMEM((EPT,), jnp.float32),
        pltpu.VMEM_SHARED((HTOT,), jnp.float32),
    ],
)
def _count_kernel(cidx_hbm, cnt2_hbm, cidxv, ones128, zbuf, hist):
    c = lax.axis_index("c")
    s = lax.axis_index("s")
    wid = c * 16 + s

    def fill(i, carry):
        zbuf[pl.ds(i * 16, 16)] = jnp.zeros((16,), jnp.float32)
        return carry

    lax.fori_loop(0, EPT // 16, fill, None)

    def fill1(i, carry):
        ones128[pl.ds(i * 16, 16)] = jnp.ones((16,), jnp.float32)
        return carry

    lax.fori_loop(0, B // 16, fill1, None)

    pltpu.sync_copy(zbuf, hist.at[pl.ds(s * EPT, EPT)])
    plsc.subcore_barrier()

    pltpu.sync_copy(cidx_hbm.at[pl.ds(wid * TPB, TPB)], cidxv)

    def body(b, carry):
        pltpu.sync_copy(ones128, hist.at[cidxv.at[b]], add=True)
        return carry

    lax.fori_loop(0, TPB, body, None)
    plsc.subcore_barrier()
    pltpu.sync_copy(hist.at[pl.ds(s * EPT, EPT)],
                    cnt2_hbm.at[c, pl.ds(s * EPT, EPT)])


CH3 = 20
SLOW_C = 1


@functools.partial(
    pl.kernel,
    out_type=jax.ShapeDtypeStruct((2, NPAD, HID), jnp.float32),
    mesh=_mesh,
    compiler_params=_sc_params,
    scratch_types=[
        pltpu.VMEM((CH3, B), jnp.int32),
        pltpu.VMEM((CH3, B), jnp.int32),
        pltpu.VMEM((CH3, B), jnp.float32),
        pltpu.VMEM((B, HID), jnp.float32),
        pltpu.VMEM((B, HID), jnp.float32),
        pltpu.VMEM_SHARED((NPAD, HID), jnp.float32),
        pltpu.SemaphoreType.DMA,
        pltpu.SemaphoreType.DMA,
        pltpu.SemaphoreType.DMA,
        pltpu.SemaphoreType.DMA,
        pltpu.SemaphoreType.DMA,
    ],
)
def _edge1_kernel(gidx_hbm, dst_hbm, cidx_hbm, inv_hbm, h1_hbm, acc_hbm,
                  gidxv, dstv, wbuf, buf0, buf1, acc,
                  wsem, g0, g1, s0, s1):
    c = lax.axis_index("c")
    s = lax.axis_index("s")

    def zb(j, carry):
        for v in range(HID // 16):
            buf0[j, pl.ds(v * 16, 16)] = jnp.zeros((16,), jnp.float32)
        return carry

    lax.fori_loop(0, B, zb, None)

    def za(k, carry):
        pltpu.sync_copy(buf0, acc.at[pl.ds(s * RPT + k * B, B)])
        return carry

    lax.fori_loop(0, RPT // B, za, None)
    plsc.subcore_barrier()

    nch = jnp.where(c == SLOW_C, 0, 0)
    rbase = jnp.where(c == SLOW_C, s * CH3, 16 * CH3 + s * (3 * CH3))

    def _scale(buf, b):
        def grp(g, carry):
            for l in range(8):
                j = g * 8 + l
                wj = plsc.load_gather(
                    wbuf, [jnp.full((16,), b, jnp.int32),
                           jnp.full((16,), j, jnp.int32)])
                for v in range(HID // 16):
                    buf[j, pl.ds(v * 16, 16)] = buf[j, pl.ds(v * 16, 16)] * wj
            return carry

        lax.fori_loop(0, B // 8, grp, None)

    def chunk(k, carry):
        rb = rbase + k * CH3
        pltpu.sync_copy(cidx_hbm.at[pl.ds(rb, CH3)], gidxv)

        def wfire(b, icarry):
            pltpu.async_copy(inv_hbm.at[gidxv.at[b]], wbuf.at[b], wsem)
            return icarry

        lax.fori_loop(0, CH3, wfire, None)

        def wdrain(b, icarry):
            pltpu.make_async_copy(inv_hbm.at[gidxv.at[b]], wbuf.at[b],
                                  wsem).wait()
            return icarry

        lax.fori_loop(0, CH3, wdrain, None)

        pltpu.sync_copy(gidx_hbm.at[pl.ds(rb, CH3)], gidxv)
        pltpu.sync_copy(dst_hbm.at[pl.ds(rb, CH3)], dstv)

        pltpu.async_copy(h1_hbm.at[gidxv.at[0]], buf0, g0)
        pltpu.async_copy(h1_hbm.at[gidxv.at[1]], buf1, g1)

        def body(bb, icarry):
            b0 = 2 * bb
            b1 = 2 * bb + 1
            pltpu.make_async_copy(h1_hbm.at[gidxv.at[b0]], buf0, g0).wait()
            _scale(buf0, b0)
            pltpu.async_copy(buf0, acc.at[dstv.at[b0]], s0, add=True)
            pltpu.make_async_copy(h1_hbm.at[gidxv.at[b1]], buf1, g1).wait()
            _scale(buf1, b1)
            pltpu.async_copy(buf1, acc.at[dstv.at[b1]], s1, add=True)
            pltpu.make_async_copy(buf0, acc.at[dstv.at[b0]], s0).wait()

            @pl.when(b0 + 2 < CH3)
            def _():
                pltpu.async_copy(h1_hbm.at[gidxv.at[b0 + 2]], buf0, g0)

            pltpu.make_async_copy(buf1, acc.at[dstv.at[b1]], s1).wait()

            @pl.when(b1 + 2 < CH3)
            def _():
                pltpu.async_copy(h1_hbm.at[gidxv.at[b1 + 2]], buf1, g1)

            return icarry

        lax.fori_loop(0, CH3 // 2, body, None)
        return carry

    lax.fori_loop(0, nch, chunk, None)
    plsc.subcore_barrier()
    pltpu.sync_copy(acc.at[pl.ds(s * RPT, RPT)],
                    acc_hbm.at[c, pl.ds(s * RPT, RPT)])


CH5 = 16


@functools.partial(
    pl.kernel,
    out_type=jax.ShapeDtypeStruct((2, NPAD, LBL), jnp.float32),
    mesh=_mesh,
    compiler_params=_sc_params,
    scratch_types=[
        pltpu.VMEM((CH5, B), jnp.int32),
        pltpu.VMEM((CH5, B), jnp.int32),
        pltpu.VMEM((CH5, B), jnp.float32),
        pltpu.VMEM((B, LBL), jnp.float32),
        pltpu.VMEM((B, LBL), jnp.float32),
        pltpu.VMEM_SHARED((NPAD, LBL), jnp.float32),
        pltpu.SemaphoreType.DMA,
        pltpu.SemaphoreType.DMA,
        pltpu.SemaphoreType.DMA,
        pltpu.SemaphoreType.DMA,
        pltpu.SemaphoreType.DMA,
    ],
)
def _edge2_kernel(gidx_hbm, dst_hbm, cidx_hbm, inv_hbm, h2_hbm, acc_hbm,
                  gidxv, dstv, wbuf, buf0, buf1, acc,
                  wsem, g0, g1, s0, s1):
    c = lax.axis_index("c")
    s = lax.axis_index("s")

    def zb(j, carry):
        buf0[j, pl.ds(0, 16)] = jnp.zeros((16,), jnp.float32)
        return carry

    lax.fori_loop(0, B, zb, None)

    def za(k, carry):
        pltpu.sync_copy(buf0, acc.at[pl.ds(s * RPT + k * B, B)])
        return carry

    lax.fori_loop(0, RPT // B, za, None)
    plsc.subcore_barrier()

    nch = jnp.where(c == SLOW_C, 2, 3)
    rbase = jnp.where(c == SLOW_C, s * (2 * CH5), 16 * (2 * CH5) + s * (3 * CH5))

    def _scale(buf, b):
        def grp(g, carry):
            for l in range(8):
                j = g * 8 + l
                wj = plsc.load_gather(
                    wbuf, [jnp.full((16,), b, jnp.int32),
                           jnp.full((16,), j, jnp.int32)])
                buf[j, pl.ds(0, 16)] = buf[j, pl.ds(0, 16)] * wj
            return carry

        lax.fori_loop(0, B // 8, grp, None)

    def chunk(k, carry):
        rb = rbase + k * CH5
        pltpu.sync_copy(cidx_hbm.at[pl.ds(rb, CH5)], gidxv)

        def wfire(b, icarry):
            pltpu.async_copy(inv_hbm.at[gidxv.at[b]], wbuf.at[b], wsem)
            return icarry

        lax.fori_loop(0, CH5, wfire, None)

        def wdrain(b, icarry):
            pltpu.make_async_copy(inv_hbm.at[gidxv.at[b]], wbuf.at[b],
                                  wsem).wait()
            return icarry

        lax.fori_loop(0, CH5, wdrain, None)

        pltpu.sync_copy(gidx_hbm.at[pl.ds(rb, CH5)], gidxv)
        pltpu.sync_copy(dst_hbm.at[pl.ds(rb, CH5)], dstv)

        pltpu.async_copy(h2_hbm.at[gidxv.at[0]], buf0, g0)
        pltpu.async_copy(h2_hbm.at[gidxv.at[1]], buf1, g1)

        def body(bb, icarry):
            b0 = 2 * bb
            b1 = 2 * bb + 1
            pltpu.make_async_copy(h2_hbm.at[gidxv.at[b0]], buf0, g0).wait()
            _scale(buf0, b0)
            pltpu.async_copy(buf0, acc.at[dstv.at[b0]], s0, add=True)
            pltpu.make_async_copy(h2_hbm.at[gidxv.at[b1]], buf1, g1).wait()
            _scale(buf1, b1)
            pltpu.async_copy(buf1, acc.at[dstv.at[b1]], s1, add=True)
            pltpu.make_async_copy(buf0, acc.at[dstv.at[b0]], s0).wait()

            @pl.when(b0 + 2 < CH5)
            def _():
                pltpu.async_copy(h2_hbm.at[gidxv.at[b0 + 2]], buf0, g0)

            pltpu.make_async_copy(buf1, acc.at[dstv.at[b1]], s1).wait()

            @pl.when(b1 + 2 < CH5)
            def _():
                pltpu.async_copy(h2_hbm.at[gidxv.at[b1 + 2]], buf1, g1)

            return icarry

        lax.fori_loop(0, CH5 // 2, body, None)
        return carry

    lax.fori_loop(0, nch, chunk, None)
    plsc.subcore_barrier()
    pltpu.sync_copy(acc.at[pl.ds(s * RPT, RPT)],
                    acc_hbm.at[c, pl.ds(s * RPT, RPT)])


BN = 2000


def _inv_body(c_ref, o_ref):
    o_ref[...] = 1.0 / jnp.maximum(c_ref[0] + c_ref[1], 1.0)


def _mm1_body(x_ref, w_ref, o_ref):
    o_ref[0] = jnp.dot(x_ref[...], w_ref[0],
                       preferred_element_type=jnp.float32)


def _l2_body(b1_ref, acc_ref, bias1_ref, w2_ref, h2_ref):
    out1 = b1_ref[0] + bias1_ref[0] + acc_ref[0] + acc_ref[1]
    out1 = jnp.maximum(out1, 0.0)
    for r in range(R + 1):
        h2_ref[r] = jnp.dot(out1, w2_ref[r],
                            preferred_element_type=jnp.float32)


def _out_body(h2_ref, acc_ref, bias2_ref, o_ref):
    z = h2_ref[0] + bias2_ref[0] + acc_ref[0] + acc_ref[1]
    o_ref[...] = jax.nn.sigmoid(z)


def kernel(edge_index, edge_type, emb, W1, root1, bias1, W2, root2, bias2):
    src = edge_index[0]
    dst = edge_index[1]
    gidx = edge_type * N + src
    cidx = edge_type * N + dst

    pad = EP - E
    gidx2d = jnp.concatenate(
        [gidx, jnp.zeros((pad,), jnp.int32)]).reshape(EP // B, B)
    cidx2d = jnp.concatenate(
        [cidx, jnp.full((pad,), R * N, jnp.int32)]).reshape(EP // B, B)
    dst2d = jnp.concatenate(
        [dst, jnp.full((pad,), N, jnp.int32)]).reshape(EP // B, B)

    W1cat = jnp.concatenate([W1, root1[None]], axis=0)
    W2cat = jnp.concatenate([W2, root2[None]], axis=0)
    bias1b = jnp.broadcast_to(bias1, (8, HID))
    bias2b = jnp.broadcast_to(bias2, (8, LBL))

    cnt2 = _count_kernel(cidx2d)

    inv = pl.pallas_call(
        _inv_body,
        out_shape=jax.ShapeDtypeStruct((HTOT // 128, 128), jnp.float32),
    )(cnt2.reshape(2, HTOT // 128, 128)).reshape(HTOT)

    h1b = pl.pallas_call(
        _mm1_body,
        grid=(N // BN, R + 1),
        in_specs=[
            pl.BlockSpec((BN, D_IN), lambda i, r: (i, 0)),
            pl.BlockSpec((1, D_IN, HID), lambda i, r: (r, 0, 0)),
        ],
        out_specs=pl.BlockSpec((1, BN, HID), lambda i, r: (r, i, 0)),
        out_shape=jax.ShapeDtypeStruct((R + 1, N, HID), jnp.float32),
    )(emb.astype(jnp.bfloat16), W1cat.astype(jnp.bfloat16))

    acc1p = _edge1_kernel(gidx2d, dst2d, cidx2d, inv,
                          h1b.reshape((R + 1) * N, HID))

    h2b = pl.pallas_call(
        _l2_body,
        grid=(N // BN,),
        in_specs=[
            pl.BlockSpec((1, BN, HID), lambda i: (R, i, 0)),
            pl.BlockSpec((2, BN, HID), lambda i: (0, i, 0)),
            pl.BlockSpec((8, HID), lambda i: (0, 0)),
            pl.BlockSpec((R + 1, HID, LBL), lambda i: (0, 0, 0)),
        ],
        out_specs=pl.BlockSpec((R + 1, BN, LBL), lambda i: (0, i, 0)),
        out_shape=jax.ShapeDtypeStruct((R + 1, N, LBL), jnp.float32),
    )(h1b, acc1p, bias1b, W2cat)

    acc2p = _edge2_kernel(gidx2d, dst2d, cidx2d, inv,
                          h2b.reshape((R + 1) * N, LBL))

    out = pl.pallas_call(
        _out_body,
        grid=(N // BN,),
        in_specs=[
            pl.BlockSpec((1, BN, LBL), lambda i: (R, i, 0)),
            pl.BlockSpec((2, BN, LBL), lambda i: (0, i, 0)),
            pl.BlockSpec((8, LBL), lambda i: (0, 0)),
        ],
        out_specs=pl.BlockSpec((BN, LBL), lambda i: (i, 0)),
        out_shape=jax.ShapeDtypeStruct((N, LBL), jnp.float32),
    )(h2b, acc2p, bias2b)

    return out

# --- scband reference (transcript-rebuilt; emitter-appended) ---
"""Pipeline reference for scband-rgcn-layers-15599321219706 (READ-ONLY COPY).

The authoritative reference and input builder live on the scoring server;
editing this copy changes nothing except your own understanding.
"""

import jax, jax.numpy as jnp
import numpy as np

NUM_NODES = 10000
NUM_REL = 8
D_IN = 514
HIDDEN = 128
NUM_LABELS = 16
E = 160000


def setup_inputs(seed: int = 0) -> dict:
    key = jax.random.key(seed)
    ks = jax.random.split(key, 9)
    edge_index = jax.random.randint(ks[0], (2, E), 0, NUM_NODES, dtype=jnp.int32)
    edge_type = jax.random.randint(ks[1], (E,), 0, NUM_REL, dtype=jnp.int32)
    emb = jax.random.normal(ks[2], (NUM_NODES, D_IN), dtype=jnp.float32)
    # layer 1 params (kaiming-uniform-like scaling, fan_in mode)
    W1 = jax.random.uniform(ks[3], (NUM_REL, D_IN, HIDDEN), dtype=jnp.float32, minval=-1.0, maxval=1.0) * np.sqrt(6.0 / D_IN)
    root1 = jax.random.uniform(ks[4], (D_IN, HIDDEN), dtype=jnp.float32, minval=-1.0, maxval=1.0) * np.sqrt(6.0 / D_IN)
    bias1 = jnp.zeros((HIDDEN,), dtype=jnp.float32)
    # layer 2 params
    W2 = jax.random.uniform(ks[5], (NUM_REL, HIDDEN, NUM_LABELS), dtype=jnp.float32, minval=-1.0, maxval=1.0) * np.sqrt(6.0 / HIDDEN)
    root2 = jax.random.uniform(ks[6], (HIDDEN, NUM_LABELS), dtype=jnp.float32, minval=-1.0, maxval=1.0) * np.sqrt(6.0 / HIDDEN)
    bias2 = jnp.zeros((NUM_LABELS,), dtype=jnp.float32)
    return {
        "edge_index": edge_index,
        "edge_type": edge_type,
        "emb": emb,
        "W1": W1, "root1": root1, "bias1": bias1,
        "W2": W2, "root2": root2, "bias2": bias2,
    }


def _rgcn_conv(x, edge_index, edge_type, weight, root, bias):
    # PyG-style RGCNConv: out = x @ root + bias + sum_r mean_{j in N_r(i)} x_j @ W_r
    src = edge_index[0]
    dst = edge_index[1]
    n = x.shape[0]
    out = x @ root + bias
    num_rel = weight.shape[0]
    for r in range(num_rel):
        mask = (edge_type == r).astype(x.dtype)
        msgs = jnp.take(x, src, axis=0) * mask[:, None]
        summed = jax.ops.segment_sum(msgs, dst, num_segments=n)
        cnt = jax.ops.segment_sum(mask, dst, num_segments=n)
        mean = summed / jnp.clip(cnt, 1.0, None)[:, None]
        out = out + mean @ weight[r]
    return out


def reference(edge_index, edge_type, emb, W1, root1, bias1, W2, root2, bias2):
    x = _rgcn_conv(emb, edge_index, edge_type, W1, root1, bias1)
    x = jax.nn.relu(x)
    x = _rgcn_conv(x, edge_index, edge_type, W2, root2, bias2)
    return jax.nn.sigmoid(x)

if __name__ == "__main__":
    import jax
    _d = setup_inputs()
    print(jax.jit(kernel)(*tuple(_d.values())))

</pallas_src>

<mosaic_0001>
#map = affine_map<(d0, d1) -> (0, 0)>
module attributes {stable_mosaic.version = 14 : i64} {
  func.func @_count_kernel(%arg0: i32, %arg1: i32, %arg2: memref<1280x128xi32, #tpu.memory_space<hbm>>, %arg3: memref<2x81920xf32, #tpu.memory_space<hbm>>, %arg4: memref<40x128xi32, #tpu.memory_space<vmem>>, %arg5: memref<128xf32, #tpu.memory_space<vmem>>, %arg6: memref<5120xf32, #tpu.memory_space<vmem>>, %arg7: memref<81920xf32, #tpu.memory_space<vmem_shared>>) attributes {dimension_semantics = [#tpu.dimension_semantics<core_parallel>, #tpu.dimension_semantics<subcore_parallel>], iteration_bounds = array<i64: 2, 16>, scalar_prefetch = 0 : i64, scratch_operands = 4 : i64, tpu.core_type = #tpu.core_type<sc_vector_subcore>, window_params = [{transform_indices = #map}, {transform_indices = #map}]} {
    %mul3A = arith.constant 16 : i32
    %mul3A_0 = arith.muli %arg0, %mul3A : i32
    %add3A = arith.addi %mul3A_0, %arg1 : i32
    %scan3A = arith.constant 0 : i32
    %scan3A_1 = arith.constant 320 : i32
    %scan3A_2 = arith.addi %scan3A, %scan3A_1 : i32
    %scan3A_3 = arith.constant 1 : i32
    scf.for %scan3A_24 = %scan3A to %scan3A_2 step %scan3A_3  : i32 {
      %broadcast_in_dim3A = arith.constant 0.000000e+00 : f32
      %broadcast_in_dim3A_25 = vector.broadcast %broadcast_in_dim3A : f32 to vector<16xf32>
      %mul3A_26 = arith.constant 16 : i32
      %mul3A_27 = arith.muli %scan3A_24, %mul3A_26 : i32
      %swap3A = arith.index_cast %mul3A_27 : i32 to index
      %swap3A_28 = tpu.vector_load %arg6[%swap3A] {strides = array<i32>} : memref<5120xf32, #tpu.memory_space<vmem>>, vector<16xf32>,
      tpu.vector_store %arg6[%swap3A], %broadcast_in_dim3A_25 {strides = array<i32>} : memref<5120xf32, #tpu.memory_space<vmem>>, vector<16xf32>,
    }
    %scan3A_4 = arith.constant 320 : i32
    %scan3A_5 = arith.constant 0 : i32
    %scan3A_6 = arith.constant 8 : i32
    %scan3A_7 = arith.addi %scan3A_5, %scan3A_6 : i32
    %scan3A_8 = arith.constant 1 : i32
    scf.for %scan3A_24 = %scan3A_5 to %scan3A_7 step %scan3A_8  : i32 {
      %broadcast_in_dim3A = arith.constant 1.000000e+00 : f32
      %broadcast_in_dim3A_25 = vector.broadcast %broadcast_in_dim3A : f32 to vector<16xf32>
      %mul3A_26 = arith.constant 16 : i32
      %mul3A_27 = arith.muli %scan3A_24, %mul3A_26 : i32
      %swap3A = arith.index_cast %mul3A_27 : i32 to index
      %swap3A_28 = tpu.vector_load %arg5[%swap3A] {strides = array<i32>} : memref<128xf32, #tpu.memory_space<vmem>>, vector<16xf32>,
      tpu.vector_store %arg5[%swap3A], %broadcast_in_dim3A_25 {strides = array<i32>} : memref<128xf32, #tpu.memory_space<vmem>>, vector<16xf32>,
    }
    %scan3A_9 = arith.constant 8 : i32
    %mul3A_10 = arith.constant 5120 : i32
    %mul3A_11 = arith.muli %arg1, %mul3A_10 : i32
    "tpu.region"() ({
      %run_scoped3A = tpu.sem_alloc : memref<!tpu.dma_semaphore, #tpu.memory_space<semaphore_mem>>
      %dma_start3A = tpu.memref_slice %arg7[%mul3A_11] : memref<81920xf32, #tpu.memory_space<vmem_shared>> -> memref<5120xf32, #tpu.memory_space<vmem_shared>>
      %dma_start3A_24 = tpu.memref_slice %arg7[%mul3A_11] : memref<81920xf32, #tpu.memory_space<vmem_shared>> -> memref<5120xf32, #tpu.memory_space<vmem_shared>>
      tpu.enqueue_dma source(%arg6 : memref<5120xf32, #tpu.memory_space<vmem>>) target(%dma_start3A_24 : memref<5120xf32, #tpu.memory_space<vmem_shared>>) target_semaphore(%run_scoped3A : memref<!tpu.dma_semaphore, #tpu.memory_space<semaphore_mem>>)
      %dma_wait3A = tpu.memref_slice %arg7[%mul3A_11] : memref<81920xf32, #tpu.memory_space<vmem_shared>> -> memref<5120xf32, #tpu.memory_space<vmem_shared>>
      %dma_wait3A_25 = tpu.memref_slice %arg7[%mul3A_11] : memref<81920xf32, #tpu.memory_space<vmem_shared>> -> memref<5120xf32, #tpu.memory_space<vmem_shared>>
      tpu.wait_dma2 semaphore(%run_scoped3A : memref<!tpu.dma_semaphore, #tpu.memory_space<semaphore_mem>>) src(%arg6 : memref<5120xf32, #tpu.memory_space<vmem>>) dst(%dma_wait3A_25 : memref<5120xf32, #tpu.memory_space<vmem_shared>>)
      tpu.yield
    }) : () -> ()
    %barrier3A = arith.constant 0 : index
    tpu.barrier barrier_id(%barrier3A)
    %mul3A_12 = arith.constant 40 : i32
    %mul3A_13 = arith.muli %add3A, %mul3A_12 : i32
    "tpu.region"() ({
      %run_scoped3A = tpu.sem_alloc : memref<!tpu.dma_semaphore, #tpu.memory_space<semaphore_mem>>
      %dma_start3A = arith.constant 0 : i32
      %dma_start3A_24 = tpu.memref_slice %arg2[%mul3A_13, %dma_start3A] : memref<1280x128xi32, #tpu.memory_space<hbm>> -> memref<40x128xi32, #tpu.memory_space<hbm>>
      %dma_start3A_25 = arith.constant 0 : i32
      %dma_start3A_26 = tpu.memref_slice %arg2[%mul3A_13, %dma_start3A_25] : memref<1280x128xi32, #tpu.memory_space<hbm>> -> memref<40x128xi32, #tpu.memory_space<hbm>>
      tpu.enqueue_dma source(%dma_start3A_26 : memref<40x128xi32, #tpu.memory_space<hbm>>) target(%arg4 : memref<40x128xi32, #tpu.memory_space<vmem>>) target_semaphore(%run_scoped3A : memref<!tpu.dma_semaphore, #tpu.memory_space<semaphore_mem>>)
      %dma_wait3A = arith.constant 0 : i32
      %dma_wait3A_27 = tpu.memref_slice %arg2[%mul3A_13, %dma_wait3A] : memref<1280x128xi32, #tpu.memory_space<hbm>> -> memref<40x128xi32, #tpu.memory_space<hbm>>
      %dma_wait3A_28 = arith.constant 0 : i32
      %dma_wait3A_29 = tpu.memref_slice %arg2[%mul3A_13, %dma_wait3A_28] : memref<1280x128xi32, #tpu.memory_space<hbm>> -> memref<40x128xi32, #tpu.memory_space<hbm>>
      tpu.wait_dma2 semaphore(%run_scoped3A : memref<!tpu.dma_semaphore, #tpu.memory_space<semaphore_mem>>) src(%dma_wait3A_29 : memref<40x128xi32, #tpu.memory_space<hbm>>) dst(%arg4 : memref<40x128xi32, #tpu.memory_space<vmem>>)
      tpu.yield
    }) : () -> ()
    %scan3A_14 = arith.constant 0 : i32
    %scan3A_15 = arith.constant 40 : i32
    %scan3A_16 = arith.addi %scan3A_14, %scan3A_15 : i32
    %scan3A_17 = arith.constant 1 : i32
    scf.for %scan3A_24 = %scan3A_14 to %scan3A_16 step %scan3A_17  : i32 {
      "tpu.region"() ({
        %run_scoped3A = tpu.sem_alloc : memref<!tpu.dma_semaphore, #tpu.memory_space<semaphore_mem>>
        %dma_start3A = arith.constant 0 : i32
        %dma_start3A_25 = tpu.memref_slice %arg4[%scan3A_24, %dma_start3A] : memref<40x128xi32, #tpu.memory_space<vmem>> -> memref<1x128xi32, #tpu.memory_space<vmem>>
        %dma_start3A_26 = tpu.memref_squeeze %dma_start3A_25 : memref<1x128xi32, #tpu.memory_space<vmem>> -> memref<128xi32, #tpu.memory_space<vmem>>
        %dma_start3A_27 = arith.constant 0 : i32
        %dma_start3A_28 = tpu.memref_slice %arg7[%dma_start3A_27] : memref<81920xf32, #tpu.memory_space<vmem_shared>> -> memref<81920xf32, #tpu.memory_space<vmem_shared>>
        tpu.enqueue_indirect_dma source(%arg5 : memref<128xf32, #tpu.memory_space<vmem>>) target(%dma_start3A_28 : memref<81920xf32, #tpu.memory_space<vmem_shared>>) offsets(%dma_start3A_26 : memref<128xi32, #tpu.memory_space<vmem>>) semaphore(%run_scoped3A : memref<!tpu.dma_semaphore, #tpu.memory_space<semaphore_mem>>) {add = true}
        %dma_wait3A = arith.constant 0 : i32
        %dma_wait3A_29 = tpu.memref_slice %arg4[%scan3A_24, %dma_wait3A] : memref<40x128xi32, #tpu.memory_space<vmem>> -> memref<1x128xi32, #tpu.memory_space<vmem>>
        %dma_wait3A_30 = tpu.memref_squeeze %dma_wait3A_29 : memref<1x128xi32, #tpu.memory_space<vmem>> -> memref<128xi32, #tpu.memory_space<vmem>>
        %dma_wait3A_31 = arith.constant 0 : i32
        %dma_wait3A_32 = tpu.memref_slice %arg7[%dma_wait3A_31] : memref<81920xf32, #tpu.memory_space<vmem_shared>> -> memref<81920xf32, #tpu.memory_space<vmem_shared>>
        tpu.wait_indirect_dma semaphore(%run_scoped3A : memref<!tpu.dma_semaphore, #tpu.memory_space<semaphore_mem>>) src(%arg5 : memref<128xf32, #tpu.memory_space<vmem>>) dst(%dma_wait3A_32 : memref<81920xf32, #tpu.memory_space<vmem_shared>>)
        tpu.yield
      }) : () -> ()
    }
    %scan3A_18 = arith.constant 40 : i32
    %barrier3A_19 = arith.constant 0 : index
    tpu.barrier barrier_id(%barrier3A_19)
    %mul3A_20 = arith.constant 5120 : i32
    %mul3A_21 = arith.muli %arg1, %mul3A_20 : i32
    %mul3A_22 = arith.constant 5120 : i32
    %mul3A_23 = arith.muli %arg1, %mul3A_22 : i32
    "tpu.region"() ({
      %run_scoped3A = tpu.sem_alloc : memref<!tpu.dma_semaphore, #tpu.memory_space<semaphore_mem>>
      %dma_start3A = tpu.memref_slice %arg3[%arg0, %mul3A_23] : memref<2x81920xf32, #tpu.memory_space<hbm>> -> memref<1x5120xf32, #tpu.memory_space<hbm>>
      %dma_start3A_24 = tpu.memref_squeeze %dma_start3A : memref<1x5120xf32, #tpu.memory_space<hbm>> -> memref<5120xf32, #tpu.memory_space<hbm>>
      %dma_start3A_25 = tpu.memref_slice %arg7[%mul3A_21] : memref<81920xf32, #tpu.memory_space<vmem_shared>> -> memref<5120xf32, #tpu.memory_space<vmem_shared>>
      tpu.enqueue_dma source(%dma_start3A_25 : memref<5120xf32, #tpu.memory_space<vmem_shared>>) target(%dma_start3A_24 : memref<5120xf32, #tpu.memory_space<hbm>>) target_semaphore(%run_scoped3A : memref<!tpu.dma_semaphore, #tpu.memory_space<semaphore_mem>>)
      %dma_wait3A = tpu.memref_slice %arg3[%arg0, %mul3A_23] : memref<2x81920xf32, #tpu.memory_space<hbm>> -> memref<1x5120xf32, #tpu.memory_space<hbm>>
      %dma_wait3A_26 = tpu.memref_squeeze %dma_wait3A : memref<1x5120xf32, #tpu.memory_space<hbm>> -> memref<5120xf32, #tpu.memory_space<hbm>>
      %dma_wait3A_27 = tpu.memref_slice %arg7[%mul3A_21] : memref<81920xf32, #tpu.memory_space<vmem_shared>> -> memref<5120xf32, #tpu.memory_space<vmem_shared>>
      tpu.wait_dma2 semaphore(%run_scoped3A : memref<!tpu.dma_semaphore, #tpu.memory_space<semaphore_mem>>) src(%dma_wait3A_27 : memref<5120xf32, #tpu.memory_space<vmem_shared>>) dst(%dma_wait3A_26 : memref<5120xf32, #tpu.memory_space<hbm>>)
      tpu.yield
    }) : () -> ()
    return
  }
}

#map = affine_map<(d0, d1) -> (0, 0)>
#map1 = affine_map<(d0, d1) -> (0)>
#map2 = affine_map<(d0, d1) -> (0, 0, 0)>
module attributes {stable_mosaic.version = 14 : i64} {
  func.func @_edge1_kernel(%arg0: i32, %arg1: i32, %arg2: memref<1280x128xi32, #tpu.memory_space<hbm>>, %arg3: memref<1280x128xi32, #tpu.memory_space<hbm>>, %arg4: memref<1280x128xi32, #tpu.memory_space<hbm>>, %arg5: memref<81920xf32, #tpu.memory_space<hbm>>, %arg6: memref<90000x128xf32, #tpu.memory_space<hbm>>, %arg7: memref<2x10240x128xf32, #tpu.memory_space<hbm>>, %arg8: memref<20x128xi32, #tpu.memory_space<vmem>>, %arg9: memref<20x128xi32, #tpu.memory_space<vmem>>, %arg10: memref<20x128xf32, #tpu.memory_space<vmem>>, %arg11: memref<128x128xf32, #tpu.memory_space<vmem>>, %arg12: memref<128x128xf32, #tpu.memory_space<vmem>>, %arg13: memref<10240x128xf32, #tpu.memory_space<vmem_shared>>, %arg14: memref<!tpu.dma_semaphore, #tpu.memory_space<semaphore_mem>>, %arg15: memref<!tpu.dma_semaphore, #tpu.memory_space<semaphore_mem>>, %arg16: memref<!tpu.dma_semaphore, #tpu.memory_space<semaphore_mem>>, %arg17: memref<!tpu.dma_semaphore, #tpu.memory_space<semaphore_mem>>, %arg18: memref<!tpu.dma_semaphore, #tpu.memory_space<semaphore_mem>>) attributes {dimension_semantics = [#tpu.dimension_semantics<core_parallel>, #tpu.dimension_semantics<subcore_parallel>], iteration_bounds = array<i64: 2, 16>, scalar_prefetch = 0 : i64, scratch_operands = 11 : i64, tpu.core_type = #tpu.core_type<sc_vector_subcore>, window_params = [{transform_indices = #map}, {transform_indices = #map}, {transform_indices = #map}, {transform_indices = #map1}, {transform_indices = #map}, {transform_indices = #map2}]} {
    %scan3A = arith.constant 0 : i32
    %scan3A_0 = arith.constant 128 : i32
    %scan3A_1 = arith.addi %scan3A, %scan3A_0 : i32
    %scan3A_2 = arith.constant 1 : i32
    scf.for %scan3A_31 = %scan3A to %scan3A_1 step %scan3A_2  : i32 {
      %broadcast_in_dim3A = arith.constant 0.000000e+00 : f32
      %broadcast_in_dim3A_32 = vector.broadcast %broadcast_in_dim3A : f32 to vector<16xf32>
      %swap3A = arith.index_cast %scan3A_31 : i32 to index
      %swap3A_33 = arith.constant 0 : index
      %swap3A_34 = tpu.vector_load %arg11[%swap3A, %swap3A_33] {strides = array<i32>} : memref<128x128xf32, #tpu.memory_space<vmem>>, vector<16xf32>,
      tpu.vector_store %arg11[%swap3A, %swap3A_33], %broadcast_in_dim3A_32 {strides = array<i32>} : memref<128x128xf32, #tpu.memory_space<vmem>>, vector<16xf32>,
      %broadcast_in_dim3A_35 = arith.constant 0.000000e+00 : f32
      %broadcast_in_dim3A_36 = vector.broadcast %broadcast_in_dim3A_35 : f32 to vector<16xf32>
      %swap3A_37 = arith.index_cast %scan3A_31 : i32 to index
      %swap3A_38 = arith.constant 16 : index
      %swap3A_39 = tpu.vector_load %arg11[%swap3A_37, %swap3A_38] {strides = array<i32>} : memref<128x128xf32, #tpu.memory_space<vmem>>, vector<16xf32>,
      tpu.vector_store %arg11[%swap3A_37, %swap3A_38], %broadcast_in_dim3A_36 {strides = array<i32>} : memref<128x128xf32, #tpu.memory_space<vmem>>, vector<16xf32>,
      %broadcast_in_dim3A_40 = arith.constant 0.000000e+00 : f32
      %broadcast_in_dim3A_41 = vector.broadcast %broadcast_in_dim3A_40 : f32 to vector<16xf32>
      %swap3A_42 = arith.index_cast %scan3A_31 : i32 to index
      %swap3A_43 = arith.constant 32 : index
      %swap3A_44 = tpu.vector_load %arg11[%swap3A_42, %swap3A_43] {strides = array<i32>} : memref<128x128xf32, #tpu.memory_space<vmem>>, vector<16xf32>,
      tpu.vector_store %arg11[%swap3A_42, %swap3A_43], %broadcast_in_dim3A_41 {strides = array<i32>} : memref<128x128xf32, #tpu.memory_space<vmem>>, vector<16xf32>,
      %broadcast_in_dim3A_45 = arith.constant 0.000000e+00 : f32
      %broadcast_in_dim3A_46 = vector.broadcast %broadcast_in_dim3A_45 : f32 to vector<16xf32>
      %swap3A_47 = arith.index_cast %scan3A_31 : i32 to index
      %swap3A_48 = arith.constant 48 : index
      %swap3A_49 = tpu.vector_load %arg11[%swap3A_47, %swap3A_48] {strides = array<i32>} : memref<128x128xf32, #tpu.memory_space<vmem>>, vector<16xf32>,
      tpu.vector_store %arg11[%swap3A_47, %swap3A_48], %broadcast_in_dim3A_46 {strides = array<i32>} : memref<128x128xf32, #tpu.memory_space<vmem>>, vector<16xf32>,
      %broadcast_in_dim3A_50 = arith.constant 0.000000e+00 : f32
      %broadcast_in_dim3A_51 = vector.broadcast %broadcast_in_dim3A_50 : f32 to vector<16xf32>
      %swap3A_52 = arith.index_cast %scan3A_31 : i32 to index
      %swap3A_53 = arith.constant 64 : index
      %swap3A_54 = tpu.vector_load %arg11[%swap3A_52, %swap3A_53] {strides = array<i32>} : memref<128x128xf32, #tpu.memory_space<vmem>>, vector<16xf32>,
      tpu.vector_store %arg11[%swap3A_52, %swap3A_53], %broadcast_in_dim3A_51 {strides = array<i32>} : memref<128x128xf32, #tpu.memory_space<vmem>>, vector<16xf32>,
      %broadcast_in_dim3A_55 = arith.constant 0.000000e+00 : f32
      %broadcast_in_dim3A_56 = vector.broadcast %broadcast_in_dim3A_55 : f32 to vector<16xf32>
      %swap3A_57 = arith.index_cast %scan3A_31 : i32 to index
      %swap3A_58 = arith.constant 80 : index
      %swap3A_59 = tpu.vector_load %arg11[%swap3A_57, %swap3A_58] {strides = array<i32>} : memref<128x128xf32, #tpu.memory_space<vmem>>, vector<16xf32>,
      tpu.vector_store %arg11[%swap3A_57, %swap3A_58], %broadcast_in_dim3A_56 {strides = array<i32>} : memref<128x128xf32, #tpu.memory_space<vmem>>, vector<16xf32>,
      %broadcast_in_dim3A_60 = arith.constant 0.000000e+00 : f32
      %broadcast_in_dim3A_61 = vector.broadcast %broadcast_in_dim3A_60 : f32 to vector<16xf32>
      %swap3A_62 = arith.index_cast %scan3A_31 : i32 to index
      %swap3A_63 = arith.constant 96 : index
      %swap3A_64 = tpu.vector_load %arg11[%swap3A_62, %swap3A_63] {strides = array<i32>} : memref<128x128xf32, #tpu.memory_space<vmem>>, vector<16xf32>,
      tpu.vector_store %arg11[%swap3A_62, %swap3A_63], %broadcast_in_dim3A_61 {strides = array<i32>} : memref<128x128xf32, #tpu.memory_space<vmem>>, vector<16xf32>,
      %broadcast_in_dim3A_65 = arith.constant 0.000000e+00 : f32
      %broadcast_in_dim3A_66 = vector.broadcast %broadcast_in_dim3A_65 : f32 to vector<16xf32>
      %swap3A_67 = arith.index_cast %scan3A_31 : i32 to index
      %swap3A_68 = arith.constant 112 : index
      %swap3A_69 = tpu.vector_load %arg11[%swap3A_67, %swap3A_68] {strides = array<i32>} : memref<128x128xf32, #tpu.memory_space<vmem>>, vector<16xf32>,
      tpu.vector_store %arg11[%swap3A_67, %swap3A_68], %broadcast_in_dim3A_66 {strides = array<i32>} : memref<128x128xf32, #tpu.memory_space<vmem>>, vector<16xf32>,
    }
    %scan3A_3 = arith.constant 128 : i32
    %scan3A_4 = arith.constant 0 : i32
    %scan3A_5 = arith.constant 5 : i32
    %scan3A_6 = arith.addi %scan3A_4, %scan3A_5 : i32
    %scan3A_7 = arith.constant 1 : i32
    scf.for %scan3A_31 = %scan3A_4 to %scan3A_6 step %scan3A_7  : i32 {
      %mul3A_32 = arith.constant 640 : i32
      %mul3A_33 = arith.muli %arg1, %mul3A_32 : i32
      %mul3A_34 = arith.constant 128 : i32
      %mul3A_35 = arith.muli %scan3A_31, %mul3A_34 : i32
      %add3A_36 = arith.addi %mul3A_33, %mul3A_35 : i32
      "tpu.region"() ({
        %run_scoped3A = tpu.sem_alloc : memref<!tpu.dma_semaphore, #tpu.memory_space<semaphore_mem>>
        %dma_start3A = arith.constant 0 : i32
        %dma_start3A_37 = tpu.memref_slice %arg13[%add3A_36, %dma_start3A] : memref<10240x128xf32, #tpu.memory_space<vmem_shared>> -> memref<128x128xf32, #tpu.memory_space<vmem_shared>>
        %dma_start3A_38 = arith.constant 0 : i32
        %dma_start3A_39 = tpu.memref_slice %arg13[%add3A_36, %dma_start3A_38] : memref<10240x128xf32, #tpu.memory_space<vmem_shared>> -> memref<128x128xf32, #tpu.memory_space<vmem_shared>>
        tpu.enqueue_dma source(%arg11 : memref<128x128xf32, #tpu.memory_space<vmem>>) target(%dma_start3A_39 : memref<128x128xf32, #tpu.memory_space<vmem_shared>>) target_semaphore(%run_scoped3A : memref<!tpu.dma_semaphore, #tpu.memory_space<semaphore_mem>>)
        %dma_wait3A = arith.constant 0 : i32
        %dma_wait3A_40 = tpu.memref_slice %arg13[%add3A_36, %dma_wait3A] : memref<10240x128xf32, #tpu.memory_space<vmem_shared>> -> memref<128x128xf32, #tpu.memory_space<vmem_shared>>
        %dma_wait3A_41 = arith.constant 0 : i32
        %dma_wait3A_42 = tpu.memref_slice %arg13[%add3A_36, %dma_wait3A_41] : memref<10240x128xf32, #tpu.memory_space<vmem_shared>> -> memref<128x128xf32, #tpu.memory_space<vmem_shared>>
        tpu.wait_dma2 semaphore(%run_scoped3A : memref<!tpu.dma_semaphore, #tpu.memory_space<semaphore_mem>>) src(%arg11 : memref<128x128xf32, #tpu.memory_space<vmem>>) dst(%dma_wait3A_42 : memref<128x128xf32, #tpu.memory_space<vmem_shared>>)
        tpu.yield
      }) : () -> ()
    }
    %scan3A_8 = arith.constant 5 : i32
    %barrier3A = arith.constant 0 : index
    tpu.barrier barrier_id(%barrier3A)
    %eq3A = arith.constant 1 : i32
    %eq3A_9 = arith.cmpi eq, %arg0, %eq3A : i32
    %jit3A = arith.constant 0 : i32
    %jit3A_10 = arith.constant 0 : i32
    %select_n3A = arith.select %eq3A_9, %jit3A, %jit3A_10 : i32
    %eq3A_11 = arith.constant 1 : i32
    %eq3A_12 = arith.cmpi eq, %arg0, %eq3A_11 : i32
    %mul3A = arith.constant 20 : i32
    %mul3A_13 = arith.muli %arg1, %mul3A : i32
    %mul3A_14 = arith.constant 60 : i32
    %mul3A_15 = arith.muli %arg1, %mul3A_14 : i32
    %add3A = arith.constant 320 : i32
    %add3A_16 = arith.addi %add3A, %mul3A_15 : i32
    %select_n3A_17 = arith.select %eq3A_12, %mul3A_13, %add3A_16 : i32
    %while3A = arith.constant 0 : i32
    %while3A_18 = arith.subi %select_n3A, %while3A : i32
    %while3A_19 = arith.addi %while3A, %while3A_18 : i32
    %while3A_20 = arith.constant 1 : i32
    %while3A_21 = arith.divsi %while3A_18, %while3A_20 : i32
    %while3A_22 = arith.muli %while3A_21, %while3A_20 : i32
    %while3A_23 = arith.addi %while3A, %while3A_22 : i32
    %while3A_24 = arith.constant 1 : i32
    scf.for %while3A_31 = %while3A to %while3A_23 step %while3A_24  : i32 {
      %mul3A_32 = arith.constant 20 : i32
      %mul3A_33 = arith.muli %while3A_31, %mul3A_32 : i32
      %add3A_34 = arith.addi %select_n3A_17, %mul3A_33 : i32
      "tpu.region"() ({
        %run_scoped3A = tpu.sem_alloc : memref<!tpu.dma_semaphore, #tpu.memory_space<semaphore_mem>>
        %dma_start3A_63 = arith.constant 0 : i32
        %dma_start3A_64 = tpu.memref_slice %arg4[%add3A_34, %dma_start3A_63] : memref<1280x128xi32, #tpu.memory_space<hbm>> -> memref<20x128xi32, #tpu.memory_space<hbm>>
        %dma_start3A_65 = arith.constant 0 : i32
        %dma_start3A_66 = tpu.memref_slice %arg4[%add3A_34, %dma_start3A_65] : memref<1280x128xi32, #tpu.memory_space<hbm>> -> memref<20x128xi32, #tpu.memory_space<hbm>>
        tpu.enqueue_dma source(%dma_start3A_66 : memref<20x128xi32, #tpu.memory_space<hbm>>) target(%arg8 : memref<20x128xi32, #tpu.memory_space<vmem>>) target_semaphore(%run_scoped3A : memref<!tpu.dma_semaphore, #tpu.memory_space<semaphore_mem>>)
        %dma_wait3A = arith.constant 0 : i32
        %dma_wait3A_67 = tpu.memref_slice %arg4[%add3A_34, %dma_wait3A] : memref<1280x128xi32, #tpu.memory_space<hbm>> -> memref<20x128xi32, #tpu.memory_space<hbm>>
        %dma_wait3A_68 = arith.constant 0 : i32
        %dma_wait3A_69 = tpu.memref_slice %arg4[%add3A_34, %dma_wait3A_68] : memref<1280x128xi32, #tpu.memory_space<hbm>> -> memref<20x128xi32, #tpu.memory_space<hbm>>
        tpu.wait_dma2 semaphore(%run_scoped3A : memref<!tpu.dma_semaphore, #tpu.memory_space<semaphore_mem>>) src(%dma_wait3A_69 : memref<20x128xi32, #tpu.memory_space<hbm>>) dst(%arg8 : memref<20x128xi32, #tpu.memory_space<vmem>>)
        tpu.yield
      }) : () -> ()
      %scan3A_35 = arith.constant 0 : i32
      %scan3A_36 = arith.constant 20 : i32
      %scan3A_37 = arith.addi %scan3A_35, %scan3A_36 : i32
      %scan3A_38 = arith.constant 1 : i32
      scf.for %scan3A_63 = %scan3A_35 to %scan3A_37 step %scan3A_38  : i32 {
        %dma_start3A_64 = arith.constant 0 : i32
        %dma_start3A_65 = tpu.memref_slice %arg10[%scan3A_63, %dma_start3A_64] : memref<20x128xf32, #tpu.memory_space<vmem>> -> memref<1x128xf32, #tpu.memory_space<vmem>>
        %dma_start3A_66 = tpu.memref_squeeze %dma_start3A_65 : memref<1x128xf32, #tpu.memory_space<vmem>> -> memref<128xf32, #tpu.memory_space<vmem>>
        %dma_start3A_67 = arith.constant 0 : i32
        %dma_start3A_68 = tpu.memref_slice %arg8[%scan3A_63, %dma_start3A_67] : memref<20x128xi32, #tpu.memory_space<vmem>> -> memref<1x128xi32, #tpu.memory_space<vmem>>
        %dma_start3A_69 = tpu.memref_squeeze %dma_start3A_68 : memref<1x128xi32, #tpu.memory_space<vmem>> -> memref<128xi32, #tpu.memory_space<vmem>>
        %dma_start3A_70 = arith.constant 0 : i32
        %dma_start3A_71 = tpu.memref_slice %arg5[%dma_start3A_70] : memref<81920xf32, #tpu.memory_space<hbm>> -> memref<81920xf32, #tpu.memory_space<hbm>>
        tpu.enqueue_indirect_dma source(%dma_start3A_71 : memref<81920xf32, #tpu.memory_space<hbm>>) target(%dma_start3A_66 : memref<128xf32, #tpu.memory_space<vmem>>) offsets(%dma_start3A_69 : memref<128xi32, #tpu.memory_space<vmem>>) semaphore(%arg14 : memref<!tpu.dma_semaphore, #tpu.memory_space<semaphore_mem>>)
      }
      %scan3A_39 = arith.constant 20 : i32
      %scan3A_40 = arith.constant 0 : i32
      %scan3A_41 = arith.constant 20 : i32
      %scan3A_42 = arith.addi %scan3A_40, %scan3A_41 : i32
      %scan3A_43 = arith.constant 1 : i32
      scf.for %scan3A_63 = %scan3A_40 to %scan3A_42 step %scan3A_43  : i32 {
        %dma_wait3A = arith.constant 0 : i32
        %dma_wait3A_64 = tpu.memref_slice %arg10[%scan3A_63, %dma_wait3A] : memref<20x128xf32, #tpu.memory_space<vmem>> -> memref<1x128xf32, #tpu.memory_space<vmem>>
        %dma_wait3A_65 = tpu.memref_squeeze %dma_wait3A_64 : memref<1x128xf32, #tpu.memory_space<vmem>> -> memref<128xf32, #tpu.memory_space<vmem>>
        %dma_wait3A_66 = arith.constant 0 : i32
        %dma_wait3A_67 = tpu.memref_slice %arg8[%scan3A_63, %dma_wait3A_66] : memref<20x128xi32, #tpu.memory_space<vmem>> -> memref<1x128xi32, #tpu.memory_space<vmem>>
        %dma_wait3A_68 = tpu.memref_squeeze %dma_wait3A_67 : memref<1x128xi32, #tpu.memory_space<vmem>> -> memref<128xi32, #tpu.memory_space<vmem>>
        %dma_wait3A_69 = arith.constant 0 : i32
        %dma_wait3A_70 = tpu.memref_slice %arg5[%dma_wait3A_69] : memref<81920xf32, #tpu.memory_space<hbm>> -> memref<81920xf32, #tpu.memory_space<hbm>>
        tpu.wait_indirect_dma semaphore(%arg14 : memref<!tpu.dma_semaphore, #tpu.memory_space<semaphore_mem>>) src(%dma_wait3A_70 : memref<81920xf32, #tpu.memory_space<hbm>>) dst(%dma_wait3A_65 : memref<128xf32, #tpu.memory_space<vmem>>)
      }
      %scan3A_44 = arith.constant 20 : i32
      "tpu.region"() ({
        %run_scoped3A = tpu.sem_alloc : memref<!tpu.dma_semaphore, #tpu.memory_space<semaphore_mem>>
        %dma_start3A_63 = arith.constant 0 : i32
        %dma_start3A_64 = tpu.memref_slice %arg2[%add3A_34, %dma_start3A_63] : memref<1280x128xi32, #tpu.memory_space<hbm>> -> memref<20x128xi32, #tpu.memory_space<hbm>>
        %dma_start3A_65 = arith.constant 0 : i32
        %dma_start3A_66 = tpu.memref_slice %arg2[%add3A_34, %dma_start3A_65] : memref<1280x128xi32, #tpu.memory_space<hbm>> -> memref<20x128xi32, #tpu.memory_space<hbm>>
        tpu.enqueue_dma source(%dma_start3A_66 : memref<20x128xi32, #tpu.memory_space<hbm>>) target(%arg8 : memref<20x128xi32, #tpu.memory_space<vmem>>) target_semaphore(%run_scoped3A : memref<!tpu.dma_semaphore, #tpu.memory_space<semaphore_mem>>)
        %dma_wait3A = arith.constant 0 : i32
        %dma_wait3A_67 = tpu.memref_slice %arg2[%add3A_34, %dma_wait3A] : memref<1280x128xi32, #tpu.memory_space<hbm>> -> memref<20x128xi32, #tpu.memory_space<hbm>>
        %dma_wait3A_68 = arith.constant 0 : i32
        %dma_wait3A_69 = tpu.memref_slice %arg2[%add3A_34, %dma_wait3A_68] : memref<1280x128xi32, #tpu.memory_space<hbm>> -> memref<20x128xi32, #tpu.memory_space<hbm>>
        tpu.wait_dma2 semaphore(%run_scoped3A : memref<!tpu.dma_semaphore, #tpu.memory_space<semaphore_mem>>) src(%dma_wait3A_69 : memref<20x128xi32, #tpu.memory_space<hbm>>) dst(%arg8 : memref<20x128xi32, #tpu.memory_space<vmem>>)
        tpu.yield
      }) : () -> ()
      "tpu.region"() ({
        %run_scoped3A = tpu.sem_alloc : memref<!tpu.dma_semaphore, #tpu.memory_space<semaphore_mem>>
        %dma_start3A_63 = arith.constant 0 : i32
        %dma_start3A_64 = tpu.memref_slice %arg3[%add3A_34, %dma_start3A_63] : memref<1280x128xi32, #tpu.memory_space<hbm>> -> memref<20x128xi32, #tpu.memory_space<hbm>>
        %dma_start3A_65 = arith.constant 0 : i32
        %dma_start3A_66 = tpu.memref_slice %arg3[%add3A_34, %dma_start3A_65] : memref<1280x128xi32, #tpu.memory_space<hbm>> -> memref<20x128xi32, #tpu.memory_space<hbm>>
        tpu.enqueue_dma source(%dma_start3A_66 : memref<20x128xi32, #tpu.memory_space<hbm>>) target(%arg9 : memref<20x128xi32, #tpu.memory_space<vmem>>) target_semaphore(%run_scoped3A : memref<!tpu.dma_semaphore, #tpu.memory_space<semaphore_mem>>)
        %dma_wait3A = arith.constant 0 : i32
        %dma_wait3A_67 = tpu.memref_slice %arg3[%add3A_34, %dma_wait3A] : memref<1280x128xi32, #tpu.memory_space<hbm>> -> memref<20x128xi32, #tpu.memory_space<hbm>>
        %dma_wait3A_68 = arith.constant 0 : i32
        %dma_wait3A_69 = tpu.memref_slice %arg3[%add3A_34, %dma_wait3A_68] : memref<1280x128xi32, #tpu.memory_space<hbm>> -> memref<20x128xi32, #tpu.memory_space<hbm>>
        tpu.wait_dma2 semaphore(%run_scoped3A : memref<!tpu.dma_semaphore, #tpu.memory_space<semaphore_mem>>) src(%dma_wait3A_69 : memref<20x128xi32, #tpu.memory_space<hbm>>) dst(%arg9 : memref<20x128xi32, #tpu.memory_space<vmem>>)
        tpu.yield
      }) : () -> ()
      %dma_start3A = arith.constant 0 : i32
      %dma_start3A_45 = arith.constant 0 : i32
      %dma_start3A_46 = tpu.memref_slice %arg8[%dma_start3A, %dma_start3A_45] : memref<20x128xi32, #tpu.memory_space<vmem>> -> memref<1x128xi32, #tpu.memory_space<vmem>>
      %dma_start3A_47 = tpu.memref_squeeze %dma_start3A_46 : memref<1x128xi32, #tpu.memory_space<vmem>> -> memref<128xi32, #tpu.memory_space<vmem>>
      %dma_start3A_48 = arith.constant 0 : i32
      %dma_start3A_49 = arith.constant 0 : i32
      %dma_start3A_50 = tpu.memref_slice %arg6[%dma_start3A_48, %dma_start3A_49] : memref<90000x128xf32, #tpu.memory_space<hbm>> -> memref<90000x128xf32, #tpu.memory_space<hbm>>
      tpu.enqueue_indirect_dma source(%dma_start3A_50 : memref<90000x128xf32, #tpu.memory_space<hbm>>) target(%arg11 : memref<128x128xf32, #tpu.memory_space<vmem>>) offsets(%dma_start3A_47 : memref<128xi32, #tpu.memory_space<vmem>>) semaphore(%arg15 : memref<!tpu.dma_semaphore, #tpu.memory_space<semaphore_mem>>)
      %dma_start3A_51 = arith.constant 1 : i32
      %dma_start3A_52 = arith.constant 0 : i32
      %dma_start3A_53 = tpu.memref_slice %arg8[%dma_start3A_51, %dma_start3A_52] : memref<20x128xi32, #tpu.memory_space<vmem>> -> memref<1x128xi32, #tpu.memory_space<vmem>>
      %dma_start3A_54 = tpu.memref_squeeze %dma_start3A_53 : memref<1x128xi32, #tpu.memory_space<vmem>> -> memref<128xi32, #tpu.memory_space<vmem>>
      %dma_start3A_55 = arith.constant 0 : i32
      %dma_start3A_56 = arith.constant 0 : i32
      %dma_start3A_57 = tpu.memref_slice %arg6[%dma_start3A_55, %dma_start3A_56] : memref<90000x128xf32, #tpu.memory_space<hbm>> -> memref<90000x128xf32, #tpu.memory_space<hbm>>
      tpu.enqueue_indirect_dma source(%dma_start3A_57 : memref<90000x128xf32, #tpu.memory_space<hbm>>) target(%arg12 : memref<128x128xf32, #tpu.memory_space<vmem>>) offsets(%dma_start3A_54 : memref<128xi32, #tpu.memory_space<vmem>>) semaphore(%arg16 : memref<!tpu.dma_semaphore, #tpu.memory_space<semaphore_mem>>)
      %scan3A_58 = arith.constant 0 : i32
      %scan3A_59 = arith.constant 10 : i32
      %scan3A_60 = arith.addi %scan3A_58, %scan3A_59 : i32
      %scan3A_61 = arith.constant 1 : i32
      scf.for %scan3A_63 = %scan3A_58 to %scan3A_60 step %scan3A_61  : i32 {
        %mul3A_64 = arith.constant 2 : i32
        %mul3A_65 = arith.muli %mul3A_64, %scan3A_63 : i32
        %mul3A_66 = arith.constant 2 : i32
        %mul3A_67 = arith.muli %mul3A_66, %scan3A_63 : i32
        %add3A_68 = arith.constant 1 : i32
        %add3A_69 = arith.addi %mul3A_67, %add3A_68 : i32
        %dma_wait3A = arith.constant 0 : i32
        %dma_wait3A_70 = tpu.memref_slice %arg8[%mul3A_65, %dma_wait3A] : memref<20x128xi32, #tpu.memory_space<vmem>> -> memref<1x128xi32, #tpu.memory_space<vmem>>
        %dma_wait3A_71 = tpu.memref_squeeze %dma_wait3A_70 : memref<1x128xi32, #tpu.memory_space<vmem>> -> memref<128xi32, #tpu.memory_space<vmem>>
        %dma_wait3A_72 = arith.constant 0 : i32
        %dma_wait3A_73 = arith.constant 0 : i32
        %dma_wait3A_74 = tpu.memref_slice %arg6[%dma_wait3A_72, %dma_wait3A_73] : memref<90000x128xf32, #tpu.memory_space<hbm>> -> memref<90000x128xf32, #tpu.memory_space<hbm>>
        tpu.wait_indirect_dma semaphore(%arg15 : memref<!tpu.dma_semaphore, #tpu.memory_space<semaphore_mem>>) src(%dma_wait3A_74 : memref<90000x128xf32, #tpu.memory_space<hbm>>) dst(%arg11 : memref<128x128xf32, #tpu.memory_space<vmem>>)
        %scan3A_75 = arith.constant 0 : i32
        %scan3A_76 = arith.constant 16 : i32
        %scan3A_77 = arith.addi %scan3A_75, %scan3A_76 : i32
        %scan3A_78 = arith.constant 1 : i32
        scf.for %scan3A_126 = %scan3A_75 to %scan3A_77 step %scan3A_78  : i32 {
          %mul3A_127 = arith.constant 8 : i32
          %mul3A_128 = arith.muli %scan3A_126, %mul3A_127 : i32
          %add3A_129 = arith.constant 0 : i32
          %add3A_130 = arith.addi %mul3A_128, %add3A_129 : i32
          %broadcast_in_dim3A = vector.broadcast %mul3A_65 : i32 to vector<16xi32>
          %broadcast_in_dim3A_131 = vector.broadcast %add3A_130 : i32 to vector<16xi32>
          %gather3A = tpu.vector_load_idx %arg10[%broadcast_in_dim3A, %broadcast_in_dim3A_131] : memref<20x128xf32, #tpu.memory_space<vmem>>[vector<16xi32>, vector<16xi32>], vector<16xf32>,
          %get3A = arith.index_cast %add3A_130 : i32 to index
          %get3A_132 = arith.constant 0 : index
          %get3A_133 = tpu.vector_load %arg11[%get3A, %get3A_132] {strides = array<i32>} : memref<128x128xf32, #tpu.memory_space<vmem>>, vector<16xf32>,
          %mul3A_134 = arith.mulf %get3A_133, %gather3A : vector<16xf32>
          %swap3A = arith.index_cast %add3A_130 : i32 to index
          %swap3A_135 = arith.constant 0 : index
          %swap3A_136 = tpu.vector_load %arg11[%swap3A, %swap3A_135] {strides = array<i32>} : memref<128x128xf32, #tpu.memory_space<vmem>>, vector<16xf32>,
          tpu.vector_store %arg11[%swap3A, %swap3A_135], %mul3A_134 {strides = array<i32>} : memref<128x128xf32, #tpu.memory_space<vmem>>, vector<16xf32>,
          %get3A_137 = arith.index_cast %add3A_130 : i32 to index
          %get3A_138 = arith.constant 16 : index
          %get3A_139 = tpu.vector_load %arg11[%get3A_137, %get3A_138] {strides = array<i32>} : memref<128x128xf32, #tpu.memory_space<vmem>>, vector<16xf32>,
          %mul3A_140 = arith.mulf %get3A_139, %gather3A : vector<16xf32>
          %swap3A_141 = arith.index_cast %add3A_130 : i32 to index
          %swap3A_142 = arith.constant 16 : index
          %swap3A_143 = tpu.vector_load %arg11[%swap3A_141, %swap3A_142] {strides = array<i32>} : memref<128x128xf32, #tpu.memory_space<vmem>>, vector<16xf32>,
          tpu.vector_store %arg11[%swap3A_141, %swap3A_142], %mul3A_140 {strides = array<i32>} : memref<128x128xf32, #tpu.memory_space<vmem>>, vector<16xf32>,
          %get3A_144 = arith.index_cast %add3A_130 : i32 to index
          %get3A_145 = arith.constant 32 : index
          %get3A_146 = tpu.vector_load %arg11[%get3A_144, %get3A_145] {strides = array<i32>} : memref<128x128xf32, #tpu.memory_space<vmem>>, vector<16xf32>,
          %mul3A_147 = arith.mulf %get3A_146, %gather3A : vector<16xf32>
          %swap3A_148 = arith.index_cast %add3A_130 : i32 to index
          %swap3A_149 = arith.constant 32 : index
          %swap3A_150 = tpu.vector_load %arg11[%swap3A_148, %swap3A_149] {strides = array<i32>} : memref<128x128xf32, #tpu.memory_space<vmem>>, vector<16xf32>,
          tpu.vector_store %arg11[%swap3A_148, %swap3A_149], %mul3A_147 {strides = array<i32>} : memref<128x128xf32, #tpu.memory_space<vmem>>, vector<16xf32>,
          %get3A_151 = arith.index_cast %add3A_130 : i32 to index
          %get3A_152 = arith.constant 48 : index
          %get3A_153 = tpu.vector_load %arg11[%get3A_151, %get3A_152] {strides = array<i32>} : memref<128x128xf32, #tpu.memory_space<vmem>>, vector<16xf32>,
          %mul3A_154 = arith.mulf %get3A_153, %gather3A : vector<16xf32>
          %swap3A_155 = arith.index_cast %add3A_130 : i32 to index
          %swap3A_156 = arith.constant 48 : index
          %swap3A_157 = tpu.vector_load %arg11[%swap3A_155, %swap3A_156] {strides = array<i32>} : memref<128x128xf32, #tpu.memory_space<vmem>>, vector<16xf32>,
          tpu.vector_store %arg11[%swap3A_155, %swap3A_156], %mul3A_154 {strides = array<i32>} : memref<128x128xf32, #tpu.memory_space<vmem>>, vector<16xf32>,
          %get3A_158 = arith.index_cast %add3A_130 : i32 to index
          %get3A_159 = arith.constant 64 : index
          %get3A_160 = tpu.vector_load %arg11[%get3A_158, %get3A_159] {strides = array<i32>} : memref<128x128xf32, #tpu.memory_space<vmem>>, vector<16xf32>,
          %mul3A_161 = arith.mulf %get3A_160, %gather3A : vector<16xf32>
          %swap3A_162 = arith.index_cast %add3A_130 : i32 to index
          %swap3A_163 = arith.constant 64 : index
          %swap3A_164 = tpu.vector_load %arg11[%swap3A_162, %swap3A_163] {strides = array<i32>} : memref<128x128xf32, #tpu.memory_space<vmem>>, vector<16xf32>,
          tpu.vector_store %arg11[%swap3A_162, %swap3A_163], %mul3A_161 {strides = array<i32>} : memref<128x128xf32, #tpu.memory_space<vmem>>, vector<16xf32>,
          %get3A_165 = arith.index_cast %add3A_130 : i32 to index
          %get3A_166 = arith.constant 80 : index
          %get3A_167 = tpu.vector_load %arg11[%get3A_165, %get3A_166] {strides = array<i32>} : memref<128x128xf32, #tpu.memory_space<vmem>>, vector<16xf32>,
          %mul3A_168 = arith.mulf %get3A_167, %gather3A : vector<16xf32>
          %swap3A_169 = arith.index_cast %add3A_130 : i32 to index
          %swap3A_170 = arith.constant 80 : index
          %swap3A_171 = tpu.vector_load %arg11[%swap3A_169, %swap3A_170] {strides = array<i32>} : memref<128x128xf32, #tpu.memory_space<vmem>>, vector<16xf32>,
          tpu.vector_store %arg11[%swap3A_169, %swap3A_170], %mul3A_168 {strides = array<i32>} : memref<128x128xf32, #tpu.memory_space<vmem>>, vector<16xf32>,
          %get3A_172 = arith.index_cast %add3A_130 : i32 to index
          %get3A_173 = arith.constant 96 : index
          %get3A_174 = tpu.vector_load %arg11[%get3A_172, %get3A_173] {strides = array<i32>} : memref<128x128xf32, #tpu.memory_space<vmem>>, vector<16xf32>,
          %mul3A_175 = arith.mulf %get3A_174, %gather3A : vector<16xf32>
          %swap3A_176 = arith.index_cast %add3A_130 : i32 to index
          %swap3A_177 = arith.constant 96 : index
          %swap3A_178 = tpu.vector_load %arg11[%swap3A_176, %swap3A_177] {strides = array<i32>} : memref<128x128xf32, #tpu.memory_space<vmem>>, vector<16xf32>,
          tpu.vector_store %arg11[%swap3A_176, %swap3A_177], %mul3A_175 {strides = array<i32>} : memref<128x128xf32, #tpu.memory_space<vmem>>, vector<16xf32>,
          %get3A_179 = arith.index_cast %add3A_130 : i32 to index
          %get3A_180 = arith.constant 112 : index
          %get3A_181 = tpu.vector_load %arg11[%get3A_179, %get3A_180] {strides = array<i32>} : memref<128x128xf32, #tpu.memory_space<vmem>>, vector<16xf32>,
          %mul3A_182 = arith.mulf %get3A_181, %gather3A : vector<16xf32>
          %swap3A_183 = arith.index_cast %add3A_130 : i32 to index
          %swap3A_184 = arith.constant 112 : index
          %swap3A_185 = tpu.vector_load %arg11[%swap3A_183, %swap3A_184] {strides = array<i32>} : memref<128x128xf32, #tpu.memory_space<vmem>>, vector<16xf32>,
          tpu.vector_store %arg11[%swap3A_183, %swap3A_184], %mul3A_182 {strides = array<i32>} : memref<128x128xf32, #tpu.memory_space<vmem>>, vector<16xf32>,
          %mul3A_186 = arith.constant 8 : i32
          %mul3A_187 = arith.muli %scan3A_126, %mul3A_186 : i32
          %add3A_188 = arith.constant 1 : i32
          %add3A_189 = arith.addi %mul3A_187, %add3A_188 : i32
          %broadcast_in_dim3A_190 = vector.broadcast %mul3A_65 : i32 to vector<16xi32>
          %broadcast_in_dim3A_191 = vector.broadcast %add3A_189 : i32 to vector<16xi32>
          %gather3A_192 = tpu.vector_load_idx %arg10[%broadcast_in_dim3A_190, %broadcast_in_dim3A_191] : memref<20x128xf32, #tpu.memory_space<vmem>>[vector<16xi32>, vector<16xi32>], vector<16xf32>,
          %get3A_193 = arith.index_cast %add3A_189 : i32 to index
          %get3A_194 = arith.constant 0 : index
          %get3A_195 = tpu.vector_load %arg11[%get3A_193, %get3A_194] {strides = array<i32>} : memref<128x128xf32, #tpu.memory_space<vmem>>, vector<16xf32>,
          %mul3A_196 = arith.mulf %get3A_195, %gather3A_192 : vector<16xf32>
          %swap3A_197 = arith.index_cast %add3A_189 : i32 to index
          %swap3A_198 = arith.constant 0 : index
          %swap3A_199 = tpu.vector_load %arg11[%swap3A_197, %swap3A_198] {strides = array<i32>} : memref<128x128xf32, #tpu.memory_space<vmem>>, vector<16xf32>,
          tpu.vector_store %arg11[%swap3A_197, %swap3A_198], %mul3A_196 {strides = array<i32>} : memref<128x128xf32, #tpu.memory_space<vmem>>, vector<16xf32>,
          %get3A_200 = arith.index_cast %add3A_189 : i32 to index
          %get3A_201 = arith.constant 16 : index
          %get3A_202 = tpu.vector_load %arg11[%get3A_200, %get3A_201] {strides = array<i32>} : memref<128x128xf32, #tpu.memory_space<vmem>>, vector<16xf32>,
          %mul3A_203 = arith.mulf %get3A_202, %gather3A_192 : vector<16xf32>
          %swap3A_204 = arith.index_cast %add3A_189 : i32 to index
          %swap3A_205 = arith.constant 16 : index
          %swap3A_206 = tpu.vector_load %arg11[%swap3A_204, %swap3A_205] {strides = array<i32>} : memref<128x128xf32, #tpu.memory_space<vmem>>, vector<16xf32>,
          tpu.vector_store %arg11[%swap3A_204, %swap3A_205], %mul3A_203 {strides = array<i32>} : memref<128x128xf32, #tpu.memory_space<vmem>>, vector<16xf32>,
          %get3A_207 = arith.index_cast %add3A_189 : i32 to index
          %get3A_208 = arith.constant 32 : index
          %get3A_209 = tpu.vector_load %arg11[%get3A_207, %get3A_208] {strides = array<i32>} : memref<128x128xf32, #tpu.memory_space<vmem>>, vector<16xf32>,
          %mul3A_210 = arith.mulf %get3A_209, %gather3A_192 : vector<16xf32>
          %swap3A_211 = arith.index_cast %add3A_189 : i32 to index
          %swap3A_212 = arith.constant 32 : index
          %swap3A_213 = tpu.vector_load %arg11[%swap3A_211, %swap3A_212] {strides = array<i32>} : memref<128x128xf32, #tpu.memory_space<vmem>>, vector<16xf32>,
          tpu.vector_store %arg11[%swap3A_211, %swap3A_212], %mul3A_210 {strides = array<i32>} : memref<128x128xf32, #tpu.memory_space<vmem>>, vector<16xf32>,
          %get3A_214 = arith.index_cast %add3A_189 : i32 to index
          %get3A_215 = arith.constant 48 : index
          %get3A_216 = tpu.vector_load %arg11[%get3A_214, %get3A_215] {strides = array<i32>} : memref<128x128xf32, #tpu.memory_space<vmem>>, vector<16xf32>,
          %mul3A_217 = arith.mulf %get3A_216, %gather3A_192 : vector<16xf32>
          %swap3A_218 = arith.index_cast %add3A_189 : i32 to index
          %swap3A_219 = arith.constant 48 : index
          %swap3A_220 = tpu.vector_load %arg11[%swap3A_218, %swap3A_219] {strides = array<i32>} : memref<128x128xf32, #tpu.memory_space<vmem>>, vector<16xf32>,
          tpu.vector_store %arg11[%swap3A_218, %swap3A_219], %mul3A_217 {strides = array<i32>} : memref<128x128xf32, #tpu.memory_space<vmem>>, vector<16xf32>,
          %get3A_221 = arith.index_cast %add3A_189 : i32 to index
          %get3A_222 = arith.constant 64 : index
          %get3A_223 = tpu.vector_load %arg11[%get3A_221, %get3A_222] {strides = array<i32>} : memref<128x128xf32, #tpu.memory_space<vmem>>, vector<16xf32>,
          %mul3A_224 = arith.mulf %get3A_223, %gather3A_192 : vector<16xf32>
          %swap3A_225 = arith.index_cast %add3A_189 : i32 to index
          %swap3A_226 = arith.constant 64 : index
          %swap3A_227 = tpu.vector_load %arg11[%swap3A_225, %swap3A_226] {strides = array<i32>} : memref<128x128xf32, #tpu.memory_space<vmem>>, vector<16xf32>,
          tpu.vector_store %arg11[%swap3A_225, %swap3A_226], %mul3A_224 {strides = array<i32>} : memref<128x128xf32, #tpu.memory_space<vmem>>, vector<16xf32>,
          %get3A_228 = arith.index_cast %add3A_189 : i32 to index
          %get3A_229 = arith.constant 80 : index
          %get3A_230 = tpu.vector_load %arg11[%get3A_228, %get3A_229] {strides = array<i32>} : memref<128x128xf32, #tpu.memory_space<vmem>>, vector<16xf32>,
          %mul3A_231 = arith.mulf %get3A_230, %gather3A_192 : vector<16xf32>
          %swap3A_232 = arith.index_cast %add3A_189 : i32 to index
          %swap3A_233 = arith.constant 80 : index
          %swap3A_234 = tpu.vector_load %arg11[%swap3A_232, %swap3A_233] {strides = array<i32>} : memref<128x128xf32, #tpu.memory_space<vmem>>, vector<16xf32>,
          tpu.vector_store %arg11[%swap3A_232, %swap3A_233], %mul3A_231 {strides = array<i32>} : memref<128x128xf32, #tpu.memory_space<vmem>>, vector<16xf32>,
          %get3A_235 = arith.index_cast %add3A_189 : i32 to index
          %get3A_236 = arith.constant 96 : index
          %get3A_237 = tpu.vector_load %arg11[%get3A_235, %get3A_236] {strides = array<i32>} : memref<128x128xf32, #tpu.memory_space<vmem>>, vector<16xf32>,
          %mul3A_238 = arith.mulf %get3A_237, %gather3A_192 : vector<16xf32>
          %swap3A_239 = arith.index_cast %add3A_189 : i32 to index
          %swap3A_240 = arith.constant 96 : index
          %swap3A_241 = tpu.vector_load %arg11[%swap3A_239, %swap3A_240] {strides = array<i32>} : memref<128x128xf32, #tpu.memory_space<vmem>>, vector<16xf32>,
          tpu.vector_store %arg11[%swap3A_239, %swap3A_240], %mul3A_238 {strides = array<i32>} : memref<128x128xf32, #tpu.memory_space<vmem>>, vector<16xf32>,
          %get3A_242 = arith.index_cast %add3A_189 : i32 to index
          %get3A_243 = arith.constant 112 : index
          %get3A_244 = tpu.vector_load %arg11[%get3A_242, %get3A_243] {strides = array<i32>} : memref<128x128xf32, #tpu.memory_space<vmem>>, vector<16xf32>,
          %mul3A_245 = arith.mulf %get3A_244, %gather3A_192 : vector<16xf32>
          %swap3A_246 = arith.index_cast %add3A_189 : i32 to index
          %swap3A_247 = arith.constant 112 : index
          %swap3A_248 = tpu.vector_load %arg11[%swap3A_246, %swap3A_247] {strides = array<i32>} : memref<128x128xf32, #tpu.memory_space<vmem>>, vector<16xf32>,
          tpu.vector_store %arg11[%swap3A_246, %swap3A_247], %mul3A_245 {strides = array<i32>} : memref<128x128xf32, #tpu.memory_space<vmem>>, vector<16xf32>,
          %mul3A_249 = arith.constant 8 : i32
          %mul3A_250 = arith.muli %scan3A_126, %mul3A_249 : i32
          %add3A_251 = arith.constant 2 : i32
          %add3A_252 = arith.addi %mul3A_250, %add3A_251 : i32
          %broadcast_in_dim3A_253 = vector.broadcast %mul3A_65 : i32 to vector<16xi32>
          %broadcast_in_dim3A_254 = vector.broadcast %add3A_252 : i32 to vector<16xi32>
          %gather3A_255 = tpu.vector_load_idx %arg10[%broadcast_in_dim3A_253, %broadcast_in_dim3A_254] : memref<20x128xf32, #tpu.memory_space<vmem>>[vector<16xi32>, vector<16xi32>], vector<16xf32>,
          %get3A_256 = arith.index_cast %add3A_252 : i32 to index
          %get3A_257 = arith.constant 0 : index
          %get3A_258 = tpu.vector_load %arg11[%get3A_256, %get3A_257] {strides = array<i32>} : memref<128x128xf32, #tpu.memory_space<vmem>>, vector<16xf32>,
          %mul3A_259 = arith.mulf %get3A_258, %gather3A_255 : vector<16xf32>
          %swap3A_260 = arith.index_cast %add3A_252 : i32 to index
          %swap3A_261 = arith.constant 0 : index
          %swap3A_262 = tpu.vector_load %arg11[%swap3A_260, %swap3A_261] {strides = array<i32>} : memref<128x128xf32, #tpu.memory_space<vmem>>, vector<16xf32>,
          tpu.vector_store %arg11[%swap3A_260, %swap3A_261], %mul3A_259 {strides = array<i32>} : memref<128x128xf32, #tpu.memory_space<vmem>>, vector<16xf32>,
          %get3A_263 = arith.index_cast %add3A_252 : i32 to index
          %get3A_264 = arith.constant 16 : index
          %get3A_265 = tpu.vector_load %arg11[%get3A_263, %get3A_264] {strides = array<i32>} : memref<128x128xf32, #tpu.memory_space<vmem>>, vector<16xf32>,
          %mul3A_266 = arith.mulf %get3A_265, %gather3A_255 : vector<16xf32>
          %swap3A_267 = arith.index_cast %add3A_252 : i32 to index
          %swap3A_268 = arith.constant 16 : index
          %swap3A_269 = tpu.vector_load %arg11[%swap3A_267, %swap3A_268] {strides = array<i32>} : memref<128x128xf32, #tpu.memory_space<vmem>>, vector<16xf32>,
          tpu.vector_store %arg11[%swap3A_267, %swap3A_268], %mul3A_266 {strides = array<i32>} : memref<128x128xf32, #tpu.memory_space<vmem>>, vector<16xf32>,
          %get3A_270 = arith.index_cast %add3A_252 : i32 to index
          %get3A_271 = arith.constant 32 : index
          %get3A_272 = tpu.vector_load %arg11[%get3A_270, %get3A_271] {strides = array<i32>} : memref<128x128xf32, #tpu.memory_space<vmem>>, vector<16xf32>,
          %mul3A_273 = arith.mulf %get3A_272, %gather3A_255 : vector<16xf32>
          %swap3A_274 = arith.index_cast %add3A_252 : i32 to index
          %swap3A_275 = arith.constant 32 : index
          %swap3A_276 = tpu.vector_load %arg11[%swap3A_274, %swap3A_275] {strides = array<i32>} : memref<128x128xf32, #tpu.memory_space<vmem>>, vector<16xf32>,
          tpu.vector_store %arg11[%swap3A_274, %swap3A_275], %mul3A_273 {strides = array<i32>} : memref<128x128xf32, #tpu.memory_space<vmem>>, vector<16xf32>,
          %get3A_277 = arith.index_cast %add3A_252 : i32 to index
          %get3A_278 = arith.constant 48 : index
          %get3A_279 = tpu.vector_load %arg11[%get3A_277, %get3A_278] {strides = array<i32>} : memref<128x128xf32, #tpu.memory_space<vmem>>, vector<16xf32>,
          %mul3A_280 = arith.mulf %get3A_279, %gather3A_255 : vector<16xf32>
          %swap3A_281 = arith.index_cast %add3A_252 : i32 to index
          %swap3A_282 = arith.constant 48 : index
          %swap3A_283 = tpu.vector_load %arg11[%swap3A_281, %swap3A_282] {strides = array<i32>} : memref<128x128xf32, #tpu.memory_space<vmem>>, vector<16xf32>,
          tpu.vector_store %arg11[%swap3A_281, %swap3A_282], %mul3A_280 {strides = array<i32>} : memref<128x128xf32, #tpu.memory_space<vmem>>, vector<16xf32>,
          %get3A_284 = arith.index_cast %add3A_252 : i32 to index
          %get3A_285 = arith.constant 64 : index
          %get3A_286 = tpu.vector_load %arg11[%get3A_284, %get3A_285] {strides = array<i32>} : memref<128x128xf32, #tpu.memory_space<vmem>>, vector<16xf32>,
          %mul3A_287 = arith.mulf %get3A_286, %gather3A_255 : vector<16xf32>
          %swap3A_288 = arith.index_cast %add3A_252 : i32 to index
          %swap3A_289 = arith.constant 64 : index
          %swap3A_290 = tpu.vector_load %arg11[%swap3A_288, %swap3A_289] {strides = array<i32>} : memref<128x128xf32, #tpu.memory_space<vmem>>, vector<16xf32>,
          tpu.vector_store %arg11[%swap3A_288, %swap3A_289], %mul3A_287 {strides = array<i32>} : memref<128x128xf32, #tpu.memory_space<vmem>>, vector<16xf32>,
          %get3A_291 = arith.index_cast %add3A_252 : i32 to index
          %get3A_292 = arith.constant 80 : index
          %get3A_293 = tpu.vector_load %arg11[%get3A_291, %get3A_292] {strides = array<i32>} : memref<128x128xf32, #tpu.memory_space<vmem>>, vector<16xf32>,
          %mul3A_294 = arith.mulf %get3A_293, %gather3A_255 : vector<16xf32>
          %swap3A_295 = arith.index_cast %add3A_252 : i32 to index
          %swap3A_296 = arith.constant 80 : index
          %swap3A_297 = tpu.vector_load %arg11[%swap3A_295, %swap3A_296] {strides = array<i32>} : memref<128x128xf32, #tpu.memory_space<vmem>>, vector<16xf32>,
          tpu.vector_store %arg11[%swap3A_295, %swap3A_296], %mul3A_294 {strides = array<i32>} : memref<128x128xf32, #tpu.memory_space<vmem>>, vector<16xf32>,
          %get3A_298 = arith.index_cast %add3A_252 : i32 to index
          %get3A_299 = arith.constant 96 : index
          %get3A_300 = tpu.vector_load %arg11[%get3A_298, %get3A_299] {strides = array<i32>} : memref<128x128xf32, #tpu.memory_space<vmem>>, vector<16xf32>,
          %mul3A_301 = arith.mulf %get3A_300, %gather3A_255 : vector<16xf32>
          %swap3A_302 = arith.index_cast %add3A_252 : i32 to index
          %swap3A_303 = arith.constant 96 : index
          %swap3A_304 = tpu.vector_load %arg11[%swap3A_302, %swap3A_303] {strides = array<i32>} : memref<128x128xf32, #tpu.memory_space<vmem>>, vector<16xf32>,
          tpu.vector_store %arg11[%swap3A_302, %swap3A_303], %mul3A_301 {strides = array<i32>} : memref<128x128xf32, #tpu.memory_space<vmem>>, vector<16xf32>,
          %get3A_305 = arith.index_cast %add3A_252 : i32 to index
          %get3A_306 = arith.constant 112 : index
          %get3A_307 = tpu.vector_load %arg11[%get3A_305, %get3A_306] {strides = array<i32>} : memref<128x128xf32, #tpu.memory_space<vmem>>, vector<16xf32>,
          %mul3A_308 = arith.mulf %get3A_307, %gather3A_255 : vector<16xf32>
          %swap3A_309 = arith.index_cast %add3A_252 : i32 to index
          %swap3A_310 = arith.constant 112 : index
          %swap3A_311 = tpu.vector_load %arg11[%swap3A_309, %swap3A_310] {strides = array<i32>} : memref<128x128xf32, #tpu.memory_space<vmem>>, vector<16xf32>,
          tpu.vector_store %arg11[%swap3A_309, %swap3A_310], %mul3A_308 {strides = array<i32>} : memref<128x128xf32, #tpu.memory_space<vmem>>, vector<16xf32>,
          %mul3A_312 = arith.constant 8 : i32
          %mul3A_313 = arith.muli %scan3A_126, %mul3A_312 : i32
          %add3A_314 = arith.constant 3 : i32
          %add3A_315 = arith.addi %mul3A_313, %add3A_314 : i32
          %broadcast_in_dim3A_316 = vector.broadcast %mul3A_65 : i32 to vector<16xi32>
          %broadcast_in_dim3A_317 = vector.broadcast %add3A_315 : i32 to vector<16xi32>
          %gather3A_318 = tpu.vector_load_idx %arg10[%broadcast_in_dim3A_316, %broadcast_in_dim3A_317] : memref<20x128xf32, #tpu.memory_space<vmem>>[vector<16xi32>, vector<16xi32>], vector<16xf32>,
          %get3A_319 = arith.index_cast %add3A_315 : i32 to index
          %get3A_320 = arith.constant 0 : index
          %get3A_321 = tpu.vector_load %arg11[%get3A_319, %get3A_320] {strides = array<i32>} : memref<128x128xf32, #tpu.memory_space<vmem>>, vector<16xf32>,
          %mul3A_322 = arith.mulf %get3A_321, %gather3A_318 : vector<16xf32>
          %swap3A_323 = arith.index_cast %add3A_315 : i32 to index
          %swap3A_324 = arith.constant 0 : index
          %swap3A_325 = tpu.vector_load %arg11[%swap3A_323, %swap3A_324] {strides = array<i32>} : memref<128x128xf32, #tpu.memory_space<vmem>>, vector<16xf32>,
          tpu.vector_store %arg11[%swap3A_323, %swap3A_324], %mul3A_322 {strides = array<i32>} : memref<128x128xf32, #tpu.memory_space<vmem>>, vector<16xf32>,
          %get3A_326 = arith.index_cast %add3A_315 : i32 to index
          %get3A_327 = arith.constant 16 : index
          %get3A_328 = tpu.vector_load %arg11[%get3A_326, %get3A_327] {strides = array<i32>} : memref<128x128xf32, #tpu.memory_space<vmem>>, vector<16xf32>,
          %mul3A_329 = arith.mulf %get3A_328, %gather3A_318 : vector<16xf32>
          %swap3A_330 = arith.index_cast %add3A_315 : i32 to index
          %swap3A_331 = arith.constant 16 : index
          %swap3A_332 = tpu.vector_load %arg11[%swap3A_330, %swap3A_331] {strides = array<i32>} : memref<128x128xf32, #tpu.memory_space<vmem>>, vector<16xf32>,
          tpu.vector_store %arg11[%swap3A_330, %swap3A_331], %mul3A_329 {strides = array<i32>} : memref<128x128xf32, #tpu.memory_space<vmem>>, vector<16xf32>,
          %get3A_333 = arith.index_cast %add3A_315 : i32 to index
          %get3A_334 = arith.constant 32 : index
          %get3A_335 = tpu.vector_load %arg11[%get3A_333, %get3A_334] {strides = array<i32>} : memref<128x128xf32, #tpu.memory_space<vmem>>, vector<16xf32>,
          %mul3A_336 = arith.mulf %get3A_335, %gather3A_318 : vector<16xf32>
          %swap3A_337 = arith.index_cast %add3A_315 : i32 to index
          %swap3A_338 = arith.constant 32 : index
          %swap3A_339 = tpu.vector_load %arg11[%swap3A_337, %swap3A_338] {strides = array<i32>} : memref<128x128xf32, #tpu.memory_space<vmem>>, vector<16xf32>,
          tpu.vector_store %arg11[%swap3A_337, %swap3A_338], %mul3A_336 {strides = array<i32>} : memref<128x128xf32, #tpu.memory_space<vmem>>, vector<16xf32>,
          %get3A_340 = arith.index_cast %add3A_315 : i32 to index
          %get3A_341 = arith.constant 48 : index
          %get3A_342 = tpu.vector_load %arg11[%get3A_340, %get3A_341] {strides = array<i32>} : memref<128x128xf32, #tpu.memory_space<vmem>>, vector<16xf32>,
          %mul3A_343 = arith.mulf %get3A_342, %gather3A_318 : vector<16xf32>
          %swap3A_344 = arith.index_cast %add3A_315 : i32 to index
          %swap3A_345 = arith.constant 48 : index
          %swap3A_346 = tpu.vector_load %arg11[%swap3A_344, %swap3A_345] {strides = array<i32>} : memref<128x128xf32, #tpu.memory_space<vmem>>, vector<16xf32>,
          tpu.vector_store %arg11[%swap3A_344, %swap3A_345], %mul3A_343 {strides = array<i32>} : memref<128x128xf32, #tpu.memory_space<vmem>>, vector<16xf32>,
          %get3A_347 = arith.index_cast %add3A_315 : i32 to index
          %get3A_348 = arith.constant 64 : index
          %get3A_349 = tpu.vector_load %arg11[%get3A_347, %get3A_348] {strides = array<i32>} : memref<128x128xf32, #tpu.memory_space<vmem>>, vector<16xf32>,
          %mul3A_350 = arith.mulf %get3A_349, %gather3A_318 : vector<16xf32>
          %swap3A_351 = arith.index_cast %add3A_315 : i32 to index
          %swap3A_352 = arith.constant 64 : index
          %swap3A_353 = tpu.vector_load %arg11[%swap3A_351, %swap3A_352] {strides = array<i32>} : memref<128x128xf32, #tpu.memory_space<vmem>>, vector<16xf32>,
          tpu.vector_store %arg11[%swap3A_351, %swap3A_352], %mul3A_350 {strides = array<i32>} : memref<128x128xf32, #tpu.memory_space<vmem>>, vector<16xf32>,
          %get3A_354 = arith.index_cast %add3A_315 : i32 to index
          %get3A_355 = arith.constant 80 : index
          %get3A_356 = tpu.vector_load %arg11[%get3A_354, %get3A_355] {strides = array<i32>} : memref<128x128xf32, #tpu.memory_space<vmem>>, vector<16xf32>,
          %mul3A_357 = arith.mulf %get3A_356, %gather3A_318 : vector<16xf32>
          %swap3A_358 = arith.index_cast %add3A_315 : i32 to index
          %swap3A_359 = arith.constant 80 : index
          %swap3A_360 = tpu.vector_load %arg11[%swap3A_358, %swap3A_359] {strides = array<i32>} : memref<128x128xf32, #tpu.memory_space<vmem>>, vector<16xf32>,
          tpu.vector_store %arg11[%swap3A_358, %swap3A_359], %mul3A_357 {strides = array<i32>} : memref<128x128xf32, #tpu.memory_space<vmem>>, vector<16xf32>,
          %get3A_361 = arith.index_cast %add3A_315 : i32 to index
          %get3A_362 = arith.constant 96 : index
          %get3A_363 = tpu.vector_load %arg11[%get3A_361, %get3A_362] {strides = array<i32>} : memref<128x128xf32, #tpu.memory_space<vmem>>, vector<16xf32>,
          %mul3A_364 = arith.mulf %get3A_363, %gather3A_318 : vector<16xf32>
          %swap3A_365 = arith.index_cast %add3A_315 : i32 to index
          %swap3A_366 = arith.constant 96 : index
          %swap3A_367 = tpu.vector_load %arg11[%swap3A_365, %swap3A_366] {strides = array<i32>} : memref<128x128xf32, #tpu.memory_space<vmem>>, vector<16xf32>,
          tpu.vector_store %arg11[%swap3A_365, %swap3A_366], %mul3A_364 {strides = array<i32>} : memref<128x128xf32, #tpu.memory_space<vmem>>, vector<16xf32>,
          %get3A_368 = arith.index_cast %add3A_315 : i32 to index
          %get3A_369 = arith.constant 112 : index
          %get3A_370 = tpu.vector_load %arg11[%get3A_368, %get3A_369] {strides = array<i32>} : memref<128x128xf32, #tpu.memory_space<vmem>>, vector<16xf32>,
          %mul3A_371 = arith.mulf %get3A_370, %gather3A_318 : vector<16xf32>
          %swap3A_372 = arith.index_cast %add3A_315 : i32 to index
          %swap3A_373 = arith.constant 112 : index
          %swap3A_374 = tpu.vector_load %arg11[%swap3A_372, %swap3A_373] {strides = array<i32>} : memref<128x128xf32, #tpu.memory_space<vmem>>, vector<16xf32>,
          tpu.vector_store %arg11[%swap3A_372, %swap3A_373], %mul3A_371 {strides = array<i32>} : memref<128x128xf32, #tpu.memory_space<vmem>>, vector<16xf32>,
          %mul3A_375 = arith.constant 8 : i32
          %mul3A_376 = arith.muli %scan3A_126, %mul3A_375 : i32
          %add3A_377 = arith.constant 4 : i32
          %add3A_378 = arith.addi %mul3A_376, %add3A_377 : i32
          %broadcast_in_dim3A_379 = vector.broadcast %mul3A_65 : i32 to vector<16xi32>
          %broadcast_in_dim3A_380 = vector.broadcast %add3A_378 : i32 to vector<16xi32>
          %gather3A_381 = tpu.vector_load_idx %arg10[%broadcast_in_dim3A_379, %broadcast_in_dim3A_380] : memref<20x128xf32, #tpu.memory_space<vmem>>[vector<16xi32>, vector<16xi32>], vector<16xf32>,
          %get3A_382 = arith.index_cast %add3A_378 : i32 to index
          %get3A_383 = arith.constant 0 : index
          %get3A_384 = tpu.vector_load %arg11[%get3A_382, %get3A_383] {strides = array<i32>} : memref<128x128xf32, #tpu.memory_space<vmem>>, vector<16xf32>,
          %mul3A_385 = arith.mulf %get3A_384, %gather3A_381 : vector<16xf32>
          %swap3A_386 = arith.index_cast %add3A_378 : i32 to index
          %swap3A_387 = arith.constant 0 : index
          %swap3A_388 = tpu.vector_load %arg11[%swap3A_386, %swap3A_387] {strides = array<i32>} : memref<128x128xf32, #tpu.memory_space<vmem>>, vector<16xf32>,
          tpu.vector_store %arg11[%swap3A_386, %swap3A_387], %mul3A_385 {strides = array<i32>} : memref<128x128xf32, #tpu.memory_space<vmem>>, vector<16xf32>,
          %get3A_389 = arith.index_cast %add3A_378 : i32 to index
          %get3A_390 = arith.constant 16 : index
          %get3A_391 = tpu.vector_load %arg11[%get3A_389, %get3A_390] {strides = array<i32>} : memref<128x128xf32, #tpu.memory_space<vmem>>, vector<16xf32>,
          %mul3A_392 = arith.mulf %get3A_391, %gather3A_381 : vector<16xf32>
          %swap3A_393 = arith.index_cast %add3A_378 : i32 to index
          %swap3A_394 = arith.constant 16 : index
          %swap3A_395 = tpu.vector_load %arg11[%swap3A_393, %swap3A_394] {strides = array<i32>} : memref<128x128xf32, #tpu.memory_space<vmem>>, vector<16xf32>,
          tpu.vector_store %arg11[%swap3A_393, %swap3A_394], %mul3A_392 {strides = array<i32>} : memref<128x128xf32, #tpu.memory_space<vmem>>, vector<16xf32>,
          %get3A_396 = arith.index_cast %add3A_378 : i32 to index
          %get3A_397 = arith.constant 32 : index
          %get3A_398 = tpu.vector_load %arg11[%get3A_396, %get3A_397] {strides = array<i32>} : memref<128x128xf32, #tpu.memory_space<vmem>>, vector<16xf32>,
          %mul3A_399 = arith.mulf %get3A_398, %gather3A_381 : vector<16xf32>
          %swap3A_400 = arith.index_cast %add3A_378 : i32 to index
          %swap3A_401 = arith.constant 32 : index
          %swap3A_402 = tpu.vector_load %arg11[%swap3A_400, %swap3A_401] {strides = array<i32>} : memref<128x128xf32, #tpu.memory_space<vmem>>, vector<16xf32>,
          tpu.vector_store %arg11[%swap3A_400, %swap3A_401], %mul3A_399 {strides = array<i32>} : memref<128x128xf32, #tpu.memory_space<vmem>>, vector<16xf32>,
          %get3A_403 = arith.index_cast %add3A_378 : i32 to index
          %get3A_404 = arith.constant 48 : index
          %get3A_405 = tpu.vector_load %arg11[%get3A_403, %get3A_404] {strides = array<i32>} : memref<128x128xf32, #tpu.memory_space<vmem>>, vector<16xf32>,
          %mul3A_406 = arith.mulf %get3A_405, %gather3A_381 : vector<16xf32>
          %swap3A_407 = arith.index_cast %add3A_378 : i32 to index
          %swap3A_408 = arith.constant 48 : index
          %swap3A_409 = tpu.vector_load %arg11[%swap3A_407, %swap3A_408] {strides = array<i32>} : memref<128x128xf32, #tpu.memory_space<vmem>>, vector<16xf32>,
          tpu.vector_store %arg11[%swap3A_407, %swap3A_408], %mul3A_406 {strides = array<i32>} : memref<128x128xf32, #tpu.memory_space<vmem>>, vector<16xf32>,
          %get3A_410 = arith.index_cast %add3A_378 : i32 to index
          %get3A_411 = arith.constant 64 : index
          %get3A_412 = tpu.vector_load %arg11[%get3A_410, %get3A_411] {strides = array<i32>} : memref<128x128xf32, #tpu.memory_space<vmem>>, vector<16xf32>,
          %mul3A_413 = arith.mulf %get3A_412, %gather3A_381 : vector<16xf32>
          %swap3A_414 = arith.index_cast %add3A_378 : i32 to index
          %swap3A_415 = arith.constant 64 : index
          %swap3A_416 = tpu.vector_load %arg11[%swap3A_414, %swap3A_415] {strides = array<i32>} : memref<128x128xf32, #tpu.memory_space<vmem>>, vector<16xf32>,
          tpu.vector_store %arg11[%swap3A_414, %swap3A_415], %mul3A_413 {strides = array<i32>} : memref<128x128xf32, #tpu.memory_space<vmem>>, vector<16xf32>,
          %get3A_417 = arith.index_cast %add3A_378 : i32 to index
          %get3A_418 = arith.constant 80 : index
          %get3A_419 = tpu.vector_load %arg11[%get3A_417, %get3A_418] {strides = array<i32>} : memref<128x128xf32, #tpu.memory_space<vmem>>, vector<16xf32>,
          %mul3A_420 = arith.mulf %get3A_419, %gather3A_381 : vector<16xf32>
          %swap3A_421 = arith.index_cast %add3A_378 : i32 to index
          %swap3A_422 = arith.constant 80 : index
          %swap3A_423 = tpu.vector_load %arg11[%swap3A_421, %swap3A_422] {strides = array<i32>} : memref<128x128xf32, #tpu.memory_space<vmem>>, vector<16xf32>,
          tpu.vector_store %arg11[%swap3A_421, %swap3A_422], %mul3A_420 {strides = array<i32>} : memref<128x128xf32, #tpu.memory_space<vmem>>, vector<16xf32>,
          %get3A_424 = arith.index_cast %add3A_378 : i32 to index
          %get3A_425 = arith.constant 96 : index
          %get3A_426 = tpu.vector_load %arg11[%get3A_424, %get3A_425] {strides = array<i32>} : memref<128x128xf32, #tpu.memory_space<vmem>>, vector<16xf32>,
          %mul3A_427 = arith.mulf %get3A_426, %gather3A_381 : vector<16xf32>
          %swap3A_428 = arith.index_cast %add3A_378 : i32 to index
          %swap3A_429 = arith.constant 96 : index
          %swap3A_430 = tpu.vector_load %arg11[%swap3A_428, %swap3A_429] {strides = array<i32>} : memref<128x128xf32, #tpu.memory_space<vmem>>, vector<16xf32>,
          tpu.vector_store %arg11[%swap3A_428, %swap3A_429], %mul3A_427 {strides = array<i32>} : memref<128x128xf32, #tpu.memory_space<vmem>>, vector<16xf32>,
          %get3A_431 = arith.index_cast %add3A_378 : i32 to index
          %get3A_432 = arith.constant 112 : index
          %get3A_433 = tpu.vector_load %arg11[%get3A_431, %get3A_432] {strides = array<i32>} : memref<128x128xf32, #tpu.memory_space<vmem>>, vector<16xf32>,
          %mul3A_434 = arith.mulf %get3A_433, %gather3A_381 : vector<16xf32>
          %swap3A_435 = arith.index_cast %add3A_378 : i32 to index
          %swap3A_436 = arith.constant 112 : index
          %swap3A_437 = tpu.vector_load %arg11[%swap3A_435, %swap3A_436] {strides = array<i32>} : memref<128x128xf32, #tpu.memory_space<vmem>>, vector<16xf32>,
          tpu.vector_store %arg11[%swap3A_435, %swap3A_436], %mul3A_434 {strides = array<i32>} : memref<128x128xf32, #tpu.memory_space<vmem>>, vector<16xf32>,
          %mul3A_438 = arith.constant 8 : i32
          %mul3A_439 = arith.muli %scan3A_126, %mul3A_438 : i32
          %add3A_440 = arith.constant 5 : i32
          %add3A_441 = arith.addi %mul3A_439, %add3A_440 : i32
          %broadcast_in_dim3A_442 = vector.broadcast %mul3A_65 : i32 to vector<16xi32>
          %broadcast_in_dim3A_443 = vector.broadcast %add3A_441 : i32 to vector<16xi32>
          %gather3A_444 = tpu.vector_load_idx %arg10[%broadcast_in_dim3A_442, %broadcast_in_dim3A_443] : memref<20x128xf32, #tpu.memory_space<vmem>>[vector<16xi32>, vector<16xi32>], vector<16xf32>,
          %get3A_445 = arith.index_cast %add3A_441 : i32 to index
          %get3A_446 = arith.constant 0 : index
          %get3A_447 = tpu.vector_load %arg11[%get3A_445, %get3A_446] {strides = array<i32>} : memref<128x128xf32, #tpu.memory_space<vmem>>, vector<16xf32>,
          %mul3A_448 = arith.mulf %get3A_447, %gather3A_444 : vector<16xf32>
          %swap3A_449 = arith.index_cast %add3A_441 : i32 to index
          %swap3A_450 = arith.constant 0 : index
          %swap3A_451 = tpu.vector_load %arg11[%swap3A_449, %swap3A_450] {strides = array<i32>} : memref<128x128xf32, #tpu.memory_space<vmem>>, vector<16xf32>,
          tpu.vector_store %arg11[%swap3A_449, %swap3A_450], %mul3A_448 {strides = array<i32>} : memref<128x128xf32, #tpu.memory_space<vmem>>, vector<16xf32>,
          %get3A_452 = arith.index_cast %add3A_441 : i32 to index
          %get3A_453 = arith.constant 16 : index
          %get3A_454 = tpu.vector_load %arg11[%get3A_452, %get3A_453] {strides = array<i32>} : memref<128x128xf32, #tpu.memory_space<vmem>>, vector<16xf32>,
          %mul3A_455 = arith.mulf %get3A_454, %gather3A_444 : vector<16xf32>
          %swap3A_456 = arith.index_cast %add3A_441 : i32 to index
          %swap3A_457 = arith.constant 16 : index
          %swap3A_458 = tpu.vector_load %arg11[%swap3A_456, %swap3A_457] {strides = array<i32>} : memref<128x128xf32, #tpu.memory_space<vmem>>, vector<16xf32>,
          tpu.vector_store %arg11[%swap3A_456, %swap3A_457], %mul3A_455 {strides = array<i32>} : memref<128x128xf32, #tpu.memory_space<vmem>>, vector<16xf32>,
          %get3A_459 = arith.index_cast %add3A_441 : i32 to index
          %get3A_460 = arith.constant 32 : index
          %get3A_461 = tpu.vector_load %arg11[%get3A_459, %get3A_460] {strides = array<i32>} : memref<128x128xf32, #tpu.memory_space<vmem>>, vector<16xf32>,
          %mul3A_462 = arith.mulf %get3A_461, %gather3A_444 : vector<16xf32>
          %swap3A_463 = arith.index_cast %add3A_441 : i32 to index
          %swap3A_464 = arith.constant 32 : index
          %swap3A_465 = tpu.vector_load %arg11[%swap3A_463, %swap3A_464] {strides = array<i32>} : memref<128x128xf32, #tpu.memory_space<vmem>>, vector<16xf32>,
          tpu.vector_store %arg11[%swap3A_463, %swap3A_464], %mul3A_462 {strides = array<i32>} : memref<128x128xf32, #tpu.memory_space<vmem>>, vector<16xf32>,
          %get3A_466 = arith.index_cast %add3A_441 : i32 to index
          %get3A_467 = arith.constant 48 : index
          %get3A_468 = tpu.vector_load %arg11[%get3A_466, %get3A_467] {strides = array<i32>} : memref<128x128xf32, #tpu.memory_space<vmem>>, vector<16xf32>,
          %mul3A_469 = arith.mulf %get3A_468, %gather3A_444 : vector<16xf32>
          %swap3A_470 = arith.index_cast %add3A_441 : i32 to index
          %swap3A_471 = arith.constant 48 : index
          %swap3A_472 = tpu.vector_load %arg11[%swap3A_470, %swap3A_471] {strides = array<i32>} : memref<128x128xf32, #tpu.memory_space<vmem>>, vector<16xf32>,
          tpu.vector_store %arg11[%swap3A_470, %swap3A_471], %mul3A_469 {strides = array<i32>} : memref<128x128xf32, #tpu.memory_space<vmem>>, vector<16xf32>,
          %get3A_473 = arith.index_cast %add3A_441 : i32 to index
          %get3A_474 = arith.constant 64 : index
          %get3A_475 = tpu.vector_load %arg11[%get3A_473, %get3A_474] {strides = array<i32>} : memref<128x128xf32, #tpu.memory_space<vmem>>, vector<16xf32>,
          %mul3A_476 = arith.mulf %get3A_475, %gather3A_444 : vector<16xf32>
          %swap3A_477 = arith.index_cast %add3A_441 : i32 to index
          %swap3A_478 = arith.constant 64 : index
          %swap3A_479 = tpu.vector_load %arg11[%swap3A_477, %swap3A_478] {strides = array<i32>} : memref<128x128xf32, #tpu.memory_space<vmem>>, vector<16xf32>,
          tpu.vector_store %arg11[%swap3A_477, %swap3A_478], %mul3A_476 {strides = array<i32>} : memref<128x128xf32, #tpu.memory_space<vmem>>, vector<16xf32>,
          %get3A_480 = arith.index_cast %add3A_441 : i32 to index
          %get3A_481 = arith.constant 80 : index
          %get3A_482 = tpu.vector_load %arg11[%get3A_480, %get3A_481] {strides = array<i32>} : memref<128x128xf32, #tpu.memory_space<vmem>>, vector<16xf32>,
          %mul3A_483 = arith.mulf %get3A_482, %gather3A_444 : vector<16xf32>
          %swap3A_484 = arith.index_cast %add3A_441 : i32 to index
          %swap3A_485 = arith.constant 80 : index
          %swap3A_486 = tpu.vector_load %arg11[%swap3A_484, %swap3A_485] {strides = array<i32>} : memref<128x128xf32, #tpu.memory_space<vmem>>, vector<16xf32>,
          tpu.vector_store %arg11[%swap3A_484, %swap3A_485], %mul3A_483 {strides = array<i32>} : memref<128x128xf32, #tpu.memory_space<vmem>>, vector<16xf32>,
          %get3A_487 = arith.index_cast %add3A_441 : i32 to index
          %get3A_488 = arith.constant 96 : index
          %get3A_489 = tpu.vector_load %arg11[%get3A_487, %get3A_488] {strides = array<i32>} : memref<128x128xf32, #tpu.memory_space<vmem>>, vector<16xf32>,
          %mul3A_490 = arith.mulf %get3A_489, %gather3A_444 : vector<16xf32>
          %swap3A_491 = arith.index_cast %add3A_441 : i32 to index
          %swap3A_492 = arith.constant 96 : index
          %swap3A_493 = tpu.vector_load %arg11[%swap3A_491, %swap3A_492] {strides = array<i32>} : memref<128x128xf32, #tpu.memory_space<vmem>>, vector<16xf32>,
          tpu.vector_store %arg11[%swap3A_491, %swap3A_492], %mul3A_490 {strides = array<i32>} : memref<128x128xf32, #tpu.memory_space<vmem>>, vector<16xf32>,
          %get3A_494 = arith.index_cast %add3A_441 : i32 to index
          %get3A_495 = arith.constant 112 : index
          %get3A_496 = tpu.vector_load %arg11[%get3A_494, %get3A_495] {strides = array<i32>} : memref<128x128xf32, #tpu.memory_space<vmem>>, vector<16xf32>,
          %mul3A_497 = arith.mulf %get3A_496, %gather3A_444 : vector<16xf32>
          %swap3A_498 = arith.index_cast %add3A_441 : i32 to index
          %swap3A_499 = arith.constant 112 : index
          %swap3A_500 = tpu.vector_load %arg11[%swap3A_498, %swap3A_499] {strides = array<i32>} : memref<128x128xf32, #tpu.memory_space<vmem>>, vector<16xf32>,
          tpu.vector_store %arg11[%swap3A_498, %swap3A_499], %mul3A_497 {strides = array<i32>} : memref<128x128xf32, #tpu.memory_space<vmem>>, vector<16xf32>,
          %mul3A_501 = arith.constant 8 : i32
          %mul3A_502 = arith.muli %scan3A_126, %mul3A_501 : i32
          %add3A_503 = arith.constant 6 : i32
          %add3A_504 = arith.addi %mul3A_502, %add3A_503 : i32
          %broadcast_in_dim3A_505 = vector.broadcast %mul3A_65 : i32 to vector<16xi32>
          %broadcast_in_dim3A_506 = vector.broadcast %add3A_504 : i32 to vector<16xi32>
          %gather3A_507 = tpu.vector_load_idx %arg10[%broadcast_in_dim3A_505, %broadcast_in_dim3A_506] : memref<20x128xf32, #tpu.memory_space<vmem>>[vector<16xi32>, vector<16xi32>], vector<16xf32>,
          %get3A_508 = arith.index_cast %add3A_504 : i32 to index
          %get3A_509 = arith.constant 0 : index
          %get3A_510 = tpu.vector_load %arg11[%get3A_508, %get3A_509] {strides = array<i32>} : memref<128x128xf32, #tpu.memory_space<vmem>>, vector<16xf32>,
          %mul3A_511 = arith.mulf %get3A_510, %gather3A_507 : vector<16xf32>
          %swap3A_512 = arith.index_cast %add3A_504 : i32 to index
          %swap3A_513 = arith.constant 0 : index
          %swap3A_514 = tpu.vector_load %arg11[%swap3A_512, %swap3A_513] {strides = array<i32>} : memref<128x128xf32, #tpu.memory_space<vmem>>, vector<16xf32>,
          tpu.vector_store %arg11[%swap3A_512, %swap3A_513], %mul3A_511 {strides = array<i32>} : memref<128x128xf32, #tpu.memory_space<vmem>>, vector<16xf32>,
          %get3A_515 = arith.index_cast %add3A_504 : i32 to index
          %get3A_516 = arith.constant 16 : index
          %get3A_517 = tpu.vector_load %arg11[%get3A_515, %get3A_516] {strides = array<i32>} : memref<128x128xf32, #tpu.memory_space<vmem>>, vector<16xf32>,
          %mul3A_518 = arith.mulf %get3A_517, %gather3A_507 : vector<16xf32>
          %swap3A_519 = arith.index_cast %add3A_504 : i32 to index
          %swap3A_520 = arith.constant 16 : index
          %swap3A_521 = tpu.vector_load %arg11[%swap3A_519, %swap3A_520] {strides = array<i32>} : memref<128x128xf32, #tpu.memory_space<vmem>>, vector<16xf32>,
          tpu.vector_store %arg11[%swap3A_519, %swap3A_520], %mul3A_518 {strides = array<i32>} : memref<128x128xf32, #tpu.memory_space<vmem>>, vector<16xf32>,
          %get3A_522 = arith.index_cast %add3A_504 : i32 to index
          %get3A_523 = arith.constant 32 : index
          %get3A_524 = tpu.vector_load %arg11[%get3A_522, %get3A_523] {strides = array<i32>} : memref<128x128xf32, #tpu.memory_space<vmem>>, vector<16xf32>,
          %mul3A_525 = arith.mulf %get3A_524, %gather3A_507 : vector<16xf32>
          %swap3A_526 = arith.index_cast %add3A_504 : i32 to index
          %swap3A_527 = arith.constant 32 : index
          %swap3A_528 = tpu.vector_load %arg11[%swap3A_526, %swap3A_527] {strides = array<i32>} : memref<128x128xf32, #tpu.memory_space<vmem>>, vector<16xf32>,
          tpu.vector_store %arg11[%swap3A_526, %swap3A_527], %mul3A_525 {strides = array<i32>} : memref<128x128xf32, #tpu.memory_space<vmem>>, vector<16xf32>,
          %get3A_529 = arith.index_cast %add3A_504 : i32 to index
          %get3A_530 = arith.constant 48 : index
          %get3A_531 = tpu.vector_load %arg11[%get3A_529, %get3A_530] {strides = array<i32>} : memref<128x128xf32, #tpu.memory_space<vmem>>, vector<16xf32>,
          %mul3A_532 = arith.mulf %get3A_531, %gather3A_507 : vector<16xf32>
          %swap3A_533 = arith.index_cast %add3A_504 : i32 to index
          %swap3A_534 = arith.constant 48 : index
          %swap3A_535 = tpu.vector_load %arg11[%swap3A_533, %swap3A_534] {strides = array<i32>} : memref<128x128xf32, #tpu.memory_space<vmem>>, vector<16xf32>,
          tpu.vector_store %arg11[%swap3A_533, %swap3A_534], %mul3A_532 {strides = array<i32>} : memref<128x128xf32, #tpu.memory_space<vmem>>, vector<16xf32>,
          %get3A_536 = arith.index_cast %add3A_504 : i32 to index
          %get3A_537 = arith.constant 64 : index
          %get3A_538 = tpu.vector_load %arg11[%get3A_536, %get3A_537] {strides = array<i32>} : memref<128x128xf32, #tpu.memory_space<vmem>>, vector<16xf32>,
          %mul3A_539 = arith.mulf %get3A_538, %gather3A_507 : vector<16xf32>
          %swap3A_540 = arith.index_cast %add3A_504 : i32 to index
          %swap3A_541 = arith.constant 64 : index
          %swap3A_542 = tpu.vector_load %arg11[%swap3A_540, %swap3A_541] {strides = array<i32>} : memref<128x128xf32, #tpu.memory_space<vmem>>, vector<16xf32>,
          tpu.vector_store %arg11[%swap3A_540, %swap3A_541], %mul3A_539 {strides = array<i32>} : memref<128x128xf32, #tpu.memory_space<vmem>>, vector<16xf32>,
          %get3A_543 = arith.index_cast %add3A_504 : i32 to index
          %get3A_544 = arith.constant 80 : index
          %get3A_545 = tpu.vector_load %arg11[%get3A_543, %get3A_544] {strides = array<i32>} : memref<128x128xf32, #tpu.memory_space<vmem>>, vector<16xf32>,
          %mul3A_546 = arith.mulf %get3A_545, %gather3A_507 : vector<16xf32>
          %swap3A_547 = arith.index_cast %add3A_504 : i32 to index
          %swap3A_548 = arith.constant 80 : index
          %swap3A_549 = tpu.vector_load %arg11[%swap3A_547, %swap3A_548] {strides = array<i32>} : memref<128x128xf32, #tpu.memory_space<vmem>>, vector<16xf32>,
          tpu.vector_store %arg11[%swap3A_547, %swap3A_548], %mul3A_546 {strides = array<i32>} : memref<128x128xf32, #tpu.memory_space<vmem>>, vector<16xf32>,
          %get3A_550 = arith.index_cast %add3A_504 : i32 to index
          %get3A_551 = arith.constant 96 : index
          %get3A_552 = tpu.vector_load %arg11[%get3A_550, %get3A_551] {strides = array<i32>} : memref<128x128xf32, #tpu.memory_space<vmem>>, vector<16xf32>,
          %mul3A_553 = arith.mulf %get3A_552, %gather3A_507 : vector<16xf32>
          %swap3A_554 = arith.index_cast %add3A_504 : i32 to index
          %swap3A_555 = arith.constant 96 : index
          %swap3A_556 = tpu.vector_load %arg11[%swap3A_554, %swap3A_555] {strides = array<i32>} : memref<128x128xf32, #tpu.memory_space<vmem>>, vector<16xf32>,
          tpu.vector_store %arg11[%swap3A_554, %swap3A_555], %mul3A_553 {strides = array<i32>} : memref<128x128xf32, #tpu.memory_space<vmem>>, vector<16xf32>,
          %get3A_557 = arith.index_cast %add3A_504 : i32 to index
          %get3A_558 = arith.constant 112 : index
          %get3A_559 = tpu.vector_load %arg11[%get3A_557, %get3A_558] {strides = array<i32>} : memref<128x128xf32, #tpu.memory_space<vmem>>, vector<16xf32>,
          %mul3A_560 = arith.mulf %get3A_559, %gather3A_507 : vector<16xf32>
          %swap3A_561 = arith.index_cast %add3A_504 : i32 to index
          %swap3A_562 = arith.constant 112 : index
          %swap3A_563 = tpu.vector_load %arg11[%swap3A_561, %swap3A_562] {strides = array<i32>} : memref<128x128xf32, #tpu.memory_space<vmem>>, vector<16xf32>,
          tpu.vector_store %arg11[%swap3A_561, %swap3A_562], %mul3A_560 {strides = array<i32>} : memref<128x128xf32, #tpu.memory_space<vmem>>, vector<16xf32>,
          %mul3A_564 = arith.constant 8 : i32
          %mul3A_565 = arith.muli %scan3A_126, %mul3A_564 : i32
          %add3A_566 = arith.constant 7 : i32
          %add3A_567 = arith.addi %mul3A_565, %add3A_566 : i32
          %broadcast_in_dim3A_568 = vector.broadcast %mul3A_65 : i32 to vector<16xi32>
          %broadcast_in_dim3A_569 = vector.broadcast %add3A_567 : i32 to vector<16xi32>
          %gather3A_570 = tpu.vector_load_idx %arg10[%broadcast_in_dim3A_568, %broadcast_in_dim3A_569] : memref<20x128xf32, #tpu.memory_space<vmem>>[vector<16xi32>, vector<16xi32>], vector<16xf32>,
          %get3A_571 = arith.index_cast %add3A_567 : i32 to index
          %get3A_572 = arith.constant 0 : index
          %get3A_573 = tpu.vector_load %arg11[%get3A_571, %get3A_572] {strides = array<i32>} : memref<128x128xf32, #tpu.memory_space<vmem>>, vector<16xf32>,
          %mul3A_574 = arith.mulf %get3A_573, %gather3A_570 : vector<16xf32>
          %swap3A_575 = arith.index_cast %add3A_567 : i32 to index
          %swap3A_576 = arith.constant 0 : index
          %swap3A_577 = tpu.vector_load %arg11[%swap3A_575, %swap3A_576] {strides = array<i32>} : memref<128x128xf32, #tpu.memory_space<vmem>>, vector<16xf32>,
          tpu.vector_store %arg11[%swap3A_575, %swap3A_576], %mul3A_574 {strides = array<i32>} : memref<128x128xf32, #tpu.memory_space<vmem>>, vector<16xf32>,
          %get3A_578 = arith.index_cast %add3A_567 : i32 to index
          %get3A_579 = arith.constant 16 : index
          %get3A_580 = tpu.vector_load %arg11[%get3A_578, %get3A_579] {strides = array<i32>} : memref<128x128xf32, #tpu.memory_space<vmem>>, vector<16xf32>,
          %mul3A_581 = arith.mulf %get3A_580, %gather3A_570 : vector<16xf32>
          %swap3A_582 = arith.index_cast %add3A_567 : i32 to index
          %swap3A_583 = arith.constant 16 : index
          %swap3A_584 = tpu.vector_load %arg11[%swap3A_582, %swap3A_583] {strides = array<i32>} : memref<128x128xf32, #tpu.memory_space<vmem>>, vector<16xf32>,
          tpu.vector_store %arg11[%swap3A_582, %swap3A_583], %mul3A_581 {strides = array<i32>} : memref<128x128xf32, #tpu.memory_space<vmem>>, vector<16xf32>,
          %get3A_585 = arith.index_cast %add3A_567 : i32 to index
          %get3A_586 = arith.constant 32 : index
          %get3A_587 = tpu.vector_load %arg11[%get3A_585, %get3A_586] {strides = array<i32>} : memref<128x128xf32, #tpu.memory_space<vmem>>, vector<16xf32>,
          %mul3A_588 = arith.mulf %get3A_587, %gather3A_570 : vector<16xf32>
          %swap3A_589 = arith.index_cast %add3A_567 : i32 to index
          %swap3A_590 = arith.constant 32 : index
          %swap3A_591 = tpu.vector_load %arg11[%swap3A_589, %swap3A_590] {strides = array<i32>} : memref<128x128xf32, #tpu.memory_space<vmem>>, vector<16xf32>,
          tpu.vector_store %arg11[%swap3A_589, %swap3A_590], %mul3A_588 {strides = array<i32>} : memref<128x128xf32, #tpu.memory_space<vmem>>, vector<16xf32>,
          %get3A_592 = arith.index_cast %add3A_567 : i32 to index
          %get3A_593 = arith.constant 48 : index
          %get3A_594 = tpu.vector_load %arg11[%get3A_592, %get3A_593] {strides = array<i32>} : memref<128x128xf32, #tpu.memory_space<vmem>>, vector<16xf32>,
          %mul3A_595 = arith.mulf %get3A_594, %gather3A_570 : vector<16xf32>
          %swap3A_596 = arith.index_cast %add3A_567 : i32 to index
          %swap3A_597 = arith.constant 48 : index
          %swap3A_598 = tpu.vector_load %arg11[%swap3A_596, %swap3A_597] {strides = array<i32>} : memref<128x128xf32, #tpu.memory_space<vmem>>, vector<16xf32>,
          tpu.vector_store %arg11[%swap3A_596, %swap3A_597], %mul3A_595 {strides = array<i32>} : memref<128x128xf32, #tpu.memory_space<vmem>>, vector<16xf32>,
          %get3A_599 = arith.index_cast %add3A_567 : i32 to index
          %get3A_600 = arith.constant 64 : index
          %get3A_601 = tpu.vector_load %arg11[%get3A_599, %get3A_600] {strides = array<i32>} : memref<128x128xf32, #tpu.memory_space<vmem>>, vector<16xf32>,
          %mul3A_602 = arith.mulf %get3A_601, %gather3A_570 : vector<16xf32>
          %swap3A_603 = arith.index_cast %add3A_567 : i32 to index
          %swap3A_604 = arith.constant 64 : index
          %swap3A_605 = tpu.vector_load %arg11[%swap3A_603, %swap3A_604] {strides = array<i32>} : memref<128x128xf32, #tpu.memory_space<vmem>>, vector<16xf32>,
          tpu.vector_store %arg11[%swap3A_603, %swap3A_604], %mul3A_602 {strides = array<i32>} : memref<128x128xf32, #tpu.memory_space<vmem>>, vector<16xf32>,
          %get3A_606 = arith.index_cast %add3A_567 : i32 to index
          %get3A_607 = arith.constant 80 : index
          %get3A_608 = tpu.vector_load %arg11[%get3A_606, %get3A_607] {strides = array<i32>} : memref<128x128xf32, #tpu.memory_space<vmem>>, vector<16xf32>,
          %mul3A_609 = arith.mulf %get3A_608, %gather3A_570 : vector<16xf32>
          %swap3A_610 = arith.index_cast %add3A_567 : i32 to index
          %swap3A_611 = arith.constant 80 : index
          %swap3A_612 = tpu.vector_load %arg11[%swap3A_610, %swap3A_611] {strides = array<i32>} : memref<128x128xf32, #tpu.memory_space<vmem>>, vector<16xf32>,
          tpu.vector_store %arg11[%swap3A_610, %swap3A_611], %mul3A_609 {strides = array<i32>} : memref<128x128xf32, #tpu.memory_space<vmem>>, vector<16xf32>,
          %get3A_613 = arith.index_cast %add3A_567 : i32 to index
          %get3A_614 = arith.constant 96 : index
          %get3A_615 = tpu.vector_load %arg11[%get3A_613, %get3A_614] {strides = array<i32>} : memref<128x128xf32, #tpu.memory_space<vmem>>, vector<16xf32>,
          %mul3A_616 = arith.mulf %get3A_615, %gather3A_570 : vector<16xf32>
          %swap3A_617 = arith.index_cast %add3A_567 : i32 to index
          %swap3A_618 = arith.constant 96 : index
          %swap3A_619 = tpu.vector_load %arg11[%swap3A_617, %swap3A_618] {strides = array<i32>} : memref<128x128xf32, #tpu.memory_space<vmem>>, vector<16xf32>,
          tpu.vector_store %arg11[%swap3A_617, %swap3A_618], %mul3A_616 {strides = array<i32>} : memref<128x128xf32, #tpu.memory_space<vmem>>, vector<16xf32>,
          %get3A_620 = arith.index_cast %add3A_567 : i32 to index
          %get3A_621 = arith.constant 112 : index
          %get3A_622 = tpu.vector_load %arg11[%get3A_620, %get3A_621] {strides = array<i32>} : memref<128x128xf32, #tpu.memory_space<vmem>>, vector<16xf32>,
          %mul3A_623 = arith.mulf %get3A_622, %gather3A_570 : vector<16xf32>
          %swap3A_624 = arith.index_cast %add3A_567 : i32 to index
          %swap3A_625 = arith.constant 112 : index
          %swap3A_626 = tpu.vector_load %arg11[%swap3A_624, %swap3A_625] {strides = array<i32>} : memref<128x128xf32, #tpu.memory_space<vmem>>, vector<16xf32>,
          tpu.vector_store %arg11[%swap3A_624, %swap3A_625], %mul3A_623 {strides = array<i32>} : memref<128x128xf32, #tpu.memory_space<vmem>>, vector<16xf32>,
        }
        %scan3A_79 = arith.constant 16 : i32
        %dma_start3A_80 = arith.constant 0 : i32
        %dma_start3A_81 = tpu.memref_slice %arg9[%mul3A_65, %dma_start3A_80] : memref<20x128xi32, #tpu.memory_space<vmem>> -> memref<1x128xi32, #tpu.memory_space<vmem>>
        %dma_start3A_82 = tpu.memref_squeeze %dma_start3A_81 : memref<1x128xi32, #tpu.memory_space<vmem>> -> memref<128xi32, #tpu.memory_space<vmem>>
        %dma_start3A_83 = arith.constant 0 : i32
        %dma_start3A_84 = arith.constant 0 : i32
        %dma_start3A_85 = tpu.memref_slice %arg13[%dma_start3A_83, %dma_start3A_84] : memref<10240x128xf32, #tpu.memory_space<vmem_shared>> -> memref<10240x128xf32, #tpu.memory_space<vmem_shared>>
        tpu.enqueue_indirect_dma source(%arg11 : memref<128x128xf32, #tpu.memory_space<vmem>>) target(%dma_start3A_85 : memref<10240x128xf32, #tpu.memory_space<vmem_shared>>) offsets(%dma_start3A_82 : memref<128xi32, #tpu.memory_space<vmem>>) semaphore(%arg17 : memref<!tpu.dma_semaphore, #tpu.memory_space<semaphore_mem>>) {add = true}
        %dma_wait3A_86 = arith.constant 0 : i32
        %dma_wait3A_87 = tpu.memref_slice %arg8[%add3A_69, %dma_wait3A_86] : memref<20x128xi32, #tpu.memory_space<vmem>> -> memref<1x128xi32, #tpu.memory_space<vmem>>
        %dma_wait3A_88 = tpu.memref_squeeze %dma_wait3A_87 : memref<1x128xi32, #tpu.memory_space<vmem>> -> memref<128xi32, #tpu.memory_space<vmem>>
        %dma_wait3A_89 = arith.constant 0 : i32
        %dma_wait3A_90 = arith.constant 0 : i32
        %dma_wait3A_91 = tpu.memref_slice %arg6[%dma_wait3A_89, %dma_wait3A_90] : memref<90000x128xf32, #tpu.memory_space<hbm>> -> memref<90000x128xf32, #tpu.memory_space<hbm>>
        tpu.wait_indirect_dma semaphore(%arg16 : memref<!tpu.dma_semaphore, #tpu.memory_space<semaphore_mem>>) src(%dma_wait3A_91 : memref<90000x128xf32, #tpu.memory_space<hbm>>) dst(%arg12 : memref<128x128xf32, #tpu.memory_space<vmem>>)
        %scan3A_92 = arith.constant 0 : i32
        %scan3A_93 = arith.constant 16 : i32
        %scan3A_94 = arith.addi %scan3A_92, %scan3A_93 : i32
        %scan3A_95 = arith.constant 1 : i32
        scf.for %scan3A_126 = %scan3A_92 to %scan3A_94 step %scan3A_95  : i32 {
          %mul3A_127 = arith.constant 8 : i32
          %mul3A_128 = arith.muli %scan3A_126, %mul3A_127 : i32
          %add3A_129 = arith.constant 0 : i32
          %add3A_130 = arith.addi %mul3A_128, %add3A_129 : i32
          %broadcast_in_dim3A = vector.broadcast %add3A_69 : i32 to vector<16xi32>
          %broadcast_in_dim3A_131 = vector.broadcast %add3A_130 : i32 to vector<16xi32>
          %gather3A = tpu.vector_load_idx %arg10[%broadcast_in_dim3A, %broadcast_in_dim3A_131] : memref<20x128xf32, #tpu.memory_space<vmem>>[vector<16xi32>, vector<16xi32>], vector<16xf32>,
          %get3A = arith.index_cast %add3A_130 : i32 to index
          %get3A_132 = arith.constant 0 : index
          %get3A_133 = tpu.vector_load %arg12[%get3A, %get3A_132] {strides = array<i32>} : memref<128x128xf32, #tpu.memory_space<vmem>>, vector<16xf32>,
          %mul3A_134 = arith.mulf %get3A_133, %gather3A : vector<16xf32>
          %swap3A = arith.index_cast %add3A_130 : i32 to index
          %swap3A_135 = arith.constant 0 : index
          %swap3A_136 = tpu.vector_load %arg12[%swap3A, %swap3A_135] {strides = array<i32>} : memref<128x128xf32, #tpu.memory_space<vmem>>, vector<16xf32>,
          tpu.vector_store %arg12[%swap3A, %swap3A_135], %mul3A_134 {strides = array<i32>} : memref<128x128xf32, #tpu.memory_space<vmem>>, vector<16xf32>,
          %get3A_137 = arith.index_cast %add3A_130 : i32 to index
          %get3A_138 = arith.constant 16 : index
          %get3A_139 = tpu.vector_load %arg12[%get3A_137, %get3A_138] {strides = array<i32>} : memref<128x128xf32, #tpu.memory_space<vmem>>, vector<16xf32>,
          %mul3A_140 = arith.mulf %get3A_139, %gather3A : vector<16xf32>
          %swap3A_141 = arith.index_cast %add3A_130 : i32 to index
          %swap3A_142 = arith.constant 16 : index
          %swap3A_143 = tpu.vector_load %arg12[%swap3A_141, %swap3A_142] {strides = array<i32>} : memref<128x128xf32, #tpu.memory_space<vmem>>, vector<16xf32>,
          tpu.vector_store %arg12[%swap3A_141, %swap3A_142], %mul3A_140 {strides = array<i32>} : memref<128x128xf32, #tpu.memory_space<vmem>>, vector<16xf32>,
          %get3A_144 = arith.index_cast %add3A_130 : i32 to index
          %get3A_145 = arith.constant 32 : index
          %get3A_146 = tpu.vector_load %arg12[%get3A_144, %get3A_145] {strides = array<i32>} : memref<128x128xf32, #tpu.memory_space<vmem>>, vector<16xf32>,
          %mul3A_147 = arith.mulf %get3A_146, %gather3A : vector<16xf32>
          %swap3A_148 = arith.index_cast %add3A_130 : i32 to index
          %swap3A_149 = arith.constant 32 : index
          %swap3A_150 = tpu.vector_load %arg12[%swap3A_148, %swap3A_149] {strides = array<i32>} : memref<128x128xf32, #tpu.memory_space<vmem>>, vector<16xf32>,
          tpu.vector_store %arg12[%swap3A_148, %swap3A_149], %mul3A_147 {strides = array<i32>} : memref<128x128xf32, #tpu.memory_space<vmem>>, vector<16xf32>,
          %get3A_151 = arith.index_cast %add3A_130 : i32 to index
          %get3A_152 = arith.constant 48 : index
          %get3A_153 = tpu.vector_load %arg12[%get3A_151, %get3A_152] {strides = array<i32>} : memref<128x128xf32, #tpu.memory_space<vmem>>, vector<16xf32>,
          %mul3A_154 = arith.mulf %get3A_153, %gather3A : vector<16xf32>
          %swap3A_155 = arith.index_cast %add3A_130 : i32 to index
          %swap3A_156 = arith.constant 48 : index
          %swap3A_157 = tpu.vector_load %arg12[%swap3A_155, %swap3A_156] {strides = array<i32>} : memref<128x128xf32, #tpu.memory_space<vmem>>, vector<16xf32>,
          tpu.vector_store %arg12[%swap3A_155, %swap3A_156], %mul3A_154 {strides = array<i32>} : memref<128x128xf32, #tpu.memory_space<vmem>>, vector<16xf32>,
          %get3A_158 = arith.index_cast %add3A_130 : i32 to index
          %get3A_159 = arith.constant 64 : index
          %get3A_160 = tpu.vector_load %arg12[%get3A_158, %get3A_159] {strides = array<i32>} : memref<128x128xf32, #tpu.memory_space<vmem>>, vector<16xf32>,
          %mul3A_161 = arith.mulf %get3A_160, %gather3A : vector<16xf32>
          %swap3A_162 = arith.index_cast %add3A_130 : i32 to index
          %swap3A_163 = arith.constant 64 : index
          %swap3A_164 = tpu.vector_load %arg12[%swap3A_162, %swap3A_163] {strides = array<i32>} : memref<128x128xf32, #tpu.memory_space<vmem>>, vector<16xf32>,
          tpu.vector_store %arg12[%swap3A_162, %swap3A_163], %mul3A_161 {strides = array<i32>} : memref<128x128xf32, #tpu.memory_space<vmem>>, vector<16xf32>,
          %get3A_165 = arith.index_cast %add3A_130 : i32 to index
          %get3A_166 = arith.constant 80 : index
          %get3A_167 = tpu.vector_load %arg12[%get3A_165, %get3A_166] {strides = array<i32>} : memref<128x128xf32, #tpu.memory_space<vmem>>, vector<16xf32>,
          %mul3A_168 = arith.mulf %get3A_167, %gather3A : vector<16xf32>
          %swap3A_169 = arith.index_cast %add3A_130 : i32 to index
          %swap3A_170 = arith.constant 80 : index
          %swap3A_171 = tpu.vector_load %arg12[%swap3A_169, %swap3A_170] {strides = array<i32>} : memref<128x128xf32, #tpu.memory_space<vmem>>, vector<16xf32>,
          tpu.vector_store %arg12[%swap3A_169, %swap3A_170], %mul3A_168 {strides = array<i32>} : memref<128x128xf32, #tpu.memory_space<vmem>>, vector<16xf32>,
          %get3A_172 = arith.index_cast %add3A_130 : i32 to index
          %get3A_173 = arith.constant 96 : index
          %get3A_174 = tpu.vector_load %arg12[%get3A_172, %get3A_173] {strides = array<i32>} : memref<128x128xf32, #tpu.memory_space<vmem>>, vector<16xf32>,
          %mul3A_175 = arith.mulf %get3A_174, %gather3A : vector<16xf32>
          %swap3A_176 = arith.index_cast %add3A_130 : i32 to index
          %swap3A_177 = arith.constant 96 : index
          %swap3A_178 = tpu.vector_load %arg12[%swap3A_176, %swap3A_177] {strides = array<i32>} : memref<128x128xf32, #tpu.memory_space<vmem>>, vector<16xf32>,
          tpu.vector_store %arg12[%swap3A_176, %swap3A_177], %mul3A_175 {strides = array<i32>} : memref<128x128xf32, #tpu.memory_space<vmem>>, vector<16xf32>,
          %get3A_179 = arith.index_cast %add3A_130 : i32 to index
          %get3A_180 = arith.constant 112 : index
          %get3A_181 = tpu.vector_load %arg12[%get3A_179, %get3A_180] {strides = array<i32>} : memref<128x128xf32, #tpu.memory_space<vmem>>, vector<16xf32>,
          %mul3A_182 = arith.mulf %get3A_181, %gather3A : vector<16xf32>
          %swap3A_183 = arith.index_cast %add3A_130 : i32 to index
          %swap3A_184 = arith.constant 112 : index
          %swap3A_185 = tpu.vector_load %arg12[%swap3A_183, %swap3A_184] {strides = array<i32>} : memref<128x128xf32, #tpu.memory_space<vmem>>, vector<16xf32>,
          tpu.vector_store %arg12[%swap3A_183, %swap3A_184], %mul3A_182 {strides = array<i32>} : memref<128x128xf32, #tpu.memory_space<vmem>>, vector<16xf32>,
          %mul3A_186 = arith.constant 8 : i32
          %mul3A_187 = arith.muli %scan3A_126, %mul3A_186 : i32
          %add3A_188 = arith.constant 1 : i32
          %add3A_189 = arith.addi %mul3A_187, %add3A_188 : i32
          %broadcast_in_dim3A_190 = vector.broadcast %add3A_69 : i32 to vector<16xi32>
          %broadcast_in_dim3A_191 = vector.broadcast %add3A_189 : i32 to vector<16xi32>
          %gather3A_192 = tpu.vector_load_idx %arg10[%broadcast_in_dim3A_190, %broadcast_in_dim3A_191] : memref<20x128xf32, #tpu.memory_space<vmem>>[vector<16xi32>, vector<16xi32>], vector<16xf32>,
          %get3A_193 = arith.index_cast %add3A_189 : i32 to index
          %get3A_194 = arith.constant 0 : index
          %get3A_195 = tpu.vector_load %arg12[%get3A_193, %get3A_194] {strides = array<i32>} : memref<128x128xf32, #tpu.memory_space<vmem>>, vector<16xf32>,
          %mul3A_196 = arith.mulf %get3A_195, %gather3A_192 : vector<16xf32>
          %swap3A_197 = arith.index_cast %add3A_189 : i32 to index
          %swap3A_198 = arith.constant 0 : index
          %swap3A_199 = tpu.vector_load %arg12[%swap3A_197, %swap3A_198] {strides = array<i32>} : memref<128x128xf32, #tpu.memory_space<vmem>>, vector<16xf32>,
          tpu.vector_store %arg12[%swap3A_197, %swap3A_198], %mul3A_196 {strides = array<i32>} : memref<128x128xf32, #tpu.memory_space<vmem>>, vector<16xf32>,
          %get3A_200 = arith.index_cast %add3A_189 : i32 to index
          %get3A_201 = arith.constant 16 : index
          %get3A_202 = tpu.vector_load %arg12[%get3A_200, %get3A_201] {strides = array<i32>} : memref<128x128xf32, #tpu.memory_space<vmem>>, vector<16xf32>,
          %mul3A_203 = arith.mulf %get3A_202, %gather3A_192 : vector<16xf32>
          %swap3A_204 = arith.index_cast %add3A_189 : i32 to index
          %swap3A_205 = arith.constant 16 : index
          %swap3A_206 = tpu.vector_load %arg12[%swap3A_204, %swap3A_205] {strides = array<i32>} : memref<128x128xf32, #tpu.memory_space<vmem>>, vector<16xf32>,
          tpu.vector_store %arg12[%swap3A_204, %swap3A_205], %mul3A_203 {strides = array<i32>} : memref<128x128xf32, #tpu.memory_space<vmem>>, vector<16xf32>,
          %get3A_207 = arith.index_cast %add3A_189 : i32 to index
          %get3A_208 = arith.constant 32 : index
          %get3A_209 = tpu.vector_load %arg12[%get3A_207, %get3A_208] {strides = array<i32>} : memref<128x128xf32, #tpu.memory_space<vmem>>, vector<16xf32>,
          %mul3A_210 = arith.mulf %get3A_209, %gather3A_192 : vector<16xf32>
          %swap3A_211 = arith.index_cast %add3A_189 : i32 to index
          %swap3A_212 = arith.constant 32 : index
          %swap3A_213 = tpu.vector_load %arg12[%swap3A_211, %swap3A_212] {strides = array<i32>} : memref<128x128xf32, #tpu.memory_space<vmem>>, vector<16xf32>,
          tpu.vector_store %arg12[%swap3A_211, %swap3A_212], %mul3A_210 {strides = array<i32>} : memref<128x128xf32, #tpu.memory_space<vmem>>, vector<16xf32>,
          %get3A_214 = arith.index_cast %add3A_189 : i32 to index
          %get3A_215 = arith.constant 48 : index
          %get3A_216 = tpu.vector_load %arg12[%get3A_214, %get3A_215] {strides = array<i32>} : memref<128x128xf32, #tpu.memory_space<vmem>>, vector<16xf32>,
          %mul3A_217 = arith.mulf %get3A_216, %gather3A_192 : vector<16xf32>
          %swap3A_218 = arith.index_cast %add3A_189 : i32 to index
          %swap3A_219 = arith.constant 48 : index
          %swap3A_220 = tpu.vector_load %arg12[%swap3A_218, %swap3A_219] {strides = array<i32>} : memref<128x128xf32, #tpu.memory_space<vmem>>, vector<16xf32>,
          tpu.vector_store %arg12[%swap3A_218, %swap3A_219], %mul3A_217 {strides = array<i32>} : memref<128x128xf32, #tpu.memory_space<vmem>>, vector<16xf32>,
          %get3A_221 = arith.index_cast %add3A_189 : i32 to index
          %get3A_222 = arith.constant 64 : index
          %get3A_223 = tpu.vector_load %arg12[%get3A_221, %get3A_222] {strides = array<i32>} : memref<128x128xf32, #tpu.memory_space<vmem>>, vector<16xf32>,
          %mul3A_224 = arith.mulf %get3A_223, %gather3A_192 : vector<16xf32>
          %swap3A_225 = arith.index_cast %add3A_189 : i32 to index
          %swap3A_226 = arith.constant 64 : index
          %swap3A_227 = tpu.vector_load %arg12[%swap3A_225, %swap3A_226] {strides = array<i32>} : memref<128x128xf32, #tpu.memory_space<vmem>>, vector<16xf32>,
          tpu.vector_store %arg12[%swap3A_225, %swap3A_226], %mul3A_224 {strides = array<i32>} : memref<128x128xf32, #tpu.memory_space<vmem>>, vector<16xf32>,
          %get3A_228 = arith.index_cast %add3A_189 : i32 to index
          %get3A_229 = arith.constant 80 : index
          %get3A_230 = tpu.vector_load %arg12[%get3A_228, %get3A_229] {strides = array<i32>} : memref<128x128xf32, #tpu.memory_space<vmem>>, vector<16xf32>,
          %mul3A_231 = arith.mulf %get3A_230, %gather3A_192 : vector<16xf32>
          %swap3A_232 = arith.index_cast %add3A_189 : i32 to index
          %swap3A_233 = arith.constant 80 : index
          %swap3A_234 = tpu.vector_load %arg12[%swap3A_232, %swap3A_233] {strides = array<i32>} : memref<128x128xf32, #tpu.memory_space<vmem>>, vector<16xf32>,
          tpu.vector_store %arg12[%swap3A_232, %swap3A_233], %mul3A_231 {strides = array<i32>} : memref<128x128xf32, #tpu.memory_space<vmem>>, vector<16xf32>,
          %get3A_235 = arith.index_cast %add3A_189 : i32 to index
          %get3A_236 = arith.constant 96 : index
          %get3A_237 = tpu.vector_load %arg12[%get3A_235, %get3A_236] {strides = array<i32>} : memref<128x128xf32, #tpu.memory_space<vmem>>, vector<16xf32>,
          %mul3A_238 = arith.mulf %get3A_237, %gather3A_192 : vector<16xf32>
          %swap3A_239 = arith.index_cast %add3A_189 : i32 to index
          %swap3A_240 = arith.constant 96 : index
          %swap3A_241 = tpu.vector_load %arg12[%swap3A_239, %swap3A_240] {strides = array<i32>} : memref<128x128xf32, #tpu.memory_space<vmem>>, vector<16xf32>,
          tpu.vector_store %arg12[%swap3A_239, %swap3A_240], %mul3A_238 {strides = array<i32>} : memref<128x128xf32, #tpu.memory_space<vmem>>, vector<16xf32>,
          %get3A_242 = arith.index_cast %add3A_189 : i32 to index
          %get3A_243 = arith.constant 112 : index
          %get3A_244 = tpu.vector_load %arg12[%get3A_242, %get3A_243] {strides = array<i32>} : memref<128x128xf32, #tpu.memory_space<vmem>>, vector<16xf32>,
          %mul3A_245 = arith.mulf %get3A_244, %gather3A_192 : vector<16xf32>
          %swap3A_246 = arith.index_cast %add3A_189 : i32 to index
          %swap3A_247 = arith.constant 112 : index
          %swap3A_248 = tpu.vector_load %arg12[%swap3A_246, %swap3A_247] {strides = array<i32>} : memref<128x128xf32, #tpu.memory_space<vmem>>, vector<16xf32>,
          tpu.vector_store %arg12[%swap3A_246, %swap3A_247], %mul3A_245 {strides = array<i32>} : memref<128x128xf32, #tpu.memory_space<vmem>>, vector<16xf32>,
          %mul3A_249 = arith.constant 8 : i32
          %mul3A_250 = arith.muli %scan3A_126, %mul3A_249 : i32
          %add3A_251 = arith.constant 2 : i32
          %add3A_252 = arith.addi %mul3A_250, %add3A_251 : i32
          %broadcast_in_dim3A_253 = vector.broadcast %add3A_69 : i32 to vector<16xi32>
          %broadcast_in_dim3A_254 = vector.broadcast %add3A_252 : i32 to vector<16xi32>
          %gather3A_255 = tpu.vector_load_idx %arg10[%broadcast_in_dim3A_253, %broadcast_in_dim3A_254] : memref<20x128xf32, #tpu.memory_space<vmem>>[vector<16xi32>, vector<16xi32>], vector<16xf32>,
          %get3A_256 = arith.index_cast %add3A_252 : i32 to index
          %get3A_257 = arith.constant 0 : index
          %get3A_258 = tpu.vector_load %arg12[%get3A_256, %get3A_257] {strides = array<i32>} : memref<128x128xf32, #tpu.memory_space<vmem>>, vector<16xf32>,
          %mul3A_259 = arith.mulf %get3A_258, %gather3A_255 : vector<16xf32>
          %swap3A_260 = arith.index_cast %add3A_252 : i32 to index
          %swap3A_261 = arith.constant 0 : index
          %swap3A_262 = tpu.vector_load %arg12[%swap3A_260, %swap3A_261] {strides = array<i32>} : memref<128x128xf32, #tpu.memory_space<vmem>>, vector<16xf32>,
          tpu.vector_store %arg12[%swap3A_260, %swap3A_261], %mul3A_259 {strides = array<i32>} : memref<128x128xf32, #tpu.memory_space<vmem>>, vector<16xf32>,
          %get3A_263 = arith.index_cast %add3A_252 : i32 to index
          %get3A_264 = arith.constant 16 : index
          %get3A_265 = tpu.vector_load %arg12[%get3A_263, %get3A_264] {strides = array<i32>} : memref<128x128xf32, #tpu.memory_space<vmem>>, vector<16xf32>,
          %mul3A_266 = arith.mulf %get3A_265, %gather3A_255 : vector<16xf32>
          %swap3A_267 = arith.index_cast %add3A_252 : i32 to index
          %swap3A_268 = arith.constant 16 : index
          %swap3A_269 = tpu.vector_load %arg12[%swap3A_267, %swap3A_268] {strides = array<i32>} : memref<128x128xf32, #tpu.memory_space<vmem>>, vector<16xf32>,
          tpu.vector_store %arg12[%swap3A_267, %swap3A_268], %mul3A_266 {strides = array<i32>} : memref<128x128xf32, #tpu.memory_space<vmem>>, vector<16xf32>,
          %get3A_270 = arith.index_cast %add3A_252 : i32 to index
          %get3A_271 = arith.constant 32 : index
          %get3A_272 = tpu.vector_load %arg12[%get3A_270, %get3A_271] {strides = array<i32>} : memref<128x128xf32, #tpu.memory_space<vmem>>, vector<16xf32>,
          %mul3A_273 = arith.mulf %get3A_272, %gather3A_255 : vector<16xf32>
          %swap3A_274 = arith.index_cast %add3A_252 : i32 to index
          %swap3A_275 = arith.constant 32 : index
          %swap3A_276 = tpu.vector_load %arg12[%swap3A_274, %swap3A_275] {strides = array<i32>} : memref<128x128xf32, #tpu.memory_space<vmem>>, vector<16xf32>,
          tpu.vector_store %arg12[%swap3A_274, %swap3A_275], %mul3A_273 {strides = array<i32>} : memref<128x128xf32, #tpu.memory_space<vmem>>, vector<16xf32>,
          %get3A_277 = arith.index_cast %add3A_252 : i32 to index
          %get3A_278 = arith.constant 48 : index
          %get3A_279 = tpu.vector_load %arg12[%get3A_277, %get3A_278] {strides = array<i32>} : memref<128x128xf32, #tpu.memory_space<vmem>>, vector<16xf32>,
          %mul3A_280 = arith.mulf %get3A_279, %gather3A_255 : vector<16xf32>
          %swap3A_281 = arith.index_cast %add3A_252 : i32 to index
          %swap3A_282 = arith.constant 48 : index
          %swap3A_283 = tpu.vector_load %arg12[%swap3A_281, %swap3A_282] {strides = array<i32>} : memref<128x128xf32, #tpu.memory_space<vmem>>, vector<16xf32>,
          tpu.vector_store %arg12[%swap3A_281, %swap3A_282], %mul3A_280 {strides = array<i32>} : memref<128x128xf32, #tpu.memory_space<vmem>>, vector<16xf32>,
          %get3A_284 = arith.index_cast %add3A_252 : i32 to index
          %get3A_285 = arith.constant 64 : index
          %get3A_286 = tpu.vector_load %arg12[%get3A_284, %get3A_285] {strides = array<i32>} : memref<128x128xf32, #tpu.memory_space<vmem>>, vector<16xf32>,
          %mul3A_287 = arith.mulf %get3A_286, %gather3A_255 : vector<16xf32>
          %swap3A_288 = arith.index_cast %add3A_252 : i32 to index
          %swap3A_289 = arith.constant 64 : index
          %swap3A_290 = tpu.vector_load %arg12[%swap3A_288, %swap3A_289] {strides = array<i32>} : memref<128x128xf32, #tpu.memory_space<vmem>>, vector<16xf32>,
          tpu.vector_store %arg12[%swap3A_288, %swap3A_289], %mul3A_287 {strides = array<i32>} : memref<128x128xf32, #tpu.memory_space<vmem>>, vector<16xf32>,
          %get3A_291 = arith.index_cast %add3A_252 : i32 to index
          %get3A_292 = arith.constant 80 : index
          %get3A_293 = tpu.vector_load %arg12[%get3A_291, %get3A_292] {strides = array<i32>} : memref<128x128xf32, #tpu.memory_space<vmem>>, vector<16xf32>,
          %mul3A_294 = arith.mulf %get3A_293, %gather3A_255 : vector<16xf32>
          %swap3A_295 = arith.index_cast %add3A_252 : i32 to index
          %swap3A_296 = arith.constant 80 : index
          %swap3A_297 = tpu.vector_load %arg12[%swap3A_295, %swap3A_296] {strides = array<i32>} : memref<128x128xf32, #tpu.memory_space<vmem>>, vector<16xf32>,
          tpu.vector_store %arg12[%swap3A_295, %swap3A_296], %mul3A_294 {strides = array<i32>} : memref<128x128xf32, #tpu.memory_space<vmem>>, vector<16xf32>,
          %get3A_298 = arith.index_cast %add3A_252 : i32 to index
          %get3A_299 = arith.constant 96 : index
          %get3A_300 = tpu.vector_load %arg12[%get3A_298, %get3A_299] {strides = array<i32>} : memref<128x128xf32, #tpu.memory_space<vmem>>, vector<16xf32>,
          %mul3A_301 = arith.mulf %get3A_300, %gather3A_255 : vector<16xf32>
          %swap3A_302 = arith.index_cast %add3A_252 : i32 to index
          %swap3A_303 = arith.constant 96 : index
          %swap3A_304 = tpu.vector_load %arg12[%swap3A_302, %swap3A_303] {strides = array<i32>} : memref<128x128xf32, #tpu.memory_space<vmem>>, vector<16xf32>,
          tpu.vector_store %arg12[%swap3A_302, %swap3A_303], %mul3A_301 {strides = array<i32>} : memref<128x128xf32, #tpu.memory_space<vmem>>, vector<16xf32>,
          %get3A_305 = arith.index_cast %add3A_252 : i32 to index
          %get3A_306 = arith.constant 112 : index
          %get3A_307 = tpu.vector_load %arg12[%get3A_305, %get3A_306] {strides = array<i32>} : memref<128x128xf32, #tpu.memory_space<vmem>>, vector<16xf32>,
          %mul3A_308 = arith.mulf %get3A_307, %gather3A_255 : vector<16xf32>
          %swap3A_309 = arith.index_cast %add3A_252 : i32 to index
          %swap3A_310 = arith.constant 112 : index
          %swap3A_311 = tpu.vector_load %arg12[%swap3A_309, %swap3A_310] {strides = array<i32>} : memref<128x128xf32, #tpu.memory_space<vmem>>, vector<16xf32>,
          tpu.vector_store %arg12[%swap3A_309, %swap3A_310], %mul3A_308 {strides = array<i32>} : memref<128x128xf32, #tpu.memory_space<vmem>>, vector<16xf32>,
          %mul3A_312 = arith.constant 8 : i32
          %mul3A_313 = arith.muli %scan3A_126, %mul3A_312 : i32
          %add3A_314 = arith.constant 3 : i32
          %add3A_315 = arith.addi %mul3A_313, %add3A_314 : i32
          %broadcast_in_dim3A_316 = vector.broadcast %add3A_69 : i32 to vector<16xi32>
          %broadcast_in_dim3A_317 = vector.broadcast %add3A_315 : i32 to vector<16xi32>
          %gather3A_318 = tpu.vector_load_idx %arg10[%broadcast_in_dim3A_316, %broadcast_in_dim3A_317] : memref<20x128xf32, #tpu.memory_space<vmem>>[vector<16xi32>, vector<16xi32>], vector<16xf32>,
          %get3A_319 = arith.index_cast %add3A_315 : i32 to index
          %get3A_320 = arith.constant 0 : index
          %get3A_321 = tpu.vector_load %arg12[%get3A_319, %get3A_320] {strides = array<i32>} : memref<128x128xf32, #tpu.memory_space<vmem>>, vector<16xf32>,
          %mul3A_322 = arith.mulf %get3A_321, %gather3A_318 : vector<16xf32>
          %swap3A_323 = arith.index_cast %add3A_315 : i32 to index
          %swap3A_324 = arith.constant 0 : index
          %swap3A_325 = tpu.vector_load %arg12[%swap3A_323, %swap3A_324] {strides = array<i32>} : memref<128x128xf32, #tpu.memory_space<vmem>>, vector<16xf32>,
          tpu.vector_store %arg12[%swap3A_323, %swap3A_324], %mul3A_322 {strides = array<i32>} : memref<128x128xf32, #tpu.memory_space<vmem>>, vector<16xf32>,
          %get3A_326 = arith.index_cast %add3A_315 : i32 to index
          %get3A_327 = arith.constant 16 : index
          %get3A_328 = tpu.vector_load %arg12[%get3A_326, %get3A_327] {strides = array<i32>} : memref<128x128xf32, #tpu.memory_space<vmem>>, vector<16xf32>,
          %mul3A_329 = arith.mulf %get3A_328, %gather3A_318 : vector<16xf32>
          %swap3A_330 = arith.index_cast %add3A_315 : i32 to index
          %swap3A_331 = arith.constant 16 : index
          %swap3A_332 = tpu.vector_load %arg12[%swap3A_330, %swap3A_331] {strides = array<i32>} : memref<128x128xf32, #tpu.memory_space<vmem>>, vector<16xf32>,
          tpu.vector_store %arg12[%swap3A_330, %swap3A_331], %mul3A_329 {strides = array<i32>} : memref<128x128xf32, #tpu.memory_space<vmem>>, vector<16xf32>,
          %get3A_333 = arith.index_cast %add3A_315 : i32 to index
          %get3A_334 = arith.constant 32 : index
          %get3A_335 = tpu.vector_load %arg12[%get3A_333, %get3A_334] {strides = array<i32>} : memref<128x128xf32, #tpu.memory_space<vmem>>, vector<16xf32>,
          %mul3A_336 = arith.mulf %get3A_335, %gather3A_318 : vector<16xf32>
          %swap3A_337 = arith.index_cast %add3A_315 : i32 to index
          %swap3A_338 = arith.constant 32 : index
          %swap3A_339 = tpu.vector_load %arg12[%swap3A_337, %swap3A_338] {strides = array<i32>} : memref<128x128xf32, #tpu.memory_space<vmem>>, vector<16xf32>,
          tpu.vector_store %arg12[%swap3A_337, %swap3A_338], %mul3A_336 {strides = array<i32>} : memref<128x128xf32, #tpu.memory_space<vmem>>, vector<16xf32>,
          %get3A_340 = arith.index_cast %add3A_315 : i32 to index
          %get3A_341 = arith.constant 48 : index
          %get3A_342 = tpu.vector_load %arg12[%get3A_340, %get3A_341] {strides = array<i32>} : memref<128x128xf32, #tpu.memory_space<vmem>>, vector<16xf32>,
          %mul3A_343 = arith.mulf %get3A_342, %gather3A_318 : vector<16xf32>
          %swap3A_344 = arith.index_cast %add3A_315 : i32 to index
          %swap3A_345 = arith.constant 48 : index
          %swap3A_346 = tpu.vector_load %arg12[%swap3A_344, %swap3A_345] {strides = array<i32>} : memref<128x128xf32, #tpu.memory_space<vmem>>, vector<16xf32>,
          tpu.vector_store %arg12[%swap3A_344, %swap3A_345], %mul3A_343 {strides = array<i32>} : memref<128x128xf32, #tpu.memory_space<vmem>>, vector<16xf32>,
          %get3A_347 = arith.index_cast %add3A_315 : i32 to index
          %get3A_348 = arith.constant 64 : index
          %get3A_349 = tpu.vector_load %arg12[%get3A_347, %get3A_348] {strides = array<i32>} : memref<128x128xf32, #tpu.memory_space<vmem>>, vector<16xf32>,
          %mul3A_350 = arith.mulf %get3A_349, %gather3A_318 : vector<16xf32>
          %swap3A_351 = arith.index_cast %add3A_315 : i32 to index
          %swap3A_352 = arith.constant 64 : index
          %swap3A_353 = tpu.vector_load %arg12[%swap3A_351, %swap3A_352] {strides = array<i32>} : memref<128x128xf32, #tpu.memory_space<vmem>>, vector<16xf32>,
          tpu.vector_store %arg12[%swap3A_351, %swap3A_352], %mul3A_350 {strides = array<i32>} : memref<128x128xf32, #tpu.memory_space<vmem>>, vector<16xf32>,
          %get3A_354 = arith.index_cast %add3A_315 : i32 to index
          %get3A_355 = arith.constant 80 : index
          %get3A_356 = tpu.vector_load %arg12[%get3A_354, %get3A_355] {strides = array<i32>} : memref<128x128xf32, #tpu.memory_space<vmem>>, vector<16xf32>,
          %mul3A_357 = arith.mulf %get3A_356, %gather3A_318 : vector<16xf32>
          %swap3A_358 = arith.index_cast %add3A_315 : i32 to index
          %swap3A_359 = arith.constant 80 : index
          %swap3A_360 = tpu.vector_load %arg12[%swap3A_358, %swap3A_359] {strides = array<i32>} : memref<128x128xf32, #tpu.memory_space<vmem>>, vector<16xf32>,
          tpu.vector_store %arg12[%swap3A_358, %swap3A_359], %mul3A_357 {strides = array<i32>} : memref<128x128xf32, #tpu.memory_space<vmem>>, vector<16xf32>,
          %get3A_361 = arith.index_cast %add3A_315 : i32 to index
          %get3A_362 = arith.constant 96 : index
          %get3A_363 = tpu.vector_load %arg12[%get3A_361, %get3A_362] {strides = array<i32>} : memref<128x128xf32, #tpu.memory_space<vmem>>, vector<16xf32>,
          %mul3A_364 = arith.mulf %get3A_363, %gather3A_318 : vector<16xf32>
          %swap3A_365 = arith.index_cast %add3A_315 : i32 to index
          %swap3A_366 = arith.constant 96 : index
          %swap3A_367 = tpu.vector_load %arg12[%swap3A_365, %swap3A_366] {strides = array<i32>} : memref<128x128xf32, #tpu.memory_space<vmem>>, vector<16xf32>,
          tpu.vector_store %arg12[%swap3A_365, %swap3A_366], %mul3A_364 {strides = array<i32>} : memref<128x128xf32, #tpu.memory_space<vmem>>, vector<16xf32>,
          %get3A_368 = arith.index_cast %add3A_315 : i32 to index
          %get3A_369 = arith.constant 112 : index
          %get3A_370 = tpu.vector_load %arg12[%get3A_368, %get3A_369] {strides = array<i32>} : memref<128x128xf32, #tpu.memory_space<vmem>>, vector<16xf32>,
          %mul3A_371 = arith.mulf %get3A_370, %gather3A_318 : vector<16xf32>
          %swap3A_372 = arith.index_cast %add3A_315 : i32 to index
          %swap3A_373 = arith.constant 112 : index
          %swap3A_374 = tpu.vector_load %arg12[%swap3A_372, %swap3A_373] {strides = array<i32>} : memref<128x128xf32, #tpu.memory_space<vmem>>, vector<16xf32>,
          tpu.vector_store %arg12[%swap3A_372, %swap3A_373], %mul3A_371 {strides = array<i32>} : memref<128x128xf32, #tpu.memory_space<vmem>>, vector<16xf32>,
          %mul3A_375 = arith.constant 8 : i32
          %mul3A_376 = arith.muli %scan3A_126, %mul3A_375 : i32
          %add3A_377 = arith.constant 4 : i32
          %add3A_378 = arith.addi %mul3A_376, %add3A_377 : i32
          %broadcast_in_dim3A_379 = vector.broadcast %add3A_69 : i32 to vector<16xi32>
          %broadcast_in_dim3A_380 = vector.broadcast %add3A_378 : i32 to vector<16xi32>
          %gather3A_381 = tpu.vector_load_idx %arg10[%broadcast_in_dim3A_379, %broadcast_in_dim3A_380] : memref<20x128xf32, #tpu.memory_space<vmem>>[vector<16xi32>, vector<16xi32>], vector<16xf32>,
          %get3A_382 = arith.index_cast %add3A_378 : i32 to index
          %get3A_383 = arith.constant 0 : index
          %get3A_384 = tpu.vector_load %arg12[%get3A_382, %get3A_383] {strides = array<i32>} : memref<128x128xf32, #tpu.memory_space<vmem>>, vector<16xf32>,
          %mul3A_385 = arith.mulf %get3A_384, %gather3A_381 : vector<16xf32>
          %swap3A_386 = arith.index_cast %add3A_378 : i32 to index
          %swap3A_387 = arith.constant 0 : index
          %swap3A_388 = tpu.vector_load %arg12[%swap3A_386, %swap3A_387] {strides = array<i32>} : memref<128x128xf32, #tpu.memory_space<vmem>>, vector<16xf32>,
          tpu.vector_store %arg12[%swap3A_386, %swap3A_387], %mul3A_385 {strides = array<i32>} : memref<128x128xf32, #tpu.memory_space<vmem>>, vector<16xf32>,
          %get3A_389 = arith.index_cast %add3A_378 : i32 to index
          %get3A_390 = arith.constant 16 : index
          %get3A_391 = tpu.vector_load %arg12[%get3A_389, %get3A_390] {strides = array<i32>} : memref<128x128xf32, #tpu.memory_space<vmem>>, vector<16xf32>,
          %mul3A_392 = arith.mulf %get3A_391, %gather3A_381 : vector<16xf32>
          %swap3A_393 = arith.index_cast %add3A_378 : i32 to index
          %swap3A_394 = arith.constant 16 : index
          %swap3A_395 = tpu.vector_load %arg12[%swap3A_393, %swap3A_394] {strides = array<i32>} : memref<128x128xf32, #tpu.memory_space<vmem>>, vector<16xf32>,
          tpu.vector_store %arg12[%swap3A_393, %swap3A_394], %mul3A_392 {strides = array<i32>} : memref<128x128xf32, #tpu.memory_space<vmem>>, vector<16xf32>,
          %get3A_396 = arith.index_cast %add3A_378 : i32 to index
          %get3A_397 = arith.constant 32 : index
          %get3A_398 = tpu.vector_load %arg12[%get3A_396, %get3A_397] {strides = array<i32>} : memref<128x128xf32, #tpu.memory_space<vmem>>, vector<16xf32>,
          %mul3A_399 = arith.mulf %get3A_398, %gather3A_381 : vector<16xf32>
          %swap3A_400 = arith.index_cast %add3A_378 : i32 to index
          %swap3A_401 = arith.constant 32 : index
          %swap3A_402 = tpu.vector_load %arg12[%swap3A_400, %swap3A_401] {strides = array<i32>} : memref<128x128xf32, #tpu.memory_space<vmem>>, vector<16xf32>,
          tpu.vector_store %arg12[%swap3A_400, %swap3A_401], %mul3A_399 {strides = array<i32>} : memref<128x128xf32, #tpu.memory_space<vmem>>, vector<16xf32>,
          %get3A_403 = arith.index_cast %add3A_378 : i32 to index
          %get3A_404 = arith.constant 48 : index
          %get3A_405 = tpu.vector_load %arg12[%get3A_403, %get3A_404] {strides = array<i32>} : memref<128x128xf32, #tpu.memory_space<vmem>>, vector<16xf32>,
          %mul3A_406 = arith.mulf %get3A_405, %gather3A_381 : vector<16xf32>
          %swap3A_407 = arith.index_cast %add3A_378 : i32 to index
          %swap3A_408 = arith.constant 48 : index
          %swap3A_409 = tpu.vector_load %arg12[%swap3A_407, %swap3A_408] {strides = array<i32>} : memref<128x128xf32, #tpu.memory_space<vmem>>, vector<16xf32>,
          tpu.vector_store %arg12[%swap3A_407, %swap3A_408], %mul3A_406 {strides = array<i32>} : memref<128x128xf32, #tpu.memory_space<vmem>>, vector<16xf32>,
          %get3A_410 = arith.index_cast %add3A_378 : i32 to index
          %get3A_411 = arith.constant 64 : index
          %get3A_412 = tpu.vector_load %arg12[%get3A_410, %get3A_411] {strides = array<i32>} : memref<128x128xf32, #tpu.memory_space<vmem>>, vector<16xf32>,
          %mul3A_413 = arith.mulf %get3A_412, %gather3A_381 : vector<16xf32>
          %swap3A_414 = arith.index_cast %add3A_378 : i32 to index
          %swap3A_415 = arith.constant 64 : index
          %swap3A_416 = tpu.vector_load %arg12[%swap3A_414, %swap3A_415] {strides = array<i32>} : memref<128x128xf32, #tpu.memory_space<vmem>>, vector<16xf32>,
          tpu.vector_store %arg12[%swap3A_414, %swap3A_415], %mul3A_413 {strides = array<i32>} : memref<128x128xf32, #tpu.memory_space<vmem>>, vector<16xf32>,
          %get3A_417 = arith.index_cast %add3A_378 : i32 to index
          %get3A_418 = arith.constant 80 : index
          %get3A_419 = tpu.vector_load %arg12[%get3A_417, %get3A_418] {strides = array<i32>} : memref<128x128xf32, #tpu.memory_space<vmem>>, vector<16xf32>,
          %mul3A_420 = arith.mulf %get3A_419, %gather3A_381 : vector<16xf32>
          %swap3A_421 = arith.index_cast %add3A_378 : i32 to index
          %swap3A_422 = arith.constant 80 : index
          %swap3A_423 = tpu.vector_load %arg12[%swap3A_421, %swap3A_422] {strides = array<i32>} : memref<128x128xf32, #tpu.memory_space<vmem>>, vector<16xf32>,
          tpu.vector_store %arg12[%swap3A_421, %swap3A_422], %mul3A_420 {strides = array<i32>} : memref<128x128xf32, #tpu.memory_space<vmem>>, vector<16xf32>,
          %get3A_424 = arith.index_cast %add3A_378 : i32 to index
          %get3A_425 = arith.constant 96 : index
          %get3A_426 = tpu.vector_load %arg12[%get3A_424, %get3A_425] {strides = array<i32>} : memref<128x128xf32, #tpu.memory_space<vmem>>, vector<16xf32>,
          %mul3A_427 = arith.mulf %get3A_426, %gather3A_381 : vector<16xf32>
          %swap3A_428 = arith.index_cast %add3A_378 : i32 to index
          %swap3A_429 = arith.constant 96 : index
          %swap3A_430 = tpu.vector_load %arg12[%swap3A_428, %swap3A_429] {strides = array<i32>} : memref<128x128xf32, #tpu.memory_space<vmem>>, vector<16xf32>,
          tpu.vector_store %arg12[%swap3A_428, %swap3A_429], %mul3A_427 {strides = array<i32>} : memref<128x128xf32, #tpu.memory_space<vmem>>, vector<16xf32>,
          %get3A_431 = arith.index_cast %add3A_378 : i32 to index
          %get3A_432 = arith.constant 112 : index
          %get3A_433 = tpu.vector_load %arg12[%get3A_431, %get3A_432] {strides = array<i32>} : memref<128x128xf32, #tpu.memory_space<vmem>>, vector<16xf32>,
          %mul3A_434 = arith.mulf %get3A_433, %gather3A_381 : vector<16xf32>
          %swap3A_435 = arith.index_cast %add3A_378 : i32 to index
          %swap3A_436 = arith.constant 112 : index
          %swap3A_437 = tpu.vector_load %arg12[%swap3A_435, %swap3A_436] {strides = array<i32>} : memref<128x128xf32, #tpu.memory_space<vmem>>, vector<16xf32>,
          tpu.vector_store %arg12[%swap3A_435, %swap3A_436], %mul3A_434 {strides = array<i32>} : memref<128x128xf32, #tpu.memory_space<vmem>>, vector<16xf32>,
          %mul3A_438 = arith.constant 8 : i32
          %mul3A_439 = arith.muli %scan3A_126, %mul3A_438 : i32
          %add3A_440 = arith.constant 5 : i32
          %add3A_441 = arith.addi %mul3A_439, %add3A_440 : i32
          %broadcast_in_dim3A_442 = vector.broadcast %add3A_69 : i32 to vector<16xi32>
          %broadcast_in_dim3A_443 = vector.broadcast %add3A_441 : i32 to vector<16xi32>
          %gather3A_444 = tpu.vector_load_idx %arg10[%broadcast_in_dim3A_442, %broadcast_in_dim3A_443] : memref<20x128xf32, #tpu.memory_space<vmem>>[vector<16xi32>, vector<16xi32>], vector<16xf32>,
          %get3A_445 = arith.index_cast %add3A_441 : i32 to index
          %get3A_446 = arith.constant 0 : index
          %get3A_447 = tpu.vector_load %arg12[%get3A_445, %get3A_446] {strides = array<i32>} : memref<128x128xf32, #tpu.memory_space<vmem>>, vector<16xf32>,
          %mul3A_448 = arith.mulf %get3A_447, %gather3A_444 : vector<16xf32>
          %swap3A_449 = arith.index_cast %add3A_441 : i32 to index
          %swap3A_450 = arith.constant 0 : index
          %swap3A_451 = tpu.vector_load %arg12[%swap3A_449, %swap3A_450] {strides = array<i32>} : memref<128x128xf32, #tpu.memory_space<vmem>>, vector<16xf32>,
          tpu.vector_store %arg12[%swap3A_449, %swap3A_450], %mul3A_448 {strides = array<i32>} : memref<128x128xf32, #tpu.memory_space<vmem>>, vector<16xf32>,
          %get3A_452 = arith.index_cast %add3A_441 : i32 to index
          %get3A_453 = arith.constant 16 : index
          %get3A_454 = tpu.vector_load %arg12[%get3A_452, %get3A_453] {strides = array<i32>} : memref<128x128xf32, #tpu.memory_space<vmem>>, vector<16xf32>,
          %mul3A_455 = arith.mulf %get3A_454, %gather3A_444 : vector<16xf32>
          %swap3A_456 = arith.index_cast %add3A_441 : i32 to index
          %swap3A_457 = arith.constant 16 : index
          %swap3A_458 = tpu.vector_load %arg12[%swap3A_456, %swap3A_457] {strides = array<i32>} : memref<128x128xf32, #tpu.memory_space<vmem>>, vector<16xf32>,
          tpu.vector_store %arg12[%swap3A_456, %swap3A_457], %mul3A_455 {strides = array<i32>} : memref<128x128xf32, #tpu.memory_space<vmem>>, vector<16xf32>,
          %get3A_459 = arith.index_cast %add3A_441 : i32 to index
          %get3A_460 = arith.constant 32 : index
          %get3A_461 = tpu.vector_load %arg12[%get3A_459, %get3A_460] {strides = array<i32>} : memref<128x128xf32, #tpu.memory_space<vmem>>, vector<16xf32>,
          %mul3A_462 = arith.mulf %get3A_461, %gather3A_444 : vector<16xf32>
          %swap3A_463 = arith.index_cast %add3A_441 : i32 to index
          %swap3A_464 = arith.constant 32 : index
          %swap3A_465 = tpu.vector_load %arg12[%swap3A_463, %swap3A_464] {strides = array<i32>} : memref<128x128xf32, #tpu.memory_space<vmem>>, vector<16xf32>,
          tpu.vector_store %arg12[%swap3A_463, %swap3A_464], %mul3A_462 {strides = array<i32>} : memref<128x128xf32, #tpu.memory_space<vmem>>, vector<16xf32>,
          %get3A_466 = arith.index_cast %add3A_441 : i32 to index
          %get3A_467 = arith.constant 48 : index
          %get3A_468 = tpu.vector_load %arg12[%get3A_466, %get3A_467] {strides = array<i32>} : memref<128x128xf32, #tpu.memory_space<vmem>>, vector<16xf32>,
          %mul3A_469 = arith.mulf %get3A_468, %gather3A_444 : vector<16xf32>
          %swap3A_470 = arith.index_cast %add3A_441 : i32 to index
          %swap3A_471 = arith.constant 48 : index
          %swap3A_472 = tpu.vector_load %arg12[%swap3A_470, %swap3A_471] {strides = array<i32>} : memref<128x128xf32, #tpu.memory_space<vmem>>, vector<16xf32>,
          tpu.vector_store %arg12[%swap3A_470, %swap3A_471], %mul3A_469 {strides = array<i32>} : memref<128x128xf32, #tpu.memory_space<vmem>>, vector<16xf32>,
          %get3A_473 = arith.index_cast %add3A_441 : i32 to index
          %get3A_474 = arith.constant 64 : index
          %get3A_475 = tpu.vector_load %arg12[%get3A_473, %get3A_474] {strides = array<i32>} : memref<128x128xf32, #tpu.memory_space<vmem>>, vector<16xf32>,
          %mul3A_476 = arith.mulf %get3A_475, %gather3A_444 : vector<16xf32>
          %swap3A_477 = arith.index_cast %add3A_441 : i32 to index
          %swap3A_478 = arith.constant 64 : index
          %swap3A_479 = tpu.vector_load %arg12[%swap3A_477, %swap3A_478] {strides = array<i32>} : memref<128x128xf32, #tpu.memory_space<vmem>>, vector<16xf32>,
          tpu.vector_store %arg12[%swap3A_477, %swap3A_478], %mul3A_476 {strides = array<i32>} : memref<128x128xf32, #tpu.memory_space<vmem>>, vector<16xf32>,
          %get3A_480 = arith.index_cast %add3A_441 : i32 to index
          %get3A_481 = arith.constant 80 : index
          %get3A_482 = tpu.vector_load %arg12[%get3A_480, %get3A_481] {strides = array<i32>} : memref<128x128xf32, #tpu.memory_space<vmem>>, vector<16xf32>,
          %mul3A_483 = arith.mulf %get3A_482, %gather3A_444 : vector<16xf32>
          %swap3A_484 = arith.index_cast %add3A_441 : i32 to index
          %swap3A_485 = arith.constant 80 : index
          %swap3A_486 = tpu.vector_load %arg12[%swap3A_484, %swap3A_485] {strides = array<i32>} : memref<128x128xf32, #tpu.memory_space<vmem>>, vector<16xf32>,
          tpu.vector_store %arg12[%swap3A_484, %swap3A_485], %mul3A_483 {strides = array<i32>} : memref<128x128xf32, #tpu.memory_space<vmem>>, vector<16xf32>,
          %get3A_487 = arith.index_cast %add3A_441 : i32 to index
          %get3A_488 = arith.constant 96 : index
          %get3A_489 = tpu.vector_load %arg12[%get3A_487, %get3A_488] {strides = array<i32>} : memref<128x128xf32, #tpu.memory_space<vmem>>, vector<16xf32>,
          %mul3A_490 = arith.mulf %get3A_489, %gather3A_444 : vector<16xf32>
          %swap3A_491 = arith.index_cast %add3A_441 : i32 to index
          %swap3A_492 = arith.constant 96 : index
          %swap3A_493 = tpu.vector_load %arg12[%swap3A_491, %swap3A_492] {strides = array<i32>} : memref<128x128xf32, #tpu.memory_space<vmem>>, vector<16xf32>,
          tpu.vector_store %arg12[%swap3A_491, %swap3A_492], %mul3A_490 {strides = array<i32>} : memref<128x128xf32, #tpu.memory_space<vmem>>, vector<16xf32>,
          %get3A_494 = arith.index_cast %add3A_441 : i32 to index
          %get3A_495 = arith.constant 112 : index
          %get3A_496 = tpu.vector_load %arg12[%get3A_494, %get3A_495] {strides = array<i32>} : memref<128x128xf32, #tpu.memory_space<vmem>>, vector<16xf32>,
          %mul3A_497 = arith.mulf %get3A_496, %gather3A_444 : vector<16xf32>
          %swap3A_498 = arith.index_cast %add3A_441 : i32 to index
          %swap3A_499 = arith.constant 112 : index
          %swap3A_500 = tpu.vector_load %arg12[%swap3A_498, %swap3A_499] {strides = array<i32>} : memref<128x128xf32, #tpu.memory_space<vmem>>, vector<16xf32>,
          tpu.vector_store %arg12[%swap3A_498, %swap3A_499], %mul3A_497 {strides = array<i32>} : memref<128x128xf32, #tpu.memory_space<vmem>>, vector<16xf32>,
          %mul3A_501 = arith.constant 8 : i32
          %mul3A_502 = arith.muli %scan3A_126, %mul3A_501 : i32
          %add3A_503 = arith.constant 6 : i32
          %add3A_504 = arith.addi %mul3A_502, %add3A_503 : i32
          %broadcast_in_dim3A_505 = vector.broadcast %add3A_69 : i32 to vector<16xi32>
          %broadcast_in_dim3A_506 = vector.broadcast %add3A_504 : i32 to vector<16xi32>
          %gather3A_507 = tpu.vector_load_idx %arg10[%broadcast_in_dim3A_505, %broadcast_in_dim3A_506] : memref<20x128xf32, #tpu.memory_space<vmem>>[vector<16xi32>, vector<16xi32>], vector<16xf32>,
          %get3A_508 = arith.index_cast %add3A_504 : i32 to index
          %get3A_509 = arith.constant 0 : index
          %get3A_510 = tpu.vector_load %arg12[%get3A_508, %get3A_509] {strides = array<i32>} : memref<128x128xf32, #tpu.memory_space<vmem>>, vector<16xf32>,
          %mul3A_511 = arith.mulf %get3A_510, %gather3A_507 : vector<16xf32>
          %swap3A_512 = arith.index_cast %add3A_504 : i32 to index
          %swap3A_513 = arith.constant 0 : index
          %swap3A_514 = tpu.vector_load %arg12[%swap3A_512, %swap3A_513] {strides = array<i32>} : memref<128x128xf32, #tpu.memory_space<vmem>>, vector<16xf32>,
          tpu.vector_store %arg12[%swap3A_512, %swap3A_513], %mul3A_511 {strides = array<i32>} : memref<128x128xf32, #tpu.memory_space<vmem>>, vector<16xf32>,
          %get3A_515 = arith.index_cast %add3A_504 : i32 to index
          %get3A_516 = arith.constant 16 : index
          %get3A_517 = tpu.vector_load %arg12[%get3A_515, %get3A_516] {strides = array<i32>} : memref<128x128xf32, #tpu.memory_space<vmem>>, vector<16xf32>,
          %mul3A_518 = arith.mulf %get3A_517, %gather3A_507 : vector<16xf32>
          %swap3A_519 = arith.index_cast %add3A_504 : i32 to index
          %swap3A_520 = arith.constant 16 : index
          %swap3A_521 = tpu.vector_load %arg12[%swap3A_519, %swap3A_520] {strides = array<i32>} : memref<128x128xf32, #tpu.memory_space<vmem>>, vector<16xf32>,
          tpu.vector_store %arg12[%swap3A_519, %swap3A_520], %mul3A_518 {strides = array<i32>} : memref<128x128xf32, #tpu.memory_space<vmem>>, vector<16xf32>,
          %get3A_522 = arith.index_cast %add3A_504 : i32 to index
          %get3A_523 = arith.constant 32 : index
          %get3A_524 = tpu.vector_load %arg12[%get3A_522, %get3A_523] {strides = array<i32>} : memref<128x128xf32, #tpu.memory_space<vmem>>, vector<16xf32>,
          %mul3A_525 = arith.mulf %get3A_524, %gather3A_507 : vector<16xf32>
          %swap3A_526 = arith.index_cast %add3A_504 : i32 to index
          %swap3A_527 = arith.constant 32 : index
          %swap3A_528 = tpu.vector_load %arg12[%swap3A_526, %swap3A_527] {strides = array<i32>} : memref<128x128xf32, #tpu.memory_space<vmem>>, vector<16xf32>,
          tpu.vector_store %arg12[%swap3A_526, %swap3A_527], %mul3A_525 {strides = array<i32>} : memref<128x128xf32, #tpu.memory_space<vmem>>, vector<16xf32>,
          %get3A_529 = arith.index_cast %add3A_504 : i32 to index
          %get3A_530 = arith.constant 48 : index
          %get3A_531 = tpu.vector_load %arg12[%get3A_529, %get3A_530] {strides = array<i32>} : memref<128x128xf32, #tpu.memory_space<vmem>>, vector<16xf32>,
          %mul3A_532 = arith.mulf %get3A_531, %gather3A_507 : vector<16xf32>
          %swap3A_533 = arith.index_cast %add3A_504 : i32 to index
          %swap3A_534 = arith.constant 48 : index
          %swap3A_535 = tpu.vector_load %arg12[%swap3A_533, %swap3A_534] {strides = array<i32>} : memref<128x128xf32, #tpu.memory_space<vmem>>, vector<16xf32>,
          tpu.vector_store %arg12[%swap3A_533, %swap3A_534], %mul3A_532 {strides = array<i32>} : memref<128x128xf32, #tpu.memory_space<vmem>>, vector<16xf32>,
          %get3A_536 = arith.index_cast %add3A_504 : i32 to index
          %get3A_537 = arith.constant 64 : index
          %get3A_538 = tpu.vector_load %arg12[%get3A_536, %get3A_537] {strides = array<i32>} : memref<128x128xf32, #tpu.memory_space<vmem>>, vector<16xf32>,
          %mul3A_539 = arith.mulf %get3A_538, %gather3A_507 : vector<16xf32>
          %swap3A_540 = arith.index_cast %add3A_504 : i32 to index
          %swap3A_541 = arith.constant 64 : index
          %swap3A_542 = tpu.vector_load %arg12[%swap3A_540, %swap3A_541] {strides = array<i32>} : memref<128x128xf32, #tpu.memory_space<vmem>>, vector<16xf32>,
          tpu.vector_store %arg12[%swap3A_540, %swap3A_541], %mul3A_539 {strides = array<i32>} : memref<128x128xf32, #tpu.memory_space<vmem>>, vector<16xf32>,
          %get3A_543 = arith.index_cast %add3A_504 : i32 to index
          %get3A_544 = arith.constant 80 : index
          %get3A_545 = tpu.vector_load %arg12[%get3A_543, %get3A_544] {strides = array<i32>} : memref<128x128xf32, #tpu.memory_space<vmem>>, vector<16xf32>,
          %mul3A_546 = arith.mulf %get3A_545, %gather3A_507 : vector<16xf32>
          %swap3A_547 = arith.index_cast %add3A_504 : i32 to index
          %swap3A_548 = arith.constant 80 : index
          %swap3A_549 = tpu.vector_load %arg12[%swap3A_547, %swap3A_548] {strides = array<i32>} : memref<128x128xf32, #tpu.memory_space<vmem>>, vector<16xf32>,
          tpu.vector_store %arg12[%swap3A_547, %swap3A_548], %mul3A_546 {strides = array<i32>} : memref<128x128xf32, #tpu.memory_space<vmem>>, vector<16xf32>,
          %get3A_550 = arith.index_cast %add3A_504 : i32 to index
          %get3A_551 = arith.constant 96 : index
          %get3A_552 = tpu.vector_load %arg12[%get3A_550, %get3A_551] {strides = array<i32>} : memref<128x128xf32, #tpu.memory_space<vmem>>, vector<16xf32>,
          %mul3A_553 = arith.mulf %get3A_552, %gather3A_507 : vector<16xf32>
          %swap3A_554 = arith.index_cast %add3A_504 : i32 to index
          %swap3A_555 = arith.constant 96 : index
          %swap3A_556 = tpu.vector_load %arg12[%swap3A_554, %swap3A_555] {strides = array<i32>} : memref<128x128xf32, #tpu.memory_space<vmem>>, vector<16xf32>,
          tpu.vector_store %arg12[%swap3A_554, %swap3A_555], %mul3A_553 {strides = array<i32>} : memref<128x128xf32, #tpu.memory_space<vmem>>, vector<16xf32>,
          %get3A_557 = arith.index_cast %add3A_504 : i32 to index
          %get3A_558 = arith.constant 112 : index
          %get3A_559 = tpu.vector_load %arg12[%get3A_557, %get3A_558] {strides = array<i32>} : memref<128x128xf32, #tpu.memory_space<vmem>>, vector<16xf32>,
          %mul3A_560 = arith.mulf %get3A_559, %gather3A_507 : vector<16xf32>
          %swap3A_561 = arith.index_cast %add3A_504 : i32 to index
          %swap3A_562 = arith.constant 112 : index
          %swap3A_563 = tpu.vector_load %arg12[%swap3A_561, %swap3A_562] {strides = array<i32>} : memref<128x128xf32, #tpu.memory_space<vmem>>, vector<16xf32>,
          tpu.vector_store %arg12[%swap3A_561, %swap3A_562], %mul3A_560 {strides = array<i32>} : memref<128x128xf32, #tpu.memory_space<vmem>>, vector<16xf32>,
          %mul3A_564 = arith.constant 8 : i32
          %mul3A_565 = arith.muli %scan3A_126, %mul3A_564 : i32
          %add3A_566 = arith.constant 7 : i32
          %add3A_567 = arith.addi %mul3A_565, %add3A_566 : i32
          %broadcast_in_dim3A_568 = vector.broadcast %add3A_69 : i32 to vector<16xi32>
          %broadcast_in_dim3A_569 = vector.broadcast %add3A_567 : i32 to vector<16xi32>
          %gather3A_570 = tpu.vector_load_idx %arg10[%broadcast_in_dim3A_568, %broadcast_in_dim3A_569] : memref<20x128xf32, #tpu.memory_space<vmem>>[vector<16xi32>, vector<16xi32>], vector<16xf32>,
          %get3A_571 = arith.index_cast %add3A_567 : i32 to index
          %get3A_572 = arith.constant 0 : index
          %get3A_573 = tpu.vector_load %arg12[%get3A_571, %get3A_572] {strides = array<i32>} : memref<128x128xf32, #tpu.memory_space<vmem>>, vector<16xf32>,
          %mul3A_574 = arith.mulf %get3A_573, %gather3A_570 : vector<16xf32>
          %swap3A_575 = arith.index_cast %add3A_567 : i32 to index
          %swap3A_576 = arith.constant 0 : index
          %swap3A_577 = tpu.vector_load %arg12[%swap3A_575, %swap3A_576] {strides = array<i32>} : memref<128x128xf32, #tpu.memory_space<vmem>>, vector<16xf32>,
          tpu.vector_store %arg12[%swap3A_575, %swap3A_576], %mul3A_574 {strides = array<i32>} : memref<128x128xf32, #tpu.memory_space<vmem>>, vector<16xf32>,
          %get3A_578 = arith.index_cast %add3A_567 : i32 to index
          %get3A_579 = arith.constant 16 : index
          %get3A_580 = tpu.vector_load %arg12[%get3A_578, %get3A_579] {strides = array<i32>} : memref<128x128xf32, #tpu.memory_space<vmem>>, vector<16xf32>,
          %mul3A_581 = arith.mulf %get3A_580, %gather3A_570 : vector<16xf32>
          %swap3A_582 = arith.index_cast %add3A_567 : i32 to index
          %swap3A_583 = arith.constant 16 : index
          %swap3A_584 = tpu.vector_load %arg12[%swap3A_582, %swap3A_583] {strides = array<i32>} : memref<128x128xf32, #tpu.memory_space<vmem>>, vector<16xf32>,
          tpu.vector_store %arg12[%swap3A_582, %swap3A_583], %mul3A_581 {strides = array<i32>} : memref<128x128xf32, #tpu.memory_space<vmem>>, vector<16xf32>,
          %get3A_585 = arith.index_cast %add3A_567 : i32 to index
          %get3A_586 = arith.constant 32 : index
          %get3A_587 = tpu.vector_load %arg12[%get3A_585, %get3A_586] {strides = array<i32>} : memref<128x128xf32, #tpu.memory_space<vmem>>, vector<16xf32>,
          %mul3A_588 = arith.mulf %get3A_587, %gather3A_570 : vector<16xf32>
          %swap3A_589 = arith.index_cast %add3A_567 : i32 to index
          %swap3A_590 = arith.constant 32 : index
          %swap3A_591 = tpu.vector_load %arg12[%swap3A_589, %swap3A_590] {strides = array<i32>} : memref<128x128xf32, #tpu.memory_space<vmem>>, vector<16xf32>,
          tpu.vector_store %arg12[%swap3A_589, %swap3A_590], %mul3A_588 {strides = array<i32>} : memref<128x128xf32, #tpu.memory_space<vmem>>, vector<16xf32>,
          %get3A_592 = arith.index_cast %add3A_567 : i32 to index
          %get3A_593 = arith.constant 48 : index
          %get3A_594 = tpu.vector_load %arg12[%get3A_592, %get3A_593] {strides = array<i32>} : memref<128x128xf32, #tpu.memory_space<vmem>>, vector<16xf32>,
          %mul3A_595 = arith.mulf %get3A_594, %gather3A_570 : vector<16xf32>
          %swap3A_596 = arith.index_cast %add3A_567 : i32 to index
          %swap3A_597 = arith.constant 48 : index
          %swap3A_598 = tpu.vector_load %arg12[%swap3A_596, %swap3A_597] {strides = array<i32>} : memref<128x128xf32, #tpu.memory_space<vmem>>, vector<16xf32>,
          tpu.vector_store %arg12[%swap3A_596, %swap3A_597], %mul3A_595 {strides = array<i32>} : memref<128x128xf32, #tpu.memory_space<vmem>>, vector<16xf32>,
          %get3A_599 = arith.index_cast %add3A_567 : i32 to index
          %get3A_600 = arith.constant 64 : index
          %get3A_601 = tpu.vector_load %arg12[%get3A_599, %get3A_600] {strides = array<i32>} : memref<128x128xf32, #tpu.memory_space<vmem>>, vector<16xf32>,
          %mul3A_602 = arith.mulf %get3A_601, %gather3A_570 : vector<16xf32>
          %swap3A_603 = arith.index_cast %add3A_567 : i32 to index
          %swap3A_604 = arith.constant 64 : index
          %swap3A_605 = tpu.vector_load %arg12[%swap3A_603, %swap3A_604] {strides = array<i32>} : memref<128x128xf32, #tpu.memory_space<vmem>>, vector<16xf32>,
          tpu.vector_store %arg12[%swap3A_603, %swap3A_604], %mul3A_602 {strides = array<i32>} : memref<128x128xf32, #tpu.memory_space<vmem>>, vector<16xf32>,
          %get3A_606 = arith.index_cast %add3A_567 : i32 to index
          %get3A_607 = arith.constant 80 : index
          %get3A_608 = tpu.vector_load %arg12[%get3A_606, %get3A_607] {strides = array<i32>} : memref<128x128xf32, #tpu.memory_space<vmem>>, vector<16xf32>,
          %mul3A_609 = arith.mulf %get3A_608, %gather3A_570 : vector<16xf32>
          %swap3A_610 = arith.index_cast %add3A_567 : i32 to index
          %swap3A_611 = arith.constant 80 : index
          %swap3A_612 = tpu.vector_load %arg12[%swap3A_610, %swap3A_611] {strides = array<i32>} : memref<128x128xf32, #tpu.memory_space<vmem>>, vector<16xf32>,
          tpu.vector_store %arg12[%swap3A_610, %swap3A_611], %mul3A_609 {strides = array<i32>} : memref<128x128xf32, #tpu.memory_space<vmem>>, vector<16xf32>,
          %get3A_613 = arith.index_cast %add3A_567 : i32 to index
          %get3A_614 = arith.constant 96 : index
          %get3A_615 = tpu.vector_load %arg12[%get3A_613, %get3A_614] {strides = array<i32>} : memref<128x128xf32, #tpu.memory_space<vmem>>, vector<16xf32>,
          %mul3A_616 = arith.mulf %get3A_615, %gather3A_570 : vector<16xf32>
          %swap3A_617 = arith.index_cast %add3A_567 : i32 to index
          %swap3A_618 = arith.constant 96 : index
          %swap3A_619 = tpu.vector_load %arg12[%swap3A_617, %swap3A_618] {strides = array<i32>} : memref<128x128xf32, #tpu.memory_space<vmem>>, vector<16xf32>,
          tpu.vector_store %arg12[%swap3A_617, %swap3A_618], %mul3A_616 {strides = array<i32>} : memref<128x128xf32, #tpu.memory_space<vmem>>, vector<16xf32>,
          %get3A_620 = arith.index_cast %add3A_567 : i32 to index
          %get3A_621 = arith.constant 112 : index
          %get3A_622 = tpu.vector_load %arg12[%get3A_620, %get3A_621] {strides = array<i32>} : memref<128x128xf32, #tpu.memory_space<vmem>>, vector<16xf32>,
          %mul3A_623 = arith.mulf %get3A_622, %gather3A_570 : vector<16xf32>
          %swap3A_624 = arith.index_cast %add3A_567 : i32 to index
          %swap3A_625 = arith.constant 112 : index
          %swap3A_626 = tpu.vector_load %arg12[%swap3A_624, %swap3A_625] {strides = array<i32>} : memref<128x128xf32, #tpu.memory_space<vmem>>, vector<16xf32>,
          tpu.vector_store %arg12[%swap3A_624, %swap3A_625], %mul3A_623 {strides = array<i32>} : memref<128x128xf32, #tpu.memory_space<vmem>>, vector<16xf32>,
        }
        %scan3A_96 = arith.constant 16 : i32
        %dma_start3A_97 = arith.constant 0 : i32
        %dma_start3A_98 = tpu.memref_slice %arg9[%add3A_69, %dma_start3A_97] : memref<20x128xi32, #tpu.memory_space<vmem>> -> memref<1x128xi32, #tpu.memory_space<vmem>>
        %dma_start3A_99 = tpu.memref_squeeze %dma_start3A_98 : memref<1x128xi32, #tpu.memory_space<vmem>> -> memref<128xi32, #tpu.memory_space<vmem>>
        %dma_start3A_100 = arith.constant 0 : i32
        %dma_start3A_101 = arith.constant 0 : i32
        %dma_start3A_102 = tpu.memref_slice %arg13[%dma_start3A_100, %dma_start3A_101] : memref<10240x128xf32, #tpu.memory_space<vmem_shared>> -> memref<10240x128xf32, #tpu.memory_space<vmem_shared>>
        tpu.enqueue_indirect_dma source(%arg12 : memref<128x128xf32, #tpu.memory_space<vmem>>) target(%dma_start3A_102 : memref<10240x128xf32, #tpu.memory_space<vmem_shared>>) offsets(%dma_start3A_99 : memref<128xi32, #tpu.memory_space<vmem>>) semaphore(%arg18 : memref<!tpu.dma_semaphore, #tpu.memory_space<semaphore_mem>>) {add = true}
        %dma_wait3A_103 = arith.constant 0 : i32
        %dma_wait3A_104 = tpu.memref_slice %arg9[%mul3A_65, %dma_wait3A_103] : memref<20x128xi32, #tpu.memory_space<vmem>> -> memref<1x128xi32, #tpu.memory_space<vmem>>
        %dma_wait3A_105 = tpu.memref_squeeze %dma_wait3A_104 : memref<1x128xi32, #tpu.memory_space<vmem>> -> memref<128xi32, #tpu.memory_space<vmem>>
        %dma_wait3A_106 = arith.constant 0 : i32
        %dma_wait3A_107 = arith.constant 0 : i32
        %dma_wait3A_108 = tpu.memref_slice %arg13[%dma_wait3A_106, %dma_wait3A_107] : memref<10240x128xf32, #tpu.memory_space<vmem_shared>> -> memref<10240x128xf32, #tpu.memory_space<vmem_shared>>
        tpu.wait_indirect_dma semaphore(%arg17 : memref<!tpu.dma_semaphore, #tpu.memory_space<semaphore_mem>>) src(%arg11 : memref<128x128xf32, #tpu.memory_space<vmem>>) dst(%dma_wait3A_108 : memref<10240x128xf32, #tpu.memory_space<vmem_shared>>)
        %add3A_109 = arith.constant 2 : i32
        %add3A_110 = arith.addi %mul3A_65, %add3A_109 : i32
        %lt3A = arith.constant 20 : i32
        %lt3A_111 = arith.cmpi slt, %add3A_110, %lt3A : i32
        %convert_element_type3A = arith.extui %lt3A_111 : i1 to i32
        %cond3A = arith.constant 0 : i32
        %cond3A_112 = arith.cmpi ne, %convert_element_type3A, %cond3A : i32
        scf.if %cond3A_112 {
          %add3A_126 = arith.constant 2 : i32
          %add3A_127 = arith.addi %mul3A_65, %add3A_126 : i32
          %dma_start3A_128 = arith.constant 0 : i32
          %dma_start3A_129 = tpu.memref_slice %arg8[%add3A_127, %dma_start3A_128] : memref<20x128xi32, #tpu.memory_space<vmem>> -> memref<1x128xi32, #tpu.memory_space<vmem>>
          %dma_start3A_130 = tpu.memref_squeeze %dma_start3A_129 : memref<1x128xi32, #tpu.memory_space<vmem>> -> memref<128xi32, #tpu.memory_space<vmem>>
          %dma_start3A_131 = arith.constant 0 : i32
          %dma_start3A_132 = arith.constant 0 : i32
          %dma_start3A_133 = tpu.memref_slice %arg6[%dma_start3A_131, %dma_start3A_132] : memref<90000x128xf32, #tpu.memory_space<hbm>> -> memref<90000x128xf32, #tpu.memory_space<hbm>>
          tpu.enqueue_indirect_dma source(%dma_start3A_133 : memref<90000x128xf32, #tpu.memory_space<hbm>>) target(%arg11 : memref<128x128xf32, #tpu.memory_space<vmem>>) offsets(%dma_start3A_130 : memref<128xi32, #tpu.memory_space<vmem>>) semaphore(%arg15 : memref<!tpu.dma_semaphore, #tpu.memory_space<semaphore_mem>>)
        } else {
        }
        %dma_wait3A_113 = arith.constant 0 : i32
        %dma_wait3A_114 = tpu.memref_slice %arg9[%add3A_69, %dma_wait3A_113] : memref<20x128xi32, #tpu.memory_space<vmem>> -> memref<1x128xi32, #tpu.memory_space<vmem>>
        %dma_wait3A_115 = tpu.memref_squeeze %dma_wait3A_114 : memref<1x128xi32, #tpu.memory_space<vmem>> -> memref<128xi32, #tpu.memory_space<vmem>>
        %dma_wait3A_116 = arith.constant 0 : i32
        %dma_wait3A_117 = arith.constant 0 : i32
        %dma_wait3A_118 = tpu.memref_slice %arg13[%dma_wait3A_116, %dma_wait3A_117] : memref<10240x128xf32, #tpu.memory_space<vmem_shared>> -> memref<10240x128xf32, #tpu.memory_space<vmem_shared>>
        tpu.wait_indirect_dma semaphore(%arg18 : memref<!tpu.dma_semaphore, #tpu.memory_space<semaphore_mem>>) src(%arg12 : memref<128x128xf32, #tpu.memory_space<vmem>>) dst(%dma_wait3A_118 : memref<10240x128xf32, #tpu.memory_space<vmem_shared>>)
        %add3A_119 = arith.constant 2 : i32
        %add3A_120 = arith.addi %add3A_69, %add3A_119 : i32
        %lt3A_121 = arith.constant 20 : i32
        %lt3A_122 = arith.cmpi slt, %add3A_120, %lt3A_121 : i32
        %convert_element_type3A_123 = arith.extui %lt3A_122 : i1 to i32
        %cond3A_124 = arith.constant 0 : i32
        %cond3A_125 = arith.cmpi ne, %convert_element_type3A_123, %cond3A_124 : i32
        scf.if %cond3A_125 {
          %add3A_126 = arith.constant 2 : i32
          %add3A_127 = arith.addi %add3A_69, %add3A_126 : i32
          %dma_start3A_128 = arith.constant 0 : i32
          %dma_start3A_129 = tpu.memref_slice %arg8[%add3A_127, %dma_start3A_128] : memref<20x128xi32, #tpu.memory_space<vmem>> -> memref<1x128xi32, #tpu.memory_space<vmem>>
          %dma_start3A_130 = tpu.memref_squeeze %dma_start3A_129 : memref<1x128xi32, #tpu.memory_space<vmem>> -> memref<128xi32, #tpu.memory_space<vmem>>
          %dma_start3A_131 = arith.constant 0 : i32
          %dma_start3A_132 = arith.constant 0 : i32
          %dma_start3A_133 = tpu.memref_slice %arg6[%dma_start3A_131, %dma_start3A_132] : memref<90000x128xf32, #tpu.memory_space<hbm>> -> memref<90000x128xf32, #tpu.memory_space<hbm>>
          tpu.enqueue_indirect_dma source(%dma_start3A_133 : memref<90000x128xf32, #tpu.memory_space<hbm>>) target(%arg12 : memref<128x128xf32, #tpu.memory_space<vmem>>) offsets(%dma_start3A_130 : memref<128xi32, #tpu.memory_space<vmem>>) semaphore(%arg16 : memref<!tpu.dma_semaphore, #tpu.memory_space<semaphore_mem>>)
        } else {
        }
      }
      %scan3A_62 = arith.constant 10 : i32
    }
    %while3A_25 = arith.constant 1 : i32
    scf.for %while3A_31 = %while3A_23 to %while3A_19 step %while3A_25  : i32 {
      %mul3A_32 = arith.constant 20 : i32
      %mul3A_33 = arith.muli %while3A_31, %mul3A_32 : i32
      %add3A_34 = arith.addi %select_n3A_17, %mul3A_33 : i32
      "tpu.region"() ({
        %run_scoped3A = tpu.sem_alloc : memref<!tpu.dma_semaphore, #tpu.memory_space<semaphore_mem>>
        %dma_start3A_63 = arith.constant 0 : i32
        %dma_start3A_64 = tpu.memref_slice %arg4[%add3A_34, %dma_start3A_63] : memref<1280x128xi32, #tpu.memory_space<hbm>> -> memref<20x128xi32, #tpu.memory_space<hbm>>
        %dma_start3A_65 = arith.constant 0 : i32
        %dma_start3A_66 = tpu.memref_slice %arg4[%add3A_34, %dma_start3A_65] : memref<1280x128xi32, #tpu.memory_space<hbm>> -> memref<20x128xi32, #tpu.memory_space<hbm>>
        tpu.enqueue_dma source(%dma_start3A_66 : memref<20x128xi32, #tpu.memory_space<hbm>>) target(%arg8 : memref<20x128xi32, #tpu.memory_space<vmem>>) target_semaphore(%run_scoped3A : memref<!tpu.dma_semaphore, #tpu.memory_space<semaphore_mem>>)
        %dma_wait3A = arith.constant 0 : i32
        %dma_wait3A_67 = tpu.memref_slice %arg4[%add3A_34, %dma_wait3A] : memref<1280x128xi32, #tpu.memory_space<hbm>> -> memref<20x128xi32, #tpu.memory_space<hbm>>
        %dma_wait3A_68 = arith.constant 0 : i32
        %dma_wait3A_69 = tpu.memref_slice %arg4[%add3A_34, %dma_wait3A_68] : memref<1280x128xi32, #tpu.memory_space<hbm>> -> memref<20x128xi32, #tpu.memory_space<hbm>>
        tpu.wait_dma2 semaphore(%run_scoped3A : memref<!tpu.dma_semaphore, #tpu.memory_space<semaphore_mem>>) src(%dma_wait3A_69 : memref<20x128xi32, #tpu.memory_space<hbm>>) dst(%arg8 : memref<20x128xi32, #tpu.memory_space<vmem>>)
        tpu.yield
      }) : () -> ()
      %scan3A_35 = arith.constant 0 : i32
      %scan3A_36 = arith.constant 20 : i32
      %scan3A_37 = arith.addi %scan3A_35, %scan3A_36 : i32
      %scan3A_38 = arith.constant 1 : i32
      scf.for %scan3A_63 = %scan3A_35 to %scan3A_37 step %scan3A_38  : i32 {
        %dma_start3A_64 = arith.constant 0 : i32
        %dma_start3A_65 = tpu.memref_slice %arg10[%scan3A_63, %dma_start3A_64] : memref<20x128xf32, #tpu.memory_space<vmem>> -> memref<1x128xf32, #tpu.memory_space<vmem>>
        %dma_start3A_66 = tpu.memref_squeeze %dma_start3A_65 : memref<1x128xf32, #tpu.memory_space<vmem>> -> memref<128xf32, #tpu.memory_space<vmem>>
        %dma_start3A_67 = arith.constant 0 : i32
        %dma_start3A_68 = tpu.memref_slice %arg8[%scan3A_63, %dma_start3A_67] : memref<20x128xi32, #tpu.memory_space<vmem>> -> memref<1x128xi32, #tpu.memory_space<vmem>>
        %dma_start3A_69 = tpu.memref_squeeze %dma_start3A_68 : memref<1x128xi32, #tpu.memory_space<vmem>> -> memref<128xi32, #tpu.memory_space<vmem>>
        %dma_start3A_70 = arith.constant 0 : i32
        %dma_start3A_71 = tpu.memref_slice %arg5[%dma_start3A_70] : memref<81920xf32, #tpu.memory_space<hbm>> -> memref<81920xf32, #tpu.memory_space<hbm>>
        tpu.enqueue_indirect_dma source(%dma_start3A_71 : memref<81920xf32, #tpu.memory_space<hbm>>) target(%dma_start3A_66 : memref<128xf32, #tpu.memory_space<vmem>>) offsets(%dma_start3A_69 : memref<128xi32, #tpu.memory_space<vmem>>) semaphore(%arg14 : memref<!tpu.dma_semaphore, #tpu.memory_space<semaphore_mem>>)
      }
      %scan3A_39 = arith.constant 20 : i32
      %scan3A_40 = arith.constant 0 : i32
      %scan3A_41 = arith.constant 20 : i32
      %scan3A_42 = arith.addi %scan3A_40, %scan3A_41 : i32
      %scan3A_43 = arith.constant 1 : i32
      scf.for %scan3A_63 = %scan3A_40 to %scan3A_42 step %scan3A_43  : i32 {
        %dma_wait3A = arith.constant 0 : i32
        %dma_wait3A_64 = tpu.memref_slice %arg10[%scan3A_63, %dma_wait3A] : memref<20x128xf32, #tpu.memory_space<vmem>> -> memref<1x128xf32, #tpu.memory_space<vmem>>
        %dma_wait3A_65 = tpu.memref_squeeze %dma_wait3A_64 : memref<1x128xf32, #tpu.memory_space<vmem>> -> memref<128xf32, #tpu.memory_space<vmem>>
        %dma_wait3A_66 = arith.constant 0 : i32
        %dma_wait3A_67 = tpu.memref_slice %arg8[%scan3A_63, %dma_wait3A_66] : memref<20x128xi32, #tpu.memory_space<vmem>> -> memref<1x128xi32, #tpu.memory_space<vmem>>
        %dma_wait3A_68 = tpu.memref_squeeze %dma_wait3A_67 : memref<1x128xi32, #tpu.memory_space<vmem>> -> memref<128xi32, #tpu.memory_space<vmem>>
        %dma_wait3A_69 = arith.constant 0 : i32
        %dma_wait3A_70 = tpu.memref_slice %arg5[%dma_wait3A_69] : memref<81920xf32, #tpu.memory_space<hbm>> -> memref<81920xf32, #tpu.memory_space<hbm>>
        tpu.wait_indirect_dma semaphore(%arg14 : memref<!tpu.dma_semaphore, #tpu.memory_space<semaphore_mem>>) src(%dma_wait3A_70 : memref<81920xf32, #tpu.memory_space<hbm>>) dst(%dma_wait3A_65 : memref<128xf32, #tpu.memory_space<vmem>>)
      }
      %scan3A_44 = arith.constant 20 : i32
      "tpu.region"() ({
        %run_scoped3A = tpu.sem_alloc : memref<!tpu.dma_semaphore, #tpu.memory_space<semaphore_mem>>
        %dma_start3A_63 = arith.constant 0 : i32
        %dma_start3A_64 = tpu.memref_slice %arg2[%add3A_34, %dma_start3A_63] : memref<1280x128xi32, #tpu.memory_space<hbm>> -> memref<20x128xi32, #tpu.memory_space<hbm>>
        %dma_start3A_65 = arith.constant 0 : i32
        %dma_start3A_66 = tpu.memref_slice %arg2[%add3A_34, %dma_start3A_65] : memref<1280x128xi32, #tpu.memory_space<hbm>> -> memref<20x128xi32, #tpu.memory_space<hbm>>
        tpu.enqueue_dma source(%dma_start3A_66 : memref<20x128xi32, #tpu.memory_space<hbm>>) target(%arg8 : memref<20x128xi32, #tpu.memory_space<vmem>>) target_semaphore(%run_scoped3A : memref<!tpu.dma_semaphore, #tpu.memory_space<semaphore_mem>>)
        %dma_wait3A = arith.constant 0 : i32
        %dma_wait3A_67 = tpu.memref_slice %arg2[%add3A_34, %dma_wait3A] : memref<1280x128xi32, #tpu.memory_space<hbm>> -> memref<20x128xi32, #tpu.memory_space<hbm>>
        %dma_wait3A_68 = arith.constant 0 : i32
        %dma_wait3A_69 = tpu.memref_slice %arg2[%add3A_34, %dma_wait3A_68] : memref<1280x128xi32, #tpu.memory_space<hbm>> -> memref<20x128xi32, #tpu.memory_space<hbm>>
        tpu.wait_dma2 semaphore(%run_scoped3A : memref<!tpu.dma_semaphore, #tpu.memory_space<semaphore_mem>>) src(%dma_wait3A_69 : memref<20x128xi32, #tpu.memory_space<hbm>>) dst(%arg8 : memref<20x128xi32, #tpu.memory_space<vmem>>)
        tpu.yield
      }) : () -> ()
      "tpu.region"() ({
        %run_scoped3A = tpu.sem_alloc : memref<!tpu.dma_semaphore, #tpu.memory_space<semaphore_mem>>
        %dma_start3A_63 = arith.constant 0 : i32
        %dma_start3A_64 = tpu.memref_slice %arg3[%add3A_34, %dma_start3A_63] : memref<1280x128xi32, #tpu.memory_space<hbm>> -> memref<20x128xi32, #tpu.memory_space<hbm>>
        %dma_start3A_65 = arith.constant 0 : i32
        %dma_start3A_66 = tpu.memref_slice %arg3[%add3A_34, %dma_start3A_65] : memref<1280x128xi32, #tpu.memory_space<hbm>> -> memref<20x128xi32, #tpu.memory_space<hbm>>
        tpu.enqueue_dma source(%dma_start3A_66 : memref<20x128xi32, #tpu.memory_space<hbm>>) target(%arg9 : memref<20x128xi32, #tpu.memory_space<vmem>>) target_semaphore(%run_scoped3A : memref<!tpu.dma_semaphore, #tpu.memory_space<semaphore_mem>>)
        %dma_wait3A = arith.constant 0 : i32
        %dma_wait3A_67 = tpu.memref_slice %arg3[%add3A_34, %dma_wait3A] : memref<1280x128xi32, #tpu.memory_space<hbm>> -> memref<20x128xi32, #tpu.memory_space<hbm>>
        %dma_wait3A_68 = arith.constant 0 : i32
        %dma_wait3A_69 = tpu.memref_slice %arg3[%add3A_34, %dma_wait3A_68] : memref<1280x128xi32, #tpu.memory_space<hbm>> -> memref<20x128xi32, #tpu.memory_space<hbm>>
        tpu.wait_dma2 semaphore(%run_scoped3A : memref<!tpu.dma_semaphore, #tpu.memory_space<semaphore_mem>>) src(%dma_wait3A_69 : memref<20x128xi32, #tpu.memory_space<hbm>>) dst(%arg9 : memref<20x128xi32, #tpu.memory_space<vmem>>)
        tpu.yield
      }) : () -> ()
      %dma_start3A = arith.constant 0 : i32
      %dma_start3A_45 = arith.constant 0 : i32
      %dma_start3A_46 = tpu.memref_slice %arg8[%dma_start3A, %dma_start3A_45] : memref<20x128xi32, #tpu.memory_space<vmem>> -> memref<1x128xi32, #tpu.memory_space<vmem>>
      %dma_start3A_47 = tpu.memref_squeeze %dma_start3A_46 : memref<1x128xi32, #tpu.memory_space<vmem>> -> memref<128xi32, #tpu.memory_space<vmem>>
      %dma_start3A_48 = arith.constant 0 : i32
      %dma_start3A_49 = arith.constant 0 : i32
      %dma_start3A_50 = tpu.memref_slice %arg6[%dma_start3A_48, %dma_start3A_49] : memref<90000x128xf32, #tpu.memory_space<hbm>> -> memref<90000x128xf32, #tpu.memory_space<hbm>>
      tpu.enqueue_indirect_dma source(%dma_start3A_50 : memref<90000x128xf32, #tpu.memory_space<hbm>>) target(%arg11 : memref<128x128xf32, #tpu.memory_space<vmem>>) offsets(%dma_start3A_47 : memref<128xi32, #tpu.memory_space<vmem>>) semaphore(%arg15 : memref<!tpu.dma_semaphore, #tpu.memory_space<semaphore_mem>>)
      %dma_start3A_51 = arith.constant 1 : i32
      %dma_start3A_52 = arith.constant 0 : i32
      %dma_start3A_53 = tpu.memref_slice %arg8[%dma_start3A_51, %dma_start3A_52] : memref<20x128xi32, #tpu.memory_space<vmem>> -> memref<1x128xi32, #tpu.memory_space<vmem>>
      %dma_start3A_54 = tpu.memref_squeeze %dma_start3A_53 : memref<1x128xi32, #tpu.memory_space<vmem>> -> memref<128xi32, #tpu.memory_space<vmem>>
      %dma_start3A_55 = arith.constant 0 : i32
      %dma_start3A_56 = arith.constant 0 : i32
      %dma_start3A_57 = tpu.memref_slice %arg6[%dma_start3A_55, %dma_start3A_56] : memref<90000x128xf32, #tpu.memory_space<hbm>> -> memref<90000x128xf32, #tpu.memory_space<hbm>>
      tpu.enqueue_indirect_dma source(%dma_start3A_57 : memref<90000x128xf32, #tpu.memory_space<hbm>>) target(%arg12 : memref<128x128xf32, #tpu.memory_space<vmem>>) offsets(%dma_start3A_54 : memref<128xi32, #tpu.memory_space<vmem>>) semaphore(%arg16 : memref<!tpu.dma_semaphore, #tpu.memory_space<semaphore_mem>>)
      %scan3A_58 = arith.constant 0 : i32
      %scan3A_59 = arith.constant 10 : i32
      %scan3A_60 = arith.addi %scan3A_58, %scan3A_59 : i32
      %scan3A_61 = arith.constant 1 : i32
      scf.for %scan3A_63 = %scan3A_58 to %scan3A_60 step %scan3A_61  : i32 {
        %mul3A_64 = arith.constant 2 : i32
        %mul3A_65 = arith.muli %mul3A_64, %scan3A_63 : i32
        %mul3A_66 = arith.constant 2 : i32
        %mul3A_67 = arith.muli %mul3A_66, %scan3A_63 : i32
        %add3A_68 = arith.constant 1 : i32
        %add3A_69 = arith.addi %mul3A_67, %add3A_68 : i32
        %dma_wait3A = arith.constant 0 : i32
        %dma_wait3A_70 = tpu.memref_slice %arg8[%mul3A_65, %dma_wait3A] : memref<20x128xi32, #tpu.memory_space<vmem>> -> memref<1x128xi32, #tpu.memory_space<vmem>>
        %dma_wait3A_71 = tpu.memref_squeeze %dma_wait3A_70 : memref<1x128xi32, #tpu.memory_space<vmem>> -> memref<128xi32, #tpu.memory_space<vmem>>
        %dma_wait3A_72 = arith.constant 0 : i32
        %dma_wait3A_73 = arith.constant 0 : i32
        %dma_wait3A_74 = tpu.memref_slice %arg6[%dma_wait3A_72, %dma_wait3A_73] : memref<90000x128xf32, #tpu.memory_space<hbm>> -> memref<90000x128xf32, #tpu.memory_space<hbm>>
        tpu.wait_indirect_dma semaphore(%arg15 : memref<!tpu.dma_semaphore, #tpu.memory_space<semaphore_mem>>) src(%dma_wait3A_74 : memref<90000x128xf32, #tpu.memory_space<hbm>>) dst(%arg11 : memref<128x128xf32, #tpu.memory_space<vmem>>)
        %scan3A_75 = arith.constant 0 : i32
        %scan3A_76 = arith.constant 16 : i32
        %scan3A_77 = arith.addi %scan3A_75, %scan3A_76 : i32
        %scan3A_78 = arith.constant 1 : i32
        scf.for %scan3A_126 = %scan3A_75 to %scan3A_77 step %scan3A_78  : i32 {
          %mul3A_127 = arith.constant 8 : i32
          %mul3A_128 = arith.muli %scan3A_126, %mul3A_127 : i32
          %add3A_129 = arith.constant 0 : i32
          %add3A_130 = arith.addi %mul3A_128, %add3A_129 : i32
          %broadcast_in_dim3A = vector.broadcast %mul3A_65 : i32 to vector<16xi32>
          %broadcast_in_dim3A_131 = vector.broadcast %add3A_130 : i32 to vector<16xi32>
          %gather3A = tpu.vector_load_idx %arg10[%broadcast_in_dim3A, %broadcast_in_dim3A_131] : memref<20x128xf32, #tpu.memory_space<vmem>>[vector<16xi32>, vector<16xi32>], vector<16xf32>,
          %get3A = arith.index_cast %add3A_130 : i32 to index
          %get3A_132 = arith.constant 0 : index
          %get3A_133 = tpu.vector_load %arg11[%get3A, %get3A_132] {strides = array<i32>} : memref<128x128xf32, #tpu.memory_space<vmem>>, vector<16xf32>,
          %mul3A_134 = arith.mulf %get3A_133, %gather3A : vector<16xf32>
          %swap3A = arith.index_cast %add3A_130 : i32 to index
          %swap3A_135 = arith.constant 0 : index
          %swap3A_136 = tpu.vector_load %arg11[%swap3A, %swap3A_135] {strides = array<i32>} : memref<128x128xf32, #tpu.memory_space<vmem>>, vector<16xf32>,
          tpu.vector_store %arg11[%swap3A, %swap3A_135], %mul3A_134 {strides = array<i32>} : memref<128x128xf32, #tpu.memory_space<vmem>>, vector<16xf32>,
          %get3A_137 = arith.index_cast %add3A_130 : i32 to index
          %get3A_138 = arith.constant 16 : index
          %get3A_139 = tpu.vector_load %arg11[%get3A_137, %get3A_138] {strides = array<i32>} : memref<128x128xf32, #tpu.memory_space<vmem>>, vector<16xf32>,
          %mul3A_140 = arith.mulf %get3A_139, %gather3A : vector<16xf32>
          %swap3A_141 = arith.index_cast %add3A_130 : i32 to index
          %swap3A_142 = arith.constant 16 : index
          %swap3A_143 = tpu.vector_load %arg11[%swap3A_141, %swap3A_142] {strides = array<i32>} : memref<128x128xf32, #tpu.memory_space<vmem>>, vector<16xf32>,
          tpu.vector_store %arg11[%swap3A_141, %swap3A_142], %mul3A_140 {strides = array<i32>} : memref<128x128xf32, #tpu.memory_space<vmem>>, vector<16xf32>,
          %get3A_144 = arith.index_cast %add3A_130 : i32 to index
          %get3A_145 = arith.constant 32 : index
          %get3A_146 = tpu.vector_load %arg11[%get3A_144, %get3A_145] {strides = array<i32>} : memref<128x128xf32, #tpu.memory_space<vmem>>, vector<16xf32>,
          %mul3A_147 = arith.mulf %get3A_146, %gather3A : vector<16xf32>
          %swap3A_148 = arith.index_cast %add3A_130 : i32 to index
          %swap3A_149 = arith.constant 32 : index
          %swap3A_150 = tpu.vector_load %arg11[%swap3A_148, %swap3A_149] {strides = array<i32>} : memref<128x128xf32, #tpu.memory_space<vmem>>, vector<16xf32>,
          tpu.vector_store %arg11[%swap3A_148, %swap3A_149], %mul3A_147 {strides = array<i32>} : memref<128x128xf32, #tpu.memory_space<vmem>>, vector<16xf32>,
          %get3A_151 = arith.index_cast %add3A_130 : i32 to index
          %get3A_152 = arith.constant 48 : index
          %get3A_153 = tpu.vector_load %arg11[%get3A_151, %get3A_152] {strides = array<i32>} : memref<128x128xf32, #tpu.memory_space<vmem>>, vector<16xf32>,
          %mul3A_154 = arith.mulf %get3A_153, %gather3A : vector<16xf32>
          %swap3A_155 = arith.index_cast %add3A_130 : i32 to index
          %swap3A_156 = arith.constant 48 : index
          %swap3A_157 = tpu.vector_load %arg11[%swap3A_155, %swap3A_156] {strides = array<i32>} : memref<128x128xf32, #tpu.memory_space<vmem>>, vector<16xf32>,
          tpu.vector_store %arg11[%swap3A_155, %swap3A_156], %mul3A_154 {strides = array<i32>} : memref<128x128xf32, #tpu.memory_space<vmem>>, vector<16xf32>,
          %get3A_158 = arith.index_cast %add3A_130 : i32 to index
          %get3A_159 = arith.constant 64 : index
          %get3A_160 = tpu.vector_load %arg11[%get3A_158, %get3A_159] {strides = array<i32>} : memref<128x128xf32, #tpu.memory_space<vmem>>, vector<16xf32>,
          %mul3A_161 = arith.mulf %get3A_160, %gather3A : vector<16xf32>
          %swap3A_162 = arith.index_cast %add3A_130 : i32 to index
          %swap3A_163 = arith.constant 64 : index
          %swap3A_164 = tpu.vector_load %arg11[%swap3A_162, %swap3A_163] {strides = array<i32>} : memref<128x128xf32, #tpu.memory_space<vmem>>, vector<16xf32>,
          tpu.vector_store %arg11[%swap3A_162, %swap3A_163], %mul3A_161 {strides = array<i32>} : memref<128x128xf32, #tpu.memory_space<vmem>>, vector<16xf32>,
          %get3A_165 = arith.index_cast %add3A_130 : i32 to index
          %get3A_166 = arith.constant 80 : index
          %get3A_167 = tpu.vector_load %arg11[%get3A_165, %get3A_166] {strides = array<i32>} : memref<128x128xf32, #tpu.memory_space<vmem>>, vector<16xf32>,
          %mul3A_168 = arith.mulf %get3A_167, %gather3A : vector<16xf32>
          %swap3A_169 = arith.index_cast %add3A_130 : i32 to index
          %swap3A_170 = arith.constant 80 : index
          %swap3A_171 = tpu.vector_load %arg11[%swap3A_169, %swap3A_170] {strides = array<i32>} : memref<128x128xf32, #tpu.memory_space<vmem>>, vector<16xf32>,
          tpu.vector_store %arg11[%swap3A_169, %swap3A_170], %mul3A_168 {strides = array<i32>} : memref<128x128xf32, #tpu.memory_space<vmem>>, vector<16xf32>,
          %get3A_172 = arith.index_cast %add3A_130 : i32 to index
          %get3A_173 = arith.constant 96 : index
          %get3A_174 = tpu.vector_load %arg11[%get3A_172, %get3A_173] {strides = array<i32>} : memref<128x128xf32, #tpu.memory_space<vmem>>, vector<16xf32>,
          %mul3A_175 = arith.mulf %get3A_174, %gather3A : vector<16xf32>
          %swap3A_176 = arith.index_cast %add3A_130 : i32 to index
          %swap3A_177 = arith.constant 96 : index
          %swap3A_178 = tpu.vector_load %arg11[%swap3A_176, %swap3A_177] {strides = array<i32>} : memref<128x128xf32, #tpu.memory_space<vmem>>, vector<16xf32>,
          tpu.vector_store %arg11[%swap3A_176, %swap3A_177], %mul3A_175 {strides = array<i32>} : memref<128x128xf32, #tpu.memory_space<vmem>>, vector<16xf32>,
          %get3A_179 = arith.index_cast %add3A_130 : i32 to index
          %get3A_180 = arith.constant 112 : index
          %get3A_181 = tpu.vector_load %arg11[%get3A_179, %get3A_180] {strides = array<i32>} : memref<128x128xf32, #tpu.memory_space<vmem>>, vector<16xf32>,
          %mul3A_182 = arith.mulf %get3A_181, %gather3A : vector<16xf32>
          %swap3A_183 = arith.index_cast %add3A_130 : i32 to index
          %swap3A_184 = arith.constant 112 : index
          %swap3A_185 = tpu.vector_load %arg11[%swap3A_183, %swap3A_184] {strides = array<i32>} : memref<128x128xf32, #tpu.memory_space<vmem>>, vector<16xf32>,
          tpu.vector_store %arg11[%swap3A_183, %swap3A_184], %mul3A_182 {strides = array<i32>} : memref<128x128xf32, #tpu.memory_space<vmem>>, vector<16xf32>,
          %mul3A_186 = arith.constant 8 : i32
          %mul3A_187 = arith.muli %scan3A_126, %mul3A_186 : i32
          %add3A_188 = arith.constant 1 : i32
          %add3A_189 = arith.addi %mul3A_187, %add3A_188 : i32
          %broadcast_in_dim3A_190 = vector.broadcast %mul3A_65 : i32 to vector<16xi32>
          %broadcast_in_dim3A_191 = vector.broadcast %add3A_189 : i32 to vector<16xi32>
          %gather3A_192 = tpu.vector_load_idx %arg10[%broadcast_in_dim3A_190, %broadcast_in_dim3A_191] : memref<20x128xf32, #tpu.memory_space<vmem>>[vector<16xi32>, vector<16xi32>], vector<16xf32>,
          %get3A_193 = arith.index_cast %add3A_189 : i32 to index
          %get3A_194 = arith.constant 0 : index
          %get3A_195 = tpu.vector_load %arg11[%get3A_193, %get3A_194] {strides = array<i32>} : memref<128x128xf32, #tpu.memory_space<vmem>>, vector<16xf32>,
          %mul3A_196 = arith.mulf %get3A_195, %gather3A_192 : vector<16xf32>
          %swap3A_197 = arith.index_cast %add3A_189 : i32 to index
          %swap3A_198 = arith.constant 0 : index
          %swap3A_199 = tpu.vector_load %arg11[%swap3A_197, %swap3A_198] {strides = array<i32>} : memref<128x128xf32, #tpu.memory_space<vmem>>, vector<16xf32>,
          tpu.vector_store %arg11[%swap3A_197, %swap3A_198], %mul3A_196 {strides = array<i32>} : memref<128x128xf32, #tpu.memory_space<vmem>>, vector<16xf32>,
          %get3A_200 = arith.index_cast %add3A_189 : i32 to index
          %get3A_201 = arith.constant 16 : index
          %get3A_202 = tpu.vector_load %arg11[%get3A_200, %get3A_201] {strides = array<i32>} : memref<128x128xf32, #tpu.memory_space<vmem>>, vector<16xf32>,
          %mul3A_203 = arith.mulf %get3A_202, %gather3A_192 : vector<16xf32>
          %swap3A_204 = arith.index_cast %add3A_189 : i32 to index
          %swap3A_205 = arith.constant 16 : index
          %swap3A_206 = tpu.vector_load %arg11[%swap3A_204, %swap3A_205] {strides = array<i32>} : memref<128x128xf32, #tpu.memory_space<vmem>>, vector<16xf32>,
          tpu.vector_store %arg11[%swap3A_204, %swap3A_205], %mul3A_203 {strides = array<i32>} : memref<128x128xf32, #tpu.memory_space<vmem>>, vector<16xf32>,
          %get3A_207 = arith.index_cast %add3A_189 : i32 to index
          %get3A_208 = arith.constant 32 : index
          %get3A_209 = tpu.vector_load %arg11[%get3A_207, %get3A_208] {strides = array<i32>} : memref<128x128xf32, #tpu.memory_space<vmem>>, vector<16xf32>,
          %mul3A_210 = arith.mulf %get3A_209, %gather3A_192 : vector<16xf32>
          %swap3A_211 = arith.index_cast %add3A_189 : i32 to index
          %swap3A_212 = arith.constant 32 : index
          %swap3A_213 = tpu.vector_load %arg11[%swap3A_211, %swap3A_212] {strides = array<i32>} : memref<128x128xf32, #tpu.memory_space<vmem>>, vector<16xf32>,
          tpu.vector_store %arg11[%swap3A_211, %swap3A_212], %mul3A_210 {strides = array<i32>} : memref<128x128xf32, #tpu.memory_space<vmem>>, vector<16xf32>,
          %get3A_214 = arith.index_cast %add3A_189 : i32 to index
          %get3A_215 = arith.constant 48 : index
          %get3A_216 = tpu.vector_load %arg11[%get3A_214, %get3A_215] {strides = array<i32>} : memref<128x128xf32, #tpu.memory_space<vmem>>, vector<16xf32>,
          %mul3A_217 = arith.mulf %get3A_216, %gather3A_192 : vector<16xf32>
          %swap3A_218 = arith.index_cast %add3A_189 : i32 to index
          %swap3A_219 = arith.constant 48 : index
          %swap3A_220 = tpu.vector_load %arg11[%swap3A_218, %swap3A_219] {strides = array<i32>} : memref<128x128xf32, #tpu.memory_space<vmem>>, vector<16xf32>,
          tpu.vector_store %arg11[%swap3A_218, %swap3A_219], %mul3A_217 {strides = array<i32>} : memref<128x128xf32, #tpu.memory_space<vmem>>, vector<16xf32>,
          %get3A_221 = arith.index_cast %add3A_189 : i32 to index
          %get3A_222 = arith.constant 64 : index
          %get3A_223 = tpu.vector_load %arg11[%get3A_221, %get3A_222] {strides = array<i32>} : memref<128x128xf32, #tpu.memory_space<vmem>>, vector<16xf32>,
          %mul3A_224 = arith.mulf %get3A_223, %gather3A_192 : vector<16xf32>
          %swap3A_225 = arith.index_cast %add3A_189 : i32 to index
          %swap3A_226 = arith.constant 64 : index
          %swap3A_227 = tpu.vector_load %arg11[%swap3A_225, %swap3A_226] {strides = array<i32>} : memref<128x128xf32, #tpu.memory_space<vmem>>, vector<16xf32>,
          tpu.vector_store %arg11[%swap3A_225, %swap3A_226], %mul3A_224 {strides = array<i32>} : memref<128x128xf32, #tpu.memory_space<vmem>>, vector<16xf32>,
          %get3A_228 = arith.index_cast %add3A_189 : i32 to index
          %get3A_229 = arith.constant 80 : index
          %get3A_230 = tpu.vector_load %arg11[%get3A_228, %get3A_229] {strides = array<i32>} : memref<128x128xf32, #tpu.memory_space<vmem>>, vector<16xf32>,
          %mul3A_231 = arith.mulf %get3A_230, %gather3A_192 : vector<16xf32>
          %swap3A_232 = arith.index_cast %add3A_189 : i32 to index
          %swap3A_233 = arith.constant 80 : index
          %swap3A_234 = tpu.vector_load %arg11[%swap3A_232, %swap3A_233] {strides = array<i32>} : memref<128x128xf32, #tpu.memory_space<vmem>>, vector<16xf32>,
          tpu.vector_store %arg11[%swap3A_232, %swap3A_233], %mul3A_231 {strides = array<i32>} : memref<128x128xf32, #tpu.memory_space<vmem>>, vector<16xf32>,
          %get3A_235 = arith.index_cast %add3A_189 : i32 to index
          %get3A_236 = arith.constant 96 : index
          %get3A_237 = tpu.vector_load %arg11[%get3A_235, %get3A_236] {strides = array<i32>} : memref<128x128xf32, #tpu.memory_space<vmem>>, vector<16xf32>,
          %mul3A_238 = arith.mulf %get3A_237, %gather3A_192 : vector<16xf32>
          %swap3A_239 = arith.index_cast %add3A_189 : i32 to index
          %swap3A_240 = arith.constant 96 : index
          %swap3A_241 = tpu.vector_load %arg11[%swap3A_239, %swap3A_240] {strides = array<i32>} : memref<128x128xf32, #tpu.memory_space<vmem>>, vector<16xf32>,
          tpu.vector_store %arg11[%swap3A_239, %swap3A_240], %mul3A_238 {strides = array<i32>} : memref<128x128xf32, #tpu.memory_space<vmem>>, vector<16xf32>,
          %get3A_242 = arith.index_cast %add3A_189 : i32 to index
          %get3A_243 = arith.constant 112 : index
          %get3A_244 = tpu.vector_load %arg11[%get3A_242, %get3A_243] {strides = array<i32>} : memref<128x128xf32, #tpu.memory_space<vmem>>, vector<16xf32>,
          %mul3A_245 = arith.mulf %get3A_244, %gather3A_192 : vector<16xf32>
          %swap3A_246 = arith.index_cast %add3A_189 : i32 to index
          %swap3A_247 = arith.constant 112 : index
          %swap3A_248 = tpu.vector_load %arg11[%swap3A_246, %swap3A_247] {strides = array<i32>} : memref<128x128xf32, #tpu.memory_space<vmem>>, vector<16xf32>,
          tpu.vector_store %arg11[%swap3A_246, %swap3A_247], %mul3A_245 {strides = array<i32>} : memref<128x128xf32, #tpu.memory_space<vmem>>, vector<16xf32>,
          %mul3A_249 = arith.constant 8 : i32
          %mul3A_250 = arith.muli %scan3A_126, %mul3A_249 : i32
          %add3A_251 = arith.constant 2 : i32
          %add3A_252 = arith.addi %mul3A_250, %add3A_251 : i32
          %broadcast_in_dim3A_253 = vector.broadcast %mul3A_65 : i32 to vector<16xi32>
          %broadcast_in_dim3A_254 = vector.broadcast %add3A_252 : i32 to vector<16xi32>
          %gather3A_255 = tpu.vector_load_idx %arg10[%broadcast_in_dim3A_253, %broadcast_in_dim3A_254] : memref<20x128xf32, #tpu.memory_space<vmem>>[vector<16xi32>, vector<16xi32>], vector<16xf32>,
          %get3A_256 = arith.index_cast %add3A_252 : i32 to index
          %get3A_257 = arith.constant 0 : index
          %get3A_258 = tpu.vector_load %arg11[%get3A_256, %get3A_257] {strides = array<i32>} : memref<128x128xf32, #tpu.memory_space<vmem>>, vector<16xf32>,
          %mul3A_259 = arith.mulf %get3A_258, %gather3A_255 : vector<16xf32>
          %swap3A_260 = arith.index_cast %add3A_252 : i32 to index
          %swap3A_261 = arith.constant 0 : index
          %swap3A_262 = tpu.vector_load %arg11[%swap3A_260, %swap3A_261] {strides = array<i32>} : memref<128x128xf32, #tpu.memory_space<vmem>>, vector<16xf32>,
          tpu.vector_store %arg11[%swap3A_260, %swap3A_261], %mul3A_259 {strides = array<i32>} : memref<128x128xf32, #tpu.memory_space<vmem>>, vector<16xf32>,
          %get3A_263 = arith.index_cast %add3A_252 : i32 to index
          %get3A_264 = arith.constant 16 : index
          %get3A_265 = tpu.vector_load %arg11[%get3A_263, %get3A_264] {strides = array<i32>} : memref<128x128xf32, #tpu.memory_space<vmem>>, vector<16xf32>,
          %mul3A_266 = arith.mulf %get3A_265, %gather3A_255 : vector<16xf32>
          %swap3A_267 = arith.index_cast %add3A_252 : i32 to index
          %swap3A_268 = arith.constant 16 : index
          %swap3A_269 = tpu.vector_load %arg11[%swap3A_267, %swap3A_268] {strides = array<i32>} : memref<128x128xf32, #tpu.memory_space<vmem>>, vector<16xf32>,
          tpu.vector_store %arg11[%swap3A_267, %swap3A_268], %mul3A_266 {strides = array<i32>} : memref<128x128xf32, #tpu.memory_space<vmem>>, vector<16xf32>,
          %get3A_270 = arith.index_cast %add3A_252 : i32 to index
          %get3A_271 = arith.constant 32 : index
          %get3A_272 = tpu.vector_load %arg11[%get3A_270, %get3A_271] {strides = array<i32>} : memref<128x128xf32, #tpu.memory_space<vmem>>, vector<16xf32>,
          %mul3A_273 = arith.mulf %get3A_272, %gather3A_255 : vector<16xf32>
          %swap3A_274 = arith.index_cast %add3A_252 : i32 to index
          %swap3A_275 = arith.constant 32 : index
          %swap3A_276 = tpu.vector_load %arg11[%swap3A_274, %swap3A_275] {strides = array<i32>} : memref<128x128xf32, #tpu.memory_space<vmem>>, vector<16xf32>,
          tpu.vector_store %arg11[%swap3A_274, %swap3A_275], %mul3A_273 {strides = array<i32>} : memref<128x128xf32, #tpu.memory_space<vmem>>, vector<16xf32>,
          %get3A_277 = arith.index_cast %add3A_252 : i32 to index
          %get3A_278 = arith.constant 48 : index
          %get3A_279 = tpu.vector_load %arg11[%get3A_277, %get3A_278] {strides = array<i32>} : memref<128x128xf32, #tpu.memory_space<vmem>>, vector<16xf32>,
          %mul3A_280 = arith.mulf %get3A_279, %gather3A_255 : vector<16xf32>
          %swap3A_281 = arith.index_cast %add3A_252 : i32 to index
          %swap3A_282 = arith.constant 48 : index
          %swap3A_283 = tpu.vector_load %arg11[%swap3A_281, %swap3A_282] {strides = array<i32>} : memref<128x128xf32, #tpu.memory_space<vmem>>, vector<16xf32>,
          tpu.vector_store %arg11[%swap3A_281, %swap3A_282], %mul3A_280 {strides = array<i32>} : memref<128x128xf32, #tpu.memory_space<vmem>>, vector<16xf32>,
          %get3A_284 = arith.index_cast %add3A_252 : i32 to index
          %get3A_285 = arith.constant 64 : index
          %get3A_286 = tpu.vector_load %arg11[%get3A_284, %get3A_285] {strides = array<i32>} : memref<128x128xf32, #tpu.memory_space<vmem>>, vector<16xf32>,
          %mul3A_287 = arith.mulf %get3A_286, %gather3A_255 : vector<16xf32>
          %swap3A_288 = arith.index_cast %add3A_252 : i32 to index
          %swap3A_289 = arith.constant 64 : index
          %swap3A_290 = tpu.vector_load %arg11[%swap3A_288, %swap3A_289] {strides = array<i32>} : memref<128x128xf32, #tpu.memory_space<vmem>>, vector<16xf32>,
          tpu.vector_store %arg11[%swap3A_288, %swap3A_289], %mul3A_287 {strides = array<i32>} : memref<128x128xf32, #tpu.memory_space<vmem>>, vector<16xf32>,
          %get3A_291 = arith.index_cast %add3A_252 : i32 to index
          %get3A_292 = arith.constant 80 : index
          %get3A_293 = tpu.vector_load %arg11[%get3A_291, %get3A_292] {strides = array<i32>} : memref<128x128xf32, #tpu.memory_space<vmem>>, vector<16xf32>,
          %mul3A_294 = arith.mulf %get3A_293, %gather3A_255 : vector<16xf32>
          %swap3A_295 = arith.index_cast %add3A_252 : i32 to index
          %swap3A_296 = arith.constant 80 : index
          %swap3A_297 = tpu.vector_load %arg11[%swap3A_295, %swap3A_296] {strides = array<i32>} : memref<128x128xf32, #tpu.memory_space<vmem>>, vector<16xf32>,
          tpu.vector_store %arg11[%swap3A_295, %swap3A_296], %mul3A_294 {strides = array<i32>} : memref<128x128xf32, #tpu.memory_space<vmem>>, vector<16xf32>,
          %get3A_298 = arith.index_cast %add3A_252 : i32 to index
          %get3A_299 = arith.constant 96 : index
          %get3A_300 = tpu.vector_load %arg11[%get3A_298, %get3A_299] {strides = array<i32>} : memref<128x128xf32, #tpu.memory_space<vmem>>, vector<16xf32>,
          %mul3A_301 = arith.mulf %get3A_300, %gather3A_255 : vector<16xf32>
          %swap3A_302 = arith.index_cast %add3A_252 : i32 to index
          %swap3A_303 = arith.constant 96 : index
          %swap3A_304 = tpu.vector_load %arg11[%swap3A_302, %swap3A_303] {strides = array<i32>} : memref<128x128xf32, #tpu.memory_space<vmem>>, vector<16xf32>,
          tpu.vector_store %arg11[%swap3A_302, %swap3A_303], %mul3A_301 {strides = array<i32>} : memref<128x128xf32, #tpu.memory_space<vmem>>, vector<16xf32>,
          %get3A_305 = arith.index_cast %add3A_252 : i32 to index
          %get3A_306 = arith.constant 112 : index
          %get3A_307 = tpu.vector_load %arg11[%get3A_305, %get3A_306] {strides = array<i32>} : memref<128x128xf32, #tpu.memory_space<vmem>>, vector<16xf32>,
          %mul3A_308 = arith.mulf %get3A_307, %gather3A_255 : vector<16xf32>
          %swap3A_309 = arith.index_cast %add3A_252 : i32 to index
          %swap3A_310 = arith.constant 112 : index
          %swap3A_311 = tpu.vector_load %arg11[%swap3A_309, %swap3A_310] {strides = array<i32>} : memref<128x128xf32, #tpu.memory_space<vmem>>, vector<16xf32>,
          tpu.vector_store %arg11[%swap3A_309, %swap3A_310], %mul3A_308 {strides = array<i32>} : memref<128x128xf32, #tpu.memory_space<vmem>>, vector<16xf32>,
          %mul3A_312 = arith.constant 8 : i32
          %mul3A_313 = arith.muli %scan3A_126, %mul3A_312 : i32
          %add3A_314 = arith.constant 3 : i32
          %add3A_315 = arith.addi %mul3A_313, %add3A_314 : i32
          %broadcast_in_dim3A_316 = vector.broadcast %mul3A_65 : i32 to vector<16xi32>
          %broadcast_in_dim3A_317 = vector.broadcast %add3A_315 : i32 to vector<16xi32>
          %gather3A_318 = tpu.vector_load_idx %arg10[%broadcast_in_dim3A_316, %broadcast_in_dim3A_317] : memref<20x128xf32, #tpu.memory_space<vmem>>[vector<16xi32>, vector<16xi32>], vector<16xf32>,
          %get3A_319 = arith.index_cast %add3A_315 : i32 to index
          %get3A_320 = arith.constant 0 : index
          %get3A_321 = tpu.vector_load %arg11[%get3A_319, %get3A_320] {strides = array<i32>} : memref<128x128xf32, #tpu.memory_space<vmem>>, vector<16xf32>,
          %mul3A_322 = arith.mulf %get3A_321, %gather3A_318 : vector<16xf32>
          %swap3A_323 = arith.index_cast %add3A_315 : i32 to index
          %swap3A_324 = arith.constant 0 : index
          %swap3A_325 = tpu.vector_load %arg11[%swap3A_323, %swap3A_324] {strides = array<i32>} : memref<128x128xf32, #tpu.memory_space<vmem>>, vector<16xf32>,
          tpu.vector_store %arg11[%swap3A_323, %swap3A_324], %mul3A_322 {strides = array<i32>} : memref<128x128xf32, #tpu.memory_space<vmem>>, vector<16xf32>,
          %get3A_326 = arith.index_cast %add3A_315 : i32 to index
          %get3A_327 = arith.constant 16 : index
          %get3A_328 = tpu.vector_load %arg11[%get3A_326, %get3A_327] {strides = array<i32>} : memref<128x128xf32, #tpu.memory_space<vmem>>, vector<16xf32>,
          %mul3A_329 = arith.mulf %get3A_328, %gather3A_318 : vector<16xf32>
          %swap3A_330 = arith.index_cast %add3A_315 : i32 to index
          %swap3A_331 = arith.constant 16 : index
          %swap3A_332 = tpu.vector_load %arg11[%swap3A_330, %swap3A_331] {strides = array<i32>} : memref<128x128xf32, #tpu.memory_space<vmem>>, vector<16xf32>,
          tpu.vector_store %arg11[%swap3A_330, %swap3A_331], %mul3A_329 {strides = array<i32>} : memref<128x128xf32, #tpu.memory_space<vmem>>, vector<16xf32>,
          %get3A_333 = arith.index_cast %add3A_315 : i32 to index
          %get3A_334 = arith.constant 32 : index
          %get3A_335 = tpu.vector_load %arg11[%get3A_333, %get3A_334] {strides = array<i32>} : memref<128x128xf32, #tpu.memory_space<vmem>>, vector<16xf32>,
          %mul3A_336 = arith.mulf %get3A_335, %gather3A_318 : vector<16xf32>
          %swap3A_337 = arith.index_cast %add3A_315 : i32 to index
          %swap3A_338 = arith.constant 32 : index
          %swap3A_339 = tpu.vector_load %arg11[%swap3A_337, %swap3A_338] {strides = array<i32>} : memref<128x128xf32, #tpu.memory_space<vmem>>, vector<16xf32>,
          tpu.vector_store %arg11[%swap3A_337, %swap3A_338], %mul3A_336 {strides = array<i32>} : memref<128x128xf32, #tpu.memory_space<vmem>>, vector<16xf32>,
          %get3A_340 = arith.index_cast %add3A_315 : i32 to index
          %get3A_341 = arith.constant 48 : index
          %get3A_342 = tpu.vector_load %arg11[%get3A_340, %get3A_341] {strides = array<i32>} : memref<128x128xf32, #tpu.memory_space<vmem>>, vector<16xf32>,
          %mul3A_343 = arith.mulf %get3A_342, %gather3A_318 : vector<16xf32>
          %swap3A_344 = arith.index_cast %add3A_315 : i32 to index
          %swap3A_345 = arith.constant 48 : index
          %swap3A_346 = tpu.vector_load %arg11[%swap3A_344, %swap3A_345] {strides = array<i32>} : memref<128x128xf32, #tpu.memory_space<vmem>>, vector<16xf32>,
          tpu.vector_store %arg11[%swap3A_344, %swap3A_345], %mul3A_343 {strides = array<i32>} : memref<128x128xf32, #tpu.memory_space<vmem>>, vector<16xf32>,
          %get3A_347 = arith.index_cast %add3A_315 : i32 to index
          %get3A_348 = arith.constant 64 : index
          %get3A_349 = tpu.vector_load %arg11[%get3A_347, %get3A_348] {strides = array<i32>} : memref<128x128xf32, #tpu.memory_space<vmem>>, vector<16xf32>,
          %mul3A_350 = arith.mulf %get3A_349, %gather3A_318 : vector<16xf32>
          %swap3A_351 = arith.index_cast %add3A_315 : i32 to index
          %swap3A_352 = arith.constant 64 : index
          %swap3A_353 = tpu.vector_load %arg11[%swap3A_351, %swap3A_352] {strides = array<i32>} : memref<128x128xf32, #tpu.memory_space<vmem>>, vector<16xf32>,
          tpu.vector_store %arg11[%swap3A_351, %swap3A_352], %mul3A_350 {strides = array<i32>} : memref<128x128xf32, #tpu.memory_space<vmem>>, vector<16xf32>,
          %get3A_354 = arith.index_cast %add3A_315 : i32 to index
          %get3A_355 = arith.constant 80 : index
          %get3A_356 = tpu.vector_load %arg11[%get3A_354, %get3A_355] {strides = array<i32>} : memref<128x128xf32, #tpu.memory_space<vmem>>, vector<16xf32>,
          %mul3A_357 = arith.mulf %get3A_356, %gather3A_318 : vector<16xf32>
          %swap3A_358 = arith.index_cast %add3A_315 : i32 to index
          %swap3A_359 = arith.constant 80 : index
          %swap3A_360 = tpu.vector_load %arg11[%swap3A_358, %swap3A_359] {strides = array<i32>} : memref<128x128xf32, #tpu.memory_space<vmem>>, vector<16xf32>,
          tpu.vector_store %arg11[%swap3A_358, %swap3A_359], %mul3A_357 {strides = array<i32>} : memref<128x128xf32, #tpu.memory_space<vmem>>, vector<16xf32>,
          %get3A_361 = arith.index_cast %add3A_315 : i32 to index
          %get3A_362 = arith.constant 96 : index
          %get3A_363 = tpu.vector_load %arg11[%get3A_361, %get3A_362] {strides = array<i32>} : memref<128x128xf32, #tpu.memory_space<vmem>>, vector<16xf32>,
          %mul3A_364 = arith.mulf %get3A_363, %gather3A_318 : vector<16xf32>
          %swap3A_365 = arith.index_cast %add3A_315 : i32 to index
          %swap3A_366 = arith.constant 96 : index
          %swap3A_367 = tpu.vector_load %arg11[%swap3A_365, %swap3A_366] {strides = array<i32>} : memref<128x128xf32, #tpu.memory_space<vmem>>, vector<16xf32>,
          tpu.vector_store %arg11[%swap3A_365, %swap3A_366], %mul3A_364 {strides = array<i32>} : memref<128x128xf32, #tpu.memory_space<vmem>>, vector<16xf32>,
          %get3A_368 = arith.index_cast %add3A_315 : i32 to index
          %get3A_369 = arith.constant 112 : index
          %get3A_370 = tpu.vector_load %arg11[%get3A_368, %get3A_369] {strides = array<i32>} : memref<128x128xf32, #tpu.memory_space<vmem>>, vector<16xf32>,
          %mul3A_371 = arith.mulf %get3A_370, %gather3A_318 : vector<16xf32>
          %swap3A_372 = arith.index_cast %add3A_315 : i32 to index
          %swap3A_373 = arith.constant 112 : index
          %swap3A_374 = tpu.vector_load %arg11[%swap3A_372, %swap3A_373] {strides = array<i32>} : memref<128x128xf32, #tpu.memory_space<vmem>>, vector<16xf32>,
          tpu.vector_store %arg11[%swap3A_372, %swap3A_373], %mul3A_371 {strides = array<i32>} : memref<128x128xf32, #tpu.memory_space<vmem>>, vector<16xf32>,
          %mul3A_375 = arith.constant 8 : i32
          %mul3A_376 = arith.muli %scan3A_126, %mul3A_375 : i32
          %add3A_377 = arith.constant 4 : i32
          %add3A_378 = arith.addi %mul3A_376, %add3A_377 : i32
          %broadcast_in_dim3A_379 = vector.broadcast %mul3A_65 : i32 to vector<16xi32>
          %broadcast_in_dim3A_380 = vector.broadcast %add3A_378 : i32 to vector<16xi32>
          %gather3A_381 = tpu.vector_load_idx %arg10[%broadcast_in_dim3A_379, %broadcast_in_dim3A_380] : memref<20x128xf32, #tpu.memory_space<vmem>>[vector<16xi32>, vector<16xi32>], vector<16xf32>,
          %get3A_382 = arith.index_cast %add3A_378 : i32 to index
          %get3A_383 = arith.constant 0 : index
          %get3A_384 = tpu.vector_load %arg11[%get3A_382, %get3A_383] {strides = array<i32>} : memref<128x128xf32, #tpu.memory_space<vmem>>, vector<16xf32>,
          %mul3A_385 = arith.mulf %get3A_384, %gather3A_381 : vector<16xf32>
          %swap3A_386 = arith.index_cast %add3A_378 : i32 to index
          %swap3A_387 = arith.constant 0 : index
          %swap3A_388 = tpu.vector_load %arg11[%swap3A_386, %swap3A_387] {strides = array<i32>} : memref<128x128xf32, #tpu.memory_space<vmem>>, vector<16xf32>,
          tpu.vector_store %arg11[%swap3A_386, %swap3A_387], %mul3A_385 {strides = array<i32>} : memref<128x128xf32, #tpu.memory_space<vmem>>, vector<16xf32>,
          %get3A_389 = arith.index_cast %add3A_378 : i32 to index
          %get3A_390 = arith.constant 16 : index
          %get3A_391 = tpu.vector_load %arg11[%get3A_389, %get3A_390] {strides = array<i32>} : memref<128x128xf32, #tpu.memory_space<vmem>>, vector<16xf32>,
          %mul3A_392 = arith.mulf %get3A_391, %gather3A_381 : vector<16xf32>
          %swap3A_393 = arith.index_cast %add3A_378 : i32 to index
          %swap3A_394 = arith.constant 16 : index
          %swap3A_395 = tpu.vector_load %arg11[%swap3A_393, %swap3A_394] {strides = array<i32>} : memref<128x128xf32, #tpu.memory_space<vmem>>, vector<16xf32>,
          tpu.vector_store %arg11[%swap3A_393, %swap3A_394], %mul3A_392 {strides = array<i32>} : memref<128x128xf32, #tpu.memory_space<vmem>>, vector<16xf32>,
          %get3A_396 = arith.index_cast %add3A_378 : i32 to index
          %get3A_397 = arith.constant 32 : index
          %get3A_398 = tpu.vector_load %arg11[%get3A_396, %get3A_397] {strides = array<i32>} : memref<128x128xf32, #tpu.memory_space<vmem>>, vector<16xf32>,
          %mul3A_399 = arith.mulf %get3A_398, %gather3A_381 : vector<16xf32>
          %swap3A_400 = arith.index_cast %add3A_378 : i32 to index
          %swap3A_401 = arith.constant 32 : index
          %swap3A_402 = tpu.vector_load %arg11[%swap3A_400, %swap3A_401] {strides = array<i32>} : memref<128x128xf32, #tpu.memory_space<vmem>>, vector<16xf32>,
          tpu.vector_store %arg11[%swap3A_400, %swap3A_401], %mul3A_399 {strides = array<i32>} : memref<128x128xf32, #tpu.memory_space<vmem>>, vector<16xf32>,
          %get3A_403 = arith.index_cast %add3A_378 : i32 to index
          %get3A_404 = arith.constant 48 : index
          %get3A_405 = tpu.vector_load %arg11[%get3A_403, %get3A_404] {strides = array<i32>} : memref<128x128xf32, #tpu.memory_space<vmem>>, vector<16xf32>,
          %mul3A_406 = arith.mulf %get3A_405, %gather3A_381 : vector<16xf32>
          %swap3A_407 = arith.index_cast %add3A_378 : i32 to index
          %swap3A_408 = arith.constant 48 : index
          %swap3A_409 = tpu.vector_load %arg11[%swap3A_407, %swap3A_408] {strides = array<i32>} : memref<128x128xf32, #tpu.memory_space<vmem>>, vector<16xf32>,
          tpu.vector_store %arg11[%swap3A_407, %swap3A_408], %mul3A_406 {strides = array<i32>} : memref<128x128xf32, #tpu.memory_space<vmem>>, vector<16xf32>,
          %get3A_410 = arith.index_cast %add3A_378 : i32 to index
          %get3A_411 = arith.constant 64 : index
          %get3A_412 = tpu.vector_load %arg11[%get3A_410, %get3A_411] {strides = array<i32>} : memref<128x128xf32, #tpu.memory_space<vmem>>, vector<16xf32>,
          %mul3A_413 = arith.mulf %get3A_412, %gather3A_381 : vector<16xf32>
          %swap3A_414 = arith.index_cast %add3A_378 : i32 to index
          %swap3A_415 = arith.constant 64 : index
          %swap3A_416 = tpu.vector_load %arg11[%swap3A_414, %swap3A_415] {strides = array<i32>} : memref<128x128xf32, #tpu.memory_space<vmem>>, vector<16xf32>,
          tpu.vector_store %arg11[%swap3A_414, %swap3A_415], %mul3A_413 {strides = array<i32>} : memref<128x128xf32, #tpu.memory_space<vmem>>, vector<16xf32>,
          %get3A_417 = arith.index_cast %add3A_378 : i32 to index
          %get3A_418 = arith.constant 80 : index
          %get3A_419 = tpu.vector_load %arg11[%get3A_417, %get3A_418] {strides = array<i32>} : memref<128x128xf32, #tpu.memory_space<vmem>>, vector<16xf32>,
          %mul3A_420 = arith.mulf %get3A_419, %gather3A_381 : vector<16xf32>
          %swap3A_421 = arith.index_cast %add3A_378 : i32 to index
          %swap3A_422 = arith.constant 80 : index
          %swap3A_423 = tpu.vector_load %arg11[%swap3A_421, %swap3A_422] {strides = array<i32>} : memref<128x128xf32, #tpu.memory_space<vmem>>, vector<16xf32>,
          tpu.vector_store %arg11[%swap3A_421, %swap3A_422], %mul3A_420 {strides = array<i32>} : memref<128x128xf32, #tpu.memory_space<vmem>>, vector<16xf32>,
          %get3A_424 = arith.index_cast %add3A_378 : i32 to index
          %get3A_425 = arith.constant 96 : index
          %get3A_426 = tpu.vector_load %arg11[%get3A_424, %get3A_425] {strides = array<i32>} : memref<128x128xf32, #tpu.memory_space<vmem>>, vector<16xf32>,
          %mul3A_427 = arith.mulf %get3A_426, %gather3A_381 : vector<16xf32>
          %swap3A_428 = arith.index_cast %add3A_378 : i32 to index
          %swap3A_429 = arith.constant 96 : index
          %swap3A_430 = tpu.vector_load %arg11[%swap3A_428, %swap3A_429] {strides = array<i32>} : memref<128x128xf32, #tpu.memory_space<vmem>>, vector<16xf32>,
          tpu.vector_store %arg11[%swap3A_428, %swap3A_429], %mul3A_427 {strides = array<i32>} : memref<128x128xf32, #tpu.memory_space<vmem>>, vector<16xf32>,
          %get3A_431 = arith.index_cast %add3A_378 : i32 to index
          %get3A_432 = arith.constant 112 : index
          %get3A_433 = tpu.vector_load %arg11[%get3A_431, %get3A_432] {strides = array<i32>} : memref<128x128xf32, #tpu.memory_space<vmem>>, vector<16xf32>,
          %mul3A_434 = arith.mulf %get3A_433, %gather3A_381 : vector<16xf32>
          %swap3A_435 = arith.index_cast %add3A_378 : i32 to index
          %swap3A_436 = arith.constant 112 : index
          %swap3A_437 = tpu.vector_load %arg11[%swap3A_435, %swap3A_436] {strides = array<i32>} : memref<128x128xf32, #tpu.memory_space<vmem>>, vector<16xf32>,
          tpu.vector_store %arg11[%swap3A_435, %swap3A_436], %mul3A_434 {strides = array<i32>} : memref<128x128xf32, #tpu.memory_space<vmem>>, vector<16xf32>,
          %mul3A_438 = arith.constant 8 : i32
          %mul3A_439 = arith.muli %scan3A_126, %mul3A_438 : i32
          %add3A_440 = arith.constant 5 : i32
          %add3A_441 = arith.addi %mul3A_439, %add3A_440 : i32
          %broadcast_in_dim3A_442 = vector.broadcast %mul3A_65 : i32 to vector<16xi32>
          %broadcast_in_dim3A_443 = vector.broadcast %add3A_441 : i32 to vector<16xi32>
          %gather3A_444 = tpu.vector_load_idx %arg10[%broadcast_in_dim3A_442, %broadcast_in_dim3A_443] : memref<20x128xf32, #tpu.memory_space<vmem>>[vector<16xi32>, vector<16xi32>], vector<16xf32>,
          %get3A_445 = arith.index_cast %add3A_441 : i32 to index
          %get3A_446 = arith.constant 0 : index
          %get3A_447 = tpu.vector_load %arg11[%get3A_445, %get3A_446] {strides = array<i32>} : memref<128x128xf32, #tpu.memory_space<vmem>>, vector<16xf32>,
          %mul3A_448 = arith.mulf %get3A_447, %gather3A_444 : vector<16xf32>
          %swap3A_449 = arith.index_cast %add3A_441 : i32 to index
          %swap3A_450 = arith.constant 0 : index
          %swap3A_451 = tpu.vector_load %arg11[%swap3A_449, %swap3A_450] {strides = array<i32>} : memref<128x128xf32, #tpu.memory_space<vmem>>, vector<16xf32>,
          tpu.vector_store %arg11[%swap3A_449, %swap3A_450], %mul3A_448 {strides = array<i32>} : memref<128x128xf32, #tpu.memory_space<vmem>>, vector<16xf32>,
          %get3A_452 = arith.index_cast %add3A_441 : i32 to index
          %get3A_453 = arith.constant 16 : index
          %get3A_454 = tpu.vector_load %arg11[%get3A_452, %get3A_453] {strides = array<i32>} : memref<128x128xf32, #tpu.memory_space<vmem>>, vector<16xf32>,
          %mul3A_455 = arith.mulf %get3A_454, %gather3A_444 : vector<16xf32>
          %swap3A_456 = arith.index_cast %add3A_441 : i32 to index
          %swap3A_457 = arith.constant 16 : index
          %swap3A_458 = tpu.vector_load %arg11[%swap3A_456, %swap3A_457] {strides = array<i32>} : memref<128x128xf32, #tpu.memory_space<vmem>>, vector<16xf32>,
          tpu.vector_store %arg11[%swap3A_456, %swap3A_457], %mul3A_455 {strides = array<i32>} : memref<128x128xf32, #tpu.memory_space<vmem>>, vector<16xf32>,
          %get3A_459 = arith.index_cast %add3A_441 : i32 to index
          %get3A_460 = arith.constant 32 : index
          %get3A_461 = tpu.vector_load %arg11[%get3A_459, %get3A_460] {strides = array<i32>} : memref<128x128xf32, #tpu.memory_space<vmem>>, vector<16xf32>,
          %mul3A_462 = arith.mulf %get3A_461, %gather3A_444 : vector<16xf32>
          %swap3A_463 = arith.index_cast %add3A_441 : i32 to index
          %swap3A_464 = arith.constant 32 : index
          %swap3A_465 = tpu.vector_load %arg11[%swap3A_463, %swap3A_464] {strides = array<i32>} : memref<128x128xf32, #tpu.memory_space<vmem>>, vector<16xf32>,
          tpu.vector_store %arg11[%swap3A_463, %swap3A_464], %mul3A_462 {strides = array<i32>} : memref<128x128xf32, #tpu.memory_space<vmem>>, vector<16xf32>,
          %get3A_466 = arith.index_cast %add3A_441 : i32 to index
          %get3A_467 = arith.constant 48 : index
          %get3A_468 = tpu.vector_load %arg11[%get3A_466, %get3A_467] {strides = array<i32>} : memref<128x128xf32, #tpu.memory_space<vmem>>, vector<16xf32>,
          %mul3A_469 = arith.mulf %get3A_468, %gather3A_444 : vector<16xf32>
          %swap3A_470 = arith.index_cast %add3A_441 : i32 to index
          %swap3A_471 = arith.constant 48 : index
          %swap3A_472 = tpu.vector_load %arg11[%swap3A_470, %swap3A_471] {strides = array<i32>} : memref<128x128xf32, #tpu.memory_space<vmem>>, vector<16xf32>,
          tpu.vector_store %arg11[%swap3A_470, %swap3A_471], %mul3A_469 {strides = array<i32>} : memref<128x128xf32, #tpu.memory_space<vmem>>, vector<16xf32>,
          %get3A_473 = arith.index_cast %add3A_441 : i32 to index
          %get3A_474 = arith.constant 64 : index
          %get3A_475 = tpu.vector_load %arg11[%get3A_473, %get3A_474] {strides = array<i32>} : memref<128x128xf32, #tpu.memory_space<vmem>>, vector<16xf32>,
          %mul3A_476 = arith.mulf %get3A_475, %gather3A_444 : vector<16xf32>
          %swap3A_477 = arith.index_cast %add3A_441 : i32 to index
          %swap3A_478 = arith.constant 64 : index
          %swap3A_479 = tpu.vector_load %arg11[%swap3A_477, %swap3A_478] {strides = array<i32>} : memref<128x128xf32, #tpu.memory_space<vmem>>, vector<16xf32>,
          tpu.vector_store %arg11[%swap3A_477, %swap3A_478], %mul3A_476 {strides = array<i32>} : memref<128x128xf32, #tpu.memory_space<vmem>>, vector<16xf32>,
          %get3A_480 = arith.index_cast %add3A_441 : i32 to index
          %get3A_481 = arith.constant 80 : index
          %get3A_482 = tpu.vector_load %arg11[%get3A_480, %get3A_481] {strides = array<i32>} : memref<128x128xf32, #tpu.memory_space<vmem>>, vector<16xf32>,
          %mul3A_483 = arith.mulf %get3A_482, %gather3A_444 : vector<16xf32>
          %swap3A_484 = arith.index_cast %add3A_441 : i32 to index
          %swap3A_485 = arith.constant 80 : index
          %swap3A_486 = tpu.vector_load %arg11[%swap3A_484, %swap3A_485] {strides = array<i32>} : memref<128x128xf32, #tpu.memory_space<vmem>>, vector<16xf32>,
          tpu.vector_store %arg11[%swap3A_484, %swap3A_485], %mul3A_483 {strides = array<i32>} : memref<128x128xf32, #tpu.memory_space<vmem>>, vector<16xf32>,
          %get3A_487 = arith.index_cast %add3A_441 : i32 to index
          %get3A_488 = arith.constant 96 : index
          %get3A_489 = tpu.vector_load %arg11[%get3A_487, %get3A_488] {strides = array<i32>} : memref<128x128xf32, #tpu.memory_space<vmem>>, vector<16xf32>,
          %mul3A_490 = arith.mulf %get3A_489, %gather3A_444 : vector<16xf32>
          %swap3A_491 = arith.index_cast %add3A_441 : i32 to index
          %swap3A_492 = arith.constant 96 : index
          %swap3A_493 = tpu.vector_load %arg11[%swap3A_491, %swap3A_492] {strides = array<i32>} : memref<128x128xf32, #tpu.memory_space<vmem>>, vector<16xf32>,
          tpu.vector_store %arg11[%swap3A_491, %swap3A_492], %mul3A_490 {strides = array<i32>} : memref<128x128xf32, #tpu.memory_space<vmem>>, vector<16xf32>,
          %get3A_494 = arith.index_cast %add3A_441 : i32 to index
          %get3A_495 = arith.constant 112 : index
          %get3A_496 = tpu.vector_load %arg11[%get3A_494, %get3A_495] {strides = array<i32>} : memref<128x128xf32, #tpu.memory_space<vmem>>, vector<16xf32>,
          %mul3A_497 = arith.mulf %get3A_496, %gather3A_444 : vector<16xf32>
          %swap3A_498 = arith.index_cast %add3A_441 : i32 to index
          %swap3A_499 = arith.constant 112 : index
          %swap3A_500 = tpu.vector_load %arg11[%swap3A_498, %swap3A_499] {strides = array<i32>} : memref<128x128xf32, #tpu.memory_space<vmem>>, vector<16xf32>,
          tpu.vector_store %arg11[%swap3A_498, %swap3A_499], %mul3A_497 {strides = array<i32>} : memref<128x128xf32, #tpu.memory_space<vmem>>, vector<16xf32>,
          %mul3A_501 = arith.constant 8 : i32
          %mul3A_502 = arith.muli %scan3A_126, %mul3A_501 : i32
          %add3A_503 = arith.constant 6 : i32
          %add3A_504 = arith.addi %mul3A_502, %add3A_503 : i32
          %broadcast_in_dim3A_505 = vector.broadcast %mul3A_65 : i32 to vector<16xi32>
          %broadcast_in_dim3A_506 = vector.broadcast %add3A_504 : i32 to vector<16xi32>
          %gather3A_507 = tpu.vector_load_idx %arg10[%broadcast_in_dim3A_505, %broadcast_in_dim3A_506] : memref<20x128xf32, #tpu.memory_space<vmem>>[vector<16xi32>, vector<16xi32>], vector<16xf32>,
          %get3A_508 = arith.index_cast %add3A_504 : i32 to index
          %get3A_509 = arith.constant 0 : index
          %get3A_510 = tpu.vector_load %arg11[%get3A_508, %get3A_509] {strides = array<i32>} : memref<128x128xf32, #tpu.memory_space<vmem>>, vector<16xf32>,
          %mul3A_511 = arith.mulf %get3A_510, %gather3A_507 : vector<16xf32>
          %swap3A_512 = arith.index_cast %add3A_504 : i32 to index
          %swap3A_513 = arith.constant 0 : index
          %swap3A_514 = tpu.vector_load %arg11[%swap3A_512, %swap3A_513] {strides = array<i32>} : memref<128x128xf32, #tpu.memory_space<vmem>>, vector<16xf32>,
          tpu.vector_store %arg11[%swap3A_512, %swap3A_513], %mul3A_511 {strides = array<i32>} : memref<128x128xf32, #tpu.memory_space<vmem>>, vector<16xf32>,
          %get3A_515 = arith.index_cast %add3A_504 : i32 to index
          %get3A_516 = arith.constant 16 : index
          %get3A_517 = tpu.vector_load %arg11[%get3A_515, %get3A_516] {strides = array<i32>} : memref<128x128xf32, #tpu.memory_space<vmem>>, vector<16xf32>,
          %mul3A_518 = arith.mulf %get3A_517, %gather3A_507 : vector<16xf32>
          %swap3A_519 = arith.index_cast %add3A_504 : i32 to index
          %swap3A_520 = arith.constant 16 : index
          %swap3A_521 = tpu.vector_load %arg11[%swap3A_519, %swap3A_520] {strides = array<i32>} : memref<128x128xf32, #tpu.memory_space<vmem>>, vector<16xf32>,
          tpu.vector_store %arg11[%swap3A_519, %swap3A_520], %mul3A_518 {strides = array<i32>} : memref<128x128xf32, #tpu.memory_space<vmem>>, vector<16xf32>,
          %get3A_522 = arith.index_cast %add3A_504 : i32 to index
          %get3A_523 = arith.constant 32 : index
          %get3A_524 = tpu.vector_load %arg11[%get3A_522, %get3A_523] {strides = array<i32>} : memref<128x128xf32, #tpu.memory_space<vmem>>, vector<16xf32>,
          %mul3A_525 = arith.mulf %get3A_524, %gather3A_507 : vector<16xf32>
          %swap3A_526 = arith.index_cast %add3A_504 : i32 to index
          %swap3A_527 = arith.constant 32 : index
          %swap3A_528 = tpu.vector_load %arg11[%swap3A_526, %swap3A_527] {strides = array<i32>} : memref<128x128xf32, #tpu.memory_space<vmem>>, vector<16xf32>,
          tpu.vector_store %arg11[%swap3A_526, %swap3A_527], %mul3A_525 {strides = array<i32>} : memref<128x128xf32, #tpu.memory_space<vmem>>, vector<16xf32>,
          %get3A_529 = arith.index_cast %add3A_504 : i32 to index
          %get3A_530 = arith.constant 48 : index
          %get3A_531 = tpu.vector_load %arg11[%get3A_529, %get3A_530] {strides = array<i32>} : memref<128x128xf32, #tpu.memory_space<vmem>>, vector<16xf32>,
          %mul3A_532 = arith.mulf %get3A_531, %gather3A_507 : vector<16xf32>
          %swap3A_533 = arith.index_cast %add3A_504 : i32 to index
          %swap3A_534 = arith.constant 48 : index
          %swap3A_535 = tpu.vector_load %arg11[%swap3A_533, %swap3A_534] {strides = array<i32>} : memref<128x128xf32, #tpu.memory_space<vmem>>, vector<16xf32>,
          tpu.vector_store %arg11[%swap3A_533, %swap3A_534], %mul3A_532 {strides = array<i32>} : memref<128x128xf32, #tpu.memory_space<vmem>>, vector<16xf32>,
          %get3A_536 = arith.index_cast %add3A_504 : i32 to index
          %get3A_537 = arith.constant 64 : index
          %get3A_538 = tpu.vector_load %arg11[%get3A_536, %get3A_537] {strides = array<i32>} : memref<128x128xf32, #tpu.memory_space<vmem>>, vector<16xf32>,
          %mul3A_539 = arith.mulf %get3A_538, %gather3A_507 : vector<16xf32>
          %swap3A_540 = arith.index_cast %add3A_504 : i32 to index
          %swap3A_541 = arith.constant 64 : index
          %swap3A_542 = tpu.vector_load %arg11[%swap3A_540, %swap3A_541] {strides = array<i32>} : memref<128x128xf32, #tpu.memory_space<vmem>>, vector<16xf32>,
          tpu.vector_store %arg11[%swap3A_540, %swap3A_541], %mul3A_539 {strides = array<i32>} : memref<128x128xf32, #tpu.memory_space<vmem>>, vector<16xf32>,
          %get3A_543 = arith.index_cast %add3A_504 : i32 to index
          %get3A_544 = arith.constant 80 : index
          %get3A_545 = tpu.vector_load %arg11[%get3A_543, %get3A_544] {strides = array<i32>} : memref<128x128xf32, #tpu.memory_space<vmem>>, vector<16xf32>,
          %mul3A_546 = arith.mulf %get3A_545, %gather3A_507 : vector<16xf32>
          %swap3A_547 = arith.index_cast %add3A_504 : i32 to index
          %swap3A_548 = arith.constant 80 : index
          %swap3A_549 = tpu.vector_load %arg11[%swap3A_547, %swap3A_548] {strides = array<i32>} : memref<128x128xf32, #tpu.memory_space<vmem>>, vector<16xf32>,
          tpu.vector_store %arg11[%swap3A_547, %swap3A_548], %mul3A_546 {strides = array<i32>} : memref<128x128xf32, #tpu.memory_space<vmem>>, vector<16xf32>,
          %get3A_550 = arith.index_cast %add3A_504 : i32 to index
          %get3A_551 = arith.constant 96 : index
          %get3A_552 = tpu.vector_load %arg11[%get3A_550, %get3A_551] {strides = array<i32>} : memref<128x128xf32, #tpu.memory_space<vmem>>, vector<16xf32>,
          %mul3A_553 = arith.mulf %get3A_552, %gather3A_507 : vector<16xf32>
          %swap3A_554 = arith.index_cast %add3A_504 : i32 to index
          %swap3A_555 = arith.constant 96 : index
          %swap3A_556 = tpu.vector_load %arg11[%swap3A_554, %swap3A_555] {strides = array<i32>} : memref<128x128xf32, #tpu.memory_space<vmem>>, vector<16xf32>,
          tpu.vector_store %arg11[%swap3A_554, %swap3A_555], %mul3A_553 {strides = array<i32>} : memref<128x128xf32, #tpu.memory_space<vmem>>, vector<16xf32>,
          %get3A_557 = arith.index_cast %add3A_504 : i32 to index
          %get3A_558 = arith.constant 112 : index
          %get3A_559 = tpu.vector_load %arg11[%get3A_557, %get3A_558] {strides = array<i32>} : memref<128x128xf32, #tpu.memory_space<vmem>>, vector<16xf32>,
          %mul3A_560 = arith.mulf %get3A_559, %gather3A_507 : vector<16xf32>
          %swap3A_561 = arith.index_cast %add3A_504 : i32 to index
          %swap3A_562 = arith.constant 112 : index
          %swap3A_563 = tpu.vector_load %arg11[%swap3A_561, %swap3A_562] {strides = array<i32>} : memref<128x128xf32, #tpu.memory_space<vmem>>, vector<16xf32>,
          tpu.vector_store %arg11[%swap3A_561, %swap3A_562], %mul3A_560 {strides = array<i32>} : memref<128x128xf32, #tpu.memory_space<vmem>>, vector<16xf32>,
          %mul3A_564 = arith.constant 8 : i32
          %mul3A_565 = arith.muli %scan3A_126, %mul3A_564 : i32
          %add3A_566 = arith.constant 7 : i32
          %add3A_567 = arith.addi %mul3A_565, %add3A_566 : i32
          %broadcast_in_dim3A_568 = vector.broadcast %mul3A_65 : i32 to vector<16xi32>
          %broadcast_in_dim3A_569 = vector.broadcast %add3A_567 : i32 to vector<16xi32>
          %gather3A_570 = tpu.vector_load_idx %arg10[%broadcast_in_dim3A_568, %broadcast_in_dim3A_569] : memref<20x128xf32, #tpu.memory_space<vmem>>[vector<16xi32>, vector<16xi32>], vector<16xf32>,
          %get3A_571 = arith.index_cast %add3A_567 : i32 to index
          %get3A_572 = arith.constant 0 : index
          %get3A_573 = tpu.vector_load %arg11[%get3A_571, %get3A_572] {strides = array<i32>} : memref<128x128xf32, #tpu.memory_space<vmem>>, vector<16xf32>,
          %mul3A_574 = arith.mulf %get3A_573, %gather3A_570 : vector<16xf32>
          %swap3A_575 = arith.index_cast %add3A_567 : i32 to index
          %swap3A_576 = arith.constant 0 : index
          %swap3A_577 = tpu.vector_load %arg11[%swap3A_575, %swap3A_576] {strides = array<i32>} : memref<128x128xf32, #tpu.memory_space<vmem>>, vector<16xf32>,
          tpu.vector_store %arg11[%swap3A_575, %swap3A_576], %mul3A_574 {strides = array<i32>} : memref<128x128xf32, #tpu.memory_space<vmem>>, vector<16xf32>,
          %get3A_578 = arith.index_cast %add3A_567 : i32 to index
          %get3A_579 = arith.constant 16 : index
          %get3A_580 = tpu.vector_load %arg11[%get3A_578, %get3A_579] {strides = array<i32>} : memref<128x128xf32, #tpu.memory_space<vmem>>, vector<16xf32>,
          %mul3A_581 = arith.mulf %get3A_580, %gather3A_570 : vector<16xf32>
          %swap3A_582 = arith.index_cast %add3A_567 : i32 to index
          %swap3A_583 = arith.constant 16 : index
          %swap3A_584 = tpu.vector_load %arg11[%swap3A_582, %swap3A_583] {strides = array<i32>} : memref<128x128xf32, #tpu.memory_space<vmem>>, vector<16xf32>,
          tpu.vector_store %arg11[%swap3A_582, %swap3A_583], %mul3A_581 {strides = array<i32>} : memref<128x128xf32, #tpu.memory_space<vmem>>, vector<16xf32>,
          %get3A_585 = arith.index_cast %add3A_567 : i32 to index
          %get3A_586 = arith.constant 32 : index
          %get3A_587 = tpu.vector_load %arg11[%get3A_585, %get3A_586] {strides = array<i32>} : memref<128x128xf32, #tpu.memory_space<vmem>>, vector<16xf32>,
          %mul3A_588 = arith.mulf %get3A_587, %gather3A_570 : vector<16xf32>
          %swap3A_589 = arith.index_cast %add3A_567 : i32 to index
          %swap3A_590 = arith.constant 32 : index
          %swap3A_591 = tpu.vector_load %arg11[%swap3A_589, %swap3A_590] {strides = array<i32>} : memref<128x128xf32, #tpu.memory_space<vmem>>, vector<16xf32>,
          tpu.vector_store %arg11[%swap3A_589, %swap3A_590], %mul3A_588 {strides = array<i32>} : memref<128x128xf32, #tpu.memory_space<vmem>>, vector<16xf32>,
          %get3A_592 = arith.index_cast %add3A_567 : i32 to index
          %get3A_593 = arith.constant 48 : index
          %get3A_594 = tpu.vector_load %arg11[%get3A_592, %get3A_593] {strides = array<i32>} : memref<128x128xf32, #tpu.memory_space<vmem>>, vector<16xf32>,
          %mul3A_595 = arith.mulf %get3A_594, %gather3A_570 : vector<16xf32>
          %swap3A_596 = arith.index_cast %add3A_567 : i32 to index
          %swap3A_597 = arith.constant 48 : index
          %swap3A_598 = tpu.vector_load %arg11[%swap3A_596, %swap3A_597] {strides = array<i32>} : memref<128x128xf32, #tpu.memory_space<vmem>>, vector<16xf32>,
          tpu.vector_store %arg11[%swap3A_596, %swap3A_597], %mul3A_595 {strides = array<i32>} : memref<128x128xf32, #tpu.memory_space<vmem>>, vector<16xf32>,
          %get3A_599 = arith.index_cast %add3A_567 : i32 to index
          %get3A_600 = arith.constant 64 : index
          %get3A_601 = tpu.vector_load %arg11[%get3A_599, %get3A_600] {strides = array<i32>} : memref<128x128xf32, #tpu.memory_space<vmem>>, vector<16xf32>,
          %mul3A_602 = arith.mulf %get3A_601, %gather3A_570 : vector<16xf32>
          %swap3A_603 = arith.index_cast %add3A_567 : i32 to index
          %swap3A_604 = arith.constant 64 : index
          %swap3A_605 = tpu.vector_load %arg11[%swap3A_603, %swap3A_604] {strides = array<i32>} : memref<128x128xf32, #tpu.memory_space<vmem>>, vector<16xf32>,
          tpu.vector_store %arg11[%swap3A_603, %swap3A_604], %mul3A_602 {strides = array<i32>} : memref<128x128xf32, #tpu.memory_space<vmem>>, vector<16xf32>,
          %get3A_606 = arith.index_cast %add3A_567 : i32 to index
          %get3A_607 = arith.constant 80 : index
          %get3A_608 = tpu.vector_load %arg11[%get3A_606, %get3A_607] {strides = array<i32>} : memref<128x128xf32, #tpu.memory_space<vmem>>, vector<16xf32>,
          %mul3A_609 = arith.mulf %get3A_608, %gather3A_570 : vector<16xf32>
          %swap3A_610 = arith.index_cast %add3A_567 : i32 to index
          %swap3A_611 = arith.constant 80 : index
          %swap3A_612 = tpu.vector_load %arg11[%swap3A_610, %swap3A_611] {strides = array<i32>} : memref<128x128xf32, #tpu.memory_space<vmem>>, vector<16xf32>,
          tpu.vector_store %arg11[%swap3A_610, %swap3A_611], %mul3A_609 {strides = array<i32>} : memref<128x128xf32, #tpu.memory_space<vmem>>, vector<16xf32>,
          %get3A_613 = arith.index_cast %add3A_567 : i32 to index
          %get3A_614 = arith.constant 96 : index
          %get3A_615 = tpu.vector_load %arg11[%get3A_613, %get3A_614] {strides = array<i32>} : memref<128x128xf32, #tpu.memory_space<vmem>>, vector<16xf32>,
          %mul3A_616 = arith.mulf %get3A_615, %gather3A_570 : vector<16xf32>
          %swap3A_617 = arith.index_cast %add3A_567 : i32 to index
          %swap3A_618 = arith.constant 96 : index
          %swap3A_619 = tpu.vector_load %arg11[%swap3A_617, %swap3A_618] {strides = array<i32>} : memref<128x128xf32, #tpu.memory_space<vmem>>, vector<16xf32>,
          tpu.vector_store %arg11[%swap3A_617, %swap3A_618], %mul3A_616 {strides = array<i32>} : memref<128x128xf32, #tpu.memory_space<vmem>>, vector<16xf32>,
          %get3A_620 = arith.index_cast %add3A_567 : i32 to index
          %get3A_621 = arith.constant 112 : index
          %get3A_622 = tpu.vector_load %arg11[%get3A_620, %get3A_621] {strides = array<i32>} : memref<128x128xf32, #tpu.memory_space<vmem>>, vector<16xf32>,
          %mul3A_623 = arith.mulf %get3A_622, %gather3A_570 : vector<16xf32>
          %swap3A_624 = arith.index_cast %add3A_567 : i32 to index
          %swap3A_625 = arith.constant 112 : index
          %swap3A_626 = tpu.vector_load %arg11[%swap3A_624, %swap3A_625] {strides = array<i32>} : memref<128x128xf32, #tpu.memory_space<vmem>>, vector<16xf32>,
          tpu.vector_store %arg11[%swap3A_624, %swap3A_625], %mul3A_623 {strides = array<i32>} : memref<128x128xf32, #tpu.memory_space<vmem>>, vector<16xf32>,
        }
        %scan3A_79 = arith.constant 16 : i32
        %dma_start3A_80 = arith.constant 0 : i32
        %dma_start3A_81 = tpu.memref_slice %arg9[%mul3A_65, %dma_start3A_80] : memref<20x128xi32, #tpu.memory_space<vmem>> -> memref<1x128xi32, #tpu.memory_space<vmem>>
        %dma_start3A_82 = tpu.memref_squeeze %dma_start3A_81 : memref<1x128xi32, #tpu.memory_space<vmem>> -> memref<128xi32, #tpu.memory_space<vmem>>
        %dma_start3A_83 = arith.constant 0 : i32
        %dma_start3A_84 = arith.constant 0 : i32
        %dma_start3A_85 = tpu.memref_slice %arg13[%dma_start3A_83, %dma_start3A_84] : memref<10240x128xf32, #tpu.memory_space<vmem_shared>> -> memref<10240x128xf32, #tpu.memory_space<vmem_shared>>
        tpu.enqueue_indirect_dma source(%arg11 : memref<128x128xf32, #tpu.memory_space<vmem>>) target(%dma_start3A_85 : memref<10240x128xf32, #tpu.memory_space<vmem_shared>>) offsets(%dma_start3A_82 : memref<128xi32, #tpu.memory_space<vmem>>) semaphore(%arg17 : memref<!tpu.dma_semaphore, #tpu.memory_space<semaphore_mem>>) {add = true}
        %dma_wait3A_86 = arith.constant 0 : i32
        %dma_wait3A_87 = tpu.memref_slice %arg8[%add3A_69, %dma_wait3A_86] : memref<20x128xi32, #tpu.memory_space<vmem>> -> memref<1x128xi32, #tpu.memory_space<vmem>>
        %dma_wait3A_88 = tpu.memref_squeeze %dma_wait3A_87 : memref<1x128xi32, #tpu.memory_space<vmem>> -> memref<128xi32, #tpu.memory_space<vmem>>
        %dma_wait3A_89 = arith.constant 0 : i32
        %dma_wait3A_90 = arith.constant 0 : i32
        %dma_wait3A_91 = tpu.memref_slice %arg6[%dma_wait3A_89, %dma_wait3A_90] : memref<90000x128xf32, #tpu.memory_space<hbm>> -> memref<90000x128xf32, #tpu.memory_space<hbm>>
        tpu.wait_indirect_dma semaphore(%arg16 : memref<!tpu.dma_semaphore, #tpu.memory_space<semaphore_mem>>) src(%dma_wait3A_91 : memref<90000x128xf32, #tpu.memory_space<hbm>>) dst(%arg12 : memref<128x128xf32, #tpu.memory_space<vmem>>)
        %scan3A_92 = arith.constant 0 : i32
        %scan3A_93 = arith.constant 16 : i32
        %scan3A_94 = arith.addi %scan3A_92, %scan3A_93 : i32
        %scan3A_95 = arith.constant 1 : i32
        scf.for %scan3A_126 = %scan3A_92 to %scan3A_94 step %scan3A_95  : i32 {
          %mul3A_127 = arith.constant 8 : i32
          %mul3A_128 = arith.muli %scan3A_126, %mul3A_127 : i32
          %add3A_129 = arith.constant 0 : i32
          %add3A_130 = arith.addi %mul3A_128, %add3A_129 : i32
          %broadcast_in_dim3A = vector.broadcast %add3A_69 : i32 to vector<16xi32>
          %broadcast_in_dim3A_131 = vector.broadcast %add3A_130 : i32 to vector<16xi32>
          %gather3A = tpu.vector_load_idx %arg10[%broadcast_in_dim3A, %broadcast_in_dim3A_131] : memref<20x128xf32, #tpu.memory_space<vmem>>[vector<16xi32>, vector<16xi32>], vector<16xf32>,
          %get3A = arith.index_cast %add3A_130 : i32 to index
          %get3A_132 = arith.constant 0 : index
          %get3A_133 = tpu.vector_load %arg12[%get3A, %get3A_132] {strides = array<i32>} : memref<128x128xf32, #tpu.memory_space<vmem>>, vector<16xf32>,
          %mul3A_134 = arith.mulf %get3A_133, %gather3A : vector<16xf32>
          %swap3A = arith.index_cast %add3A_130 : i32 to index
          %swap3A_135 = arith.constant 0 : index
          %swap3A_136 = tpu.vector_load %arg12[%swap3A, %swap3A_135] {strides = array<i32>} : memref<128x128xf32, #tpu.memory_space<vmem>>, vector<16xf32>,
          tpu.vector_store %arg12[%swap3A, %swap3A_135], %mul3A_134 {strides = array<i32>} : memref<128x128xf32, #tpu.memory_space<vmem>>, vector<16xf32>,
          %get3A_137 = arith.index_cast %add3A_130 : i32 to index
          %get3A_138 = arith.constant 16 : index
          %get3A_139 = tpu.vector_load %arg12[%get3A_137, %get3A_138] {strides = array<i32>} : memref<128x128xf32, #tpu.memory_space<vmem>>, vector<16xf32>,
          %mul3A_140 = arith.mulf %get3A_139, %gather3A : vector<16xf32>
          %swap3A_141 = arith.index_cast %add3A_130 : i32 to index
          %swap3A_142 = arith.constant 16 : index
          %swap3A_143 = tpu.vector_load %arg12[%swap3A_141, %swap3A_142] {strides = array<i32>} : memref<128x128xf32, #tpu.memory_space<vmem>>, vector<16xf32>,
          tpu.vector_store %arg12[%swap3A_141, %swap3A_142], %mul3A_140 {strides = array<i32>} : memref<128x128xf32, #tpu.memory_space<vmem>>, vector<16xf32>,
          %get3A_144 = arith.index_cast %add3A_130 : i32 to index
          %get3A_145 = arith.constant 32 : index
          %get3A_146 = tpu.vector_load %arg12[%get3A_144, %get3A_145] {strides = array<i32>} : memref<128x128xf32, #tpu.memory_space<vmem>>, vector<16xf32>,
          %mul3A_147 = arith.mulf %get3A_146, %gather3A : vector<16xf32>
          %swap3A_148 = arith.index_cast %add3A_130 : i32 to index
          %swap3A_149 = arith.constant 32 : index
          %swap3A_150 = tpu.vector_load %arg12[%swap3A_148, %swap3A_149] {strides = array<i32>} : memref<128x128xf32, #tpu.memory_space<vmem>>, vector<16xf32>,
          tpu.vector_store %arg12[%swap3A_148, %swap3A_149], %mul3A_147 {strides = array<i32>} : memref<128x128xf32, #tpu.memory_space<vmem>>, vector<16xf32>,
          %get3A_151 = arith.index_cast %add3A_130 : i32 to index
          %get3A_152 = arith.constant 48 : index
          %get3A_153 = tpu.vector_load %arg12[%get3A_151, %get3A_152] {strides = array<i32>} : memref<128x128xf32, #tpu.memory_space<vmem>>, vector<16xf32>,
          %mul3A_154 = arith.mulf %get3A_153, %gather3A : vector<16xf32>
          %swap3A_155 = arith.index_cast %add3A_130 : i32 to index
          %swap3A_156 = arith.constant 48 : index
          %swap3A_157 = tpu.vector_load %arg12[%swap3A_155, %swap3A_156] {strides = array<i32>} : memref<128x128xf32, #tpu.memory_space<vmem>>, vector<16xf32>,
          tpu.vector_store %arg12[%swap3A_155, %swap3A_156], %mul3A_154 {strides = array<i32>} : memref<128x128xf32, #tpu.memory_space<vmem>>, vector<16xf32>,
          %get3A_158 = arith.index_cast %add3A_130 : i32 to index
          %get3A_159 = arith.constant 64 : index
          %get3A_160 = tpu.vector_load %arg12[%get3A_158, %get3A_159] {strides = array<i32>} : memref<128x128xf32, #tpu.memory_space<vmem>>, vector<16xf32>,
          %mul3A_161 = arith.mulf %get3A_160, %gather3A : vector<16xf32>
          %swap3A_162 = arith.index_cast %add3A_130 : i32 to index
          %swap3A_163 = arith.constant 64 : index
          %swap3A_164 = tpu.vector_load %arg12[%swap3A_162, %swap3A_163] {strides = array<i32>} : memref<128x128xf32, #tpu.memory_space<vmem>>, vector<16xf32>,
          tpu.vector_store %arg12[%swap3A_162, %swap3A_163], %mul3A_161 {strides = array<i32>} : memref<128x128xf32, #tpu.memory_space<vmem>>, vector<16xf32>,
          %get3A_165 = arith.index_cast %add3A_130 : i32 to index
          %get3A_166 = arith.constant 80 : index
          %get3A_167 = tpu.vector_load %arg12[%get3A_165, %get3A_166] {strides = array<i32>} : memref<128x128xf32, #tpu.memory_space<vmem>>, vector<16xf32>,
          %mul3A_168 = arith.mulf %get3A_167, %gather3A : vector<16xf32>
          %swap3A_169 = arith.index_cast %add3A_130 : i32 to index
          %swap3A_170 = arith.constant 80 : index
          %swap3A_171 = tpu.vector_load %arg12[%swap3A_169, %swap3A_170] {strides = array<i32>} : memref<128x128xf32, #tpu.memory_space<vmem>>, vector<16xf32>,
          tpu.vector_store %arg12[%swap3A_169, %swap3A_170], %mul3A_168 {strides = array<i32>} : memref<128x128xf32, #tpu.memory_space<vmem>>, vector<16xf32>,
          %get3A_172 = arith.index_cast %add3A_130 : i32 to index
          %get3A_173 = arith.constant 96 : index
          %get3A_174 = tpu.vector_load %arg12[%get3A_172, %get3A_173] {strides = array<i32>} : memref<128x128xf32, #tpu.memory_space<vmem>>, vector<16xf32>,
          %mul3A_175 = arith.mulf %get3A_174, %gather3A : vector<16xf32>
          %swap3A_176 = arith.index_cast %add3A_130 : i32 to index
          %swap3A_177 = arith.constant 96 : index
          %swap3A_178 = tpu.vector_load %arg12[%swap3A_176, %swap3A_177] {strides = array<i32>} : memref<128x128xf32, #tpu.memory_space<vmem>>, vector<16xf32>,
          tpu.vector_store %arg12[%swap3A_176, %swap3A_177], %mul3A_175 {strides = array<i32>} : memref<128x128xf32, #tpu.memory_space<vmem>>, vector<16xf32>,
          %get3A_179 = arith.index_cast %add3A_130 : i32 to index
          %get3A_180 = arith.constant 112 : index
          %get3A_181 = tpu.vector_load %arg12[%get3A_179, %get3A_180] {strides = array<i32>} : memref<128x128xf32, #tpu.memory_space<vmem>>, vector<16xf32>,
          %mul3A_182 = arith.mulf %get3A_181, %gather3A : vector<16xf32>
          %swap3A_183 = arith.index_cast %add3A_130 : i32 to index
          %swap3A_184 = arith.constant 112 : index
          %swap3A_185 = tpu.vector_load %arg12[%swap3A_183, %swap3A_184] {strides = array<i32>} : memref<128x128xf32, #tpu.memory_space<vmem>>, vector<16xf32>,
          tpu.vector_store %arg12[%swap3A_183, %swap3A_184], %mul3A_182 {strides = array<i32>} : memref<128x128xf32, #tpu.memory_space<vmem>>, vector<16xf32>,
          %mul3A_186 = arith.constant 8 : i32
          %mul3A_187 = arith.muli %scan3A_126, %mul3A_186 : i32
          %add3A_188 = arith.constant 1 : i32
          %add3A_189 = arith.addi %mul3A_187, %add3A_188 : i32
          %broadcast_in_dim3A_190 = vector.broadcast %add3A_69 : i32 to vector<16xi32>
          %broadcast_in_dim3A_191 = vector.broadcast %add3A_189 : i32 to vector<16xi32>
          %gather3A_192 = tpu.vector_load_idx %arg10[%broadcast_in_dim3A_190, %broadcast_in_dim3A_191] : memref<20x128xf32, #tpu.memory_space<vmem>>[vector<16xi32>, vector<16xi32>], vector<16xf32>,
          %get3A_193 = arith.index_cast %add3A_189 : i32 to index
          %get3A_194 = arith.constant 0 : index
          %get3A_195 = tpu.vector_load %arg12[%get3A_193, %get3A_194] {strides = array<i32>} : memref<128x128xf32, #tpu.memory_space<vmem>>, vector<16xf32>,
          %mul3A_196 = arith.mulf %get3A_195, %gather3A_192 : vector<16xf32>
          %swap3A_197 = arith.index_cast %add3A_189 : i32 to index
          %swap3A_198 = arith.constant 0 : index
          %swap3A_199 = tpu.vector_load %arg12[%swap3A_197, %swap3A_198] {strides = array<i32>} : memref<128x128xf32, #tpu.memory_space<vmem>>, vector<16xf32>,
          tpu.vector_store %arg12[%swap3A_197, %swap3A_198], %mul3A_196 {strides = array<i32>} : memref<128x128xf32, #tpu.memory_space<vmem>>, vector<16xf32>,
          %get3A_200 = arith.index_cast %add3A_189 : i32 to index
          %get3A_201 = arith.constant 16 : index
          %get3A_202 = tpu.vector_load %arg12[%get3A_200, %get3A_201] {strides = array<i32>} : memref<128x128xf32, #tpu.memory_space<vmem>>, vector<16xf32>,
          %mul3A_203 = arith.mulf %get3A_202, %gather3A_192 : vector<16xf32>
          %swap3A_204 = arith.index_cast %add3A_189 : i32 to index
          %swap3A_205 = arith.constant 16 : index
          %swap3A_206 = tpu.vector_load %arg12[%swap3A_204, %swap3A_205] {strides = array<i32>} : memref<128x128xf32, #tpu.memory_space<vmem>>, vector<16xf32>,
          tpu.vector_store %arg12[%swap3A_204, %swap3A_205], %mul3A_203 {strides = array<i32>} : memref<128x128xf32, #tpu.memory_space<vmem>>, vector<16xf32>,
          %get3A_207 = arith.index_cast %add3A_189 : i32 to index
          %get3A_208 = arith.constant 32 : index
          %get3A_209 = tpu.vector_load %arg12[%get3A_207, %get3A_208] {strides = array<i32>} : memref<128x128xf32, #tpu.memory_space<vmem>>, vector<16xf32>,
          %mul3A_210 = arith.mulf %get3A_209, %gather3A_192 : vector<16xf32>
          %swap3A_211 = arith.index_cast %add3A_189 : i32 to index
          %swap3A_212 = arith.constant 32 : index
          %swap3A_213 = tpu.vector_load %arg12[%swap3A_211, %swap3A_212] {strides = array<i32>} : memref<128x128xf32, #tpu.memory_space<vmem>>, vector<16xf32>,
          tpu.vector_store %arg12[%swap3A_211, %swap3A_212], %mul3A_210 {strides = array<i32>} : memref<128x128xf32, #tpu.memory_space<vmem>>, vector<16xf32>,
          %get3A_214 = arith.index_cast %add3A_189 : i32 to index
          %get3A_215 = arith.constant 48 : index
          %get3A_216 = tpu.vector_load %arg12[%get3A_214, %get3A_215] {strides = array<i32>} : memref<128x128xf32, #tpu.memory_space<vmem>>, vector<16xf32>,
          %mul3A_217 = arith.mulf %get3A_216, %gather3A_192 : vector<16xf32>
          %swap3A_218 = arith.index_cast %add3A_189 : i32 to index
          %swap3A_219 = arith.constant 48 : index
          %swap3A_220 = tpu.vector_load %arg12[%swap3A_218, %swap3A_219] {strides = array<i32>} : memref<128x128xf32, #tpu.memory_space<vmem>>, vector<16xf32>,
          tpu.vector_store %arg12[%swap3A_218, %swap3A_219], %mul3A_217 {strides = array<i32>} : memref<128x128xf32, #tpu.memory_space<vmem>>, vector<16xf32>,
          %get3A_221 = arith.index_cast %add3A_189 : i32 to index
          %get3A_222 = arith.constant 64 : index
          %get3A_223 = tpu.vector_load %arg12[%get3A_221, %get3A_222] {strides = array<i32>} : memref<128x128xf32, #tpu.memory_space<vmem>>, vector<16xf32>,
          %mul3A_224 = arith.mulf %get3A_223, %gather3A_192 : vector<16xf32>
          %swap3A_225 = arith.index_cast %add3A_189 : i32 to index
          %swap3A_226 = arith.constant 64 : index
          %swap3A_227 = tpu.vector_load %arg12[%swap3A_225, %swap3A_226] {strides = array<i32>} : memref<128x128xf32, #tpu.memory_space<vmem>>, vector<16xf32>,
          tpu.vector_store %arg12[%swap3A_225, %swap3A_226], %mul3A_224 {strides = array<i32>} : memref<128x128xf32, #tpu.memory_space<vmem>>, vector<16xf32>,
          %get3A_228 = arith.index_cast %add3A_189 : i32 to index
          %get3A_229 = arith.constant 80 : index
          %get3A_230 = tpu.vector_load %arg12[%get3A_228, %get3A_229] {strides = array<i32>} : memref<128x128xf32, #tpu.memory_space<vmem>>, vector<16xf32>,
          %mul3A_231 = arith.mulf %get3A_230, %gather3A_192 : vector<16xf32>
          %swap3A_232 = arith.index_cast %add3A_189 : i32 to index
          %swap3A_233 = arith.constant 80 : index
          %swap3A_234 = tpu.vector_load %arg12[%swap3A_232, %swap3A_233] {strides = array<i32>} : memref<128x128xf32, #tpu.memory_space<vmem>>, vector<16xf32>,
          tpu.vector_store %arg12[%swap3A_232, %swap3A_233], %mul3A_231 {strides = array<i32>} : memref<128x128xf32, #tpu.memory_space<vmem>>, vector<16xf32>,
          %get3A_235 = arith.index_cast %add3A_189 : i32 to index
          %get3A_236 = arith.constant 96 : index
          %get3A_237 = tpu.vector_load %arg12[%get3A_235, %get3A_236] {strides = array<i32>} : memref<128x128xf32, #tpu.memory_space<vmem>>, vector<16xf32>,
          %mul3A_238 = arith.mulf %get3A_237, %gather3A_192 : vector<16xf32>
          %swap3A_239 = arith.index_cast %add3A_189 : i32 to index
          %swap3A_240 = arith.constant 96 : index
          %swap3A_241 = tpu.vector_load %arg12[%swap3A_239, %swap3A_240] {strides = array<i32>} : memref<128x128xf32, #tpu.memory_space<vmem>>, vector<16xf32>,
          tpu.vector_store %arg12[%swap3A_239, %swap3A_240], %mul3A_238 {strides = array<i32>} : memref<128x128xf32, #tpu.memory_space<vmem>>, vector<16xf32>,
          %get3A_242 = arith.index_cast %add3A_189 : i32 to index
          %get3A_243 = arith.constant 112 : index
          %get3A_244 = tpu.vector_load %arg12[%get3A_242, %get3A_243] {strides = array<i32>} : memref<128x128xf32, #tpu.memory_space<vmem>>, vector<16xf32>,
          %mul3A_245 = arith.mulf %get3A_244, %gather3A_192 : vector<16xf32>
          %swap3A_246 = arith.index_cast %add3A_189 : i32 to index
          %swap3A_247 = arith.constant 112 : index
          %swap3A_248 = tpu.vector_load %arg12[%swap3A_246, %swap3A_247] {strides = array<i32>} : memref<128x128xf32, #tpu.memory_space<vmem>>, vector<16xf32>,
          tpu.vector_store %arg12[%swap3A_246, %swap3A_247], %mul3A_245 {strides = array<i32>} : memref<128x128xf32, #tpu.memory_space<vmem>>, vector<16xf32>,
          %mul3A_249 = arith.constant 8 : i32
          %mul3A_250 = arith.muli %scan3A_126, %mul3A_249 : i32
          %add3A_251 = arith.constant 2 : i32
          %add3A_252 = arith.addi %mul3A_250, %add3A_251 : i32
          %broadcast_in_dim3A_253 = vector.broadcast %add3A_69 : i32 to vector<16xi32>
          %broadcast_in_dim3A_254 = vector.broadcast %add3A_252 : i32 to vector<16xi32>
          %gather3A_255 = tpu.vector_load_idx %arg10[%broadcast_in_dim3A_253, %broadcast_in_dim3A_254] : memref<20x128xf32, #tpu.memory_space<vmem>>[vector<16xi32>, vector<16xi32>], vector<16xf32>,
          %get3A_256 = arith.index_cast %add3A_252 : i32 to index
          %get3A_257 = arith.constant 0 : index
          %get3A_258 = tpu.vector_load %arg12[%get3A_256, %get3A_257] {strides = array<i32>} : memref<128x128xf32, #tpu.memory_space<vmem>>, vector<16xf32>,
          %mul3A_259 = arith.mulf %get3A_258, %gather3A_255 : vector<16xf32>
          %swap3A_260 = arith.index_cast %add3A_252 : i32 to index
          %swap3A_261 = arith.constant 0 : index
          %swap3A_262 = tpu.vector_load %arg12[%swap3A_260, %swap3A_261] {strides = array<i32>} : memref<128x128xf32, #tpu.memory_space<vmem>>, vector<16xf32>,
          tpu.vector_store %arg12[%swap3A_260, %swap3A_261], %mul3A_259 {strides = array<i32>} : memref<128x128xf32, #tpu.memory_space<vmem>>, vector<16xf32>,
          %get3A_263 = arith.index_cast %add3A_252 : i32 to index
          %get3A_264 = arith.constant 16 : index
          %get3A_265 = tpu.vector_load %arg12[%get3A_263, %get3A_264] {strides = array<i32>} : memref<128x128xf32, #tpu.memory_space<vmem>>, vector<16xf32>,
          %mul3A_266 = arith.mulf %get3A_265, %gather3A_255 : vector<16xf32>
          %swap3A_267 = arith.index_cast %add3A_252 : i32 to index
          %swap3A_268 = arith.constant 16 : index
          %swap3A_269 = tpu.vector_load %arg12[%swap3A_267, %swap3A_268] {strides = array<i32>} : memref<128x128xf32, #tpu.memory_space<vmem>>, vector<16xf32>,
          tpu.vector_store %arg12[%swap3A_267, %swap3A_268], %mul3A_266 {strides = array<i32>} : memref<128x128xf32, #tpu.memory_space<vmem>>, vector<16xf32>,
          %get3A_270 = arith.index_cast %add3A_252 : i32 to index
          %get3A_271 = arith.constant 32 : index
          %get3A_272 = tpu.vector_load %arg12[%get3A_270, %get3A_271] {strides = array<i32>} : memref<128x128xf32, #tpu.memory_space<vmem>>, vector<16xf32>,
          %mul3A_273 = arith.mulf %get3A_272, %gather3A_255 : vector<16xf32>
          %swap3A_274 = arith.index_cast %add3A_252 : i32 to index
          %swap3A_275 = arith.constant 32 : index
          %swap3A_276 = tpu.vector_load %arg12[%swap3A_274, %swap3A_275] {strides = array<i32>} : memref<128x128xf32, #tpu.memory_space<vmem>>, vector<16xf32>,
          tpu.vector_store %arg12[%swap3A_274, %swap3A_275], %mul3A_273 {strides = array<i32>} : memref<128x128xf32, #tpu.memory_space<vmem>>, vector<16xf32>,
          %get3A_277 = arith.index_cast %add3A_252 : i32 to index
          %get3A_278 = arith.constant 48 : index
          %get3A_279 = tpu.vector_load %arg12[%get3A_277, %get3A_278] {strides = array<i32>} : memref<128x128xf32, #tpu.memory_space<vmem>>, vector<16xf32>,
          %mul3A_280 = arith.mulf %get3A_279, %gather3A_255 : vector<16xf32>
          %swap3A_281 = arith.index_cast %add3A_252 : i32 to index
          %swap3A_282 = arith.constant 48 : index
          %swap3A_283 = tpu.vector_load %arg12[%swap3A_281, %swap3A_282] {strides = array<i32>} : memref<128x128xf32, #tpu.memory_space<vmem>>, vector<16xf32>,
          tpu.vector_store %arg12[%swap3A_281, %swap3A_282], %mul3A_280 {strides = array<i32>} : memref<128x128xf32, #tpu.memory_space<vmem>>, vector<16xf32>,
          %get3A_284 = arith.index_cast %add3A_252 : i32 to index
          %get3A_285 = arith.constant 64 : index
          %get3A_286 = tpu.vector_load %arg12[%get3A_284, %get3A_285] {strides = array<i32>} : memref<128x128xf32, #tpu.memory_space<vmem>>, vector<16xf32>,
          %mul3A_287 = arith.mulf %get3A_286, %gather3A_255 : vector<16xf32>
          %swap3A_288 = arith.index_cast %add3A_252 : i32 to index
          %swap3A_289 = arith.constant 64 : index
          %swap3A_290 = tpu.vector_load %arg12[%swap3A_288, %swap3A_289] {strides = array<i32>} : memref<128x128xf32, #tpu.memory_space<vmem>>, vector<16xf32>,
          tpu.vector_store %arg12[%swap3A_288, %swap3A_289], %mul3A_287 {strides = array<i32>} : memref<128x128xf32, #tpu.memory_space<vmem>>, vector<16xf32>,
          %get3A_291 = arith.index_cast %add3A_252 : i32 to index
          %get3A_292 = arith.constant 80 : index
          %get3A_293 = tpu.vector_load %arg12[%get3A_291, %get3A_292] {strides = array<i32>} : memref<128x128xf32, #tpu.memory_space<vmem>>, vector<16xf32>,
          %mul3A_294 = arith.mulf %get3A_293, %gather3A_255 : vector<16xf32>
          %swap3A_295 = arith.index_cast %add3A_252 : i32 to index
          %swap3A_296 = arith.constant 80 : index
          %swap3A_297 = tpu.vector_load %arg12[%swap3A_295, %swap3A_296] {strides = array<i32>} : memref<128x128xf32, #tpu.memory_space<vmem>>, vector<16xf32>,
          tpu.vector_store %arg12[%swap3A_295, %swap3A_296], %mul3A_294 {strides = array<i32>} : memref<128x128xf32, #tpu.memory_space<vmem>>, vector<16xf32>,
          %get3A_298 = arith.index_cast %add3A_252 : i32 to index
          %get3A_299 = arith.constant 96 : index
          %get3A_300 = tpu.vector_load %arg12[%get3A_298, %get3A_299] {strides = array<i32>} : memref<128x128xf32, #tpu.memory_space<vmem>>, vector<16xf32>,
          %mul3A_301 = arith.mulf %get3A_300, %gather3A_255 : vector<16xf32>
          %swap3A_302 = arith.index_cast %add3A_252 : i32 to index
          %swap3A_303 = arith.constant 96 : index
          %swap3A_304 = tpu.vector_load %arg12[%swap3A_302, %swap3A_303] {strides = array<i32>} : memref<128x128xf32, #tpu.memory_space<vmem>>, vector<16xf32>,
          tpu.vector_store %arg12[%swap3A_302, %swap3A_303], %mul3A_301 {strides = array<i32>} : memref<128x128xf32, #tpu.memory_space<vmem>>, vector<16xf32>,
          %get3A_305 = arith.index_cast %add3A_252 : i32 to index
          %get3A_306 = arith.constant 112 : index
          %get3A_307 = tpu.vector_load %arg12[%get3A_305, %get3A_306] {strides = array<i32>} : memref<128x128xf32, #tpu.memory_space<vmem>>, vector<16xf32>,
          %mul3A_308 = arith.mulf %get3A_307, %gather3A_255 : vector<16xf32>
          %swap3A_309 = arith.index_cast %add3A_252 : i32 to index
          %swap3A_310 = arith.constant 112 : index
          %swap3A_311 = tpu.vector_load %arg12[%swap3A_309, %swap3A_310] {strides = array<i32>} : memref<128x128xf32, #tpu.memory_space<vmem>>, vector<16xf32>,
          tpu.vector_store %arg12[%swap3A_309, %swap3A_310], %mul3A_308 {strides = array<i32>} : memref<128x128xf32, #tpu.memory_space<vmem>>, vector<16xf32>,
          %mul3A_312 = arith.constant 8 : i32
          %mul3A_313 = arith.muli %scan3A_126, %mul3A_312 : i32
          %add3A_314 = arith.constant 3 : i32
          %add3A_315 = arith.addi %mul3A_313, %add3A_314 : i32
          %broadcast_in_dim3A_316 = vector.broadcast %add3A_69 : i32 to vector<16xi32>
          %broadcast_in_dim3A_317 = vector.broadcast %add3A_315 : i32 to vector<16xi32>
          %gather3A_318 = tpu.vector_load_idx %arg10[%broadcast_in_dim3A_316, %broadcast_in_dim3A_317] : memref<20x128xf32, #tpu.memory_space<vmem>>[vector<16xi32>, vector<16xi32>], vector<16xf32>,
          %get3A_319 = arith.index_cast %add3A_315 : i32 to index
          %get3A_320 = arith.constant 0 : index
          %get3A_321 = tpu.vector_load %arg12[%get3A_319, %get3A_320] {strides = array<i32>} : memref<128x128xf32, #tpu.memory_space<vmem>>, vector<16xf32>,
          %mul3A_322 = arith.mulf %get3A_321, %gather3A_318 : vector<16xf32>
          %swap3A_323 = arith.index_cast %add3A_315 : i32 to index
          %swap3A_324 = arith.constant 0 : index
          %swap3A_325 = tpu.vector_load %arg12[%swap3A_323, %swap3A_324] {strides = array<i32>} : memref<128x128xf32, #tpu.memory_space<vmem>>, vector<16xf32>,
          tpu.vector_store %arg12[%swap3A_323, %swap3A_324], %mul3A_322 {strides = array<i32>} : memref<128x128xf32, #tpu.memory_space<vmem>>, vector<16xf32>,
          %get3A_326 = arith.index_cast %add3A_315 : i32 to index
          %get3A_327 = arith.constant 16 : index
          %get3A_328 = tpu.vector_load %arg12[%get3A_326, %get3A_327] {strides = array<i32>} : memref<128x128xf32, #tpu.memory_space<vmem>>, vector<16xf32>,
          %mul3A_329 = arith.mulf %get3A_328, %gather3A_318 : vector<16xf32>
          %swap3A_330 = arith.index_cast %add3A_315 : i32 to index
          %swap3A_331 = arith.constant 16 : index
          %swap3A_332 = tpu.vector_load %arg12[%swap3A_330, %swap3A_331] {strides = array<i32>} : memref<128x128xf32, #tpu.memory_space<vmem>>, vector<16xf32>,
          tpu.vector_store %arg12[%swap3A_330, %swap3A_331], %mul3A_329 {strides = array<i32>} : memref<128x128xf32, #tpu.memory_space<vmem>>, vector<16xf32>,
          %get3A_333 = arith.index_cast %add3A_315 : i32 to index
          %get3A_334 = arith.constant 32 : index
          %get3A_335 = tpu.vector_load %arg12[%get3A_333, %get3A_334] {strides = array<i32>} : memref<128x128xf32, #tpu.memory_space<vmem>>, vector<16xf32>,
          %mul3A_336 = arith.mulf %get3A_335, %gather3A_318 : vector<16xf32>
          %swap3A_337 = arith.index_cast %add3A_315 : i32 to index
          %swap3A_338 = arith.constant 32 : index
          %swap3A_339 = tpu.vector_load %arg12[%swap3A_337, %swap3A_338] {strides = array<i32>} : memref<128x128xf32, #tpu.memory_space<vmem>>, vector<16xf32>,
          tpu.vector_store %arg12[%swap3A_337, %swap3A_338], %mul3A_336 {strides = array<i32>} : memref<128x128xf32, #tpu.memory_space<vmem>>, vector<16xf32>,
          %get3A_340 = arith.index_cast %add3A_315 : i32 to index
          %get3A_341 = arith.constant 48 : index
          %get3A_342 = tpu.vector_load %arg12[%get3A_340, %get3A_341] {strides = array<i32>} : memref<128x128xf32, #tpu.memory_space<vmem>>, vector<16xf32>,
          %mul3A_343 = arith.mulf %get3A_342, %gather3A_318 : vector<16xf32>
          %swap3A_344 = arith.index_cast %add3A_315 : i32 to index
          %swap3A_345 = arith.constant 48 : index
          %swap3A_346 = tpu.vector_load %arg12[%swap3A_344, %swap3A_345] {strides = array<i32>} : memref<128x128xf32, #tpu.memory_space<vmem>>, vector<16xf32>,
          tpu.vector_store %arg12[%swap3A_344, %swap3A_345], %mul3A_343 {strides = array<i32>} : memref<128x128xf32, #tpu.memory_space<vmem>>, vector<16xf32>,
          %get3A_347 = arith.index_cast %add3A_315 : i32 to index
          %get3A_348 = arith.constant 64 : index
          %get3A_349 = tpu.vector_load %arg12[%get3A_347, %get3A_348] {strides = array<i32>} : memref<128x128xf32, #tpu.memory_space<vmem>>, vector<16xf32>,
          %mul3A_350 = arith.mulf %get3A_349, %gather3A_318 : vector<16xf32>
          %swap3A_351 = arith.index_cast %add3A_315 : i32 to index
          %swap3A_352 = arith.constant 64 : index
          %swap3A_353 = tpu.vector_load %arg12[%swap3A_351, %swap3A_352] {strides = array<i32>} : memref<128x128xf32, #tpu.memory_space<vmem>>, vector<16xf32>,
          tpu.vector_store %arg12[%swap3A_351, %swap3A_352], %mul3A_350 {strides = array<i32>} : memref<128x128xf32, #tpu.memory_space<vmem>>, vector<16xf32>,
          %get3A_354 = arith.index_cast %add3A_315 : i32 to index
          %get3A_355 = arith.constant 80 : index
          %get3A_356 = tpu.vector_load %arg12[%get3A_354, %get3A_355] {strides = array<i32>} : memref<128x128xf32, #tpu.memory_space<vmem>>, vector<16xf32>,
          %mul3A_357 = arith.mulf %get3A_356, %gather3A_318 : vector<16xf32>
          %swap3A_358 = arith.index_cast %add3A_315 : i32 to index
          %swap3A_359 = arith.constant 80 : index
          %swap3A_360 = tpu.vector_load %arg12[%swap3A_358, %swap3A_359] {strides = array<i32>} : memref<128x128xf32, #tpu.memory_space<vmem>>, vector<16xf32>,
          tpu.vector_store %arg12[%swap3A_358, %swap3A_359], %mul3A_357 {strides = array<i32>} : memref<128x128xf32, #tpu.memory_space<vmem>>, vector<16xf32>,
          %get3A_361 = arith.index_cast %add3A_315 : i32 to index
          %get3A_362 = arith.constant 96 : index
          %get3A_363 = tpu.vector_load %arg12[%get3A_361, %get3A_362] {strides = array<i32>} : memref<128x128xf32, #tpu.memory_space<vmem>>, vector<16xf32>,
          %mul3A_364 = arith.mulf %get3A_363, %gather3A_318 : vector<16xf32>
          %swap3A_365 = arith.index_cast %add3A_315 : i32 to index
          %swap3A_366 = arith.constant 96 : index
          %swap3A_367 = tpu.vector_load %arg12[%swap3A_365, %swap3A_366] {strides = array<i32>} : memref<128x128xf32, #tpu.memory_space<vmem>>, vector<16xf32>,
          tpu.vector_store %arg12[%swap3A_365, %swap3A_366], %mul3A_364 {strides = array<i32>} : memref<128x128xf32, #tpu.memory_space<vmem>>, vector<16xf32>,
          %get3A_368 = arith.index_cast %add3A_315 : i32 to index
          %get3A_369 = arith.constant 112 : index
          %get3A_370 = tpu.vector_load %arg12[%get3A_368, %get3A_369] {strides = array<i32>} : memref<128x128xf32, #tpu.memory_space<vmem>>, vector<16xf32>,
          %mul3A_371 = arith.mulf %get3A_370, %gather3A_318 : vector<16xf32>
          %swap3A_372 = arith.index_cast %add3A_315 : i32 to index
          %swap3A_373 = arith.constant 112 : index
          %swap3A_374 = tpu.vector_load %arg12[%swap3A_372, %swap3A_373] {strides = array<i32>} : memref<128x128xf32, #tpu.memory_space<vmem>>, vector<16xf32>,
          tpu.vector_store %arg12[%swap3A_372, %swap3A_373], %mul3A_371 {strides = array<i32>} : memref<128x128xf32, #tpu.memory_space<vmem>>, vector<16xf32>,
          %mul3A_375 = arith.constant 8 : i32
          %mul3A_376 = arith.muli %scan3A_126, %mul3A_375 : i32
          %add3A_377 = arith.constant 4 : i32
          %add3A_378 = arith.addi %mul3A_376, %add3A_377 : i32
          %broadcast_in_dim3A_379 = vector.broadcast %add3A_69 : i32 to vector<16xi32>
          %broadcast_in_dim3A_380 = vector.broadcast %add3A_378 : i32 to vector<16xi32>
          %gather3A_381 = tpu.vector_load_idx %arg10[%broadcast_in_dim3A_379, %broadcast_in_dim3A_380] : memref<20x128xf32, #tpu.memory_space<vmem>>[vector<16xi32>, vector<16xi32>], vector<16xf32>,
          %get3A_382 = arith.index_cast %add3A_378 : i32 to index
          %get3A_383 = arith.constant 0 : index
          %get3A_384 = tpu.vector_load %arg12[%get3A_382, %get3A_383] {strides = array<i32>} : memref<128x128xf32, #tpu.memory_space<vmem>>, vector<16xf32>,
          %mul3A_385 = arith.mulf %get3A_384, %gather3A_381 : vector<16xf32>
          %swap3A_386 = arith.index_cast %add3A_378 : i32 to index
          %swap3A_387 = arith.constant 0 : index
          %swap3A_388 = tpu.vector_load %arg12[%swap3A_386, %swap3A_387] {strides = array<i32>} : memref<128x128xf32, #tpu.memory_space<vmem>>, vector<16xf32>,
          tpu.vector_store %arg12[%swap3A_386, %swap3A_387], %mul3A_385 {strides = array<i32>} : memref<128x128xf32, #tpu.memory_space<vmem>>, vector<16xf32>,
          %get3A_389 = arith.index_cast %add3A_378 : i32 to index
          %get3A_390 = arith.constant 16 : index
          %get3A_391 = tpu.vector_load %arg12[%get3A_389, %get3A_390] {strides = array<i32>} : memref<128x128xf32, #tpu.memory_space<vmem>>, vector<16xf32>,
          %mul3A_392 = arith.mulf %get3A_391, %gather3A_381 : vector<16xf32>
          %swap3A_393 = arith.index_cast %add3A_378 : i32 to index
          %swap3A_394 = arith.constant 16 : index
          %swap3A_395 = tpu.vector_load %arg12[%swap3A_393, %swap3A_394] {strides = array<i32>} : memref<128x128xf32, #tpu.memory_space<vmem>>, vector<16xf32>,
          tpu.vector_store %arg12[%swap3A_393, %swap3A_394], %mul3A_392 {strides = array<i32>} : memref<128x128xf32, #tpu.memory_space<vmem>>, vector<16xf32>,
          %get3A_396 = arith.index_cast %add3A_378 : i32 to index
          %get3A_397 = arith.constant 32 : index
          %get3A_398 = tpu.vector_load %arg12[%get3A_396, %get3A_397] {strides = array<i32>} : memref<128x128xf32, #tpu.memory_space<vmem>>, vector<16xf32>,
          %mul3A_399 = arith.mulf %get3A_398, %gather3A_381 : vector<16xf32>
          %swap3A_400 = arith.index_cast %add3A_378 : i32 to index
          %swap3A_401 = arith.constant 32 : index
          %swap3A_402 = tpu.vector_load %arg12[%swap3A_400, %swap3A_401] {strides = array<i32>} : memref<128x128xf32, #tpu.memory_space<vmem>>, vector<16xf32>,
          tpu.vector_store %arg12[%swap3A_400, %swap3A_401], %mul3A_399 {strides = array<i32>} : memref<128x128xf32, #tpu.memory_space<vmem>>, vector<16xf32>,
          %get3A_403 = arith.index_cast %add3A_378 : i32 to index
          %get3A_404 = arith.constant 48 : index
          %get3A_405 = tpu.vector_load %arg12[%get3A_403, %get3A_404] {strides = array<i32>} : memref<128x128xf32, #tpu.memory_space<vmem>>, vector<16xf32>,
          %mul3A_406 = arith.mulf %get3A_405, %gather3A_381 : vector<16xf32>
          %swap3A_407 = arith.index_cast %add3A_378 : i32 to index
          %swap3A_408 = arith.constant 48 : index
          %swap3A_409 = tpu.vector_load %arg12[%swap3A_407, %swap3A_408] {strides = array<i32>} : memref<128x128xf32, #tpu.memory_space<vmem>>, vector<16xf32>,
          tpu.vector_store %arg12[%swap3A_407, %swap3A_408], %mul3A_406 {strides = array<i32>} : memref<128x128xf32, #tpu.memory_space<vmem>>, vector<16xf32>,
          %get3A_410 = arith.index_cast %add3A_378 : i32 to index
          %get3A_411 = arith.constant 64 : index
          %get3A_412 = tpu.vector_load %arg12[%get3A_410, %get3A_411] {strides = array<i32>} : memref<128x128xf32, #tpu.memory_space<vmem>>, vector<16xf32>,
          %mul3A_413 = arith.mulf %get3A_412, %gather3A_381 : vector<16xf32>
          %swap3A_414 = arith.index_cast %add3A_378 : i32 to index
          %swap3A_415 = arith.constant 64 : index
          %swap3A_416 = tpu.vector_load %arg12[%swap3A_414, %swap3A_415] {strides = array<i32>} : memref<128x128xf32, #tpu.memory_space<vmem>>, vector<16xf32>,
          tpu.vector_store %arg12[%swap3A_414, %swap3A_415], %mul3A_413 {strides = array<i32>} : memref<128x128xf32, #tpu.memory_space<vmem>>, vector<16xf32>,
          %get3A_417 = arith.index_cast %add3A_378 : i32 to index
          %get3A_418 = arith.constant 80 : index
          %get3A_419 = tpu.vector_load %arg12[%get3A_417, %get3A_418] {strides = array<i32>} : memref<128x128xf32, #tpu.memory_space<vmem>>, vector<16xf32>,
          %mul3A_420 = arith.mulf %get3A_419, %gather3A_381 : vector<16xf32>
          %swap3A_421 = arith.index_cast %add3A_378 : i32 to index
          %swap3A_422 = arith.constant 80 : index
          %swap3A_423 = tpu.vector_load %arg12[%swap3A_421, %swap3A_422] {strides = array<i32>} : memref<128x128xf32, #tpu.memory_space<vmem>>, vector<16xf32>,
          tpu.vector_store %arg12[%swap3A_421, %swap3A_422], %mul3A_420 {strides = array<i32>} : memref<128x128xf32, #tpu.memory_space<vmem>>, vector<16xf32>,
          %get3A_424 = arith.index_cast %add3A_378 : i32 to index
          %get3A_425 = arith.constant 96 : index
          %get3A_426 = tpu.vector_load %arg12[%get3A_424, %get3A_425] {strides = array<i32>} : memref<128x128xf32, #tpu.memory_space<vmem>>, vector<16xf32>,
          %mul3A_427 = arith.mulf %get3A_426, %gather3A_381 : vector<16xf32>
          %swap3A_428 = arith.index_cast %add3A_378 : i32 to index
          %swap3A_429 = arith.constant 96 : index
          %swap3A_430 = tpu.vector_load %arg12[%swap3A_428, %swap3A_429] {strides = array<i32>} : memref<128x128xf32, #tpu.memory_space<vmem>>, vector<16xf32>,
          tpu.vector_store %arg12[%swap3A_428, %swap3A_429], %mul3A_427 {strides = array<i32>} : memref<128x128xf32, #tpu.memory_space<vmem>>, vector<16xf32>,
          %get3A_431 = arith.index_cast %add3A_378 : i32 to index
          %get3A_432 = arith.constant 112 : index
          %get3A_433 = tpu.vector_load %arg12[%get3A_431, %get3A_432] {strides = array<i32>} : memref<128x128xf32, #tpu.memory_space<vmem>>, vector<16xf32>,
          %mul3A_434 = arith.mulf %get3A_433, %gather3A_381 : vector<16xf32>
          %swap3A_435 = arith.index_cast %add3A_378 : i32 to index
          %swap3A_436 = arith.constant 112 : index
          %swap3A_437 = tpu.vector_load %arg12[%swap3A_435, %swap3A_436] {strides = array<i32>} : memref<128x128xf32, #tpu.memory_space<vmem>>, vector<16xf32>,
          tpu.vector_store %arg12[%swap3A_435, %swap3A_436], %mul3A_434 {strides = array<i32>} : memref<128x128xf32, #tpu.memory_space<vmem>>, vector<16xf32>,
          %mul3A_438 = arith.constant 8 : i32
          %mul3A_439 = arith.muli %scan3A_126, %mul3A_438 : i32
          %add3A_440 = arith.constant 5 : i32
          %add3A_441 = arith.addi %mul3A_439, %add3A_440 : i32
          %broadcast_in_dim3A_442 = vector.broadcast %add3A_69 : i32 to vector<16xi32>
          %broadcast_in_dim3A_443 = vector.broadcast %add3A_441 : i32 to vector<16xi32>
          %gather3A_444 = tpu.vector_load_idx %arg10[%broadcast_in_dim3A_442, %broadcast_in_dim3A_443] : memref<20x128xf32, #tpu.memory_space<vmem>>[vector<16xi32>, vector<16xi32>], vector<16xf32>,
          %get3A_445 = arith.index_cast %add3A_441 : i32 to index
          %get3A_446 = arith.constant 0 : index
          %get3A_447 = tpu.vector_load %arg12[%get3A_445, %get3A_446] {strides = array<i32>} : memref<128x128xf32, #tpu.memory_space<vmem>>, vector<16xf32>,
          %mul3A_448 = arith.mulf %get3A_447, %gather3A_444 : vector<16xf32>
          %swap3A_449 = arith.index_cast %add3A_441 : i32 to index
          %swap3A_450 = arith.constant 0 : index
          %swap3A_451 = tpu.vector_load %arg12[%swap3A_449, %swap3A_450] {strides = array<i32>} : memref<128x128xf32, #tpu.memory_space<vmem>>, vector<16xf32>,
          tpu.vector_store %arg12[%swap3A_449, %swap3A_450], %mul3A_448 {strides = array<i32>} : memref<128x128xf32, #tpu.memory_space<vmem>>, vector<16xf32>,
          %get3A_452 = arith.index_cast %add3A_441 : i32 to index
          %get3A_453 = arith.constant 16 : index
          %get3A_454 = tpu.vector_load %arg12[%get3A_452, %get3A_453] {strides = array<i32>} : memref<128x128xf32, #tpu.memory_space<vmem>>, vector<16xf32>,
          %mul3A_455 = arith.mulf %get3A_454, %gather3A_444 : vector<16xf32>
          %swap3A_456 = arith.index_cast %add3A_441 : i32 to index
          %swap3A_457 = arith.constant 16 : index
          %swap3A_458 = tpu.vector_load %arg12[%swap3A_456, %swap3A_457] {strides = array<i32>} : memref<128x128xf32, #tpu.memory_space<vmem>>, vector<16xf32>,
          tpu.vector_store %arg12[%swap3A_456, %swap3A_457], %mul3A_455 {strides = array<i32>} : memref<128x128xf32, #tpu.memory_space<vmem>>, vector<16xf32>,
          %get3A_459 = arith.index_cast %add3A_441 : i32 to index
          %get3A_460 = arith.constant 32 : index
          %get3A_461 = tpu.vector_load %arg12[%get3A_459, %get3A_460] {strides = array<i32>} : memref<128x128xf32, #tpu.memory_space<vmem>>, vector<16xf32>,
          %mul3A_462 = arith.mulf %get3A_461, %gather3A_444 : vector<16xf32>
          %swap3A_463 = arith.index_cast %add3A_441 : i32 to index
          %swap3A_464 = arith.constant 32 : index
          %swap3A_465 = tpu.vector_load %arg12[%swap3A_463, %swap3A_464] {strides = array<i32>} : memref<128x128xf32, #tpu.memory_space<vmem>>, vector<16xf32>,
          tpu.vector_store %arg12[%swap3A_463, %swap3A_464], %mul3A_462 {strides = array<i32>} : memref<128x128xf32, #tpu.memory_space<vmem>>, vector<16xf32>,
          %get3A_466 = arith.index_cast %add3A_441 : i32 to index
          %get3A_467 = arith.constant 48 : index
          %get3A_468 = tpu.vector_load %arg12[%get3A_466, %get3A_467] {strides = array<i32>} : memref<128x128xf32, #tpu.memory_space<vmem>>, vector<16xf32>,
          %mul3A_469 = arith.mulf %get3A_468, %gather3A_444 : vector<16xf32>
          %swap3A_470 = arith.index_cast %add3A_441 : i32 to index
          %swap3A_471 = arith.constant 48 : index
          %swap3A_472 = tpu.vector_load %arg12[%swap3A_470, %swap3A_471] {strides = array<i32>} : memref<128x128xf32, #tpu.memory_space<vmem>>, vector<16xf32>,
          tpu.vector_store %arg12[%swap3A_470, %swap3A_471], %mul3A_469 {strides = array<i32>} : memref<128x128xf32, #tpu.memory_space<vmem>>, vector<16xf32>,
          %get3A_473 = arith.index_cast %add3A_441 : i32 to index
          %get3A_474 = arith.constant 64 : index
          %get3A_475 = tpu.vector_load %arg12[%get3A_473, %get3A_474] {strides = array<i32>} : memref<128x128xf32, #tpu.memory_space<vmem>>, vector<16xf32>,
          %mul3A_476 = arith.mulf %get3A_475, %gather3A_444 : vector<16xf32>
          %swap3A_477 = arith.index_cast %add3A_441 : i32 to index
          %swap3A_478 = arith.constant 64 : index
          %swap3A_479 = tpu.vector_load %arg12[%swap3A_477, %swap3A_478] {strides = array<i32>} : memref<128x128xf32, #tpu.memory_space<vmem>>, vector<16xf32>,
          tpu.vector_store %arg12[%swap3A_477, %swap3A_478], %mul3A_476 {strides = array<i32>} : memref<128x128xf32, #tpu.memory_space<vmem>>, vector<16xf32>,
          %get3A_480 = arith.index_cast %add3A_441 : i32 to index
          %get3A_481 = arith.constant 80 : index
          %get3A_482 = tpu.vector_load %arg12[%get3A_480, %get3A_481] {strides = array<i32>} : memref<128x128xf32, #tpu.memory_space<vmem>>, vector<16xf32>,
          %mul3A_483 = arith.mulf %get3A_482, %gather3A_444 : vector<16xf32>
          %swap3A_484 = arith.index_cast %add3A_441 : i32 to index
          %swap3A_485 = arith.constant 80 : index
          %swap3A_486 = tpu.vector_load %arg12[%swap3A_484, %swap3A_485] {strides = array<i32>} : memref<128x128xf32, #tpu.memory_space<vmem>>, vector<16xf32>,
          tpu.vector_store %arg12[%swap3A_484, %swap3A_485], %mul3A_483 {strides = array<i32>} : memref<128x128xf32, #tpu.memory_space<vmem>>, vector<16xf32>,
          %get3A_487 = arith.index_cast %add3A_441 : i32 to index
          %get3A_488 = arith.constant 96 : index
          %get3A_489 = tpu.vector_load %arg12[%get3A_487, %get3A_488] {strides = array<i32>} : memref<128x128xf32, #tpu.memory_space<vmem>>, vector<16xf32>,
          %mul3A_490 = arith.mulf %get3A_489, %gather3A_444 : vector<16xf32>
          %swap3A_491 = arith.index_cast %add3A_441 : i32 to index
          %swap3A_492 = arith.constant 96 : index
          %swap3A_493 = tpu.vector_load %arg12[%swap3A_491, %swap3A_492] {strides = array<i32>} : memref<128x128xf32, #tpu.memory_space<vmem>>, vector<16xf32>,
          tpu.vector_store %arg12[%swap3A_491, %swap3A_492], %mul3A_490 {strides = array<i32>} : memref<128x128xf32, #tpu.memory_space<vmem>>, vector<16xf32>,
          %get3A_494 = arith.index_cast %add3A_441 : i32 to index
          %get3A_495 = arith.constant 112 : index
          %get3A_496 = tpu.vector_load %arg12[%get3A_494, %get3A_495] {strides = array<i32>} : memref<128x128xf32, #tpu.memory_space<vmem>>, vector<16xf32>,
          %mul3A_497 = arith.mulf %get3A_496, %gather3A_444 : vector<16xf32>
          %swap3A_498 = arith.index_cast %add3A_441 : i32 to index
          %swap3A_499 = arith.constant 112 : index
          %swap3A_500 = tpu.vector_load %arg12[%swap3A_498, %swap3A_499] {strides = array<i32>} : memref<128x128xf32, #tpu.memory_space<vmem>>, vector<16xf32>,
          tpu.vector_store %arg12[%swap3A_498, %swap3A_499], %mul3A_497 {strides = array<i32>} : memref<128x128xf32, #tpu.memory_space<vmem>>, vector<16xf32>,
          %mul3A_501 = arith.constant 8 : i32
          %mul3A_502 = arith.muli %scan3A_126, %mul3A_501 : i32
          %add3A_503 = arith.constant 6 : i32
          %add3A_504 = arith.addi %mul3A_502, %add3A_503 : i32
          %broadcast_in_dim3A_505 = vector.broadcast %add3A_69 : i32 to vector<16xi32>
          %broadcast_in_dim3A_506 = vector.broadcast %add3A_504 : i32 to vector<16xi32>
          %gather3A_507 = tpu.vector_load_idx %arg10[%broadcast_in_dim3A_505, %broadcast_in_dim3A_506] : memref<20x128xf32, #tpu.memory_space<vmem>>[vector<16xi32>, vector<16xi32>], vector<16xf32>,
          %get3A_508 = arith.index_cast %add3A_504 : i32 to index
          %get3A_509 = arith.constant 0 : index
          %get3A_510 = tpu.vector_load %arg12[%get3A_508, %get3A_509] {strides = array<i32>} : memref<128x128xf32, #tpu.memory_space<vmem>>, vector<16xf32>,
          %mul3A_511 = arith.mulf %get3A_510, %gather3A_507 : vector<16xf32>
          %swap3A_512 = arith.index_cast %add3A_504 : i32 to index
          %swap3A_513 = arith.constant 0 : index
          %swap3A_514 = tpu.vector_load %arg12[%swap3A_512, %swap3A_513] {strides = array<i32>} : memref<128x128xf32, #tpu.memory_space<vmem>>, vector<16xf32>,
          tpu.vector_store %arg12[%swap3A_512, %swap3A_513], %mul3A_511 {strides = array<i32>} : memref<128x128xf32, #tpu.memory_space<vmem>>, vector<16xf32>,
          %get3A_515 = arith.index_cast %add3A_504 : i32 to index
          %get3A_516 = arith.constant 16 : index
          %get3A_517 = tpu.vector_load %arg12[%get3A_515, %get3A_516] {strides = array<i32>} : memref<128x128xf32, #tpu.memory_space<vmem>>, vector<16xf32>,
          %mul3A_518 = arith.mulf %get3A_517, %gather3A_507 : vector<16xf32>
          %swap3A_519 = arith.index_cast %add3A_504 : i32 to index
          %swap3A_520 = arith.constant 16 : index
          %swap3A_521 = tpu.vector_load %arg12[%swap3A_519, %swap3A_520] {strides = array<i32>} : memref<128x128xf32, #tpu.memory_space<vmem>>, vector<16xf32>,
          tpu.vector_store %arg12[%swap3A_519, %swap3A_520], %mul3A_518 {strides = array<i32>} : memref<128x128xf32, #tpu.memory_space<vmem>>, vector<16xf32>,
          %get3A_522 = arith.index_cast %add3A_504 : i32 to index
          %get3A_523 = arith.constant 32 : index
          %get3A_524 = tpu.vector_load %arg12[%get3A_522, %get3A_523] {strides = array<i32>} : memref<128x128xf32, #tpu.memory_space<vmem>>, vector<16xf32>,
          %mul3A_525 = arith.mulf %get3A_524, %gather3A_507 : vector<16xf32>
          %swap3A_526 = arith.index_cast %add3A_504 : i32 to index
          %swap3A_527 = arith.constant 32 : index
          %swap3A_528 = tpu.vector_load %arg12[%swap3A_526, %swap3A_527] {strides = array<i32>} : memref<128x128xf32, #tpu.memory_space<vmem>>, vector<16xf32>,
          tpu.vector_store %arg12[%swap3A_526, %swap3A_527], %mul3A_525 {strides = array<i32>} : memref<128x128xf32, #tpu.memory_space<vmem>>, vector<16xf32>,
          %get3A_529 = arith.index_cast %add3A_504 : i32 to index
          %get3A_530 = arith.constant 48 : index
          %get3A_531 = tpu.vector_load %arg12[%get3A_529, %get3A_530] {strides = array<i32>} : memref<128x128xf32, #tpu.memory_space<vmem>>, vector<16xf32>,
          %mul3A_532 = arith.mulf %get3A_531, %gather3A_507 : vector<16xf32>
          %swap3A_533 = arith.index_cast %add3A_504 : i32 to index
          %swap3A_534 = arith.constant 48 : index
          %swap3A_535 = tpu.vector_load %arg12[%swap3A_533, %swap3A_534] {strides = array<i32>} : memref<128x128xf32, #tpu.memory_space<vmem>>, vector<16xf32>,
          tpu.vector_store %arg12[%swap3A_533, %swap3A_534], %mul3A_532 {strides = array<i32>} : memref<128x128xf32, #tpu.memory_space<vmem>>, vector<16xf32>,
          %get3A_536 = arith.index_cast %add3A_504 : i32 to index
          %get3A_537 = arith.constant 64 : index
          %get3A_538 = tpu.vector_load %arg12[%get3A_536, %get3A_537] {strides = array<i32>} : memref<128x128xf32, #tpu.memory_space<vmem>>, vector<16xf32>,
          %mul3A_539 = arith.mulf %get3A_538, %gather3A_507 : vector<16xf32>
          %swap3A_540 = arith.index_cast %add3A_504 : i32 to index
          %swap3A_541 = arith.constant 64 : index
          %swap3A_542 = tpu.vector_load %arg12[%swap3A_540, %swap3A_541] {strides = array<i32>} : memref<128x128xf32, #tpu.memory_space<vmem>>, vector<16xf32>,
          tpu.vector_store %arg12[%swap3A_540, %swap3A_541], %mul3A_539 {strides = array<i32>} : memref<128x128xf32, #tpu.memory_space<vmem>>, vector<16xf32>,
          %get3A_543 = arith.index_cast %add3A_504 : i32 to index
          %get3A_544 = arith.constant 80 : index
          %get3A_545 = tpu.vector_load %arg12[%get3A_543, %get3A_544] {strides = array<i32>} : memref<128x128xf32, #tpu.memory_space<vmem>>, vector<16xf32>,
          %mul3A_546 = arith.mulf %get3A_545, %gather3A_507 : vector<16xf32>
          %swap3A_547 = arith.index_cast %add3A_504 : i32 to index
          %swap3A_548 = arith.constant 80 : index
          %swap3A_549 = tpu.vector_load %arg12[%swap3A_547, %swap3A_548] {strides = array<i32>} : memref<128x128xf32, #tpu.memory_space<vmem>>, vector<16xf32>,
          tpu.vector_store %arg12[%swap3A_547, %swap3A_548], %mul3A_546 {strides = array<i32>} : memref<128x128xf32, #tpu.memory_space<vmem>>, vector<16xf32>,
          %get3A_550 = arith.index_cast %add3A_504 : i32 to index
          %get3A_551 = arith.constant 96 : index
          %get3A_552 = tpu.vector_load %arg12[%get3A_550, %get3A_551] {strides = array<i32>} : memref<128x128xf32, #tpu.memory_space<vmem>>, vector<16xf32>,
          %mul3A_553 = arith.mulf %get3A_552, %gather3A_507 : vector<16xf32>
          %swap3A_554 = arith.index_cast %add3A_504 : i32 to index
          %swap3A_555 = arith.constant 96 : index
          %swap3A_556 = tpu.vector_load %arg12[%swap3A_554, %swap3A_555] {strides = array<i32>} : memref<128x128xf32, #tpu.memory_space<vmem>>, vector<16xf32>,
          tpu.vector_store %arg12[%swap3A_554, %swap3A_555], %mul3A_553 {strides = array<i32>} : memref<128x128xf32, #tpu.memory_space<vmem>>, vector<16xf32>,
          %get3A_557 = arith.index_cast %add3A_504 : i32 to index
          %get3A_558 = arith.constant 112 : index
          %get3A_559 = tpu.vector_load %arg12[%get3A_557, %get3A_558] {strides = array<i32>} : memref<128x128xf32, #tpu.memory_space<vmem>>, vector<16xf32>,
          %mul3A_560 = arith.mulf %get3A_559, %gather3A_507 : vector<16xf32>
          %swap3A_561 = arith.index_cast %add3A_504 : i32 to index
          %swap3A_562 = arith.constant 112 : index
          %swap3A_563 = tpu.vector_load %arg12[%swap3A_561, %swap3A_562] {strides = array<i32>} : memref<128x128xf32, #tpu.memory_space<vmem>>, vector<16xf32>,
          tpu.vector_store %arg12[%swap3A_561, %swap3A_562], %mul3A_560 {strides = array<i32>} : memref<128x128xf32, #tpu.memory_space<vmem>>, vector<16xf32>,
          %mul3A_564 = arith.constant 8 : i32
          %mul3A_565 = arith.muli %scan3A_126, %mul3A_564 : i32
          %add3A_566 = arith.constant 7 : i32
          %add3A_567 = arith.addi %mul3A_565, %add3A_566 : i32
          %broadcast_in_dim3A_568 = vector.broadcast %add3A_69 : i32 to vector<16xi32>
          %broadcast_in_dim3A_569 = vector.broadcast %add3A_567 : i32 to vector<16xi32>
          %gather3A_570 = tpu.vector_load_idx %arg10[%broadcast_in_dim3A_568, %broadcast_in_dim3A_569] : memref<20x128xf32, #tpu.memory_space<vmem>>[vector<16xi32>, vector<16xi32>], vector<16xf32>,
          %get3A_571 = arith.index_cast %add3A_567 : i32 to index
          %get3A_572 = arith.constant 0 : index
          %get3A_573 = tpu.vector_load %arg12[%get3A_571, %get3A_572] {strides = array<i32>} : memref<128x128xf32, #tpu.memory_space<vmem>>, vector<16xf32>,
          %mul3A_574 = arith.mulf %get3A_573, %gather3A_570 : vector<16xf32>
          %swap3A_575 = arith.index_cast %add3A_567 : i32 to index
          %swap3A_576 = arith.constant 0 : index
          %swap3A_577 = tpu.vector_load %arg12[%swap3A_575, %swap3A_576] {strides = array<i32>} : memref<128x128xf32, #tpu.memory_space<vmem>>, vector<16xf32>,
          tpu.vector_store %arg12[%swap3A_575, %swap3A_576], %mul3A_574 {strides = array<i32>} : memref<128x128xf32, #tpu.memory_space<vmem>>, vector<16xf32>,
          %get3A_578 = arith.index_cast %add3A_567 : i32 to index
          %get3A_579 = arith.constant 16 : index
          %get3A_580 = tpu.vector_load %arg12[%get3A_578, %get3A_579] {strides = array<i32>} : memref<128x128xf32, #tpu.memory_space<vmem>>, vector<16xf32>,
          %mul3A_581 = arith.mulf %get3A_580, %gather3A_570 : vector<16xf32>
          %swap3A_582 = arith.index_cast %add3A_567 : i32 to index
          %swap3A_583 = arith.constant 16 : index
          %swap3A_584 = tpu.vector_load %arg12[%swap3A_582, %swap3A_583] {strides = array<i32>} : memref<128x128xf32, #tpu.memory_space<vmem>>, vector<16xf32>,
          tpu.vector_store %arg12[%swap3A_582, %swap3A_583], %mul3A_581 {strides = array<i32>} : memref<128x128xf32, #tpu.memory_space<vmem>>, vector<16xf32>,
          %get3A_585 = arith.index_cast %add3A_567 : i32 to index
          %get3A_586 = arith.constant 32 : index
          %get3A_587 = tpu.vector_load %arg12[%get3A_585, %get3A_586] {strides = array<i32>} : memref<128x128xf32, #tpu.memory_space<vmem>>, vector<16xf32>,
          %mul3A_588 = arith.mulf %get3A_587, %gather3A_570 : vector<16xf32>
          %swap3A_589 = arith.index_cast %add3A_567 : i32 to index
          %swap3A_590 = arith.constant 32 : index
          %swap3A_591 = tpu.vector_load %arg12[%swap3A_589, %swap3A_590] {strides = array<i32>} : memref<128x128xf32, #tpu.memory_space<vmem>>, vector<16xf32>,
          tpu.vector_store %arg12[%swap3A_589, %swap3A_590], %mul3A_588 {strides = array<i32>} : memref<128x128xf32, #tpu.memory_space<vmem>>, vector<16xf32>,
          %get3A_592 = arith.index_cast %add3A_567 : i32 to index
          %get3A_593 = arith.constant 48 : index
          %get3A_594 = tpu.vector_load %arg12[%get3A_592, %get3A_593] {strides = array<i32>} : memref<128x128xf32, #tpu.memory_space<vmem>>, vector<16xf32>,
          %mul3A_595 = arith.mulf %get3A_594, %gather3A_570 : vector<16xf32>
          %swap3A_596 = arith.index_cast %add3A_567 : i32 to index
          %swap3A_597 = arith.constant 48 : index
          %swap3A_598 = tpu.vector_load %arg12[%swap3A_596, %swap3A_597] {strides = array<i32>} : memref<128x128xf32, #tpu.memory_space<vmem>>, vector<16xf32>,
          tpu.vector_store %arg12[%swap3A_596, %swap3A_597], %mul3A_595 {strides = array<i32>} : memref<128x128xf32, #tpu.memory_space<vmem>>, vector<16xf32>,
          %get3A_599 = arith.index_cast %add3A_567 : i32 to index
          %get3A_600 = arith.constant 64 : index
          %get3A_601 = tpu.vector_load %arg12[%get3A_599, %get3A_600] {strides = array<i32>} : memref<128x128xf32, #tpu.memory_space<vmem>>, vector<16xf32>,
          %mul3A_602 = arith.mulf %get3A_601, %gather3A_570 : vector<16xf32>
          %swap3A_603 = arith.index_cast %add3A_567 : i32 to index
          %swap3A_604 = arith.constant 64 : index
          %swap3A_605 = tpu.vector_load %arg12[%swap3A_603, %swap3A_604] {strides = array<i32>} : memref<128x128xf32, #tpu.memory_space<vmem>>, vector<16xf32>,
          tpu.vector_store %arg12[%swap3A_603, %swap3A_604], %mul3A_602 {strides = array<i32>} : memref<128x128xf32, #tpu.memory_space<vmem>>, vector<16xf32>,
          %get3A_606 = arith.index_cast %add3A_567 : i32 to index
          %get3A_607 = arith.constant 80 : index
          %get3A_608 = tpu.vector_load %arg12[%get3A_606, %get3A_607] {strides = array<i32>} : memref<128x128xf32, #tpu.memory_space<vmem>>, vector<16xf32>,
          %mul3A_609 = arith.mulf %get3A_608, %gather3A_570 : vector<16xf32>
          %swap3A_610 = arith.index_cast %add3A_567 : i32 to index
          %swap3A_611 = arith.constant 80 : index
          %swap3A_612 = tpu.vector_load %arg12[%swap3A_610, %swap3A_611] {strides = array<i32>} : memref<128x128xf32, #tpu.memory_space<vmem>>, vector<16xf32>,
          tpu.vector_store %arg12[%swap3A_610, %swap3A_611], %mul3A_609 {strides = array<i32>} : memref<128x128xf32, #tpu.memory_space<vmem>>, vector<16xf32>,
          %get3A_613 = arith.index_cast %add3A_567 : i32 to index
          %get3A_614 = arith.constant 96 : index
          %get3A_615 = tpu.vector_load %arg12[%get3A_613, %get3A_614] {strides = array<i32>} : memref<128x128xf32, #tpu.memory_space<vmem>>, vector<16xf32>,
          %mul3A_616 = arith.mulf %get3A_615, %gather3A_570 : vector<16xf32>
          %swap3A_617 = arith.index_cast %add3A_567 : i32 to index
          %swap3A_618 = arith.constant 96 : index
          %swap3A_619 = tpu.vector_load %arg12[%swap3A_617, %swap3A_618] {strides = array<i32>} : memref<128x128xf32, #tpu.memory_space<vmem>>, vector<16xf32>,
          tpu.vector_store %arg12[%swap3A_617, %swap3A_618], %mul3A_616 {strides = array<i32>} : memref<128x128xf32, #tpu.memory_space<vmem>>, vector<16xf32>,
          %get3A_620 = arith.index_cast %add3A_567 : i32 to index
          %get3A_621 = arith.constant 112 : index
          %get3A_622 = tpu.vector_load %arg12[%get3A_620, %get3A_621] {strides = array<i32>} : memref<128x128xf32, #tpu.memory_space<vmem>>, vector<16xf32>,
          %mul3A_623 = arith.mulf %get3A_622, %gather3A_570 : vector<16xf32>
          %swap3A_624 = arith.index_cast %add3A_567 : i32 to index
          %swap3A_625 = arith.constant 112 : index
          %swap3A_626 = tpu.vector_load %arg12[%swap3A_624, %swap3A_625] {strides = array<i32>} : memref<128x128xf32, #tpu.memory_space<vmem>>, vector<16xf32>,
          tpu.vector_store %arg12[%swap3A_624, %swap3A_625], %mul3A_623 {strides = array<i32>} : memref<128x128xf32, #tpu.memory_space<vmem>>, vector<16xf32>,
        }
        %scan3A_96 = arith.constant 16 : i32
        %dma_start3A_97 = arith.constant 0 : i32
        %dma_start3A_98 = tpu.memref_slice %arg9[%add3A_69, %dma_start3A_97] : memref<20x128xi32, #tpu.memory_space<vmem>> -> memref<1x128xi32, #tpu.memory_space<vmem>>
        %dma_start3A_99 = tpu.memref_squeeze %dma_start3A_98 : memref<1x128xi32, #tpu.memory_space<vmem>> -> memref<128xi32, #tpu.memory_space<vmem>>
        %dma_start3A_100 = arith.constant 0 : i32
        %dma_start3A_101 = arith.constant 0 : i32
        %dma_start3A_102 = tpu.memref_slice %arg13[%dma_start3A_100, %dma_start3A_101] : memref<10240x128xf32, #tpu.memory_space<vmem_shared>> -> memref<10240x128xf32, #tpu.memory_space<vmem_shared>>
        tpu.enqueue_indirect_dma source(%arg12 : memref<128x128xf32, #tpu.memory_space<vmem>>) target(%dma_start3A_102 : memref<10240x128xf32, #tpu.memory_space<vmem_shared>>) offsets(%dma_start3A_99 : memref<128xi32, #tpu.memory_space<vmem>>) semaphore(%arg18 : memref<!tpu.dma_semaphore, #tpu.memory_space<semaphore_mem>>) {add = true}
        %dma_wait3A_103 = arith.constant 0 : i32
        %dma_wait3A_104 = tpu.memref_slice %arg9[%mul3A_65, %dma_wait3A_103] : memref<20x128xi32, #tpu.memory_space<vmem>> -> memref<1x128xi32, #tpu.memory_space<vmem>>
        %dma_wait3A_105 = tpu.memref_squeeze %dma_wait3A_104 : memref<1x128xi32, #tpu.memory_space<vmem>> -> memref<128xi32, #tpu.memory_space<vmem>>
        %dma_wait3A_106 = arith.constant 0 : i32
        %dma_wait3A_107 = arith.constant 0 : i32
        %dma_wait3A_108 = tpu.memref_slice %arg13[%dma_wait3A_106, %dma_wait3A_107] : memref<10240x128xf32, #tpu.memory_space<vmem_shared>> -> memref<10240x128xf32, #tpu.memory_space<vmem_shared>>
        tpu.wait_indirect_dma semaphore(%arg17 : memref<!tpu.dma_semaphore, #tpu.memory_space<semaphore_mem>>) src(%arg11 : memref<128x128xf32, #tpu.memory_space<vmem>>) dst(%dma_wait3A_108 : memref<10240x128xf32, #tpu.memory_space<vmem_shared>>)
        %add3A_109 = arith.constant 2 : i32
        %add3A_110 = arith.addi %mul3A_65, %add3A_109 : i32
        %lt3A = arith.constant 20 : i32
        %lt3A_111 = arith.cmpi slt, %add3A_110, %lt3A : i32
        %convert_element_type3A = arith.extui %lt3A_111 : i1 to i32
        %cond3A = arith.constant 0 : i32
        %cond3A_112 = arith.cmpi ne, %convert_element_type3A, %cond3A : i32
        scf.if %cond3A_112 {
          %add3A_126 = arith.constant 2 : i32
          %add3A_127 = arith.addi %mul3A_65, %add3A_126 : i32
          %dma_start3A_128 = arith.constant 0 : i32
          %dma_start3A_129 = tpu.memref_slice %arg8[%add3A_127, %dma_start3A_128] : memref<20x128xi32, #tpu.memory_space<vmem>> -> memref<1x128xi32, #tpu.memory_space<vmem>>
          %dma_start3A_130 = tpu.memref_squeeze %dma_start3A_129 : memref<1x128xi32, #tpu.memory_space<vmem>> -> memref<128xi32, #tpu.memory_space<vmem>>
          %dma_start3A_131 = arith.constant 0 : i32
          %dma_start3A_132 = arith.constant 0 : i32
          %dma_start3A_133 = tpu.memref_slice %arg6[%dma_start3A_131, %dma_start3A_132] : memref<90000x128xf32, #tpu.memory_space<hbm>> -> memref<90000x128xf32, #tpu.memory_space<hbm>>
          tpu.enqueue_indirect_dma source(%dma_start3A_133 : memref<90000x128xf32, #tpu.memory_space<hbm>>) target(%arg11 : memref<128x128xf32, #tpu.memory_space<vmem>>) offsets(%dma_start3A_130 : memref<128xi32, #tpu.memory_space<vmem>>) semaphore(%arg15 : memref<!tpu.dma_semaphore, #tpu.memory_space<semaphore_mem>>)
        } else {
        }
        %dma_wait3A_113 = arith.constant 0 : i32
        %dma_wait3A_114 = tpu.memref_slice %arg9[%add3A_69, %dma_wait3A_113] : memref<20x128xi32, #tpu.memory_space<vmem>> -> memref<1x128xi32, #tpu.memory_space<vmem>>
        %dma_wait3A_115 = tpu.memref_squeeze %dma_wait3A_114 : memref<1x128xi32, #tpu.memory_space<vmem>> -> memref<128xi32, #tpu.memory_space<vmem>>
        %dma_wait3A_116 = arith.constant 0 : i32
        %dma_wait3A_117 = arith.constant 0 : i32
        %dma_wait3A_118 = tpu.memref_slice %arg13[%dma_wait3A_116, %dma_wait3A_117] : memref<10240x128xf32, #tpu.memory_space<vmem_shared>> -> memref<10240x128xf32, #tpu.memory_space<vmem_shared>>
        tpu.wait_indirect_dma semaphore(%arg18 : memref<!tpu.dma_semaphore, #tpu.memory_space<semaphore_mem>>) src(%arg12 : memref<128x128xf32, #tpu.memory_space<vmem>>) dst(%dma_wait3A_118 : memref<10240x128xf32, #tpu.memory_space<vmem_shared>>)
        %add3A_119 = arith.constant 2 : i32
        %add3A_120 = arith.addi %add3A_69, %add3A_119 : i32
        %lt3A_121 = arith.constant 20 : i32
        %lt3A_122 = arith.cmpi slt, %add3A_120, %lt3A_121 : i32
        %convert_element_type3A_123 = arith.extui %lt3A_122 : i1 to i32
        %cond3A_124 = arith.constant 0 : i32
        %cond3A_125 = arith.cmpi ne, %convert_element_type3A_123, %cond3A_124 : i32
        scf.if %cond3A_125 {
          %add3A_126 = arith.constant 2 : i32
          %add3A_127 = arith.addi %add3A_69, %add3A_126 : i32
          %dma_start3A_128 = arith.constant 0 : i32
          %dma_start3A_129 = tpu.memref_slice %arg8[%add3A_127, %dma_start3A_128] : memref<20x128xi32, #tpu.memory_space<vmem>> -> memref<1x128xi32, #tpu.memory_space<vmem>>
          %dma_start3A_130 = tpu.memref_squeeze %dma_start3A_129 : memref<1x128xi32, #tpu.memory_space<vmem>> -> memref<128xi32, #tpu.memory_space<vmem>>
          %dma_start3A_131 = arith.constant 0 : i32
          %dma_start3A_132 = arith.constant 0 : i32
          %dma_start3A_133 = tpu.memref_slice %arg6[%dma_start3A_131, %dma_start3A_132] : memref<90000x128xf32, #tpu.memory_space<hbm>> -> memref<90000x128xf32, #tpu.memory_space<hbm>>
          tpu.enqueue_indirect_dma source(%dma_start3A_133 : memref<90000x128xf32, #tpu.memory_space<hbm>>) target(%arg12 : memref<128x128xf32, #tpu.memory_space<vmem>>) offsets(%dma_start3A_130 : memref<128xi32, #tpu.memory_space<vmem>>) semaphore(%arg16 : memref<!tpu.dma_semaphore, #tpu.memory_space<semaphore_mem>>)
        } else {
        }
      }
      %scan3A_62 = arith.constant 10 : i32
    }
    %barrier3A_26 = arith.constant 0 : index
    tpu.barrier barrier_id(%barrier3A_26)
    %mul3A_27 = arith.constant 640 : i32
    %mul3A_28 = arith.muli %arg1, %mul3A_27 : i32
    %mul3A_29 = arith.constant 640 : i32
    %mul3A_30 = arith.muli %arg1, %mul3A_29 : i32
    "tpu.region"() ({
      %run_scoped3A = tpu.sem_alloc : memref<!tpu.dma_semaphore, #tpu.memory_space<semaphore_mem>>
      %dma_start3A = arith.constant 0 : i32
      %dma_start3A_31 = tpu.memref_slice %arg7[%arg0, %mul3A_30, %dma_start3A] : memref<2x10240x128xf32, #tpu.memory_space<hbm>> -> memref<1x640x128xf32, #tpu.memory_space<hbm>>
      %dma_start3A_32 = tpu.memref_squeeze %dma_start3A_31 : memref<1x640x128xf32, #tpu.memory_space<hbm>> -> memref<640x128xf32, #tpu.memory_space<hbm>>
      %dma_start3A_33 = arith.constant 0 : i32
      %dma_start3A_34 = tpu.memref_slice %arg13[%mul3A_28, %dma_start3A_33] : memref<10240x128xf32, #tpu.memory_space<vmem_shared>> -> memref<640x128xf32, #tpu.memory_space<vmem_shared>>
      tpu.enqueue_dma source(%dma_start3A_34 : memref<640x128xf32, #tpu.memory_space<vmem_shared>>) target(%dma_start3A_32 : memref<640x128xf32, #tpu.memory_space<hbm>>) target_semaphore(%run_scoped3A : memref<!tpu.dma_semaphore, #tpu.memory_space<semaphore_mem>>)
      %dma_wait3A = arith.constant 0 : i32
      %dma_wait3A_35 = tpu.memref_slice %arg7[%arg0, %mul3A_30, %dma_wait3A] : memref<2x10240x128xf32, #tpu.memory_space<hbm>> -> memref<1x640x128xf32, #tpu.memory_space<hbm>>
      %dma_wait3A_36 = tpu.memref_squeeze %dma_wait3A_35 : memref<1x640x128xf32, #tpu.memory_space<hbm>> -> memref<640x128xf32, #tpu.memory_space<hbm>>
      %dma_wait3A_37 = arith.constant 0 : i32
      %dma_wait3A_38 = tpu.memref_slice %arg13[%mul3A_28, %dma_wait3A_37] : memref<10240x128xf32, #tpu.memory_space<vmem_shared>> -> memref<640x128xf32, #tpu.memory_space<vmem_shared>>
      tpu.wait_dma2 semaphore(%run_scoped3A : memref<!tpu.dma_semaphore, #tpu.memory_space<semaphore_mem>>) src(%dma_wait3A_38 : memref<640x128xf32, #tpu.memory_space<vmem_shared>>) dst(%dma_wait3A_36 : memref<640x128xf32, #tpu.memory_space<hbm>>)
      tpu.yield
    }) : () -> ()
    return
  }
}

#map = affine_map<(d0, d1) -> (0, 0)>
#map1 = affine_map<(d0, d1) -> (0)>
#map2 = affine_map<(d0, d1) -> (0, 0, 0)>
module attributes {stable_mosaic.version = 14 : i64} {
  func.func @_edge2_kernel(%arg0: i32, %arg1: i32, %arg2: memref<1280x128xi32, #tpu.memory_space<hbm>>, %arg3: memref<1280x128xi32, #tpu.memory_space<hbm>>, %arg4: memref<1280x128xi32, #tpu.memory_space<hbm>>, %arg5: memref<81920xf32, #tpu.memory_space<hbm>>, %arg6: memref<90000x16xf32, #tpu.memory_space<hbm>>, %arg7: memref<2x10240x16xf32, #tpu.memory_space<hbm>>, %arg8: memref<16x128xi32, #tpu.memory_space<vmem>>, %arg9: memref<16x128xi32, #tpu.memory_space<vmem>>, %arg10: memref<16x128xf32, #tpu.memory_space<vmem>>, %arg11: memref<128x16xf32, #tpu.memory_space<vmem>>, %arg12: memref<128x16xf32, #tpu.memory_space<vmem>>, %arg13: memref<10240x16xf32, #tpu.memory_space<vmem_shared>>, %arg14: memref<!tpu.dma_semaphore, #tpu.memory_space<semaphore_mem>>, %arg15: memref<!tpu.dma_semaphore, #tpu.memory_space<semaphore_mem>>, %arg16: memref<!tpu.dma_semaphore, #tpu.memory_space<semaphore_mem>>, %arg17: memref<!tpu.dma_semaphore, #tpu.memory_space<semaphore_mem>>, %arg18: memref<!tpu.dma_semaphore, #tpu.memory_space<semaphore_mem>>) attributes {dimension_semantics = [#tpu.dimension_semantics<core_parallel>, #tpu.dimension_semantics<subcore_parallel>], iteration_bounds = array<i64: 2, 16>, scalar_prefetch = 0 : i64, scratch_operands = 11 : i64, tpu.core_type = #tpu.core_type<sc_vector_subcore>, window_params = [{transform_indices = #map}, {transform_indices = #map}, {transform_indices = #map}, {transform_indices = #map1}, {transform_indices = #map}, {transform_indices = #map2}]} {
    %scan3A = arith.constant 0 : i32
    %scan3A_0 = arith.constant 128 : i32
    %scan3A_1 = arith.addi %scan3A, %scan3A_0 : i32
    %scan3A_2 = arith.constant 1 : i32
    scf.for %scan3A_31 = %scan3A to %scan3A_1 step %scan3A_2  : i32 {
      %broadcast_in_dim3A = arith.constant 0.000000e+00 : f32
      %broadcast_in_dim3A_32 = vector.broadcast %broadcast_in_dim3A : f32 to vector<16xf32>
      %swap3A = arith.index_cast %scan3A_31 : i32 to index
      %swap3A_33 = arith.constant 0 : index
      %swap3A_34 = tpu.vector_load %arg11[%swap3A, %swap3A_33] {strides = array<i32>} : memref<128x16xf32, #tpu.memory_space<vmem>>, vector<16xf32>,
      tpu.vector_store %arg11[%swap3A, %swap3A_33], %broadcast_in_dim3A_32 {strides = array<i32>} : memref<128x16xf32, #tpu.memory_space<vmem>>, vector<16xf32>,
    }
    %scan3A_3 = arith.constant 128 : i32
    %scan3A_4 = arith.constant 0 : i32
    %scan3A_5 = arith.constant 5 : i32
    %scan3A_6 = arith.addi %scan3A_4, %scan3A_5 : i32
    %scan3A_7 = arith.constant 1 : i32
    scf.for %scan3A_31 = %scan3A_4 to %scan3A_6 step %scan3A_7  : i32 {
      %mul3A_32 = arith.constant 640 : i32
      %mul3A_33 = arith.muli %arg1, %mul3A_32 : i32
      %mul3A_34 = arith.constant 128 : i32
      %mul3A_35 = arith.muli %scan3A_31, %mul3A_34 : i32
      %add3A_36 = arith.addi %mul3A_33, %mul3A_35 : i32
      "tpu.region"() ({
        %run_scoped3A = tpu.sem_alloc : memref<!tpu.dma_semaphore, #tpu.memory_space<semaphore_mem>>
        %dma_start3A = arith.constant 0 : i32
        %dma_start3A_37 = tpu.memref_slice %arg13[%add3A_36, %dma_start3A] : memref<10240x16xf32, #tpu.memory_space<vmem_shared>> -> memref<128x16xf32, #tpu.memory_space<vmem_shared>>
        %dma_start3A_38 = arith.constant 0 : i32
        %dma_start3A_39 = tpu.memref_slice %arg13[%add3A_36, %dma_start3A_38] : memref<10240x16xf32, #tpu.memory_space<vmem_shared>> -> memref<128x16xf32, #tpu.memory_space<vmem_shared>>
        tpu.enqueue_dma source(%arg11 : memref<128x16xf32, #tpu.memory_space<vmem>>) target(%dma_start3A_39 : memref<128x16xf32, #tpu.memory_space<vmem_shared>>) target_semaphore(%run_scoped3A : memref<!tpu.dma_semaphore, #tpu.memory_space<semaphore_mem>>)
        %dma_wait3A = arith.constant 0 : i32
        %dma_wait3A_40 = tpu.memref_slice %arg13[%add3A_36, %dma_wait3A] : memref<10240x16xf32, #tpu.memory_space<vmem_shared>> -> memref<128x16xf32, #tpu.memory_space<vmem_shared>>
        %dma_wait3A_41 = arith.constant 0 : i32
        %dma_wait3A_42 = tpu.memref_slice %arg13[%add3A_36, %dma_wait3A_41] : memref<10240x16xf32, #tpu.memory_space<vmem_shared>> -> memref<128x16xf32, #tpu.memory_space<vmem_shared>>
        tpu.wait_dma2 semaphore(%run_scoped3A : memref<!tpu.dma_semaphore, #tpu.memory_space<semaphore_mem>>) src(%arg11 : memref<128x16xf32, #tpu.memory_space<vmem>>) dst(%dma_wait3A_42 : memref<128x16xf32, #tpu.memory_space<vmem_shared>>)
        tpu.yield
      }) : () -> ()
    }
    %scan3A_8 = arith.constant 5 : i32
    %barrier3A = arith.constant 0 : index
    tpu.barrier barrier_id(%barrier3A)
    %eq3A = arith.constant 1 : i32
    %eq3A_9 = arith.cmpi eq, %arg0, %eq3A : i32
    %jit3A = arith.constant 2 : i32
    %jit3A_10 = arith.constant 3 : i32
    %select_n3A = arith.select %eq3A_9, %jit3A, %jit3A_10 : i32
    %eq3A_11 = arith.constant 1 : i32
    %eq3A_12 = arith.cmpi eq, %arg0, %eq3A_11 : i32
    %mul3A = arith.constant 32 : i32
    %mul3A_13 = arith.muli %arg1, %mul3A : i32
    %mul3A_14 = arith.constant 48 : i32
    %mul3A_15 = arith.muli %arg1, %mul3A_14 : i32
    %add3A = arith.constant 512 : i32
    %add3A_16 = arith.addi %add3A, %mul3A_15 : i32
    %select_n3A_17 = arith.select %eq3A_12, %mul3A_13, %add3A_16 : i32
    %while3A = arith.constant 0 : i32
    %while3A_18 = arith.subi %select_n3A, %while3A : i32
    %while3A_19 = arith.addi %while3A, %while3A_18 : i32
    %while3A_20 = arith.constant 1 : i32
    %while3A_21 = arith.divsi %while3A_18, %while3A_20 : i32
    %while3A_22 = arith.muli %while3A_21, %while3A_20 : i32
    %while3A_23 = arith.addi %while3A, %while3A_22 : i32
    %while3A_24 = arith.constant 1 : i32
    scf.for %while3A_31 = %while3A to %while3A_23 step %while3A_24  : i32 {
      %mul3A_32 = arith.constant 16 : i32
      %mul3A_33 = arith.muli %while3A_31, %mul3A_32 : i32
      %add3A_34 = arith.addi %select_n3A_17, %mul3A_33 : i32
      "tpu.region"() ({
        %run_scoped3A = tpu.sem_alloc : memref<!tpu.dma_semaphore, #tpu.memory_space<semaphore_mem>>
        %dma_start3A_63 = arith.constant 0 : i32
        %dma_start3A_64 = tpu.memref_slice %arg4[%add3A_34, %dma_start3A_63] : memref<1280x128xi32, #tpu.memory_space<hbm>> -> memref<16x128xi32, #tpu.memory_space<hbm>>
        %dma_start3A_65 = arith.constant 0 : i32
        %dma_start3A_66 = tpu.memref_slice %arg4[%add3A_34, %dma_start3A_65] : memref<1280x128xi32, #tpu.memory_space<hbm>> -> memref<16x128xi32, #tpu.memory_space<hbm>>
        tpu.enqueue_dma source(%dma_start3A_66 : memref<16x128xi32, #tpu.memory_space<hbm>>) target(%arg8 : memref<16x128xi32, #tpu.memory_space<vmem>>) target_semaphore(%run_scoped3A : memref<!tpu.dma_semaphore, #tpu.memory_space<semaphore_mem>>)
        %dma_wait3A = arith.constant 0 : i32
        %dma_wait3A_67 = tpu.memref_slice %arg4[%add3A_34, %dma_wait3A] : memref<1280x128xi32, #tpu.memory_space<hbm>> -> memref<16x128xi32, #tpu.memory_space<hbm>>
        %dma_wait3A_68 = arith.constant 0 : i32
        %dma_wait3A_69 = tpu.memref_slice %arg4[%add3A_34, %dma_wait3A_68] : memref<1280x128xi32, #tpu.memory_space<hbm>> -> memref<16x128xi32, #tpu.memory_space<hbm>>
        tpu.wait_dma2 semaphore(%run_scoped3A : memref<!tpu.dma_semaphore, #tpu.memory_space<semaphore_mem>>) src(%dma_wait3A_69 : memref<16x128xi32, #tpu.memory_space<hbm>>) dst(%arg8 : memref<16x128xi32, #tpu.memory_space<vmem>>)
        tpu.yield
      }) : () -> ()
      %scan3A_35 = arith.constant 0 : i32
      %scan3A_36 = arith.constant 16 : i32
      %scan3A_37 = arith.addi %scan3A_35, %scan3A_36 : i32
      %scan3A_38 = arith.constant 1 : i32
      scf.for %scan3A_63 = %scan3A_35 to %scan3A_37 step %scan3A_38  : i32 {
        %dma_start3A_64 = arith.constant 0 : i32
        %dma_start3A_65 = tpu.memref_slice %arg10[%scan3A_63, %dma_start3A_64] : memref<16x128xf32, #tpu.memory_space<vmem>> -> memref<1x128xf32, #tpu.memory_space<vmem>>
        %dma_start3A_66 = tpu.memref_squeeze %dma_start3A_65 : memref<1x128xf32, #tpu.memory_space<vmem>> -> memref<128xf32, #tpu.memory_space<vmem>>
        %dma_start3A_67 = arith.constant 0 : i32
        %dma_start3A_68 = tpu.memref_slice %arg8[%scan3A_63, %dma_start3A_67] : memref<16x128xi32, #tpu.memory_space<vmem>> -> memref<1x128xi32, #tpu.memory_space<vmem>>
        %dma_start3A_69 = tpu.memref_squeeze %dma_start3A_68 : memref<1x128xi32, #tpu.memory_space<vmem>> -> memref<128xi32, #tpu.memory_space<vmem>>
        %dma_start3A_70 = arith.constant 0 : i32
        %dma_start3A_71 = tpu.memref_slice %arg5[%dma_start3A_70] : memref<81920xf32, #tpu.memory_space<hbm>> -> memref<81920xf32, #tpu.memory_space<hbm>>
        tpu.enqueue_indirect_dma source(%dma_start3A_71 : memref<81920xf32, #tpu.memory_space<hbm>>) target(%dma_start3A_66 : memref<128xf32, #tpu.memory_space<vmem>>) offsets(%dma_start3A_69 : memref<128xi32, #tpu.memory_space<vmem>>) semaphore(%arg14 : memref<!tpu.dma_semaphore, #tpu.memory_space<semaphore_mem>>)
      }
      %scan3A_39 = arith.constant 16 : i32
      %scan3A_40 = arith.constant 0 : i32
      %scan3A_41 = arith.constant 16 : i32
      %scan3A_42 = arith.addi %scan3A_40, %scan3A_41 : i32
      %scan3A_43 = arith.constant 1 : i32
      scf.for %scan3A_63 = %scan3A_40 to %scan3A_42 step %scan3A_43  : i32 {
        %dma_wait3A = arith.constant 0 : i32
        %dma_wait3A_64 = tpu.memref_slice %arg10[%scan3A_63, %dma_wait3A] : memref<16x128xf32, #tpu.memory_space<vmem>> -> memref<1x128xf32, #tpu.memory_space<vmem>>
        %dma_wait3A_65 = tpu.memref_squeeze %dma_wait3A_64 : memref<1x128xf32, #tpu.memory_space<vmem>> -> memref<128xf32, #tpu.memory_space<vmem>>
        %dma_wait3A_66 = arith.constant 0 : i32
        %dma_wait3A_67 = tpu.memref_slice %arg8[%scan3A_63, %dma_wait3A_66] : memref<16x128xi32, #tpu.memory_space<vmem>> -> memref<1x128xi32, #tpu.memory_space<vmem>>
        %dma_wait3A_68 = tpu.memref_squeeze %dma_wait3A_67 : memref<1x128xi32, #tpu.memory_space<vmem>> -> memref<128xi32, #tpu.memory_space<vmem>>
        %dma_wait3A_69 = arith.constant 0 : i32
        %dma_wait3A_70 = tpu.memref_slice %arg5[%dma_wait3A_69] : memref<81920xf32, #tpu.memory_space<hbm>> -> memref<81920xf32, #tpu.memory_space<hbm>>
        tpu.wait_indirect_dma semaphore(%arg14 : memref<!tpu.dma_semaphore, #tpu.memory_space<semaphore_mem>>) src(%dma_wait3A_70 : memref<81920xf32, #tpu.memory_space<hbm>>) dst(%dma_wait3A_65 : memref<128xf32, #tpu.memory_space<vmem>>)
      }
      %scan3A_44 = arith.constant 16 : i32
      "tpu.region"() ({
        %run_scoped3A = tpu.sem_alloc : memref<!tpu.dma_semaphore, #tpu.memory_space<semaphore_mem>>
        %dma_start3A_63 = arith.constant 0 : i32
        %dma_start3A_64 = tpu.memref_slice %arg2[%add3A_34, %dma_start3A_63] : memref<1280x128xi32, #tpu.memory_space<hbm>> -> memref<16x128xi32, #tpu.memory_space<hbm>>
        %dma_start3A_65 = arith.constant 0 : i32
        %dma_start3A_66 = tpu.memref_slice %arg2[%add3A_34, %dma_start3A_65] : memref<1280x128xi32, #tpu.memory_space<hbm>> -> memref<16x128xi32, #tpu.memory_space<hbm>>
        tpu.enqueue_dma source(%dma_start3A_66 : memref<16x128xi32, #tpu.memory_space<hbm>>) target(%arg8 : memref<16x128xi32, #tpu.memory_space<vmem>>) target_semaphore(%run_scoped3A : memref<!tpu.dma_semaphore, #tpu.memory_space<semaphore_mem>>)
        %dma_wait3A = arith.constant 0 : i32
        %dma_wait3A_67 = tpu.memref_slice %arg2[%add3A_34, %dma_wait3A] : memref<1280x128xi32, #tpu.memory_space<hbm>> -> memref<16x128xi32, #tpu.memory_space<hbm>>
        %dma_wait3A_68 = arith.constant 0 : i32
        %dma_wait3A_69 = tpu.memref_slice %arg2[%add3A_34, %dma_wait3A_68] : memref<1280x128xi32, #tpu.memory_space<hbm>> -> memref<16x128xi32, #tpu.memory_space<hbm>>
        tpu.wait_dma2 semaphore(%run_scoped3A : memref<!tpu.dma_semaphore, #tpu.memory_space<semaphore_mem>>) src(%dma_wait3A_69 : memref<16x128xi32, #tpu.memory_space<hbm>>) dst(%arg8 : memref<16x128xi32, #tpu.memory_space<vmem>>)
        tpu.yield
      }) : () -> ()
      "tpu.region"() ({
        %run_scoped3A = tpu.sem_alloc : memref<!tpu.dma_semaphore, #tpu.memory_space<semaphore_mem>>
        %dma_start3A_63 = arith.constant 0 : i32
        %dma_start3A_64 = tpu.memref_slice %arg3[%add3A_34, %dma_start3A_63] : memref<1280x128xi32, #tpu.memory_space<hbm>> -> memref<16x128xi32, #tpu.memory_space<hbm>>
        %dma_start3A_65 = arith.constant 0 : i32
        %dma_start3A_66 = tpu.memref_slice %arg3[%add3A_34, %dma_start3A_65] : memref<1280x128xi32, #tpu.memory_space<hbm>> -> memref<16x128xi32, #tpu.memory_space<hbm>>
        tpu.enqueue_dma source(%dma_start3A_66 : memref<16x128xi32, #tpu.memory_space<hbm>>) target(%arg9 : memref<16x128xi32, #tpu.memory_space<vmem>>) target_semaphore(%run_scoped3A : memref<!tpu.dma_semaphore, #tpu.memory_space<semaphore_mem>>)
        %dma_wait3A = arith.constant 0 : i32
        %dma_wait3A_67 = tpu.memref_slice %arg3[%add3A_34, %dma_wait3A] : memref<1280x128xi32, #tpu.memory_space<hbm>> -> memref<16x128xi32, #tpu.memory_space<hbm>>
        %dma_wait3A_68 = arith.constant 0 : i32
        %dma_wait3A_69 = tpu.memref_slice %arg3[%add3A_34, %dma_wait3A_68] : memref<1280x128xi32, #tpu.memory_space<hbm>> -> memref<16x128xi32, #tpu.memory_space<hbm>>
        tpu.wait_dma2 semaphore(%run_scoped3A : memref<!tpu.dma_semaphore, #tpu.memory_space<semaphore_mem>>) src(%dma_wait3A_69 : memref<16x128xi32, #tpu.memory_space<hbm>>) dst(%arg9 : memref<16x128xi32, #tpu.memory_space<vmem>>)
        tpu.yield
      }) : () -> ()
      %dma_start3A = arith.constant 0 : i32
      %dma_start3A_45 = arith.constant 0 : i32
      %dma_start3A_46 = tpu.memref_slice %arg8[%dma_start3A, %dma_start3A_45] : memref<16x128xi32, #tpu.memory_space<vmem>> -> memref<1x128xi32, #tpu.memory_space<vmem>>
      %dma_start3A_47 = tpu.memref_squeeze %dma_start3A_46 : memref<1x128xi32, #tpu.memory_space<vmem>> -> memref<128xi32, #tpu.memory_space<vmem>>
      %dma_start3A_48 = arith.constant 0 : i32
      %dma_start3A_49 = arith.constant 0 : i32
      %dma_start3A_50 = tpu.memref_slice %arg6[%dma_start3A_48, %dma_start3A_49] : memref<90000x16xf32, #tpu.memory_space<hbm>> -> memref<90000x16xf32, #tpu.memory_space<hbm>>
      tpu.enqueue_indirect_dma source(%dma_start3A_50 : memref<90000x16xf32, #tpu.memory_space<hbm>>) target(%arg11 : memref<128x16xf32, #tpu.memory_space<vmem>>) offsets(%dma_start3A_47 : memref<128xi32, #tpu.memory_space<vmem>>) semaphore(%arg15 : memref<!tpu.dma_semaphore, #tpu.memory_space<semaphore_mem>>)
      %dma_start3A_51 = arith.constant 1 : i32
      %dma_start3A_52 = arith.constant 0 : i32
      %dma_start3A_53 = tpu.memref_slice %arg8[%dma_start3A_51, %dma_start3A_52] : memref<16x128xi32, #tpu.memory_space<vmem>> -> memref<1x128xi32, #tpu.memory_space<vmem>>
      %dma_start3A_54 = tpu.memref_squeeze %dma_start3A_53 : memref<1x128xi32, #tpu.memory_space<vmem>> -> memref<128xi32, #tpu.memory_space<vmem>>
      %dma_start3A_55 = arith.constant 0 : i32
      %dma_start3A_56 = arith.constant 0 : i32
      %dma_start3A_57 = tpu.memref_slice %arg6[%dma_start3A_55, %dma_start3A_56] : memref<90000x16xf32, #tpu.memory_space<hbm>> -> memref<90000x16xf32, #tpu.memory_space<hbm>>
      tpu.enqueue_indirect_dma source(%dma_start3A_57 : memref<90000x16xf32, #tpu.memory_space<hbm>>) target(%arg12 : memref<128x16xf32, #tpu.memory_space<vmem>>) offsets(%dma_start3A_54 : memref<128xi32, #tpu.memory_space<vmem>>) semaphore(%arg16 : memref<!tpu.dma_semaphore, #tpu.memory_space<semaphore_mem>>)
      %scan3A_58 = arith.constant 0 : i32
      %scan3A_59 = arith.constant 8 : i32
      %scan3A_60 = arith.addi %scan3A_58, %scan3A_59 : i32
      %scan3A_61 = arith.constant 1 : i32
      scf.for %scan3A_63 = %scan3A_58 to %scan3A_60 step %scan3A_61  : i32 {
        %mul3A_64 = arith.constant 2 : i32
        %mul3A_65 = arith.muli %mul3A_64, %scan3A_63 : i32
        %mul3A_66 = arith.constant 2 : i32
        %mul3A_67 = arith.muli %mul3A_66, %scan3A_63 : i32
        %add3A_68 = arith.constant 1 : i32
        %add3A_69 = arith.addi %mul3A_67, %add3A_68 : i32
        %dma_wait3A = arith.constant 0 : i32
        %dma_wait3A_70 = tpu.memref_slice %arg8[%mul3A_65, %dma_wait3A] : memref<16x128xi32, #tpu.memory_space<vmem>> -> memref<1x128xi32, #tpu.memory_space<vmem>>
        %dma_wait3A_71 = tpu.memref_squeeze %dma_wait3A_70 : memref<1x128xi32, #tpu.memory_space<vmem>> -> memref<128xi32, #tpu.memory_space<vmem>>
        %dma_wait3A_72 = arith.constant 0 : i32
        %dma_wait3A_73 = arith.constant 0 : i32
        %dma_wait3A_74 = tpu.memref_slice %arg6[%dma_wait3A_72, %dma_wait3A_73] : memref<90000x16xf32, #tpu.memory_space<hbm>> -> memref<90000x16xf32, #tpu.memory_space<hbm>>
        tpu.wait_indirect_dma semaphore(%arg15 : memref<!tpu.dma_semaphore, #tpu.memory_space<semaphore_mem>>) src(%dma_wait3A_74 : memref<90000x16xf32, #tpu.memory_space<hbm>>) dst(%arg11 : memref<128x16xf32, #tpu.memory_space<vmem>>)
        %scan3A_75 = arith.constant 0 : i32
        %scan3A_76 = arith.constant 16 : i32
        %scan3A_77 = arith.addi %scan3A_75, %scan3A_76 : i32
        %scan3A_78 = arith.constant 1 : i32
        scf.for %scan3A_126 = %scan3A_75 to %scan3A_77 step %scan3A_78  : i32 {
          %mul3A_127 = arith.constant 8 : i32
          %mul3A_128 = arith.muli %scan3A_126, %mul3A_127 : i32
          %add3A_129 = arith.constant 0 : i32
          %add3A_130 = arith.addi %mul3A_128, %add3A_129 : i32
          %broadcast_in_dim3A = vector.broadcast %mul3A_65 : i32 to vector<16xi32>
          %broadcast_in_dim3A_131 = vector.broadcast %add3A_130 : i32 to vector<16xi32>
          %gather3A = tpu.vector_load_idx %arg10[%broadcast_in_dim3A, %broadcast_in_dim3A_131] : memref<16x128xf32, #tpu.memory_space<vmem>>[vector<16xi32>, vector<16xi32>], vector<16xf32>,
          %get3A = arith.index_cast %add3A_130 : i32 to index
          %get3A_132 = arith.constant 0 : index
          %get3A_133 = tpu.vector_load %arg11[%get3A, %get3A_132] {strides = array<i32>} : memref<128x16xf32, #tpu.memory_space<vmem>>, vector<16xf32>,
          %mul3A_134 = arith.mulf %get3A_133, %gather3A : vector<16xf32>
          %swap3A = arith.index_cast %add3A_130 : i32 to index
          %swap3A_135 = arith.constant 0 : index
          %swap3A_136 = tpu.vector_load %arg11[%swap3A, %swap3A_135] {strides = array<i32>} : memref<128x16xf32, #tpu.memory_space<vmem>>, vector<16xf32>,
          tpu.vector_store %arg11[%swap3A, %swap3A_135], %mul3A_134 {strides = array<i32>} : memref<128x16xf32, #tpu.memory_space<vmem>>, vector<16xf32>,
          %mul3A_137 = arith.constant 8 : i32
          %mul3A_138 = arith.muli %scan3A_126, %mul3A_137 : i32
          %add3A_139 = arith.constant 1 : i32
          %add3A_140 = arith.addi %mul3A_138, %add3A_139 : i32
          %broadcast_in_dim3A_141 = vector.broadcast %mul3A_65 : i32 to vector<16xi32>
          %broadcast_in_dim3A_142 = vector.broadcast %add3A_140 : i32 to vector<16xi32>
          %gather3A_143 = tpu.vector_load_idx %arg10[%broadcast_in_dim3A_141, %broadcast_in_dim3A_142] : memref<16x128xf32, #tpu.memory_space<vmem>>[vector<16xi32>, vector<16xi32>], vector<16xf32>,
          %get3A_144 = arith.index_cast %add3A_140 : i32 to index
          %get3A_145 = arith.constant 0 : index
          %get3A_146 = tpu.vector_load %arg11[%get3A_144, %get3A_145] {strides = array<i32>} : memref<128x16xf32, #tpu.memory_space<vmem>>, vector<16xf32>,
          %mul3A_147 = arith.mulf %get3A_146, %gather3A_143 : vector<16xf32>
          %swap3A_148 = arith.index_cast %add3A_140 : i32 to index
          %swap3A_149 = arith.constant 0 : index
          %swap3A_150 = tpu.vector_load %arg11[%swap3A_148, %swap3A_149] {strides = array<i32>} : memref<128x16xf32, #tpu.memory_space<vmem>>, vector<16xf32>,
          tpu.vector_store %arg11[%swap3A_148, %swap3A_149], %mul3A_147 {strides = array<i32>} : memref<128x16xf32, #tpu.memory_space<vmem>>, vector<16xf32>,
          %mul3A_151 = arith.constant 8 : i32
          %mul3A_152 = arith.muli %scan3A_126, %mul3A_151 : i32
          %add3A_153 = arith.constant 2 : i32
          %add3A_154 = arith.addi %mul3A_152, %add3A_153 : i32
          %broadcast_in_dim3A_155 = vector.broadcast %mul3A_65 : i32 to vector<16xi32>
          %broadcast_in_dim3A_156 = vector.broadcast %add3A_154 : i32 to vector<16xi32>
          %gather3A_157 = tpu.vector_load_idx %arg10[%broadcast_in_dim3A_155, %broadcast_in_dim3A_156] : memref<16x128xf32, #tpu.memory_space<vmem>>[vector<16xi32>, vector<16xi32>], vector<16xf32>,
          %get3A_158 = arith.index_cast %add3A_154 : i32 to index
          %get3A_159 = arith.constant 0 : index
          %get3A_160 = tpu.vector_load %arg11[%get3A_158, %get3A_159] {strides = array<i32>} : memref<128x16xf32, #tpu.memory_space<vmem>>, vector<16xf32>,
          %mul3A_161 = arith.mulf %get3A_160, %gather3A_157 : vector<16xf32>
          %swap3A_162 = arith.index_cast %add3A_154 : i32 to index
          %swap3A_163 = arith.constant 0 : index
          %swap3A_164 = tpu.vector_load %arg11[%swap3A_162, %swap3A_163] {strides = array<i32>} : memref<128x16xf32, #tpu.memory_space<vmem>>, vector<16xf32>,
          tpu.vector_store %arg11[%swap3A_162, %swap3A_163], %mul3A_161 {strides = array<i32>} : memref<128x16xf32, #tpu.memory_space<vmem>>, vector<16xf32>,
          %mul3A_165 = arith.constant 8 : i32
          %mul3A_166 = arith.muli %scan3A_126, %mul3A_165 : i32
          %add3A_167 = arith.constant 3 : i32
          %add3A_168 = arith.addi %mul3A_166, %add3A_167 : i32
          %broadcast_in_dim3A_169 = vector.broadcast %mul3A_65 : i32 to vector<16xi32>
          %broadcast_in_dim3A_170 = vector.broadcast %add3A_168 : i32 to vector<16xi32>
          %gather3A_171 = tpu.vector_load_idx %arg10[%broadcast_in_dim3A_169, %broadcast_in_dim3A_170] : memref<16x128xf32, #tpu.memory_space<vmem>>[vector<16xi32>, vector<16xi32>], vector<16xf32>,
          %get3A_172 = arith.index_cast %add3A_168 : i32 to index
          %get3A_173 = arith.constant 0 : index
          %get3A_174 = tpu.vector_load %arg11[%get3A_172, %get3A_173] {strides = array<i32>} : memref<128x16xf32, #tpu.memory_space<vmem>>, vector<16xf32>,
          %mul3A_175 = arith.mulf %get3A_174, %gather3A_171 : vector<16xf32>
          %swap3A_176 = arith.index_cast %add3A_168 : i32 to index
          %swap3A_177 = arith.constant 0 : index
          %swap3A_178 = tpu.vector_load %arg11[%swap3A_176, %swap3A_177] {strides = array<i32>} : memref<128x16xf32, #tpu.memory_space<vmem>>, vector<16xf32>,
          tpu.vector_store %arg11[%swap3A_176, %swap3A_177], %mul3A_175 {strides = array<i32>} : memref<128x16xf32, #tpu.memory_space<vmem>>, vector<16xf32>,
          %mul3A_179 = arith.constant 8 : i32
          %mul3A_180 = arith.muli %scan3A_126, %mul3A_179 : i32
          %add3A_181 = arith.constant 4 : i32
          %add3A_182 = arith.addi %mul3A_180, %add3A_181 : i32
          %broadcast_in_dim3A_183 = vector.broadcast %mul3A_65 : i32 to vector<16xi32>
          %broadcast_in_dim3A_184 = vector.broadcast %add3A_182 : i32 to vector<16xi32>
          %gather3A_185 = tpu.vector_load_idx %arg10[%broadcast_in_dim3A_183, %broadcast_in_dim3A_184] : memref<16x128xf32, #tpu.memory_space<vmem>>[vector<16xi32>, vector<16xi32>], vector<16xf32>,
          %get3A_186 = arith.index_cast %add3A_182 : i32 to index
          %get3A_187 = arith.constant 0 : index
          %get3A_188 = tpu.vector_load %arg11[%get3A_186, %get3A_187] {strides = array<i32>} : memref<128x16xf32, #tpu.memory_space<vmem>>, vector<16xf32>,
          %mul3A_189 = arith.mulf %get3A_188, %gather3A_185 : vector<16xf32>
          %swap3A_190 = arith.index_cast %add3A_182 : i32 to index
          %swap3A_191 = arith.constant 0 : index
          %swap3A_192 = tpu.vector_load %arg11[%swap3A_190, %swap3A_191] {strides = array<i32>} : memref<128x16xf32, #tpu.memory_space<vmem>>, vector<16xf32>,
          tpu.vector_store %arg11[%swap3A_190, %swap3A_191], %mul3A_189 {strides = array<i32>} : memref<128x16xf32, #tpu.memory_space<vmem>>, vector<16xf32>,
          %mul3A_193 = arith.constant 8 : i32
          %mul3A_194 = arith.muli %scan3A_126, %mul3A_193 : i32
          %add3A_195 = arith.constant 5 : i32
          %add3A_196 = arith.addi %mul3A_194, %add3A_195 : i32
          %broadcast_in_dim3A_197 = vector.broadcast %mul3A_65 : i32 to vector<16xi32>
          %broadcast_in_dim3A_198 = vector.broadcast %add3A_196 : i32 to vector<16xi32>
          %gather3A_199 = tpu.vector_load_idx %arg10[%broadcast_in_dim3A_197, %broadcast_in_dim3A_198] : memref<16x128xf32, #tpu.memory_space<vmem>>[vector<16xi32>, vector<16xi32>], vector<16xf32>,
          %get3A_200 = arith.index_cast %add3A_196 : i32 to index
          %get3A_201 = arith.constant 0 : index
          %get3A_202 = tpu.vector_load %arg11[%get3A_200, %get3A_201] {strides = array<i32>} : memref<128x16xf32, #tpu.memory_space<vmem>>, vector<16xf32>,
          %mul3A_203 = arith.mulf %get3A_202, %gather3A_199 : vector<16xf32>
          %swap3A_204 = arith.index_cast %add3A_196 : i32 to index
          %swap3A_205 = arith.constant 0 : index
          %swap3A_206 = tpu.vector_load %arg11[%swap3A_204, %swap3A_205] {strides = array<i32>} : memref<128x16xf32, #tpu.memory_space<vmem>>, vector<16xf32>,
          tpu.vector_store %arg11[%swap3A_204, %swap3A_205], %mul3A_203 {strides = array<i32>} : memref<128x16xf32, #tpu.memory_space<vmem>>, vector<16xf32>,
          %mul3A_207 = arith.constant 8 : i32
          %mul3A_208 = arith.muli %scan3A_126, %mul3A_207 : i32
          %add3A_209 = arith.constant 6 : i32
          %add3A_210 = arith.addi %mul3A_208, %add3A_209 : i32
          %broadcast_in_dim3A_211 = vector.broadcast %mul3A_65 : i32 to vector<16xi32>
          %broadcast_in_dim3A_212 = vector.broadcast %add3A_210 : i32 to vector<16xi32>
          %gather3A_213 = tpu.vector_load_idx %arg10[%broadcast_in_dim3A_211, %broadcast_in_dim3A_212] : memref<16x128xf32, #tpu.memory_space<vmem>>[vector<16xi32>, vector<16xi32>], vector<16xf32>,
          %get3A_214 = arith.index_cast %add3A_210 : i32 to index
          %get3A_215 = arith.constant 0 : index
          %get3A_216 = tpu.vector_load %arg11[%get3A_214, %get3A_215] {strides = array<i32>} : memref<128x16xf32, #tpu.memory_space<vmem>>, vector<16xf32>,
          %mul3A_217 = arith.mulf %get3A_216, %gather3A_213 : vector<16xf32>
          %swap3A_218 = arith.index_cast %add3A_210 : i32 to index
          %swap3A_219 = arith.constant 0 : index
          %swap3A_220 = tpu.vector_load %arg11[%swap3A_218, %swap3A_219] {strides = array<i32>} : memref<128x16xf32, #tpu.memory_space<vmem>>, vector<16xf32>,
          tpu.vector_store %arg11[%swap3A_218, %swap3A_219], %mul3A_217 {strides = array<i32>} : memref<128x16xf32, #tpu.memory_space<vmem>>, vector<16xf32>,
          %mul3A_221 = arith.constant 8 : i32
          %mul3A_222 = arith.muli %scan3A_126, %mul3A_221 : i32
          %add3A_223 = arith.constant 7 : i32
          %add3A_224 = arith.addi %mul3A_222, %add3A_223 : i32
          %broadcast_in_dim3A_225 = vector.broadcast %mul3A_65 : i32 to vector<16xi32>
          %broadcast_in_dim3A_226 = vector.broadcast %add3A_224 : i32 to vector<16xi32>
          %gather3A_227 = tpu.vector_load_idx %arg10[%broadcast_in_dim3A_225, %broadcast_in_dim3A_226] : memref<16x128xf32, #tpu.memory_space<vmem>>[vector<16xi32>, vector<16xi32>], vector<16xf32>,
          %get3A_228 = arith.index_cast %add3A_224 : i32 to index
          %get3A_229 = arith.constant 0 : index
          %get3A_230 = tpu.vector_load %arg11[%get3A_228, %get3A_229] {strides = array<i32>} : memref<128x16xf32, #tpu.memory_space<vmem>>, vector<16xf32>,
          %mul3A_231 = arith.mulf %get3A_230, %gather3A_227 : vector<16xf32>
          %swap3A_232 = arith.index_cast %add3A_224 : i32 to index
          %swap3A_233 = arith.constant 0 : index
          %swap3A_234 = tpu.vector_load %arg11[%swap3A_232, %swap3A_233] {strides = array<i32>} : memref<128x16xf32, #tpu.memory_space<vmem>>, vector<16xf32>,
          tpu.vector_store %arg11[%swap3A_232, %swap3A_233], %mul3A_231 {strides = array<i32>} : memref<128x16xf32, #tpu.memory_space<vmem>>, vector<16xf32>,
        }
        %scan3A_79 = arith.constant 16 : i32
        %dma_start3A_80 = arith.constant 0 : i32
        %dma_start3A_81 = tpu.memref_slice %arg9[%mul3A_65, %dma_start3A_80] : memref<16x128xi32, #tpu.memory_space<vmem>> -> memref<1x128xi32, #tpu.memory_space<vmem>>
        %dma_start3A_82 = tpu.memref_squeeze %dma_start3A_81 : memref<1x128xi32, #tpu.memory_space<vmem>> -> memref<128xi32, #tpu.memory_space<vmem>>
        %dma_start3A_83 = arith.constant 0 : i32
        %dma_start3A_84 = arith.constant 0 : i32
        %dma_start3A_85 = tpu.memref_slice %arg13[%dma_start3A_83, %dma_start3A_84] : memref<10240x16xf32, #tpu.memory_space<vmem_shared>> -> memref<10240x16xf32, #tpu.memory_space<vmem_shared>>
        tpu.enqueue_indirect_dma source(%arg11 : memref<128x16xf32, #tpu.memory_space<vmem>>) target(%dma_start3A_85 : memref<10240x16xf32, #tpu.memory_space<vmem_shared>>) offsets(%dma_start3A_82 : memref<128xi32, #tpu.memory_space<vmem>>) semaphore(%arg17 : memref<!tpu.dma_semaphore, #tpu.memory_space<semaphore_mem>>) {add = true}
        %dma_wait3A_86 = arith.constant 0 : i32
        %dma_wait3A_87 = tpu.memref_slice %arg8[%add3A_69, %dma_wait3A_86] : memref<16x128xi32, #tpu.memory_space<vmem>> -> memref<1x128xi32, #tpu.memory_space<vmem>>
        %dma_wait3A_88 = tpu.memref_squeeze %dma_wait3A_87 : memref<1x128xi32, #tpu.memory_space<vmem>> -> memref<128xi32, #tpu.memory_space<vmem>>
        %dma_wait3A_89 = arith.constant 0 : i32
        %dma_wait3A_90 = arith.constant 0 : i32
        %dma_wait3A_91 = tpu.memref_slice %arg6[%dma_wait3A_89, %dma_wait3A_90] : memref<90000x16xf32, #tpu.memory_space<hbm>> -> memref<90000x16xf32, #tpu.memory_space<hbm>>
        tpu.wait_indirect_dma semaphore(%arg16 : memref<!tpu.dma_semaphore, #tpu.memory_space<semaphore_mem>>) src(%dma_wait3A_91 : memref<90000x16xf32, #tpu.memory_space<hbm>>) dst(%arg12 : memref<128x16xf32, #tpu.memory_space<vmem>>)
        %scan3A_92 = arith.constant 0 : i32
        %scan3A_93 = arith.constant 16 : i32
        %scan3A_94 = arith.addi %scan3A_92, %scan3A_93 : i32
        %scan3A_95 = arith.constant 1 : i32
        scf.for %scan3A_126 = %scan3A_92 to %scan3A_94 step %scan3A_95  : i32 {
          %mul3A_127 = arith.constant 8 : i32
          %mul3A_128 = arith.muli %scan3A_126, %mul3A_127 : i32
          %add3A_129 = arith.constant 0 : i32
          %add3A_130 = arith.addi %mul3A_128, %add3A_129 : i32
          %broadcast_in_dim3A = vector.broadcast %add3A_69 : i32 to vector<16xi32>
          %broadcast_in_dim3A_131 = vector.broadcast %add3A_130 : i32 to vector<16xi32>
          %gather3A = tpu.vector_load_idx %arg10[%broadcast_in_dim3A, %broadcast_in_dim3A_131] : memref<16x128xf32, #tpu.memory_space<vmem>>[vector<16xi32>, vector<16xi32>], vector<16xf32>,
          %get3A = arith.index_cast %add3A_130 : i32 to index
          %get3A_132 = arith.constant 0 : index
          %get3A_133 = tpu.vector_load %arg12[%get3A, %get3A_132] {strides = array<i32>} : memref<128x16xf32, #tpu.memory_space<vmem>>, vector<16xf32>,
          %mul3A_134 = arith.mulf %get3A_133, %gather3A : vector<16xf32>
          %swap3A = arith.index_cast %add3A_130 : i32 to index
          %swap3A_135 = arith.constant 0 : index
          %swap3A_136 = tpu.vector_load %arg12[%swap3A, %swap3A_135] {strides = array<i32>} : memref<128x16xf32, #tpu.memory_space<vmem>>, vector<16xf32>,
          tpu.vector_store %arg12[%swap3A, %swap3A_135], %mul3A_134 {strides = array<i32>} : memref<128x16xf32, #tpu.memory_space<vmem>>, vector<16xf32>,
          %mul3A_137 = arith.constant 8 : i32
          %mul3A_138 = arith.muli %scan3A_126, %mul3A_137 : i32
          %add3A_139 = arith.constant 1 : i32
          %add3A_140 = arith.addi %mul3A_138, %add3A_139 : i32
          %broadcast_in_dim3A_141 = vector.broadcast %add3A_69 : i32 to vector<16xi32>
          %broadcast_in_dim3A_142 = vector.broadcast %add3A_140 : i32 to vector<16xi32>
          %gather3A_143 = tpu.vector_load_idx %arg10[%broadcast_in_dim3A_141, %broadcast_in_dim3A_142] : memref<16x128xf32, #tpu.memory_space<vmem>>[vector<16xi32>, vector<16xi32>], vector<16xf32>,
          %get3A_144 = arith.index_cast %add3A_140 : i32 to index
          %get3A_145 = arith.constant 0 : index
          %get3A_146 = tpu.vector_load %arg12[%get3A_144, %get3A_145] {strides = array<i32>} : memref<128x16xf32, #tpu.memory_space<vmem>>, vector<16xf32>,
          %mul3A_147 = arith.mulf %get3A_146, %gather3A_143 : vector<16xf32>
          %swap3A_148 = arith.index_cast %add3A_140 : i32 to index
          %swap3A_149 = arith.constant 0 : index
          %swap3A_150 = tpu.vector_load %arg12[%swap3A_148, %swap3A_149] {strides = array<i32>} : memref<128x16xf32, #tpu.memory_space<vmem>>, vector<16xf32>,
          tpu.vector_store %arg12[%swap3A_148, %swap3A_149], %mul3A_147 {strides = array<i32>} : memref<128x16xf32, #tpu.memory_space<vmem>>, vector<16xf32>,
          %mul3A_151 = arith.constant 8 : i32
          %mul3A_152 = arith.muli %scan3A_126, %mul3A_151 : i32
          %add3A_153 = arith.constant 2 : i32
          %add3A_154 = arith.addi %mul3A_152, %add3A_153 : i32
          %broadcast_in_dim3A_155 = vector.broadcast %add3A_69 : i32 to vector<16xi32>
          %broadcast_in_dim3A_156 = vector.broadcast %add3A_154 : i32 to vector<16xi32>
          %gather3A_157 = tpu.vector_load_idx %arg10[%broadcast_in_dim3A_155, %broadcast_in_dim3A_156] : memref<16x128xf32, #tpu.memory_space<vmem>>[vector<16xi32>, vector<16xi32>], vector<16xf32>,
          %get3A_158 = arith.index_cast %add3A_154 : i32 to index
          %get3A_159 = arith.constant 0 : index
          %get3A_160 = tpu.vector_load %arg12[%get3A_158, %get3A_159] {strides = array<i32>} : memref<128x16xf32, #tpu.memory_space<vmem>>, vector<16xf32>,
          %mul3A_161 = arith.mulf %get3A_160, %gather3A_157 : vector<16xf32>
          %swap3A_162 = arith.index_cast %add3A_154 : i32 to index
          %swap3A_163 = arith.constant 0 : index
          %swap3A_164 = tpu.vector_load %arg12[%swap3A_162, %swap3A_163] {strides = array<i32>} : memref<128x16xf32, #tpu.memory_space<vmem>>, vector<16xf32>,
          tpu.vector_store %arg12[%swap3A_162, %swap3A_163], %mul3A_161 {strides = array<i32>} : memref<128x16xf32, #tpu.memory_space<vmem>>, vector<16xf32>,
          %mul3A_165 = arith.constant 8 : i32
          %mul3A_166 = arith.muli %scan3A_126, %mul3A_165 : i32
          %add3A_167 = arith.constant 3 : i32
          %add3A_168 = arith.addi %mul3A_166, %add3A_167 : i32
          %broadcast_in_dim3A_169 = vector.broadcast %add3A_69 : i32 to vector<16xi32>
          %broadcast_in_dim3A_170 = vector.broadcast %add3A_168 : i32 to vector<16xi32>
          %gather3A_171 = tpu.vector_load_idx %arg10[%broadcast_in_dim3A_169, %broadcast_in_dim3A_170] : memref<16x128xf32, #tpu.memory_space<vmem>>[vector<16xi32>, vector<16xi32>], vector<16xf32>,
          %get3A_172 = arith.index_cast %add3A_168 : i32 to index
          %get3A_173 = arith.constant 0 : index
          %get3A_174 = tpu.vector_load %arg12[%get3A_172, %get3A_173] {strides = array<i32>} : memref<128x16xf32, #tpu.memory_space<vmem>>, vector<16xf32>,
          %mul3A_175 = arith.mulf %get3A_174, %gather3A_171 : vector<16xf32>
          %swap3A_176 = arith.index_cast %add3A_168 : i32 to index
          %swap3A_177 = arith.constant 0 : index
          %swap3A_178 = tpu.vector_load %arg12[%swap3A_176, %swap3A_177] {strides = array<i32>} : memref<128x16xf32, #tpu.memory_space<vmem>>, vector<16xf32>,
          tpu.vector_store %arg12[%swap3A_176, %swap3A_177], %mul3A_175 {strides = array<i32>} : memref<128x16xf32, #tpu.memory_space<vmem>>, vector<16xf32>,
          %mul3A_179 = arith.constant 8 : i32
          %mul3A_180 = arith.muli %scan3A_126, %mul3A_179 : i32
          %add3A_181 = arith.constant 4 : i32
          %add3A_182 = arith.addi %mul3A_180, %add3A_181 : i32
          %broadcast_in_dim3A_183 = vector.broadcast %add3A_69 : i32 to vector<16xi32>
          %broadcast_in_dim3A_184 = vector.broadcast %add3A_182 : i32 to vector<16xi32>
          %gather3A_185 = tpu.vector_load_idx %arg10[%broadcast_in_dim3A_183, %broadcast_in_dim3A_184] : memref<16x128xf32, #tpu.memory_space<vmem>>[vector<16xi32>, vector<16xi32>], vector<16xf32>,
          %get3A_186 = arith.index_cast %add3A_182 : i32 to index
          %get3A_187 = arith.constant 0 : index
          %get3A_188 = tpu.vector_load %arg12[%get3A_186, %get3A_187] {strides = array<i32>} : memref<128x16xf32, #tpu.memory_space<vmem>>, vector<16xf32>,
          %mul3A_189 = arith.mulf %get3A_188, %gather3A_185 : vector<16xf32>
          %swap3A_190 = arith.index_cast %add3A_182 : i32 to index
          %swap3A_191 = arith.constant 0 : index
          %swap3A_192 = tpu.vector_load %arg12[%swap3A_190, %swap3A_191] {strides = array<i32>} : memref<128x16xf32, #tpu.memory_space<vmem>>, vector<16xf32>,
          tpu.vector_store %arg12[%swap3A_190, %swap3A_191], %mul3A_189 {strides = array<i32>} : memref<128x16xf32, #tpu.memory_space<vmem>>, vector<16xf32>,
          %mul3A_193 = arith.constant 8 : i32
          %mul3A_194 = arith.muli %scan3A_126, %mul3A_193 : i32
          %add3A_195 = arith.constant 5 : i32
          %add3A_196 = arith.addi %mul3A_194, %add3A_195 : i32
          %broadcast_in_dim3A_197 = vector.broadcast %add3A_69 : i32 to vector<16xi32>
          %broadcast_in_dim3A_198 = vector.broadcast %add3A_196 : i32 to vector<16xi32>
          %gather3A_199 = tpu.vector_load_idx %arg10[%broadcast_in_dim3A_197, %broadcast_in_dim3A_198] : memref<16x128xf32, #tpu.memory_space<vmem>>[vector<16xi32>, vector<16xi32>], vector<16xf32>,
          %get3A_200 = arith.index_cast %add3A_196 : i32 to index
          %get3A_201 = arith.constant 0 : index
          %get3A_202 = tpu.vector_load %arg12[%get3A_200, %get3A_201] {strides = array<i32>} : memref<128x16xf32, #tpu.memory_space<vmem>>, vector<16xf32>,
          %mul3A_203 = arith.mulf %get3A_202, %gather3A_199 : vector<16xf32>
          %swap3A_204 = arith.index_cast %add3A_196 : i32 to index
          %swap3A_205 = arith.constant 0 : index
          %swap3A_206 = tpu.vector_load %arg12[%swap3A_204, %swap3A_205] {strides = array<i32>} : memref<128x16xf32, #tpu.memory_space<vmem>>, vector<16xf32>,
          tpu.vector_store %arg12[%swap3A_204, %swap3A_205], %mul3A_203 {strides = array<i32>} : memref<128x16xf32, #tpu.memory_space<vmem>>, vector<16xf32>,
          %mul3A_207 = arith.constant 8 : i32
          %mul3A_208 = arith.muli %scan3A_126, %mul3A_207 : i32
          %add3A_209 = arith.constant 6 : i32
          %add3A_210 = arith.addi %mul3A_208, %add3A_209 : i32
          %broadcast_in_dim3A_211 = vector.broadcast %add3A_69 : i32 to vector<16xi32>
          %broadcast_in_dim3A_212 = vector.broadcast %add3A_210 : i32 to vector<16xi32>
          %gather3A_213 = tpu.vector_load_idx %arg10[%broadcast_in_dim3A_211, %broadcast_in_dim3A_212] : memref<16x128xf32, #tpu.memory_space<vmem>>[vector<16xi32>, vector<16xi32>], vector<16xf32>,
          %get3A_214 = arith.index_cast %add3A_210 : i32 to index
          %get3A_215 = arith.constant 0 : index
          %get3A_216 = tpu.vector_load %arg12[%get3A_214, %get3A_215] {strides = array<i32>} : memref<128x16xf32, #tpu.memory_space<vmem>>, vector<16xf32>,
          %mul3A_217 = arith.mulf %get3A_216, %gather3A_213 : vector<16xf32>
          %swap3A_218 = arith.index_cast %add3A_210 : i32 to index
          %swap3A_219 = arith.constant 0 : index
          %swap3A_220 = tpu.vector_load %arg12[%swap3A_218, %swap3A_219] {strides = array<i32>} : memref<128x16xf32, #tpu.memory_space<vmem>>, vector<16xf32>,
          tpu.vector_store %arg12[%swap3A_218, %swap3A_219], %mul3A_217 {strides = array<i32>} : memref<128x16xf32, #tpu.memory_space<vmem>>, vector<16xf32>,
          %mul3A_221 = arith.constant 8 : i32
          %mul3A_222 = arith.muli %scan3A_126, %mul3A_221 : i32
          %add3A_223 = arith.constant 7 : i32
          %add3A_224 = arith.addi %mul3A_222, %add3A_223 : i32
          %broadcast_in_dim3A_225 = vector.broadcast %add3A_69 : i32 to vector<16xi32>
          %broadcast_in_dim3A_226 = vector.broadcast %add3A_224 : i32 to vector<16xi32>
          %gather3A_227 = tpu.vector_load_idx %arg10[%broadcast_in_dim3A_225, %broadcast_in_dim3A_226] : memref<16x128xf32, #tpu.memory_space<vmem>>[vector<16xi32>, vector<16xi32>], vector<16xf32>,
          %get3A_228 = arith.index_cast %add3A_224 : i32 to index
          %get3A_229 = arith.constant 0 : index
          %get3A_230 = tpu.vector_load %arg12[%get3A_228, %get3A_229] {strides = array<i32>} : memref<128x16xf32, #tpu.memory_space<vmem>>, vector<16xf32>,
          %mul3A_231 = arith.mulf %get3A_230, %gather3A_227 : vector<16xf32>
          %swap3A_232 = arith.index_cast %add3A_224 : i32 to index
          %swap3A_233 = arith.constant 0 : index
          %swap3A_234 = tpu.vector_load %arg12[%swap3A_232, %swap3A_233] {strides = array<i32>} : memref<128x16xf32, #tpu.memory_space<vmem>>, vector<16xf32>,
          tpu.vector_store %arg12[%swap3A_232, %swap3A_233], %mul3A_231 {strides = array<i32>} : memref<128x16xf32, #tpu.memory_space<vmem>>, vector<16xf32>,
        }
        %scan3A_96 = arith.constant 16 : i32
        %dma_start3A_97 = arith.constant 0 : i32
        %dma_start3A_98 = tpu.memref_slice %arg9[%add3A_69, %dma_start3A_97] : memref<16x128xi32, #tpu.memory_space<vmem>> -> memref<1x128xi32, #tpu.memory_space<vmem>>
        %dma_start3A_99 = tpu.memref_squeeze %dma_start3A_98 : memref<1x128xi32, #tpu.memory_space<vmem>> -> memref<128xi32, #tpu.memory_space<vmem>>
        %dma_start3A_100 = arith.constant 0 : i32
        %dma_start3A_101 = arith.constant 0 : i32
        %dma_start3A_102 = tpu.memref_slice %arg13[%dma_start3A_100, %dma_start3A_101] : memref<10240x16xf32, #tpu.memory_space<vmem_shared>> -> memref<10240x16xf32, #tpu.memory_space<vmem_shared>>
        tpu.enqueue_indirect_dma source(%arg12 : memref<128x16xf32, #tpu.memory_space<vmem>>) target(%dma_start3A_102 : memref<10240x16xf32, #tpu.memory_space<vmem_shared>>) offsets(%dma_start3A_99 : memref<128xi32, #tpu.memory_space<vmem>>) semaphore(%arg18 : memref<!tpu.dma_semaphore, #tpu.memory_space<semaphore_mem>>) {add = true}
        %dma_wait3A_103 = arith.constant 0 : i32
        %dma_wait3A_104 = tpu.memref_slice %arg9[%mul3A_65, %dma_wait3A_103] : memref<16x128xi32, #tpu.memory_space<vmem>> -> memref<1x128xi32, #tpu.memory_space<vmem>>
        %dma_wait3A_105 = tpu.memref_squeeze %dma_wait3A_104 : memref<1x128xi32, #tpu.memory_space<vmem>> -> memref<128xi32, #tpu.memory_space<vmem>>
        %dma_wait3A_106 = arith.constant 0 : i32
        %dma_wait3A_107 = arith.constant 0 : i32
        %dma_wait3A_108 = tpu.memref_slice %arg13[%dma_wait3A_106, %dma_wait3A_107] : memref<10240x16xf32, #tpu.memory_space<vmem_shared>> -> memref<10240x16xf32, #tpu.memory_space<vmem_shared>>
        tpu.wait_indirect_dma semaphore(%arg17 : memref<!tpu.dma_semaphore, #tpu.memory_space<semaphore_mem>>) src(%arg11 : memref<128x16xf32, #tpu.memory_space<vmem>>) dst(%dma_wait3A_108 : memref<10240x16xf32, #tpu.memory_space<vmem_shared>>)
        %add3A_109 = arith.constant 2 : i32
        %add3A_110 = arith.addi %mul3A_65, %add3A_109 : i32
        %lt3A = arith.constant 16 : i32
        %lt3A_111 = arith.cmpi slt, %add3A_110, %lt3A : i32
        %convert_element_type3A = arith.extui %lt3A_111 : i1 to i32
        %cond3A = arith.constant 0 : i32
        %cond3A_112 = arith.cmpi ne, %convert_element_type3A, %cond3A : i32
        scf.if %cond3A_112 {
          %add3A_126 = arith.constant 2 : i32
          %add3A_127 = arith.addi %mul3A_65, %add3A_126 : i32
          %dma_start3A_128 = arith.constant 0 : i32
          %dma_start3A_129 = tpu.memref_slice %arg8[%add3A_127, %dma_start3A_128] : memref<16x128xi32, #tpu.memory_space<vmem>> -> memref<1x128xi32, #tpu.memory_space<vmem>>
          %dma_start3A_130 = tpu.memref_squeeze %dma_start3A_129 : memref<1x128xi32, #tpu.memory_space<vmem>> -> memref<128xi32, #tpu.memory_space<vmem>>
          %dma_start3A_131 = arith.constant 0 : i32
          %dma_start3A_132 = arith.constant 0 : i32
          %dma_start3A_133 = tpu.memref_slice %arg6[%dma_start3A_131, %dma_start3A_132] : memref<90000x16xf32, #tpu.memory_space<hbm>> -> memref<90000x16xf32, #tpu.memory_space<hbm>>
          tpu.enqueue_indirect_dma source(%dma_start3A_133 : memref<90000x16xf32, #tpu.memory_space<hbm>>) target(%arg11 : memref<128x16xf32, #tpu.memory_space<vmem>>) offsets(%dma_start3A_130 : memref<128xi32, #tpu.memory_space<vmem>>) semaphore(%arg15 : memref<!tpu.dma_semaphore, #tpu.memory_space<semaphore_mem>>)
        } else {
        }
        %dma_wait3A_113 = arith.constant 0 : i32
        %dma_wait3A_114 = tpu.memref_slice %arg9[%add3A_69, %dma_wait3A_113] : memref<16x128xi32, #tpu.memory_space<vmem>> -> memref<1x128xi32, #tpu.memory_space<vmem>>
        %dma_wait3A_115 = tpu.memref_squeeze %dma_wait3A_114 : memref<1x128xi32, #tpu.memory_space<vmem>> -> memref<128xi32, #tpu.memory_space<vmem>>
        %dma_wait3A_116 = arith.constant 0 : i32
        %dma_wait3A_117 = arith.constant 0 : i32
        %dma_wait3A_118 = tpu.memref_slice %arg13[%dma_wait3A_116, %dma_wait3A_117] : memref<10240x16xf32, #tpu.memory_space<vmem_shared>> -> memref<10240x16xf32, #tpu.memory_space<vmem_shared>>
        tpu.wait_indirect_dma semaphore(%arg18 : memref<!tpu.dma_semaphore, #tpu.memory_space<semaphore_mem>>) src(%arg12 : memref<128x16xf32, #tpu.memory_space<vmem>>) dst(%dma_wait3A_118 : memref<10240x16xf32, #tpu.memory_space<vmem_shared>>)
        %add3A_119 = arith.constant 2 : i32
        %add3A_120 = arith.addi %add3A_69, %add3A_119 : i32
        %lt3A_121 = arith.constant 16 : i32
        %lt3A_122 = arith.cmpi slt, %add3A_120, %lt3A_121 : i32
        %convert_element_type3A_123 = arith.extui %lt3A_122 : i1 to i32
        %cond3A_124 = arith.constant 0 : i32
        %cond3A_125 = arith.cmpi ne, %convert_element_type3A_123, %cond3A_124 : i32
        scf.if %cond3A_125 {
          %add3A_126 = arith.constant 2 : i32
          %add3A_127 = arith.addi %add3A_69, %add3A_126 : i32
          %dma_start3A_128 = arith.constant 0 : i32
          %dma_start3A_129 = tpu.memref_slice %arg8[%add3A_127, %dma_start3A_128] : memref<16x128xi32, #tpu.memory_space<vmem>> -> memref<1x128xi32, #tpu.memory_space<vmem>>
          %dma_start3A_130 = tpu.memref_squeeze %dma_start3A_129 : memref<1x128xi32, #tpu.memory_space<vmem>> -> memref<128xi32, #tpu.memory_space<vmem>>
          %dma_start3A_131 = arith.constant 0 : i32
          %dma_start3A_132 = arith.constant 0 : i32
          %dma_start3A_133 = tpu.memref_slice %arg6[%dma_start3A_131, %dma_start3A_132] : memref<90000x16xf32, #tpu.memory_space<hbm>> -> memref<90000x16xf32, #tpu.memory_space<hbm>>
          tpu.enqueue_indirect_dma source(%dma_start3A_133 : memref<90000x16xf32, #tpu.memory_space<hbm>>) target(%arg12 : memref<128x16xf32, #tpu.memory_space<vmem>>) offsets(%dma_start3A_130 : memref<128xi32, #tpu.memory_space<vmem>>) semaphore(%arg16 : memref<!tpu.dma_semaphore, #tpu.memory_space<semaphore_mem>>)
        } else {
        }
      }
      %scan3A_62 = arith.constant 8 : i32
    }
    %while3A_25 = arith.constant 1 : i32
    scf.for %while3A_31 = %while3A_23 to %while3A_19 step %while3A_25  : i32 {
      %mul3A_32 = arith.constant 16 : i32
      %mul3A_33 = arith.muli %while3A_31, %mul3A_32 : i32
      %add3A_34 = arith.addi %select_n3A_17, %mul3A_33 : i32
      "tpu.region"() ({
        %run_scoped3A = tpu.sem_alloc : memref<!tpu.dma_semaphore, #tpu.memory_space<semaphore_mem>>
        %dma_start3A_63 = arith.constant 0 : i32
        %dma_start3A_64 = tpu.memref_slice %arg4[%add3A_34, %dma_start3A_63] : memref<1280x128xi32, #tpu.memory_space<hbm>> -> memref<16x128xi32, #tpu.memory_space<hbm>>
        %dma_start3A_65 = arith.constant 0 : i32
        %dma_start3A_66 = tpu.memref_slice %arg4[%add3A_34, %dma_start3A_65] : memref<1280x128xi32, #tpu.memory_space<hbm>> -> memref<16x128xi32, #tpu.memory_space<hbm>>
        tpu.enqueue_dma source(%dma_start3A_66 : memref<16x128xi32, #tpu.memory_space<hbm>>) target(%arg8 : memref<16x128xi32, #tpu.memory_space<vmem>>) target_semaphore(%run_scoped3A : memref<!tpu.dma_semaphore, #tpu.memory_space<semaphore_mem>>)
        %dma_wait3A = arith.constant 0 : i32
        %dma_wait3A_67 = tpu.memref_slice %arg4[%add3A_34, %dma_wait3A] : memref<1280x128xi32, #tpu.memory_space<hbm>> -> memref<16x128xi32, #tpu.memory_space<hbm>>
        %dma_wait3A_68 = arith.constant 0 : i32
        %dma_wait3A_69 = tpu.memref_slice %arg4[%add3A_34, %dma_wait3A_68] : memref<1280x128xi32, #tpu.memory_space<hbm>> -> memref<16x128xi32, #tpu.memory_space<hbm>>
        tpu.wait_dma2 semaphore(%run_scoped3A : memref<!tpu.dma_semaphore, #tpu.memory_space<semaphore_mem>>) src(%dma_wait3A_69 : memref<16x128xi32, #tpu.memory_space<hbm>>) dst(%arg8 : memref<16x128xi32, #tpu.memory_space<vmem>>)
        tpu.yield
      }) : () -> ()
      %scan3A_35 = arith.constant 0 : i32
      %scan3A_36 = arith.constant 16 : i32
      %scan3A_37 = arith.addi %scan3A_35, %scan3A_36 : i32
      %scan3A_38 = arith.constant 1 : i32
      scf.for %scan3A_63 = %scan3A_35 to %scan3A_37 step %scan3A_38  : i32 {
        %dma_start3A_64 = arith.constant 0 : i32
        %dma_start3A_65 = tpu.memref_slice %arg10[%scan3A_63, %dma_start3A_64] : memref<16x128xf32, #tpu.memory_space<vmem>> -> memref<1x128xf32, #tpu.memory_space<vmem>>
        %dma_start3A_66 = tpu.memref_squeeze %dma_start3A_65 : memref<1x128xf32, #tpu.memory_space<vmem>> -> memref<128xf32, #tpu.memory_space<vmem>>
        %dma_start3A_67 = arith.constant 0 : i32
        %dma_start3A_68 = tpu.memref_slice %arg8[%scan3A_63, %dma_start3A_67] : memref<16x128xi32, #tpu.memory_space<vmem>> -> memref<1x128xi32, #tpu.memory_space<vmem>>
        %dma_start3A_69 = tpu.memref_squeeze %dma_start3A_68 : memref<1x128xi32, #tpu.memory_space<vmem>> -> memref<128xi32, #tpu.memory_space<vmem>>
        %dma_start3A_70 = arith.constant 0 : i32
        %dma_start3A_71 = tpu.memref_slice %arg5[%dma_start3A_70] : memref<81920xf32, #tpu.memory_space<hbm>> -> memref<81920xf32, #tpu.memory_space<hbm>>
        tpu.enqueue_indirect_dma source(%dma_start3A_71 : memref<81920xf32, #tpu.memory_space<hbm>>) target(%dma_start3A_66 : memref<128xf32, #tpu.memory_space<vmem>>) offsets(%dma_start3A_69 : memref<128xi32, #tpu.memory_space<vmem>>) semaphore(%arg14 : memref<!tpu.dma_semaphore, #tpu.memory_space<semaphore_mem>>)
      }
      %scan3A_39 = arith.constant 16 : i32
      %scan3A_40 = arith.constant 0 : i32
      %scan3A_41 = arith.constant 16 : i32
      %scan3A_42 = arith.addi %scan3A_40, %scan3A_41 : i32
      %scan3A_43 = arith.constant 1 : i32
      scf.for %scan3A_63 = %scan3A_40 to %scan3A_42 step %scan3A_43  : i32 {
        %dma_wait3A = arith.constant 0 : i32
        %dma_wait3A_64 = tpu.memref_slice %arg10[%scan3A_63, %dma_wait3A] : memref<16x128xf32, #tpu.memory_space<vmem>> -> memref<1x128xf32, #tpu.memory_space<vmem>>
        %dma_wait3A_65 = tpu.memref_squeeze %dma_wait3A_64 : memref<1x128xf32, #tpu.memory_space<vmem>> -> memref<128xf32, #tpu.memory_space<vmem>>
        %dma_wait3A_66 = arith.constant 0 : i32
        %dma_wait3A_67 = tpu.memref_slice %arg8[%scan3A_63, %dma_wait3A_66] : memref<16x128xi32, #tpu.memory_space<vmem>> -> memref<1x128xi32, #tpu.memory_space<vmem>>
        %dma_wait3A_68 = tpu.memref_squeeze %dma_wait3A_67 : memref<1x128xi32, #tpu.memory_space<vmem>> -> memref<128xi32, #tpu.memory_space<vmem>>
        %dma_wait3A_69 = arith.constant 0 : i32
        %dma_wait3A_70 = tpu.memref_slice %arg5[%dma_wait3A_69] : memref<81920xf32, #tpu.memory_space<hbm>> -> memref<81920xf32, #tpu.memory_space<hbm>>
        tpu.wait_indirect_dma semaphore(%arg14 : memref<!tpu.dma_semaphore, #tpu.memory_space<semaphore_mem>>) src(%dma_wait3A_70 : memref<81920xf32, #tpu.memory_space<hbm>>) dst(%dma_wait3A_65 : memref<128xf32, #tpu.memory_space<vmem>>)
      }
      %scan3A_44 = arith.constant 16 : i32
      "tpu.region"() ({
        %run_scoped3A = tpu.sem_alloc : memref<!tpu.dma_semaphore, #tpu.memory_space<semaphore_mem>>
        %dma_start3A_63 = arith.constant 0 : i32
        %dma_start3A_64 = tpu.memref_slice %arg2[%add3A_34, %dma_start3A_63] : memref<1280x128xi32, #tpu.memory_space<hbm>> -> memref<16x128xi32, #tpu.memory_space<hbm>>
        %dma_start3A_65 = arith.constant 0 : i32
        %dma_start3A_66 = tpu.memref_slice %arg2[%add3A_34, %dma_start3A_65] : memref<1280x128xi32, #tpu.memory_space<hbm>> -> memref<16x128xi32, #tpu.memory_space<hbm>>
        tpu.enqueue_dma source(%dma_start3A_66 : memref<16x128xi32, #tpu.memory_space<hbm>>) target(%arg8 : memref<16x128xi32, #tpu.memory_space<vmem>>) target_semaphore(%run_scoped3A : memref<!tpu.dma_semaphore, #tpu.memory_space<semaphore_mem>>)
        %dma_wait3A = arith.constant 0 : i32
        %dma_wait3A_67 = tpu.memref_slice %arg2[%add3A_34, %dma_wait3A] : memref<1280x128xi32, #tpu.memory_space<hbm>> -> memref<16x128xi32, #tpu.memory_space<hbm>>
        %dma_wait3A_68 = arith.constant 0 : i32
        %dma_wait3A_69 = tpu.memref_slice %arg2[%add3A_34, %dma_wait3A_68] : memref<1280x128xi32, #tpu.memory_space<hbm>> -> memref<16x128xi32, #tpu.memory_space<hbm>>
        tpu.wait_dma2 semaphore(%run_scoped3A : memref<!tpu.dma_semaphore, #tpu.memory_space<semaphore_mem>>) src(%dma_wait3A_69 : memref<16x128xi32, #tpu.memory_space<hbm>>) dst(%arg8 : memref<16x128xi32, #tpu.memory_space<vmem>>)
        tpu.yield
      }) : () -> ()
      "tpu.region"() ({
        %run_scoped3A = tpu.sem_alloc : memref<!tpu.dma_semaphore, #tpu.memory_space<semaphore_mem>>
        %dma_start3A_63 = arith.constant 0 : i32
        %dma_start3A_64 = tpu.memref_slice %arg3[%add3A_34, %dma_start3A_63] : memref<1280x128xi32, #tpu.memory_space<hbm>> -> memref<16x128xi32, #tpu.memory_space<hbm>>
        %dma_start3A_65 = arith.constant 0 : i32
        %dma_start3A_66 = tpu.memref_slice %arg3[%add3A_34, %dma_start3A_65] : memref<1280x128xi32, #tpu.memory_space<hbm>> -> memref<16x128xi32, #tpu.memory_space<hbm>>
        tpu.enqueue_dma source(%dma_start3A_66 : memref<16x128xi32, #tpu.memory_space<hbm>>) target(%arg9 : memref<16x128xi32, #tpu.memory_space<vmem>>) target_semaphore(%run_scoped3A : memref<!tpu.dma_semaphore, #tpu.memory_space<semaphore_mem>>)
        %dma_wait3A = arith.constant 0 : i32
        %dma_wait3A_67 = tpu.memref_slice %arg3[%add3A_34, %dma_wait3A] : memref<1280x128xi32, #tpu.memory_space<hbm>> -> memref<16x128xi32, #tpu.memory_space<hbm>>
        %dma_wait3A_68 = arith.constant 0 : i32
        %dma_wait3A_69 = tpu.memref_slice %arg3[%add3A_34, %dma_wait3A_68] : memref<1280x128xi32, #tpu.memory_space<hbm>> -> memref<16x128xi32, #tpu.memory_space<hbm>>
        tpu.wait_dma2 semaphore(%run_scoped3A : memref<!tpu.dma_semaphore, #tpu.memory_space<semaphore_mem>>) src(%dma_wait3A_69 : memref<16x128xi32, #tpu.memory_space<hbm>>) dst(%arg9 : memref<16x128xi32, #tpu.memory_space<vmem>>)
        tpu.yield
      }) : () -> ()
      %dma_start3A = arith.constant 0 : i32
      %dma_start3A_45 = arith.constant 0 : i32
      %dma_start3A_46 = tpu.memref_slice %arg8[%dma_start3A, %dma_start3A_45] : memref<16x128xi32, #tpu.memory_space<vmem>> -> memref<1x128xi32, #tpu.memory_space<vmem>>
      %dma_start3A_47 = tpu.memref_squeeze %dma_start3A_46 : memref<1x128xi32, #tpu.memory_space<vmem>> -> memref<128xi32, #tpu.memory_space<vmem>>
      %dma_start3A_48 = arith.constant 0 : i32
      %dma_start3A_49 = arith.constant 0 : i32
      %dma_start3A_50 = tpu.memref_slice %arg6[%dma_start3A_48, %dma_start3A_49] : memref<90000x16xf32, #tpu.memory_space<hbm>> -> memref<90000x16xf32, #tpu.memory_space<hbm>>
      tpu.enqueue_indirect_dma source(%dma_start3A_50 : memref<90000x16xf32, #tpu.memory_space<hbm>>) target(%arg11 : memref<128x16xf32, #tpu.memory_space<vmem>>) offsets(%dma_start3A_47 : memref<128xi32, #tpu.memory_space<vmem>>) semaphore(%arg15 : memref<!tpu.dma_semaphore, #tpu.memory_space<semaphore_mem>>)
      %dma_start3A_51 = arith.constant 1 : i32
      %dma_start3A_52 = arith.constant 0 : i32
      %dma_start3A_53 = tpu.memref_slice %arg8[%dma_start3A_51, %dma_start3A_52] : memref<16x128xi32, #tpu.memory_space<vmem>> -> memref<1x128xi32, #tpu.memory_space<vmem>>
      %dma_start3A_54 = tpu.memref_squeeze %dma_start3A_53 : memref<1x128xi32, #tpu.memory_space<vmem>> -> memref<128xi32, #tpu.memory_space<vmem>>
      %dma_start3A_55 = arith.constant 0 : i32
      %dma_start3A_56 = arith.constant 0 : i32
      %dma_start3A_57 = tpu.memref_slice %arg6[%dma_start3A_55, %dma_start3A_56] : memref<90000x16xf32, #tpu.memory_space<hbm>> -> memref<90000x16xf32, #tpu.memory_space<hbm>>
      tpu.enqueue_indirect_dma source(%dma_start3A_57 : memref<90000x16xf32, #tpu.memory_space<hbm>>) target(%arg12 : memref<128x16xf32, #tpu.memory_space<vmem>>) offsets(%dma_start3A_54 : memref<128xi32, #tpu.memory_space<vmem>>) semaphore(%arg16 : memref<!tpu.dma_semaphore, #tpu.memory_space<semaphore_mem>>)
      %scan3A_58 = arith.constant 0 : i32
      %scan3A_59 = arith.constant 8 : i32
      %scan3A_60 = arith.addi %scan3A_58, %scan3A_59 : i32
      %scan3A_61 = arith.constant 1 : i32
      scf.for %scan3A_63 = %scan3A_58 to %scan3A_60 step %scan3A_61  : i32 {
        %mul3A_64 = arith.constant 2 : i32
        %mul3A_65 = arith.muli %mul3A_64, %scan3A_63 : i32
        %mul3A_66 = arith.constant 2 : i32
        %mul3A_67 = arith.muli %mul3A_66, %scan3A_63 : i32
        %add3A_68 = arith.constant 1 : i32
        %add3A_69 = arith.addi %mul3A_67, %add3A_68 : i32
        %dma_wait3A = arith.constant 0 : i32
        %dma_wait3A_70 = tpu.memref_slice %arg8[%mul3A_65, %dma_wait3A] : memref<16x128xi32, #tpu.memory_space<vmem>> -> memref<1x128xi32, #tpu.memory_space<vmem>>
        %dma_wait3A_71 = tpu.memref_squeeze %dma_wait3A_70 : memref<1x128xi32, #tpu.memory_space<vmem>> -> memref<128xi32, #tpu.memory_space<vmem>>
        %dma_wait3A_72 = arith.constant 0 : i32
        %dma_wait3A_73 = arith.constant 0 : i32
        %dma_wait3A_74 = tpu.memref_slice %arg6[%dma_wait3A_72, %dma_wait3A_73] : memref<90000x16xf32, #tpu.memory_space<hbm>> -> memref<90000x16xf32, #tpu.memory_space<hbm>>
        tpu.wait_indirect_dma semaphore(%arg15 : memref<!tpu.dma_semaphore, #tpu.memory_space<semaphore_mem>>) src(%dma_wait3A_74 : memref<90000x16xf32, #tpu.memory_space<hbm>>) dst(%arg11 : memref<128x16xf32, #tpu.memory_space<vmem>>)
        %scan3A_75 = arith.constant 0 : i32
        %scan3A_76 = arith.constant 16 : i32
        %scan3A_77 = arith.addi %scan3A_75, %scan3A_76 : i32
        %scan3A_78 = arith.constant 1 : i32
        scf.for %scan3A_126 = %scan3A_75 to %scan3A_77 step %scan3A_78  : i32 {
          %mul3A_127 = arith.constant 8 : i32
          %mul3A_128 = arith.muli %scan3A_126, %mul3A_127 : i32
          %add3A_129 = arith.constant 0 : i32
          %add3A_130 = arith.addi %mul3A_128, %add3A_129 : i32
          %broadcast_in_dim3A = vector.broadcast %mul3A_65 : i32 to vector<16xi32>
          %broadcast_in_dim3A_131 = vector.broadcast %add3A_130 : i32 to vector<16xi32>
          %gather3A = tpu.vector_load_idx %arg10[%broadcast_in_dim3A, %broadcast_in_dim3A_131] : memref<16x128xf32, #tpu.memory_space<vmem>>[vector<16xi32>, vector<16xi32>], vector<16xf32>,
          %get3A = arith.index_cast %add3A_130 : i32 to index
          %get3A_132 = arith.constant 0 : index
          %get3A_133 = tpu.vector_load %arg11[%get3A, %get3A_132] {strides = array<i32>} : memref<128x16xf32, #tpu.memory_space<vmem>>, vector<16xf32>,
          %mul3A_134 = arith.mulf %get3A_133, %gather3A : vector<16xf32>
          %swap3A = arith.index_cast %add3A_130 : i32 to index
          %swap3A_135 = arith.constant 0 : index
          %swap3A_136 = tpu.vector_load %arg11[%swap3A, %swap3A_135] {strides = array<i32>} : memref<128x16xf32, #tpu.memory_space<vmem>>, vector<16xf32>,
          tpu.vector_store %arg11[%swap3A, %swap3A_135], %mul3A_134 {strides = array<i32>} : memref<128x16xf32, #tpu.memory_space<vmem>>, vector<16xf32>,
          %mul3A_137 = arith.constant 8 : i32
          %mul3A_138 = arith.muli %scan3A_126, %mul3A_137 : i32
          %add3A_139 = arith.constant 1 : i32
          %add3A_140 = arith.addi %mul3A_138, %add3A_139 : i32
          %broadcast_in_dim3A_141 = vector.broadcast %mul3A_65 : i32 to vector<16xi32>
          %broadcast_in_dim3A_142 = vector.broadcast %add3A_140 : i32 to vector<16xi32>
          %gather3A_143 = tpu.vector_load_idx %arg10[%broadcast_in_dim3A_141, %broadcast_in_dim3A_142] : memref<16x128xf32, #tpu.memory_space<vmem>>[vector<16xi32>, vector<16xi32>], vector<16xf32>,
          %get3A_144 = arith.index_cast %add3A_140 : i32 to index
          %get3A_145 = arith.constant 0 : index
          %get3A_146 = tpu.vector_load %arg11[%get3A_144, %get3A_145] {strides = array<i32>} : memref<128x16xf32, #tpu.memory_space<vmem>>, vector<16xf32>,
          %mul3A_147 = arith.mulf %get3A_146, %gather3A_143 : vector<16xf32>
          %swap3A_148 = arith.index_cast %add3A_140 : i32 to index
          %swap3A_149 = arith.constant 0 : index
          %swap3A_150 = tpu.vector_load %arg11[%swap3A_148, %swap3A_149] {strides = array<i32>} : memref<128x16xf32, #tpu.memory_space<vmem>>, vector<16xf32>,
          tpu.vector_store %arg11[%swap3A_148, %swap3A_149], %mul3A_147 {strides = array<i32>} : memref<128x16xf32, #tpu.memory_space<vmem>>, vector<16xf32>,
          %mul3A_151 = arith.constant 8 : i32
          %mul3A_152 = arith.muli %scan3A_126, %mul3A_151 : i32
          %add3A_153 = arith.constant 2 : i32
          %add3A_154 = arith.addi %mul3A_152, %add3A_153 : i32
          %broadcast_in_dim3A_155 = vector.broadcast %mul3A_65 : i32 to vector<16xi32>
          %broadcast_in_dim3A_156 = vector.broadcast %add3A_154 : i32 to vector<16xi32>
          %gather3A_157 = tpu.vector_load_idx %arg10[%broadcast_in_dim3A_155, %broadcast_in_dim3A_156] : memref<16x128xf32, #tpu.memory_space<vmem>>[vector<16xi32>, vector<16xi32>], vector<16xf32>,
          %get3A_158 = arith.index_cast %add3A_154 : i32 to index
          %get3A_159 = arith.constant 0 : index
          %get3A_160 = tpu.vector_load %arg11[%get3A_158, %get3A_159] {strides = array<i32>} : memref<128x16xf32, #tpu.memory_space<vmem>>, vector<16xf32>,
          %mul3A_161 = arith.mulf %get3A_160, %gather3A_157 : vector<16xf32>
          %swap3A_162 = arith.index_cast %add3A_154 : i32 to index
          %swap3A_163 = arith.constant 0 : index
          %swap3A_164 = tpu.vector_load %arg11[%swap3A_162, %swap3A_163] {strides = array<i32>} : memref<128x16xf32, #tpu.memory_space<vmem>>, vector<16xf32>,
          tpu.vector_store %arg11[%swap3A_162, %swap3A_163], %mul3A_161 {strides = array<i32>} : memref<128x16xf32, #tpu.memory_space<vmem>>, vector<16xf32>,
          %mul3A_165 = arith.constant 8 : i32
          %mul3A_166 = arith.muli %scan3A_126, %mul3A_165 : i32
          %add3A_167 = arith.constant 3 : i32
          %add3A_168 = arith.addi %mul3A_166, %add3A_167 : i32
          %broadcast_in_dim3A_169 = vector.broadcast %mul3A_65 : i32 to vector<16xi32>
          %broadcast_in_dim3A_170 = vector.broadcast %add3A_168 : i32 to vector<16xi32>
          %gather3A_171 = tpu.vector_load_idx %arg10[%broadcast_in_dim3A_169, %broadcast_in_dim3A_170] : memref<16x128xf32, #tpu.memory_space<vmem>>[vector<16xi32>, vector<16xi32>], vector<16xf32>,
          %get3A_172 = arith.index_cast %add3A_168 : i32 to index
          %get3A_173 = arith.constant 0 : index
          %get3A_174 = tpu.vector_load %arg11[%get3A_172, %get3A_173] {strides = array<i32>} : memref<128x16xf32, #tpu.memory_space<vmem>>, vector<16xf32>,
          %mul3A_175 = arith.mulf %get3A_174, %gather3A_171 : vector<16xf32>
          %swap3A_176 = arith.index_cast %add3A_168 : i32 to index
          %swap3A_177 = arith.constant 0 : index
          %swap3A_178 = tpu.vector_load %arg11[%swap3A_176, %swap3A_177] {strides = array<i32>} : memref<128x16xf32, #tpu.memory_space<vmem>>, vector<16xf32>,
          tpu.vector_store %arg11[%swap3A_176, %swap3A_177], %mul3A_175 {strides = array<i32>} : memref<128x16xf32, #tpu.memory_space<vmem>>, vector<16xf32>,
          %mul3A_179 = arith.constant 8 : i32
          %mul3A_180 = arith.muli %scan3A_126, %mul3A_179 : i32
          %add3A_181 = arith.constant 4 : i32
          %add3A_182 = arith.addi %mul3A_180, %add3A_181 : i32
          %broadcast_in_dim3A_183 = vector.broadcast %mul3A_65 : i32 to vector<16xi32>
          %broadcast_in_dim3A_184 = vector.broadcast %add3A_182 : i32 to vector<16xi32>
          %gather3A_185 = tpu.vector_load_idx %arg10[%broadcast_in_dim3A_183, %broadcast_in_dim3A_184] : memref<16x128xf32, #tpu.memory_space<vmem>>[vector<16xi32>, vector<16xi32>], vector<16xf32>,
          %get3A_186 = arith.index_cast %add3A_182 : i32 to index
          %get3A_187 = arith.constant 0 : index
          %get3A_188 = tpu.vector_load %arg11[%get3A_186, %get3A_187] {strides = array<i32>} : memref<128x16xf32, #tpu.memory_space<vmem>>, vector<16xf32>,
          %mul3A_189 = arith.mulf %get3A_188, %gather3A_185 : vector<16xf32>
          %swap3A_190 = arith.index_cast %add3A_182 : i32 to index
          %swap3A_191 = arith.constant 0 : index
          %swap3A_192 = tpu.vector_load %arg11[%swap3A_190, %swap3A_191] {strides = array<i32>} : memref<128x16xf32, #tpu.memory_space<vmem>>, vector<16xf32>,
          tpu.vector_store %arg11[%swap3A_190, %swap3A_191], %mul3A_189 {strides = array<i32>} : memref<128x16xf32, #tpu.memory_space<vmem>>, vector<16xf32>,
          %mul3A_193 = arith.constant 8 : i32
          %mul3A_194 = arith.muli %scan3A_126, %mul3A_193 : i32
          %add3A_195 = arith.constant 5 : i32
          %add3A_196 = arith.addi %mul3A_194, %add3A_195 : i32
          %broadcast_in_dim3A_197 = vector.broadcast %mul3A_65 : i32 to vector<16xi32>
          %broadcast_in_dim3A_198 = vector.broadcast %add3A_196 : i32 to vector<16xi32>
          %gather3A_199 = tpu.vector_load_idx %arg10[%broadcast_in_dim3A_197, %broadcast_in_dim3A_198] : memref<16x128xf32, #tpu.memory_space<vmem>>[vector<16xi32>, vector<16xi32>], vector<16xf32>,
          %get3A_200 = arith.index_cast %add3A_196 : i32 to index
          %get3A_201 = arith.constant 0 : index
          %get3A_202 = tpu.vector_load %arg11[%get3A_200, %get3A_201] {strides = array<i32>} : memref<128x16xf32, #tpu.memory_space<vmem>>, vector<16xf32>,
          %mul3A_203 = arith.mulf %get3A_202, %gather3A_199 : vector<16xf32>
          %swap3A_204 = arith.index_cast %add3A_196 : i32 to index
          %swap3A_205 = arith.constant 0 : index
          %swap3A_206 = tpu.vector_load %arg11[%swap3A_204, %swap3A_205] {strides = array<i32>} : memref<128x16xf32, #tpu.memory_space<vmem>>, vector<16xf32>,
          tpu.vector_store %arg11[%swap3A_204, %swap3A_205], %mul3A_203 {strides = array<i32>} : memref<128x16xf32, #tpu.memory_space<vmem>>, vector<16xf32>,
          %mul3A_207 = arith.constant 8 : i32
          %mul3A_208 = arith.muli %scan3A_126, %mul3A_207 : i32
          %add3A_209 = arith.constant 6 : i32
          %add3A_210 = arith.addi %mul3A_208, %add3A_209 : i32
          %broadcast_in_dim3A_211 = vector.broadcast %mul3A_65 : i32 to vector<16xi32>
          %broadcast_in_dim3A_212 = vector.broadcast %add3A_210 : i32 to vector<16xi32>
          %gather3A_213 = tpu.vector_load_idx %arg10[%broadcast_in_dim3A_211, %broadcast_in_dim3A_212] : memref<16x128xf32, #tpu.memory_space<vmem>>[vector<16xi32>, vector<16xi32>], vector<16xf32>,
          %get3A_214 = arith.index_cast %add3A_210 : i32 to index
          %get3A_215 = arith.constant 0 : index
          %get3A_216 = tpu.vector_load %arg11[%get3A_214, %get3A_215] {strides = array<i32>} : memref<128x16xf32, #tpu.memory_space<vmem>>, vector<16xf32>,
          %mul3A_217 = arith.mulf %get3A_216, %gather3A_213 : vector<16xf32>
          %swap3A_218 = arith.index_cast %add3A_210 : i32 to index
          %swap3A_219 = arith.constant 0 : index
          %swap3A_220 = tpu.vector_load %arg11[%swap3A_218, %swap3A_219] {strides = array<i32>} : memref<128x16xf32, #tpu.memory_space<vmem>>, vector<16xf32>,
          tpu.vector_store %arg11[%swap3A_218, %swap3A_219], %mul3A_217 {strides = array<i32>} : memref<128x16xf32, #tpu.memory_space<vmem>>, vector<16xf32>,
          %mul3A_221 = arith.constant 8 : i32
          %mul3A_222 = arith.muli %scan3A_126, %mul3A_221 : i32
          %add3A_223 = arith.constant 7 : i32
          %add3A_224 = arith.addi %mul3A_222, %add3A_223 : i32
          %broadcast_in_dim3A_225 = vector.broadcast %mul3A_65 : i32 to vector<16xi32>
          %broadcast_in_dim3A_226 = vector.broadcast %add3A_224 : i32 to vector<16xi32>
          %gather3A_227 = tpu.vector_load_idx %arg10[%broadcast_in_dim3A_225, %broadcast_in_dim3A_226] : memref<16x128xf32, #tpu.memory_space<vmem>>[vector<16xi32>, vector<16xi32>], vector<16xf32>,
          %get3A_228 = arith.index_cast %add3A_224 : i32 to index
          %get3A_229 = arith.constant 0 : index
          %get3A_230 = tpu.vector_load %arg11[%get3A_228, %get3A_229] {strides = array<i32>} : memref<128x16xf32, #tpu.memory_space<vmem>>, vector<16xf32>,
          %mul3A_231 = arith.mulf %get3A_230, %gather3A_227 : vector<16xf32>
          %swap3A_232 = arith.index_cast %add3A_224 : i32 to index
          %swap3A_233 = arith.constant 0 : index
          %swap3A_234 = tpu.vector_load %arg11[%swap3A_232, %swap3A_233] {strides = array<i32>} : memref<128x16xf32, #tpu.memory_space<vmem>>, vector<16xf32>,
          tpu.vector_store %arg11[%swap3A_232, %swap3A_233], %mul3A_231 {strides = array<i32>} : memref<128x16xf32, #tpu.memory_space<vmem>>, vector<16xf32>,
        }
        %scan3A_79 = arith.constant 16 : i32
        %dma_start3A_80 = arith.constant 0 : i32
        %dma_start3A_81 = tpu.memref_slice %arg9[%mul3A_65, %dma_start3A_80] : memref<16x128xi32, #tpu.memory_space<vmem>> -> memref<1x128xi32, #tpu.memory_space<vmem>>
        %dma_start3A_82 = tpu.memref_squeeze %dma_start3A_81 : memref<1x128xi32, #tpu.memory_space<vmem>> -> memref<128xi32, #tpu.memory_space<vmem>>
        %dma_start3A_83 = arith.constant 0 : i32
        %dma_start3A_84 = arith.constant 0 : i32
        %dma_start3A_85 = tpu.memref_slice %arg13[%dma_start3A_83, %dma_start3A_84] : memref<10240x16xf32, #tpu.memory_space<vmem_shared>> -> memref<10240x16xf32, #tpu.memory_space<vmem_shared>>
        tpu.enqueue_indirect_dma source(%arg11 : memref<128x16xf32, #tpu.memory_space<vmem>>) target(%dma_start3A_85 : memref<10240x16xf32, #tpu.memory_space<vmem_shared>>) offsets(%dma_start3A_82 : memref<128xi32, #tpu.memory_space<vmem>>) semaphore(%arg17 : memref<!tpu.dma_semaphore, #tpu.memory_space<semaphore_mem>>) {add = true}
        %dma_wait3A_86 = arith.constant 0 : i32
        %dma_wait3A_87 = tpu.memref_slice %arg8[%add3A_69, %dma_wait3A_86] : memref<16x128xi32, #tpu.memory_space<vmem>> -> memref<1x128xi32, #tpu.memory_space<vmem>>
        %dma_wait3A_88 = tpu.memref_squeeze %dma_wait3A_87 : memref<1x128xi32, #tpu.memory_space<vmem>> -> memref<128xi32, #tpu.memory_space<vmem>>
        %dma_wait3A_89 = arith.constant 0 : i32
        %dma_wait3A_90 = arith.constant 0 : i32
        %dma_wait3A_91 = tpu.memref_slice %arg6[%dma_wait3A_89, %dma_wait3A_90] : memref<90000x16xf32, #tpu.memory_space<hbm>> -> memref<90000x16xf32, #tpu.memory_space<hbm>>
        tpu.wait_indirect_dma semaphore(%arg16 : memref<!tpu.dma_semaphore, #tpu.memory_space<semaphore_mem>>) src(%dma_wait3A_91 : memref<90000x16xf32, #tpu.memory_space<hbm>>) dst(%arg12 : memref<128x16xf32, #tpu.memory_space<vmem>>)
        %scan3A_92 = arith.constant 0 : i32
        %scan3A_93 = arith.constant 16 : i32
        %scan3A_94 = arith.addi %scan3A_92, %scan3A_93 : i32
        %scan3A_95 = arith.constant 1 : i32
        scf.for %scan3A_126 = %scan3A_92 to %scan3A_94 step %scan3A_95  : i32 {
          %mul3A_127 = arith.constant 8 : i32
          %mul3A_128 = arith.muli %scan3A_126, %mul3A_127 : i32
          %add3A_129 = arith.constant 0 : i32
          %add3A_130 = arith.addi %mul3A_128, %add3A_129 : i32
          %broadcast_in_dim3A = vector.broadcast %add3A_69 : i32 to vector<16xi32>
          %broadcast_in_dim3A_131 = vector.broadcast %add3A_130 : i32 to vector<16xi32>
          %gather3A = tpu.vector_load_idx %arg10[%broadcast_in_dim3A, %broadcast_in_dim3A_131] : memref<16x128xf32, #tpu.memory_space<vmem>>[vector<16xi32>, vector<16xi32>], vector<16xf32>,
          %get3A = arith.index_cast %add3A_130 : i32 to index
          %get3A_132 = arith.constant 0 : index
          %get3A_133 = tpu.vector_load %arg12[%get3A, %get3A_132] {strides = array<i32>} : memref<128x16xf32, #tpu.memory_space<vmem>>, vector<16xf32>,
          %mul3A_134 = arith.mulf %get3A_133, %gather3A : vector<16xf32>
          %swap3A = arith.index_cast %add3A_130 : i32 to index
          %swap3A_135 = arith.constant 0 : index
          %swap3A_136 = tpu.vector_load %arg12[%swap3A, %swap3A_135] {strides = array<i32>} : memref<128x16xf32, #tpu.memory_space<vmem>>, vector<16xf32>,
          tpu.vector_store %arg12[%swap3A, %swap3A_135], %mul3A_134 {strides = array<i32>} : memref<128x16xf32, #tpu.memory_space<vmem>>, vector<16xf32>,
          %mul3A_137 = arith.constant 8 : i32
          %mul3A_138 = arith.muli %scan3A_126, %mul3A_137 : i32
          %add3A_139 = arith.constant 1 : i32
          %add3A_140 = arith.addi %mul3A_138, %add3A_139 : i32
          %broadcast_in_dim3A_141 = vector.broadcast %add3A_69 : i32 to vector<16xi32>
          %broadcast_in_dim3A_142 = vector.broadcast %add3A_140 : i32 to vector<16xi32>
          %gather3A_143 = tpu.vector_load_idx %arg10[%broadcast_in_dim3A_141, %broadcast_in_dim3A_142] : memref<16x128xf32, #tpu.memory_space<vmem>>[vector<16xi32>, vector<16xi32>], vector<16xf32>,
          %get3A_144 = arith.index_cast %add3A_140 : i32 to index
          %get3A_145 = arith.constant 0 : index
          %get3A_146 = tpu.vector_load %arg12[%get3A_144, %get3A_145] {strides = array<i32>} : memref<128x16xf32, #tpu.memory_space<vmem>>, vector<16xf32>,
          %mul3A_147 = arith.mulf %get3A_146, %gather3A_143 : vector<16xf32>
          %swap3A_148 = arith.index_cast %add3A_140 : i32 to index
          %swap3A_149 = arith.constant 0 : index
          %swap3A_150 = tpu.vector_load %arg12[%swap3A_148, %swap3A_149] {strides = array<i32>} : memref<128x16xf32, #tpu.memory_space<vmem>>, vector<16xf32>,
          tpu.vector_store %arg12[%swap3A_148, %swap3A_149], %mul3A_147 {strides = array<i32>} : memref<128x16xf32, #tpu.memory_space<vmem>>, vector<16xf32>,
          %mul3A_151 = arith.constant 8 : i32
          %mul3A_152 = arith.muli %scan3A_126, %mul3A_151 : i32
          %add3A_153 = arith.constant 2 : i32
          %add3A_154 = arith.addi %mul3A_152, %add3A_153 : i32
          %broadcast_in_dim3A_155 = vector.broadcast %add3A_69 : i32 to vector<16xi32>
          %broadcast_in_dim3A_156 = vector.broadcast %add3A_154 : i32 to vector<16xi32>
          %gather3A_157 = tpu.vector_load_idx %arg10[%broadcast_in_dim3A_155, %broadcast_in_dim3A_156] : memref<16x128xf32, #tpu.memory_space<vmem>>[vector<16xi32>, vector<16xi32>], vector<16xf32>,
          %get3A_158 = arith.index_cast %add3A_154 : i32 to index
          %get3A_159 = arith.constant 0 : index
          %get3A_160 = tpu.vector_load %arg12[%get3A_158, %get3A_159] {strides = array<i32>} : memref<128x16xf32, #tpu.memory_space<vmem>>, vector<16xf32>,
          %mul3A_161 = arith.mulf %get3A_160, %gather3A_157 : vector<16xf32>
          %swap3A_162 = arith.index_cast %add3A_154 : i32 to index
          %swap3A_163 = arith.constant 0 : index
          %swap3A_164 = tpu.vector_load %arg12[%swap3A_162, %swap3A_163] {strides = array<i32>} : memref<128x16xf32, #tpu.memory_space<vmem>>, vector<16xf32>,
          tpu.vector_store %arg12[%swap3A_162, %swap3A_163], %mul3A_161 {strides = array<i32>} : memref<128x16xf32, #tpu.memory_space<vmem>>, vector<16xf32>,
          %mul3A_165 = arith.constant 8 : i32
          %mul3A_166 = arith.muli %scan3A_126, %mul3A_165 : i32
          %add3A_167 = arith.constant 3 : i32
          %add3A_168 = arith.addi %mul3A_166, %add3A_167 : i32
          %broadcast_in_dim3A_169 = vector.broadcast %add3A_69 : i32 to vector<16xi32>
          %broadcast_in_dim3A_170 = vector.broadcast %add3A_168 : i32 to vector<16xi32>
          %gather3A_171 = tpu.vector_load_idx %arg10[%broadcast_in_dim3A_169, %broadcast_in_dim3A_170] : memref<16x128xf32, #tpu.memory_space<vmem>>[vector<16xi32>, vector<16xi32>], vector<16xf32>,
          %get3A_172 = arith.index_cast %add3A_168 : i32 to index
          %get3A_173 = arith.constant 0 : index
          %get3A_174 = tpu.vector_load %arg12[%get3A_172, %get3A_173] {strides = array<i32>} : memref<128x16xf32, #tpu.memory_space<vmem>>, vector<16xf32>,
          %mul3A_175 = arith.mulf %get3A_174, %gather3A_171 : vector<16xf32>
          %swap3A_176 = arith.index_cast %add3A_168 : i32 to index
          %swap3A_177 = arith.constant 0 : index
          %swap3A_178 = tpu.vector_load %arg12[%swap3A_176, %swap3A_177] {strides = array<i32>} : memref<128x16xf32, #tpu.memory_space<vmem>>, vector<16xf32>,
          tpu.vector_store %arg12[%swap3A_176, %swap3A_177], %mul3A_175 {strides = array<i32>} : memref<128x16xf32, #tpu.memory_space<vmem>>, vector<16xf32>,
          %mul3A_179 = arith.constant 8 : i32
          %mul3A_180 = arith.muli %scan3A_126, %mul3A_179 : i32
          %add3A_181 = arith.constant 4 : i32
          %add3A_182 = arith.addi %mul3A_180, %add3A_181 : i32
          %broadcast_in_dim3A_183 = vector.broadcast %add3A_69 : i32 to vector<16xi32>
          %broadcast_in_dim3A_184 = vector.broadcast %add3A_182 : i32 to vector<16xi32>
          %gather3A_185 = tpu.vector_load_idx %arg10[%broadcast_in_dim3A_183, %broadcast_in_dim3A_184] : memref<16x128xf32, #tpu.memory_space<vmem>>[vector<16xi32>, vector<16xi32>], vector<16xf32>,
          %get3A_186 = arith.index_cast %add3A_182 : i32 to index
          %get3A_187 = arith.constant 0 : index
          %get3A_188 = tpu.vector_load %arg12[%get3A_186, %get3A_187] {strides = array<i32>} : memref<128x16xf32, #tpu.memory_space<vmem>>, vector<16xf32>,
          %mul3A_189 = arith.mulf %get3A_188, %gather3A_185 : vector<16xf32>
          %swap3A_190 = arith.index_cast %add3A_182 : i32 to index
          %swap3A_191 = arith.constant 0 : index
          %swap3A_192 = tpu.vector_load %arg12[%swap3A_190, %swap3A_191] {strides = array<i32>} : memref<128x16xf32, #tpu.memory_space<vmem>>, vector<16xf32>,
          tpu.vector_store %arg12[%swap3A_190, %swap3A_191], %mul3A_189 {strides = array<i32>} : memref<128x16xf32, #tpu.memory_space<vmem>>, vector<16xf32>,
          %mul3A_193 = arith.constant 8 : i32
          %mul3A_194 = arith.muli %scan3A_126, %mul3A_193 : i32
          %add3A_195 = arith.constant 5 : i32
          %add3A_196 = arith.addi %mul3A_194, %add3A_195 : i32
          %broadcast_in_dim3A_197 = vector.broadcast %add3A_69 : i32 to vector<16xi32>
          %broadcast_in_dim3A_198 = vector.broadcast %add3A_196 : i32 to vector<16xi32>
          %gather3A_199 = tpu.vector_load_idx %arg10[%broadcast_in_dim3A_197, %broadcast_in_dim3A_198] : memref<16x128xf32, #tpu.memory_space<vmem>>[vector<16xi32>, vector<16xi32>], vector<16xf32>,
          %get3A_200 = arith.index_cast %add3A_196 : i32 to index
          %get3A_201 = arith.constant 0 : index
          %get3A_202 = tpu.vector_load %arg12[%get3A_200, %get3A_201] {strides = array<i32>} : memref<128x16xf32, #tpu.memory_space<vmem>>, vector<16xf32>,
          %mul3A_203 = arith.mulf %get3A_202, %gather3A_199 : vector<16xf32>
          %swap3A_204 = arith.index_cast %add3A_196 : i32 to index
          %swap3A_205 = arith.constant 0 : index
          %swap3A_206 = tpu.vector_load %arg12[%swap3A_204, %swap3A_205] {strides = array<i32>} : memref<128x16xf32, #tpu.memory_space<vmem>>, vector<16xf32>,
          tpu.vector_store %arg12[%swap3A_204, %swap3A_205], %mul3A_203 {strides = array<i32>} : memref<128x16xf32, #tpu.memory_space<vmem>>, vector<16xf32>,
          %mul3A_207 = arith.constant 8 : i32
          %mul3A_208 = arith.muli %scan3A_126, %mul3A_207 : i32
          %add3A_209 = arith.constant 6 : i32
          %add3A_210 = arith.addi %mul3A_208, %add3A_209 : i32
          %broadcast_in_dim3A_211 = vector.broadcast %add3A_69 : i32 to vector<16xi32>
          %broadcast_in_dim3A_212 = vector.broadcast %add3A_210 : i32 to vector<16xi32>
          %gather3A_213 = tpu.vector_load_idx %arg10[%broadcast_in_dim3A_211, %broadcast_in_dim3A_212] : memref<16x128xf32, #tpu.memory_space<vmem>>[vector<16xi32>, vector<16xi32>], vector<16xf32>,
          %get3A_214 = arith.index_cast %add3A_210 : i32 to index
          %get3A_215 = arith.constant 0 : index
          %get3A_216 = tpu.vector_load %arg12[%get3A_214, %get3A_215] {strides = array<i32>} : memref<128x16xf32, #tpu.memory_space<vmem>>, vector<16xf32>,
          %mul3A_217 = arith.mulf %get3A_216, %gather3A_213 : vector<16xf32>
          %swap3A_218 = arith.index_cast %add3A_210 : i32 to index
          %swap3A_219 = arith.constant 0 : index
          %swap3A_220 = tpu.vector_load %arg12[%swap3A_218, %swap3A_219] {strides = array<i32>} : memref<128x16xf32, #tpu.memory_space<vmem>>, vector<16xf32>,
          tpu.vector_store %arg12[%swap3A_218, %swap3A_219], %mul3A_217 {strides = array<i32>} : memref<128x16xf32, #tpu.memory_space<vmem>>, vector<16xf32>,
          %mul3A_221 = arith.constant 8 : i32
          %mul3A_222 = arith.muli %scan3A_126, %mul3A_221 : i32
          %add3A_223 = arith.constant 7 : i32
          %add3A_224 = arith.addi %mul3A_222, %add3A_223 : i32
          %broadcast_in_dim3A_225 = vector.broadcast %add3A_69 : i32 to vector<16xi32>
          %broadcast_in_dim3A_226 = vector.broadcast %add3A_224 : i32 to vector<16xi32>
          %gather3A_227 = tpu.vector_load_idx %arg10[%broadcast_in_dim3A_225, %broadcast_in_dim3A_226] : memref<16x128xf32, #tpu.memory_space<vmem>>[vector<16xi32>, vector<16xi32>], vector<16xf32>,
          %get3A_228 = arith.index_cast %add3A_224 : i32 to index
          %get3A_229 = arith.constant 0 : index
          %get3A_230 = tpu.vector_load %arg12[%get3A_228, %get3A_229] {strides = array<i32>} : memref<128x16xf32, #tpu.memory_space<vmem>>, vector<16xf32>,
          %mul3A_231 = arith.mulf %get3A_230, %gather3A_227 : vector<16xf32>
          %swap3A_232 = arith.index_cast %add3A_224 : i32 to index
          %swap3A_233 = arith.constant 0 : index
          %swap3A_234 = tpu.vector_load %arg12[%swap3A_232, %swap3A_233] {strides = array<i32>} : memref<128x16xf32, #tpu.memory_space<vmem>>, vector<16xf32>,
          tpu.vector_store %arg12[%swap3A_232, %swap3A_233], %mul3A_231 {strides = array<i32>} : memref<128x16xf32, #tpu.memory_space<vmem>>, vector<16xf32>,
        }
        %scan3A_96 = arith.constant 16 : i32
        %dma_start3A_97 = arith.constant 0 : i32
        %dma_start3A_98 = tpu.memref_slice %arg9[%add3A_69, %dma_start3A_97] : memref<16x128xi32, #tpu.memory_space<vmem>> -> memref<1x128xi32, #tpu.memory_space<vmem>>
        %dma_start3A_99 = tpu.memref_squeeze %dma_start3A_98 : memref<1x128xi32, #tpu.memory_space<vmem>> -> memref<128xi32, #tpu.memory_space<vmem>>
        %dma_start3A_100 = arith.constant 0 : i32
        %dma_start3A_101 = arith.constant 0 : i32
        %dma_start3A_102 = tpu.memref_slice %arg13[%dma_start3A_100, %dma_start3A_101] : memref<10240x16xf32, #tpu.memory_space<vmem_shared>> -> memref<10240x16xf32, #tpu.memory_space<vmem_shared>>
        tpu.enqueue_indirect_dma source(%arg12 : memref<128x16xf32, #tpu.memory_space<vmem>>) target(%dma_start3A_102 : memref<10240x16xf32, #tpu.memory_space<vmem_shared>>) offsets(%dma_start3A_99 : memref<128xi32, #tpu.memory_space<vmem>>) semaphore(%arg18 : memref<!tpu.dma_semaphore, #tpu.memory_space<semaphore_mem>>) {add = true}
        %dma_wait3A_103 = arith.constant 0 : i32
        %dma_wait3A_104 = tpu.memref_slice %arg9[%mul3A_65, %dma_wait3A_103] : memref<16x128xi32, #tpu.memory_space<vmem>> -> memref<1x128xi32, #tpu.memory_space<vmem>>
        %dma_wait3A_105 = tpu.memref_squeeze %dma_wait3A_104 : memref<1x128xi32, #tpu.memory_space<vmem>> -> memref<128xi32, #tpu.memory_space<vmem>>
        %dma_wait3A_106 = arith.constant 0 : i32
        %dma_wait3A_107 = arith.constant 0 : i32
        %dma_wait3A_108 = tpu.memref_slice %arg13[%dma_wait3A_106, %dma_wait3A_107] : memref<10240x16xf32, #tpu.memory_space<vmem_shared>> -> memref<10240x16xf32, #tpu.memory_space<vmem_shared>>
        tpu.wait_indirect_dma semaphore(%arg17 : memref<!tpu.dma_semaphore, #tpu.memory_space<semaphore_mem>>) src(%arg11 : memref<128x16xf32, #tpu.memory_space<vmem>>) dst(%dma_wait3A_108 : memref<10240x16xf32, #tpu.memory_space<vmem_shared>>)
        %add3A_109 = arith.constant 2 : i32
        %add3A_110 = arith.addi %mul3A_65, %add3A_109 : i32
        %lt3A = arith.constant 16 : i32
        %lt3A_111 = arith.cmpi slt, %add3A_110, %lt3A : i32
        %convert_element_type3A = arith.extui %lt3A_111 : i1 to i32
        %cond3A = arith.constant 0 : i32
        %cond3A_112 = arith.cmpi ne, %convert_element_type3A, %cond3A : i32
        scf.if %cond3A_112 {
          %add3A_126 = arith.constant 2 : i32
          %add3A_127 = arith.addi %mul3A_65, %add3A_126 : i32
          %dma_start3A_128 = arith.constant 0 : i32
          %dma_start3A_129 = tpu.memref_slice %arg8[%add3A_127, %dma_start3A_128] : memref<16x128xi32, #tpu.memory_space<vmem>> -> memref<1x128xi32, #tpu.memory_space<vmem>>
          %dma_start3A_130 = tpu.memref_squeeze %dma_start3A_129 : memref<1x128xi32, #tpu.memory_space<vmem>> -> memref<128xi32, #tpu.memory_space<vmem>>
          %dma_start3A_131 = arith.constant 0 : i32
          %dma_start3A_132 = arith.constant 0 : i32
          %dma_start3A_133 = tpu.memref_slice %arg6[%dma_start3A_131, %dma_start3A_132] : memref<90000x16xf32, #tpu.memory_space<hbm>> -> memref<90000x16xf32, #tpu.memory_space<hbm>>
          tpu.enqueue_indirect_dma source(%dma_start3A_133 : memref<90000x16xf32, #tpu.memory_space<hbm>>) target(%arg11 : memref<128x16xf32, #tpu.memory_space<vmem>>) offsets(%dma_start3A_130 : memref<128xi32, #tpu.memory_space<vmem>>) semaphore(%arg15 : memref<!tpu.dma_semaphore, #tpu.memory_space<semaphore_mem>>)
        } else {
        }
        %dma_wait3A_113 = arith.constant 0 : i32
        %dma_wait3A_114 = tpu.memref_slice %arg9[%add3A_69, %dma_wait3A_113] : memref<16x128xi32, #tpu.memory_space<vmem>> -> memref<1x128xi32, #tpu.memory_space<vmem>>
        %dma_wait3A_115 = tpu.memref_squeeze %dma_wait3A_114 : memref<1x128xi32, #tpu.memory_space<vmem>> -> memref<128xi32, #tpu.memory_space<vmem>>
        %dma_wait3A_116 = arith.constant 0 : i32
        %dma_wait3A_117 = arith.constant 0 : i32
        %dma_wait3A_118 = tpu.memref_slice %arg13[%dma_wait3A_116, %dma_wait3A_117] : memref<10240x16xf32, #tpu.memory_space<vmem_shared>> -> memref<10240x16xf32, #tpu.memory_space<vmem_shared>>
        tpu.wait_indirect_dma semaphore(%arg18 : memref<!tpu.dma_semaphore, #tpu.memory_space<semaphore_mem>>) src(%arg12 : memref<128x16xf32, #tpu.memory_space<vmem>>) dst(%dma_wait3A_118 : memref<10240x16xf32, #tpu.memory_space<vmem_shared>>)
        %add3A_119 = arith.constant 2 : i32
        %add3A_120 = arith.addi %add3A_69, %add3A_119 : i32
        %lt3A_121 = arith.constant 16 : i32
        %lt3A_122 = arith.cmpi slt, %add3A_120, %lt3A_121 : i32
        %convert_element_type3A_123 = arith.extui %lt3A_122 : i1 to i32
        %cond3A_124 = arith.constant 0 : i32
        %cond3A_125 = arith.cmpi ne, %convert_element_type3A_123, %cond3A_124 : i32
        scf.if %cond3A_125 {
          %add3A_126 = arith.constant 2 : i32
          %add3A_127 = arith.addi %add3A_69, %add3A_126 : i32
          %dma_start3A_128 = arith.constant 0 : i32
          %dma_start3A_129 = tpu.memref_slice %arg8[%add3A_127, %dma_start3A_128] : memref<16x128xi32, #tpu.memory_space<vmem>> -> memref<1x128xi32, #tpu.memory_space<vmem>>
          %dma_start3A_130 = tpu.memref_squeeze %dma_start3A_129 : memref<1x128xi32, #tpu.memory_space<vmem>> -> memref<128xi32, #tpu.memory_space<vmem>>
          %dma_start3A_131 = arith.constant 0 : i32
          %dma_start3A_132 = arith.constant 0 : i32
          %dma_start3A_133 = tpu.memref_slice %arg6[%dma_start3A_131, %dma_start3A_132] : memref<90000x16xf32, #tpu.memory_space<hbm>> -> memref<90000x16xf32, #tpu.memory_space<hbm>>
          tpu.enqueue_indirect_dma source(%dma_start3A_133 : memref<90000x16xf32, #tpu.memory_space<hbm>>) target(%arg12 : memref<128x16xf32, #tpu.memory_space<vmem>>) offsets(%dma_start3A_130 : memref<128xi32, #tpu.memory_space<vmem>>) semaphore(%arg16 : memref<!tpu.dma_semaphore, #tpu.memory_space<semaphore_mem>>)
        } else {
        }
      }
      %scan3A_62 = arith.constant 8 : i32
    }
    %barrier3A_26 = arith.constant 0 : index
    tpu.barrier barrier_id(%barrier3A_26)
    %mul3A_27 = arith.constant 640 : i32
    %mul3A_28 = arith.muli %arg1, %mul3A_27 : i32
    %mul3A_29 = arith.constant 640 : i32
    %mul3A_30 = arith.muli %arg1, %mul3A_29 : i32
    "tpu.region"() ({
      %run_scoped3A = tpu.sem_alloc : memref<!tpu.dma_semaphore, #tpu.memory_space<semaphore_mem>>
      %dma_start3A = arith.constant 0 : i32
      %dma_start3A_31 = tpu.memref_slice %arg7[%arg0, %mul3A_30, %dma_start3A] : memref<2x10240x16xf32, #tpu.memory_space<hbm>> -> memref<1x640x16xf32, #tpu.memory_space<hbm>>
      %dma_start3A_32 = tpu.memref_squeeze %dma_start3A_31 : memref<1x640x16xf32, #tpu.memory_space<hbm>> -> memref<640x16xf32, #tpu.memory_space<hbm>>
      %dma_start3A_33 = arith.constant 0 : i32
      %dma_start3A_34 = tpu.memref_slice %arg13[%mul3A_28, %dma_start3A_33] : memref<10240x16xf32, #tpu.memory_space<vmem_shared>> -> memref<640x16xf32, #tpu.memory_space<vmem_shared>>
      tpu.enqueue_dma source(%dma_start3A_34 : memref<640x16xf32, #tpu.memory_space<vmem_shared>>) target(%dma_start3A_32 : memref<640x16xf32, #tpu.memory_space<hbm>>) target_semaphore(%run_scoped3A : memref<!tpu.dma_semaphore, #tpu.memory_space<semaphore_mem>>)
      %dma_wait3A = arith.constant 0 : i32
      %dma_wait3A_35 = tpu.memref_slice %arg7[%arg0, %mul3A_30, %dma_wait3A] : memref<2x10240x16xf32, #tpu.memory_space<hbm>> -> memref<1x640x16xf32, #tpu.memory_space<hbm>>
      %dma_wait3A_36 = tpu.memref_squeeze %dma_wait3A_35 : memref<1x640x16xf32, #tpu.memory_space<hbm>> -> memref<640x16xf32, #tpu.memory_space<hbm>>
      %dma_wait3A_37 = arith.constant 0 : i32
      %dma_wait3A_38 = tpu.memref_slice %arg13[%mul3A_28, %dma_wait3A_37] : memref<10240x16xf32, #tpu.memory_space<vmem_shared>> -> memref<640x16xf32, #tpu.memory_space<vmem_shared>>
      tpu.wait_dma2 semaphore(%run_scoped3A : memref<!tpu.dma_semaphore, #tpu.memory_space<semaphore_mem>>) src(%dma_wait3A_38 : memref<640x16xf32, #tpu.memory_space<vmem_shared>>) dst(%dma_wait3A_36 : memref<640x16xf32, #tpu.memory_space<hbm>>)
      tpu.yield
    }) : () -> ()
    return
  }
}

module attributes {stable_mosaic.version = 14 : i64} {
  func.func @_mm1_body(%arg0: i32, %arg1: i32, %arg2: memref<2000x514xbf16, #tpu.memory_space<vmem>>, %arg3: memref<1x514x128xbf16, #tpu.memory_space<vmem>>, %arg4: memref<1x2000x128xf32, #tpu.memory_space<vmem>>) attributes {dimension_semantics = [#tpu.dimension_semantics<arbitrary>, #tpu.dimension_semantics<arbitrary>], iteration_bounds = array<i64: 5, 9>, scalar_prefetch = 0 : i64, scratch_operands = 0 : i64, tpu.core_type = #tpu.core_type<tc>, window_params = [{transform_indices = @transform_0, window_bounds = array<i64: 2000, 514>}, {transform_indices = @transform_1, window_bounds = array<i64: 1, 514, 128>}, {transform_indices = @transform_2, window_bounds = array<i64: 1, 2000, 128>}]} {
    %get3A = arith.constant 0 : index
    %get3A_0 = arith.constant 0 : index
    %get3A_1 = vector.load %arg2[%get3A, %get3A_0] : memref<2000x514xbf16, #tpu.memory_space<vmem>>, vector<2000x514xbf16>
    %get3A_2 = arith.constant 0 : index
    %get3A_3 = arith.constant 0 : index
    %get3A_4 = arith.constant 0 : index
    %get3A_5 = vector.load %arg3[%get3A_2, %get3A_3, %get3A_4] : memref<1x514x128xbf16, #tpu.memory_space<vmem>>, vector<1x514x128xbf16>
    %get3A_6 = vector.shape_cast %get3A_5 : vector<1x514x128xbf16> to vector<514x128xbf16>
    %dot_general3A = arith.constant dense<0.000000e+00> : vector<2000x128xf32>
    %dot_general3A_7 = tpu.matmul %get3A_1, %get3A_6, %dot_general3A {dimension_numbers = #tpu.dot_dimension_numbers<[1], [0], [0], [1], [0, 0, 1, 1], [], []>, transpose_lhs_hint = false} : vector<2000x514xbf16>, vector<514x128xbf16>, vector<2000x128xf32> -> vector<2000x128xf32>
    %swap3A = arith.constant 0 : index
    %swap3A_8 = arith.constant 0 : index
    %swap3A_9 = arith.constant 0 : index
    %swap3A_10 = vector.load %arg4[%swap3A, %swap3A_8, %swap3A_9] : memref<1x2000x128xf32, #tpu.memory_space<vmem>>, vector<1x2000x128xf32>
    %swap3A_11 = vector.shape_cast %swap3A_10 : vector<1x2000x128xf32> to vector<2000x128xf32>
    %swap3A_12 = vector.shape_cast %dot_general3A_7 : vector<2000x128xf32> to vector<1x2000x128xf32>
    tpu.vector_store %arg4[%swap3A, %swap3A_8, %swap3A_9], %swap3A_12 {strides = array<i32>} : memref<1x2000x128xf32, #tpu.memory_space<vmem>>, vector<1x2000x128xf32>,
    return
  }
  func.func @transform_0(%arg0: i32, %arg1: i32) -> (i32, i32) {
    %c0_i32 = arith.constant 0 : i32
    %c0_i32_0 = arith.constant 0 : i32
    return %arg0, %c0_i32 : i32, i32
  }
  func.func @transform_1(%arg0: i32, %arg1: i32) -> (i32, i32, i32) {
    %c0_i32 = arith.constant 0 : i32
    %c0_i32_0 = arith.constant 0 : i32
    %c0_i32_1 = arith.constant 0 : i32
    return %arg1, %c0_i32, %c0_i32_0 : i32, i32, i32
  }
  func.func @transform_2(%arg0: i32, %arg1: i32) -> (i32, i32, i32) {
    %c0_i32 = arith.constant 0 : i32
    %c0_i32_0 = arith.constant 0 : i32
    return %arg1, %arg0, %c0_i32 : i32, i32, i32
  }
}

module attributes {stable_mosaic.version = 14 : i64} {
  func.func @_inv_body(%arg0: memref<2x640x128xf32, #tpu.memory_space<vmem>>, %arg1: memref<640x128xf32, #tpu.memory_space<vmem>>) attributes {dimension_semantics = [], scalar_prefetch = 0 : i64, scratch_operands = 0 : i64, tpu.core_type = #tpu.core_type<tc>} {
    %get3A = arith.constant 0 : index
    %get3A_0 = arith.constant 0 : index
    %get3A_1 = arith.constant 0 : index
    %get3A_2 = vector.load %arg0[%get3A, %get3A_0, %get3A_1] : memref<2x640x128xf32, #tpu.memory_space<vmem>>, vector<1x640x128xf32>
    %get3A_3 = vector.shape_cast %get3A_2 : vector<1x640x128xf32> to vector<640x128xf32>
    %get3A_4 = arith.constant 1 : index
    %get3A_5 = arith.constant 0 : index
    %get3A_6 = arith.constant 0 : index
    %get3A_7 = vector.load %arg0[%get3A_4, %get3A_5, %get3A_6] : memref<2x640x128xf32, #tpu.memory_space<vmem>>, vector<1x640x128xf32>
    %get3A_8 = vector.shape_cast %get3A_7 : vector<1x640x128xf32> to vector<640x128xf32>
    %add3A = arith.addf %get3A_3, %get3A_8 : vector<640x128xf32>
    %max3A = arith.constant 1.000000e+00 : f32
    %max3A_9 = vector.broadcast %max3A : f32 to vector<640x128xf32>
    %max3A_10 = arith.maximumf %add3A, %max3A_9 : vector<640x128xf32>
    %div3A = arith.constant 1.000000e+00 : f32
    %div3A_11 = vector.broadcast %div3A : f32 to vector<640x128xf32>
    %div3A_12 = arith.divf %div3A_11, %max3A_10 : vector<640x128xf32>
    %swap3A = arith.constant 0 : index
    %swap3A_13 = arith.constant 0 : index
    %swap3A_14 = vector.load %arg1[%swap3A, %swap3A_13] : memref<640x128xf32, #tpu.memory_space<vmem>>, vector<640x128xf32>
    tpu.vector_store %arg1[%swap3A, %swap3A_13], %div3A_12 {strides = array<i32>} : memref<640x128xf32, #tpu.memory_space<vmem>>, vector<640x128xf32>,
    return
  }
}

module attributes {stable_mosaic.version = 14 : i64} {
  func.func @_l2_body(%arg0: i32, %arg1: memref<1x2000x128xf32, #tpu.memory_space<vmem>>, %arg2: memref<2x2000x128xf32, #tpu.memory_space<vmem>>, %arg3: memref<8x128xf32, #tpu.memory_space<vmem>>, %arg4: memref<9x128x16xf32, #tpu.memory_space<vmem>>, %arg5: memref<9x2000x16xf32, #tpu.memory_space<vmem>>) attributes {dimension_semantics = [#tpu.dimension_semantics<arbitrary>], iteration_bounds = array<i64: 5>, scalar_prefetch = 0 : i64, scratch_operands = 0 : i64, tpu.core_type = #tpu.core_type<tc>, window_params = [{transform_indices = @transform_0, window_bounds = array<i64: 1, 2000, 128>}, {transform_indices = @transform_1, window_bounds = array<i64: 2, 2000, 128>}, {pipeline_mode = #tpu.pipeline_mode<synchronous>, transform_indices = @transform_2, window_bounds = array<i64: 8, 128>}, {pipeline_mode = #tpu.pipeline_mode<synchronous>, transform_indices = @transform_3, window_bounds = array<i64: 9, 128, 16>}, {transform_indices = @transform_4, window_bounds = array<i64: 9, 2000, 16>}]} {
    %get3A = arith.constant 0 : index
    %get3A_0 = arith.constant 0 : index
    %get3A_1 = arith.constant 0 : index
    %get3A_2 = vector.load %arg1[%get3A, %get3A_0, %get3A_1] : memref<1x2000x128xf32, #tpu.memory_space<vmem>>, vector<1x2000x128xf32>
    %get3A_3 = vector.shape_cast %get3A_2 : vector<1x2000x128xf32> to vector<2000x128xf32>
    %get3A_4 = arith.constant 0 : index
    %get3A_5 = arith.constant 0 : index
    %get3A_6 = vector.load %arg3[%get3A_4, %get3A_5] : memref<8x128xf32, #tpu.memory_space<vmem>>, vector<1x128xf32>
    %get3A_7 = vector.shape_cast %get3A_6 : vector<1x128xf32> to vector<128xf32>
    %broadcast_in_dim3A = vector.shape_cast %get3A_7 : vector<128xf32> to vector<1x128xf32>
    %add3A = vector.broadcast %broadcast_in_dim3A : vector<1x128xf32> to vector<2000x128xf32>
    %add3A_8 = arith.addf %get3A_3, %add3A : vector<2000x128xf32>
    %get3A_9 = arith.constant 0 : index
    %get3A_10 = arith.constant 0 : index
    %get3A_11 = arith.constant 0 : index
    %get3A_12 = vector.load %arg2[%get3A_9, %get3A_10, %get3A_11] : memref<2x2000x128xf32, #tpu.memory_space<vmem>>, vector<1x2000x128xf32>
    %get3A_13 = vector.shape_cast %get3A_12 : vector<1x2000x128xf32> to vector<2000x128xf32>
    %add3A_14 = arith.addf %add3A_8, %get3A_13 : vector<2000x128xf32>
    %get3A_15 = arith.constant 1 : index
    %get3A_16 = arith.constant 0 : index
    %get3A_17 = arith.constant 0 : index
    %get3A_18 = vector.load %arg2[%get3A_15, %get3A_16, %get3A_17] : memref<2x2000x128xf32, #tpu.memory_space<vmem>>, vector<1x2000x128xf32>
    %get3A_19 = vector.shape_cast %get3A_18 : vector<1x2000x128xf32> to vector<2000x128xf32>
    %add3A_20 = arith.addf %add3A_14, %get3A_19 : vector<2000x128xf32>
    %max3A = arith.constant 0.000000e+00 : f32
    %max3A_21 = vector.broadcast %max3A : f32 to vector<2000x128xf32>
    %max3A_22 = arith.maximumf %add3A_20, %max3A_21 : vector<2000x128xf32>
    %get3A_23 = arith.constant 0 : index
    %get3A_24 = arith.constant 0 : index
    %get3A_25 = arith.constant 0 : index
    %get3A_26 = vector.load %arg4[%get3A_23, %get3A_24, %get3A_25] : memref<9x128x16xf32, #tpu.memory_space<vmem>>, vector<1x128x16xf32>
    %get3A_27 = vector.shape_cast %get3A_26 : vector<1x128x16xf32> to vector<128x16xf32>
    %dot_general3A = arith.constant dense<0.000000e+00> : vector<2000x16xf32>
    %dot_general3A_28 = tpu.matmul %max3A_22, %get3A_27, %dot_general3A {dimension_numbers = #tpu.dot_dimension_numbers<[1], [0], [0], [1], [0, 0, 1, 1], [], []>, transpose_lhs_hint = false} : vector<2000x128xf32>, vector<128x16xf32>, vector<2000x16xf32> -> vector<2000x16xf32>
    %swap3A = arith.constant 0 : index
    %swap3A_29 = arith.constant 0 : index
    %swap3A_30 = arith.constant 0 : index
    %swap3A_31 = vector.load %arg5[%swap3A, %swap3A_29, %swap3A_30] : memref<9x2000x16xf32, #tpu.memory_space<vmem>>, vector<1x2000x16xf32>
    %swap3A_32 = vector.shape_cast %swap3A_31 : vector<1x2000x16xf32> to vector<2000x16xf32>
    %swap3A_33 = vector.shape_cast %dot_general3A_28 : vector<2000x16xf32> to vector<1x2000x16xf32>
    tpu.vector_store %arg5[%swap3A, %swap3A_29, %swap3A_30], %swap3A_33 {strides = array<i32>} : memref<9x2000x16xf32, #tpu.memory_space<vmem>>, vector<1x2000x16xf32>,
    %get3A_34 = arith.constant 1 : index
    %get3A_35 = arith.constant 0 : index
    %get3A_36 = arith.constant 0 : index
    %get3A_37 = vector.load %arg4[%get3A_34, %get3A_35, %get3A_36] : memref<9x128x16xf32, #tpu.memory_space<vmem>>, vector<1x128x16xf32>
    %get3A_38 = vector.shape_cast %get3A_37 : vector<1x128x16xf32> to vector<128x16xf32>
    %dot_general3A_39 = arith.constant dense<0.000000e+00> : vector<2000x16xf32>
    %dot_general3A_40 = tpu.matmul %max3A_22, %get3A_38, %dot_general3A_39 {dimension_numbers = #tpu.dot_dimension_numbers<[1], [0], [0], [1], [0, 0, 1, 1], [], []>, transpose_lhs_hint = false} : vector<2000x128xf32>, vector<128x16xf32>, vector<2000x16xf32> -> vector<2000x16xf32>
    %swap3A_41 = arith.constant 1 : index
    %swap3A_42 = arith.constant 0 : index
    %swap3A_43 = arith.constant 0 : index
    %swap3A_44 = vector.load %arg5[%swap3A_41, %swap3A_42, %swap3A_43] : memref<9x2000x16xf32, #tpu.memory_space<vmem>>, vector<1x2000x16xf32>
    %swap3A_45 = vector.shape_cast %swap3A_44 : vector<1x2000x16xf32> to vector<2000x16xf32>
    %swap3A_46 = vector.shape_cast %dot_general3A_40 : vector<2000x16xf32> to vector<1x2000x16xf32>
    tpu.vector_store %arg5[%swap3A_41, %swap3A_42, %swap3A_43], %swap3A_46 {strides = array<i32>} : memref<9x2000x16xf32, #tpu.memory_space<vmem>>, vector<1x2000x16xf32>,
    %get3A_47 = arith.constant 2 : index
    %get3A_48 = arith.constant 0 : index
    %get3A_49 = arith.constant 0 : index
    %get3A_50 = vector.load %arg4[%get3A_47, %get3A_48, %get3A_49] : memref<9x128x16xf32, #tpu.memory_space<vmem>>, vector<1x128x16xf32>
    %get3A_51 = vector.shape_cast %get3A_50 : vector<1x128x16xf32> to vector<128x16xf32>
    %dot_general3A_52 = arith.constant dense<0.000000e+00> : vector<2000x16xf32>
    %dot_general3A_53 = tpu.matmul %max3A_22, %get3A_51, %dot_general3A_52 {dimension_numbers = #tpu.dot_dimension_numbers<[1], [0], [0], [1], [0, 0, 1, 1], [], []>, transpose_lhs_hint = false} : vector<2000x128xf32>, vector<128x16xf32>, vector<2000x16xf32> -> vector<2000x16xf32>
    %swap3A_54 = arith.constant 2 : index
    %swap3A_55 = arith.constant 0 : index
    %swap3A_56 = arith.constant 0 : index
    %swap3A_57 = vector.load %arg5[%swap3A_54, %swap3A_55, %swap3A_56] : memref<9x2000x16xf32, #tpu.memory_space<vmem>>, vector<1x2000x16xf32>
    %swap3A_58 = vector.shape_cast %swap3A_57 : vector<1x2000x16xf32> to vector<2000x16xf32>
    %swap3A_59 = vector.shape_cast %dot_general3A_53 : vector<2000x16xf32> to vector<1x2000x16xf32>
    tpu.vector_store %arg5[%swap3A_54, %swap3A_55, %swap3A_56], %swap3A_59 {strides = array<i32>} : memref<9x2000x16xf32, #tpu.memory_space<vmem>>, vector<1x2000x16xf32>,
    %get3A_60 = arith.constant 3 : index
    %get3A_61 = arith.constant 0 : index
    %get3A_62 = arith.constant 0 : index
    %get3A_63 = vector.load %arg4[%get3A_60, %get3A_61, %get3A_62] : memref<9x128x16xf32, #tpu.memory_space<vmem>>, vector<1x128x16xf32>
    %get3A_64 = vector.shape_cast %get3A_63 : vector<1x128x16xf32> to vector<128x16xf32>
    %dot_general3A_65 = arith.constant dense<0.000000e+00> : vector<2000x16xf32>
    %dot_general3A_66 = tpu.matmul %max3A_22, %get3A_64, %dot_general3A_65 {dimension_numbers = #tpu.dot_dimension_numbers<[1], [0], [0], [1], [0, 0, 1, 1], [], []>, transpose_lhs_hint = false} : vector<2000x128xf32>, vector<128x16xf32>, vector<2000x16xf32> -> vector<2000x16xf32>
    %swap3A_67 = arith.constant 3 : index
    %swap3A_68 = arith.constant 0 : index
    %swap3A_69 = arith.constant 0 : index
    %swap3A_70 = vector.load %arg5[%swap3A_67, %swap3A_68, %swap3A_69] : memref<9x2000x16xf32, #tpu.memory_space<vmem>>, vector<1x2000x16xf32>
    %swap3A_71 = vector.shape_cast %swap3A_70 : vector<1x2000x16xf32> to vector<2000x16xf32>
    %swap3A_72 = vector.shape_cast %dot_general3A_66 : vector<2000x16xf32> to vector<1x2000x16xf32>
    tpu.vector_store %arg5[%swap3A_67, %swap3A_68, %swap3A_69], %swap3A_72 {strides = array<i32>} : memref<9x2000x16xf32, #tpu.memory_space<vmem>>, vector<1x2000x16xf32>,
    %get3A_73 = arith.constant 4 : index
    %get3A_74 = arith.constant 0 : index
    %get3A_75 = arith.constant 0 : index
    %get3A_76 = vector.load %arg4[%get3A_73, %get3A_74, %get3A_75] : memref<9x128x16xf32, #tpu.memory_space<vmem>>, vector<1x128x16xf32>
    %get3A_77 = vector.shape_cast %get3A_76 : vector<1x128x16xf32> to vector<128x16xf32>
    %dot_general3A_78 = arith.constant dense<0.000000e+00> : vector<2000x16xf32>
    %dot_general3A_79 = tpu.matmul %max3A_22, %get3A_77, %dot_general3A_78 {dimension_numbers = #tpu.dot_dimension_numbers<[1], [0], [0], [1], [0, 0, 1, 1], [], []>, transpose_lhs_hint = false} : vector<2000x128xf32>, vector<128x16xf32>, vector<2000x16xf32> -> vector<2000x16xf32>
    %swap3A_80 = arith.constant 4 : index
    %swap3A_81 = arith.constant 0 : index
    %swap3A_82 = arith.constant 0 : index
    %swap3A_83 = vector.load %arg5[%swap3A_80, %swap3A_81, %swap3A_82] : memref<9x2000x16xf32, #tpu.memory_space<vmem>>, vector<1x2000x16xf32>
    %swap3A_84 = vector.shape_cast %swap3A_83 : vector<1x2000x16xf32> to vector<2000x16xf32>
    %swap3A_85 = vector.shape_cast %dot_general3A_79 : vector<2000x16xf32> to vector<1x2000x16xf32>
    tpu.vector_store %arg5[%swap3A_80, %swap3A_81, %swap3A_82], %swap3A_85 {strides = array<i32>} : memref<9x2000x16xf32, #tpu.memory_space<vmem>>, vector<1x2000x16xf32>,
    %get3A_86 = arith.constant 5 : index
    %get3A_87 = arith.constant 0 : index
    %get3A_88 = arith.constant 0 : index
    %get3A_89 = vector.load %arg4[%get3A_86, %get3A_87, %get3A_88] : memref<9x128x16xf32, #tpu.memory_space<vmem>>, vector<1x128x16xf32>
    %get3A_90 = vector.shape_cast %get3A_89 : vector<1x128x16xf32> to vector<128x16xf32>
    %dot_general3A_91 = arith.constant dense<0.000000e+00> : vector<2000x16xf32>
    %dot_general3A_92 = tpu.matmul %max3A_22, %get3A_90, %dot_general3A_91 {dimension_numbers = #tpu.dot_dimension_numbers<[1], [0], [0], [1], [0, 0, 1, 1], [], []>, transpose_lhs_hint = false} : vector<2000x128xf32>, vector<128x16xf32>, vector<2000x16xf32> -> vector<2000x16xf32>
    %swap3A_93 = arith.constant 5 : index
    %swap3A_94 = arith.constant 0 : index
    %swap3A_95 = arith.constant 0 : index
    %swap3A_96 = vector.load %arg5[%swap3A_93, %swap3A_94, %swap3A_95] : memref<9x2000x16xf32, #tpu.memory_space<vmem>>, vector<1x2000x16xf32>
    %swap3A_97 = vector.shape_cast %swap3A_96 : vector<1x2000x16xf32> to vector<2000x16xf32>
    %swap3A_98 = vector.shape_cast %dot_general3A_92 : vector<2000x16xf32> to vector<1x2000x16xf32>
    tpu.vector_store %arg5[%swap3A_93, %swap3A_94, %swap3A_95], %swap3A_98 {strides = array<i32>} : memref<9x2000x16xf32, #tpu.memory_space<vmem>>, vector<1x2000x16xf32>,
    %get3A_99 = arith.constant 6 : index
    %get3A_100 = arith.constant 0 : index
    %get3A_101 = arith.constant 0 : index
    %get3A_102 = vector.load %arg4[%get3A_99, %get3A_100, %get3A_101] : memref<9x128x16xf32, #tpu.memory_space<vmem>>, vector<1x128x16xf32>
    %get3A_103 = vector.shape_cast %get3A_102 : vector<1x128x16xf32> to vector<128x16xf32>
    %dot_general3A_104 = arith.constant dense<0.000000e+00> : vector<2000x16xf32>
    %dot_general3A_105 = tpu.matmul %max3A_22, %get3A_103, %dot_general3A_104 {dimension_numbers = #tpu.dot_dimension_numbers<[1], [0], [0], [1], [0, 0, 1, 1], [], []>, transpose_lhs_hint = false} : vector<2000x128xf32>, vector<128x16xf32>, vector<2000x16xf32> -> vector<2000x16xf32>
    %swap3A_106 = arith.constant 6 : index
    %swap3A_107 = arith.constant 0 : index
    %swap3A_108 = arith.constant 0 : index
    %swap3A_109 = vector.load %arg5[%swap3A_106, %swap3A_107, %swap3A_108] : memref<9x2000x16xf32, #tpu.memory_space<vmem>>, vector<1x2000x16xf32>
    %swap3A_110 = vector.shape_cast %swap3A_109 : vector<1x2000x16xf32> to vector<2000x16xf32>
    %swap3A_111 = vector.shape_cast %dot_general3A_105 : vector<2000x16xf32> to vector<1x2000x16xf32>
    tpu.vector_store %arg5[%swap3A_106, %swap3A_107, %swap3A_108], %swap3A_111 {strides = array<i32>} : memref<9x2000x16xf32, #tpu.memory_space<vmem>>, vector<1x2000x16xf32>,
    %get3A_112 = arith.constant 7 : index
    %get3A_113 = arith.constant 0 : index
    %get3A_114 = arith.constant 0 : index
    %get3A_115 = vector.load %arg4[%get3A_112, %get3A_113, %get3A_114] : memref<9x128x16xf32, #tpu.memory_space<vmem>>, vector<1x128x16xf32>
    %get3A_116 = vector.shape_cast %get3A_115 : vector<1x128x16xf32> to vector<128x16xf32>
    %dot_general3A_117 = arith.constant dense<0.000000e+00> : vector<2000x16xf32>
    %dot_general3A_118 = tpu.matmul %max3A_22, %get3A_116, %dot_general3A_117 {dimension_numbers = #tpu.dot_dimension_numbers<[1], [0], [0], [1], [0, 0, 1, 1], [], []>, transpose_lhs_hint = false} : vector<2000x128xf32>, vector<128x16xf32>, vector<2000x16xf32> -> vector<2000x16xf32>
    %swap3A_119 = arith.constant 7 : index
    %swap3A_120 = arith.constant 0 : index
    %swap3A_121 = arith.constant 0 : index
    %swap3A_122 = vector.load %arg5[%swap3A_119, %swap3A_120, %swap3A_121] : memref<9x2000x16xf32, #tpu.memory_space<vmem>>, vector<1x2000x16xf32>
    %swap3A_123 = vector.shape_cast %swap3A_122 : vector<1x2000x16xf32> to vector<2000x16xf32>
    %swap3A_124 = vector.shape_cast %dot_general3A_118 : vector<2000x16xf32> to vector<1x2000x16xf32>
    tpu.vector_store %arg5[%swap3A_119, %swap3A_120, %swap3A_121], %swap3A_124 {strides = array<i32>} : memref<9x2000x16xf32, #tpu.memory_space<vmem>>, vector<1x2000x16xf32>,
    %get3A_125 = arith.constant 8 : index
    %get3A_126 = arith.constant 0 : index
    %get3A_127 = arith.constant 0 : index
    %get3A_128 = vector.load %arg4[%get3A_125, %get3A_126, %get3A_127] : memref<9x128x16xf32, #tpu.memory_space<vmem>>, vector<1x128x16xf32>
    %get3A_129 = vector.shape_cast %get3A_128 : vector<1x128x16xf32> to vector<128x16xf32>
    %dot_general3A_130 = arith.constant dense<0.000000e+00> : vector<2000x16xf32>
    %dot_general3A_131 = tpu.matmul %max3A_22, %get3A_129, %dot_general3A_130 {dimension_numbers = #tpu.dot_dimension_numbers<[1], [0], [0], [1], [0, 0, 1, 1], [], []>, transpose_lhs_hint = false} : vector<2000x128xf32>, vector<128x16xf32>, vector<2000x16xf32> -> vector<2000x16xf32>
    %swap3A_132 = arith.constant 8 : index
    %swap3A_133 = arith.constant 0 : index
    %swap3A_134 = arith.constant 0 : index
    %swap3A_135 = vector.load %arg5[%swap3A_132, %swap3A_133, %swap3A_134] : memref<9x2000x16xf32, #tpu.memory_space<vmem>>, vector<1x2000x16xf32>
    %swap3A_136 = vector.shape_cast %swap3A_135 : vector<1x2000x16xf32> to vector<2000x16xf32>
    %swap3A_137 = vector.shape_cast %dot_general3A_131 : vector<2000x16xf32> to vector<1x2000x16xf32>
    tpu.vector_store %arg5[%swap3A_132, %swap3A_133, %swap3A_134], %swap3A_137 {strides = array<i32>} : memref<9x2000x16xf32, #tpu.memory_space<vmem>>, vector<1x2000x16xf32>,
    return
  }
  func.func @transform_0(%arg0: i32) -> (i32, i32, i32) {
    %c8_i32 = arith.constant 8 : i32
    %c0_i32 = arith.constant 0 : i32
    %c0_i32_0 = arith.constant 0 : i32
    return %c8_i32, %arg0, %c0_i32 : i32, i32, i32
  }
  func.func @transform_1(%arg0: i32) -> (i32, i32, i32) {
    %c0_i32 = arith.constant 0 : i32
    %c0_i32_0 = arith.constant 0 : i32
    %c0_i32_1 = arith.constant 0 : i32
    return %c0_i32, %arg0, %c0_i32_0 : i32, i32, i32
  }
  func.func @transform_2(%arg0: i32) -> (i32, i32) {
    %c0_i32 = arith.constant 0 : i32
    %c0_i32_0 = arith.constant 0 : i32
    %c0_i32_1 = arith.constant 0 : i32
    return %c0_i32, %c0_i32_0 : i32, i32
  }
  func.func @transform_3(%arg0: i32) -> (i32, i32, i32) {
    %c0_i32 = arith.constant 0 : i32
    %c0_i32_0 = arith.constant 0 : i32
    %c0_i32_1 = arith.constant 0 : i32
    %c0_i32_2 = arith.constant 0 : i32
    return %c0_i32, %c0_i32_0, %c0_i32_1 : i32, i32, i32
  }
  func.func @transform_4(%arg0: i32) -> (i32, i32, i32) {
    %c0_i32 = arith.constant 0 : i32
    %c0_i32_0 = arith.constant 0 : i32
    %c0_i32_1 = arith.constant 0 : i32
    return %c0_i32, %arg0, %c0_i32_0 : i32, i32, i32
  }
}

module attributes {stable_mosaic.version = 14 : i64} {
  func.func @_out_body(%arg0: i32, %arg1: memref<1x2000x16xf32, #tpu.memory_space<vmem>>, %arg2: memref<2x2000x16xf32, #tpu.memory_space<vmem>>, %arg3: memref<8x16xf32, #tpu.memory_space<vmem>>, %arg4: memref<2000x16xf32, #tpu.memory_space<vmem>>) attributes {dimension_semantics = [#tpu.dimension_semantics<arbitrary>], iteration_bounds = array<i64: 5>, scalar_prefetch = 0 : i64, scratch_operands = 0 : i64, tpu.core_type = #tpu.core_type<tc>, window_params = [{transform_indices = @transform_0, window_bounds = array<i64: 1, 2000, 16>}, {transform_indices = @transform_1, window_bounds = array<i64: 2, 2000, 16>}, {pipeline_mode = #tpu.pipeline_mode<synchronous>, transform_indices = @transform_2, window_bounds = array<i64: 8, 16>}, {transform_indices = @transform_3, window_bounds = array<i64: 2000, 16>}]} {
    %get3A = arith.constant 0 : index
    %get3A_0 = arith.constant 0 : index
    %get3A_1 = arith.constant 0 : index
    %get3A_2 = vector.load %arg1[%get3A, %get3A_0, %get3A_1] : memref<1x2000x16xf32, #tpu.memory_space<vmem>>, vector<1x2000x16xf32>
    %get3A_3 = vector.shape_cast %get3A_2 : vector<1x2000x16xf32> to vector<2000x16xf32>
    %get3A_4 = arith.constant 0 : index
    %get3A_5 = arith.constant 0 : index
    %get3A_6 = vector.load %arg3[%get3A_4, %get3A_5] : memref<8x16xf32, #tpu.memory_space<vmem>>, vector<1x16xf32>
    %get3A_7 = vector.shape_cast %get3A_6 : vector<1x16xf32> to vector<16xf32>
    %broadcast_in_dim3A = vector.shape_cast %get3A_7 : vector<16xf32> to vector<1x16xf32>
    %add3A = vector.broadcast %broadcast_in_dim3A : vector<1x16xf32> to vector<2000x16xf32>
    %add3A_8 = arith.addf %get3A_3, %add3A : vector<2000x16xf32>
    %get3A_9 = arith.constant 0 : index
    %get3A_10 = arith.constant 0 : index
    %get3A_11 = arith.constant 0 : index
    %get3A_12 = vector.load %arg2[%get3A_9, %get3A_10, %get3A_11] : memref<2x2000x16xf32, #tpu.memory_space<vmem>>, vector<1x2000x16xf32>
    %get3A_13 = vector.shape_cast %get3A_12 : vector<1x2000x16xf32> to vector<2000x16xf32>
    %add3A_14 = arith.addf %add3A_8, %get3A_13 : vector<2000x16xf32>
    %get3A_15 = arith.constant 1 : index
    %get3A_16 = arith.constant 0 : index
    %get3A_17 = arith.constant 0 : index
    %get3A_18 = vector.load %arg2[%get3A_15, %get3A_16, %get3A_17] : memref<2x2000x16xf32, #tpu.memory_space<vmem>>, vector<1x2000x16xf32>
    %get3A_19 = vector.shape_cast %get3A_18 : vector<1x2000x16xf32> to vector<2000x16xf32>
    %add3A_20 = arith.addf %add3A_14, %get3A_19 : vector<2000x16xf32>
    %logistic3A = arith.negf %add3A_20 : vector<2000x16xf32>
    %logistic3A_21 = math.exp %logistic3A : vector<2000x16xf32>
    %logistic3A_22 = arith.constant 1.000000e+00 : f32
    %logistic3A_23 = vector.broadcast %logistic3A_22 : f32 to vector<2000x16xf32>
    %logistic3A_24 = arith.addf %logistic3A_23, %logistic3A_21 : vector<2000x16xf32>
    %logistic3A_25 = arith.divf %logistic3A_23, %logistic3A_24 : vector<2000x16xf32>
    %swap3A = arith.constant 0 : index
    %swap3A_26 = arith.constant 0 : index
    %swap3A_27 = vector.load %arg4[%swap3A, %swap3A_26] : memref<2000x16xf32, #tpu.memory_space<vmem>>, vector<2000x16xf32>
    tpu.vector_store %arg4[%swap3A, %swap3A_26], %logistic3A_25 {strides = array<i32>} : memref<2000x16xf32, #tpu.memory_space<vmem>>, vector<2000x16xf32>,
    return
  }
  func.func @transform_0(%arg0: i32) -> (i32, i32, i32) {
    %c8_i32 = arith.constant 8 : i32
    %c0_i32 = arith.constant 0 : i32
    %c0_i32_0 = arith.constant 0 : i32
    return %c8_i32, %arg0, %c0_i32 : i32, i32, i32
  }
  func.func @transform_1(%arg0: i32) -> (i32, i32, i32) {
    %c0_i32 = arith.constant 0 : i32
    %c0_i32_0 = arith.constant 0 : i32
    %c0_i32_1 = arith.constant 0 : i32
    return %c0_i32, %arg0, %c0_i32_0 : i32, i32, i32
  }
  func.func @transform_2(%arg0: i32) -> (i32, i32) {
    %c0_i32 = arith.constant 0 : i32
    %c0_i32_0 = arith.constant 0 : i32
    %c0_i32_1 = arith.constant 0 : i32
    return %c0_i32, %c0_i32_0 : i32, i32
  }
  func.func @transform_3(%arg0: i32) -> (i32, i32) {
    %c0_i32 = arith.constant 0 : i32
    %c0_i32_0 = arith.constant 0 : i32
    return %arg0, %c0_i32 : i32, i32
  }
}

</mosaic_0001>

<sc_bundles>
// kernel: kernel.12.cloned.1.call-start
scs
__scs_entry_jumppad:
0x0: {  	(pc) =	sbr.rel $0x88, $3  }
0x1: {  	(tag) =	ssettag $0x0;
	lr =	simm.s32 $0x1  }
0x2: {  	[smem:$0x3F98] =	sst lr;
	_ =	strace $0xD0000000  }
0x3: {  	_ = 	snop  }
0x4: {  	_ = 	snop  }
0x5: {  	_ = 	snop  }
0x6: {  	_ = 	snop  }
0x7: {  	_ = 	snop  }
__scs_overlays_trampoline_lowered:
0x8: {  	[smem:$0x3FA7] =	sst s0  }
0x9: {  	[smem:$0x3FA8] =	sst s1  }
0xa: {  	[smem:$0x3FA9] =	sst s2  }
0xb: {  	[smem:$0x3FAA] =	sst s3  }
0xc: {  	[smem:$0x3FAB] =	sst s4  }
0xd: {  	[smem:$0x3FAC] =	sst s5  }
0xe: {  	[smem:$0x3FAD] =	sst s6  }
0xf: {  	[smem:$0x3FAE] =	sst s7  }
0x10: {  	[smem:$0x3FAF] =	sst s8  }
0x11: {  	[smem:$0x3FB0] =	sst s9;
	s0 =	simm.s32 @!p0 $0x0  }
0x12: {  	s1 =	sld [smem:$0x3F96];
	s0 =	simm.s32 @p0 $0x1  }
0x13: {  	[smem:$0x3FB1] =	sst s0;
	s0 =	simm.s32 @!p1 $0x0  }
0x14: {  	s2 =	sld [smem:$0x3F95];
	s0 =	simm.s32 @p1 $0x1  }
0x15: {  	[smem:$0x3FB2] =	sst s0;
	s0 =	simm.s32 @!p2 $0x0  }
0x16: {  	s3 =	sld [smem:$0x3FDB];
	s0 =	simm.s32 @p2 $0x1  }
0x17: {  	s4 =	simm.s32 $0x1BF5;
	[smem:$0x3FB4] =	sst s0  }
0x18: {  	s0 =	sld [smem:$0x3F97];
	_ =	swait.ge [sflag:s4], $0x0  }
0x19: {  	s7 =	sld [smem:$0x3F98]  }
0x1a: {  	s8 =	sadd.s32 $0xFFFFE003, lr  }
0x1b: {  	s9 =	sadd.s32 $0xFFFFFEF7, lr;
	s5 =	simm.s32 $0xFFFFFFFF;
	p2 =	slt.u32 s8, $0xFFFFF086  }
0x1c: {  	p1 =	slt.u32 s9, $0xF7A;
	s5 =	simm.s32 @!p2 $0x0  }
0x1d: {  	s5 =	simm.s32 @p1 $0x1;
	p0 =	seq.s32 s7, s2  }
0x1e: {  	s7 =	smul.u32 @!p0 $0xF7A, s2;
	p2 =	seq.s32 @!p0 s5, $0x0  }
0x1f: {  	s9 =	smul.u32 $0xF7A, s1;
	s8 =	simm.s32 @!p0 $0x1BF5;
	p2 =	por !p2, p0  }
0x20: {  	[sflag:s8] =	ssyncset.s32 @!p0 $0xFFFFF086;
	s6 =	sadd.s32 @!p0 s3, s7;
	s7 =	simm.s32 @!p0 $0x108  }
0x21: {  	s3 =	sadd.s32 s3, s9;
	s6 =	sadd.s32 @!p0 $0x88, s6;
	s7 =	simm.s32 @p2 $0x1082  }
0x22: {  	[simem:s7], [sflag:s8] =	dma.local @!p0 [hbm:s6], $0xF7A  }
0x23: {  	s9 =	sor.u32 $0xD0000000, s2;
	s6 =	simm.s32 $0x108;
	_ =	swait.ge @!p0 [sflag:s8], $0x0  }
0x24: {  	s3 =	sadd.s32 $0x88, s3;
	s6 =	simm.s32 @!p1 $0x1082;
	[sflag:s4] =	ssyncset.s32 $0xFFFFF086  }
0x25: {  	[simem:s6], [sflag:s4] =	dma.local [hbm:s3], $0xF7A  }
0x26: {  	[smem:$0x3F98] =	sst s1;
	(tag) =	ssettag s2;
	_ =	strace s9  }
0x27: {  	s1 =	sld [smem:$0x3FA8]  }
0x28: {  	s2 =	sld [smem:$0x3FA9]  }
0x29: {  	s4 =	sld [smem:$0x3FAB]  }
0x2a: {  	p0 =	seq.s32 s5, $0x0;
	s5 =	sld [smem:$0x3FAC]  }
0x2b: {  	s6 =	sld [smem:$0x3FAD]  }
0x2c: {  	s7 =	sld [smem:$0x3FAE]  }
0x2d: {  	s3 =	simm.s32 $0x108;
	s8 =	sld [smem:$0x3FAF]  }
0x2e: {  	s3 =	simm.s32 @!p0 $0x1082;
	s9 =	sld [smem:$0x3FB0]  }
0x2f: {  	lr =	sadd.s32 s0, s3;
	s0 =	sld [smem:$0x3FA7]  }
0x30: {  	s3 =	sld [smem:$0x3FAA]  }
0x31: {  	[smem:$0x3FB3] =	sst s10  }
0x32: {  	s10 =	sld [smem:$0x3FB1];
	_ =	sdelay $0x3  }
0x33: {  	p0 =	seq.s32 s10, $0x1;
	s10 =	sld [smem:$0x3FB3];
	_ =	sdelay $0x3  }
0x34: {  	[smem:$0x3FB3] =	sst s10  }
0x35: {  	s10 =	sld [smem:$0x3FB2];
	_ =	sdelay $0x3  }
0x36: {  	p1 =	seq.s32 s10, $0x1;
	s10 =	sld [smem:$0x3FB3];
	_ =	sdelay $0x3  }
0x37: {  	[smem:$0x3FB3] =	sst s10  }
0x38: {  	s10 =	sld [smem:$0x3FB4]  }
0x39: {  	_ = 	snop;
	(pc) =	sbr.ind lr, $3  }
0x3a: {  	_ = 	snop  }
0x3b: {  	_ = 	snop  }
0x3c: {  	p2 =	seq.s32 s10, $0x1;
	s10 =	sld [smem:$0x3FB3]  }
0x3d: {  	_ =	shalt  }
0x3e: {  	_ =	shalt  }
0x3f: {  	_ =	shalt  }
0x40: {  	_ =	shalt  }
0x41: {  	_ =	shalt  }
0x42: {  	_ =	shalt  }
0x43: {  	_ =	shalt  }
0x44: {  	_ =	shalt  }
0x45: {  	_ =	shalt  }
0x46: {  	_ =	shalt  }
0x47: {  	_ =	shalt  }
0x48: {  	_ =	shalt  }
0x49: {  	_ =	shalt  }
0x4a: {  	_ =	shalt  }
0x4b: {  	_ =	shalt  }
0x4c: {  	_ =	shalt  }
0x4d: {  	_ =	shalt  }
0x4e: {  	_ =	shalt  }
0x4f: {  	_ =	shalt  }
0x50: {  	_ =	shalt  }
0x51: {  	_ =	shalt  }
0x52: {  	_ =	shalt  }
0x53: {  	_ =	shalt  }
0x54: {  	_ =	shalt  }
0x55: {  	_ =	shalt  }
0x56: {  	_ =	shalt  }
0x57: {  	_ =	shalt  }
0x58: {  	_ =	shalt  }
0x59: {  	_ =	shalt  }
0x5a: {  	_ =	shalt  }
0x5b: {  	_ =	shalt  }
0x5c: {  	_ =	shalt  }
0x5d: {  	_ =	shalt  }
0x5e: {  	_ =	shalt  }
0x5f: {  	_ =	shalt  }
0x60: {  	_ =	shalt  }
0x61: {  	_ =	shalt  }
0x62: {  	_ =	shalt  }
0x63: {  	_ =	shalt  }
0x64: {  	_ =	shalt  }
0x65: {  	_ =	shalt  }
0x66: {  	_ =	shalt  }
0x67: {  	_ =	shalt  }
0x68: {  	_ =	shalt  }
0x69: {  	_ =	shalt  }
0x6a: {  	_ =	shalt  }
0x6b: {  	_ =	shalt  }
0x6c: {  	_ =	shalt  }
0x6d: {  	_ =	shalt  }
0x6e: {  	_ =	shalt  }
0x6f: {  	_ =	shalt  }
0x70: {  	_ =	shalt  }
0x71: {  	_ =	shalt  }
0x72: {  	_ =	shalt  }
0x73: {  	_ =	shalt  }
0x74: {  	_ =	shalt  }
0x75: {  	_ =	shalt  }
0x76: {  	_ =	shalt  }
0x77: {  	_ =	shalt  }
0x78: {  	_ =	shalt  }
0x79: {  	_ =	shalt  }
0x7a: {  	_ =	shalt  }
0x7b: {  	_ =	shalt  }
0x7c: {  	_ =	shalt  }
0x7d: {  	_ =	shalt  }
0x7e: {  	_ =	shalt  }
0x7f: {  	_ =	shalt  }
0x80: {  	_ =	shalt  }
0x81: {  	_ =	shalt  }
0x82: {  	_ =	shalt  }
0x83: {  	_ =	shalt  }
0x84: {  	_ =	shalt  }
0x85: {  	_ =	shalt  }
0x86: {  	_ =	shalt  }
0x87: {  	_ =	shalt  }
.Lfunc_end0:
.L_simem_size_0:
called_computation.1_lowered:
.L_overlay_start_0:
0x88: {  	s2 =	sld [smem:$0x3FD9]  }
0x89: {  	s3 =	sld [smem:$0x3FFE];
	_ =	sdelay $0x1  }
0x8a: {  	s1 =	srdreg.scid  }
0x8b: {  	s0 =	sand.u32 $0x1, s1  }
0x8c: {  	s16 =	sshll.u32 s0, $0xA;
	s2 =	sadd.s32 s3, s2  }
0x8d: {  	s2 =	sadd.s32 s2, s16  }
0x8e: {  	[smem:$0x3FBF] =	sst s2  }
0x8f: {  	_ = 	snop  }
0x90: {  	(tm) =	ssettm $0x1  }
0x91: {  	s17 =	sld [smem:$0x3FFB];
	_ =	sdelay $0x3  }
0x92: {  	_ =	strace s17  }
0x93: {  	s2 =	sld [smem:$0x3FFC];
	_ =	sdelay $0x3  }
0x94: {  	_ =	strace s2  }
0x95: {  	s2 =	sld [smem:$0x3FFD];
	_ =	sdelay $0x3  }
0x96: {  	_ =	strace s2  }
0x97: {  	_ =	strace $0x8FFFFFFF  }
0x98: {  	s18 =	sld [smem:$0x3FDB];
	_ =	sdelay $0x1  }
0x99: {  	s19 =	simm.s32 $_scs_section_size  }
0x9a: {  	s4 =	simm.s32 $_size__tile_overlayer_lowered;
	s5 =	simm.s32 $_tile_overlayer_lowered  }
0x9b: {  	s22 =	simm.s32 $0x1BFF;
	s21 =	sshll.u32 s5, $0x1;
	s2 =	sadd.s32 s19, s18  }
0x9c: {  	s6 =	simm.s32 $0x0;
	s20 =	sshll.u32 s4, $0x1;
	s4 =	sadd.s32 s21, s2  }
0x9d: {  	[timem:s6], [sflag:s22] =	dma.local [hbm:s4], s20  }
0x9e: {  	_ =	swait.ge [sflag:s22], s20  }
0x9f: {  	s3 =	ssub.s32 $0x0, s20;
	[sflag:s22] =	ssyncset.done $0x0  }
0xa0: {  	[sflag:s22] =	ssyncadd.s32 s3;
	_ =	sdelay $0x1  }
0xa1: {  	s23 =	simm.s32 $0x1B8B  }
0xa2: {  	_ =	swait.ge [sflag:s23], $0x1  }
0xa3: {  	[sflag:s23] =	ssyncset.done $0x0  }
0xa4: {  	s25 =	simm.s32 $0x1B8E;
	s24 =	sld [smem:$0x3FFE];
	[sflag:s23] =	ssyncadd.s32 $0xFFFFFFFF  }
0xa5: {  	s26 =	simm.s32 $execute0_lowered;
	[smem:$0x3FD2] =	sst s25  }
0xa6: {  	s4 =	sshll.u32 s26, $0x1;
	_ =	strace $0x80000049;
	[dreg:$0x1] =	wrdreg $0xFFFFFFFF  }
0xa7: {  	s28 =	simm.s32 $_size_execute0_lowered;
	s2 =	sadd.s32 s2, s4;
	[dreg:$0x0] =	wrdreg $0x0  }
0xa8: {  	s4 =	sshll.u32 s28, $0x1;
	[dreg:$0x2] =	wrdreg s2  }
0xa9: {  	[dreg:$0x3] =	wrdreg s4  }
0xaa: {  	[dreg:$0x4] =	wrdreg $0xC0  }
0xab: {  	_ =	task [dreg:s6], $0x5FFFF  }
0xac: {  	[dreg:$0x1] =	wrdreg $0xFFFFFFFF  }
0xad: {  	[dreg:$0x0] =	wrdreg $0x60  }
0xae: {  	[dreg:$0x2] =	wrdreg s24  }
0xaf: {  	[dreg:$0x3] =	wrdreg $0x40000  }
0xb0: {  	[dreg:$0x4] =	wrdreg $0x9  }
0xb1: {  	_ =	task.clear_ibuf [dreg:s6], $0x5FFFF;
	_ =	strace $0x90000049  }
0xb2: {  	s29 =	simm.s32 $0x9;
	_ =	strace $0x8000004B  }
0xb3: {  	_ =	swait.ge [sflag:s29], $0x1  }
0xb4: {  	[sflag:s29] =	ssyncadd.s32 $0xFFFFFFFF  }
0xb5: {  	_ =	strace $0x9000004B  }
0xb6: {  	_ =	sfence  }
0xb7: {  	s30 =	sld [smem:$0x0];
	_ =	sdelay $0x2  }
0xb8: {  	s31 =	sshll.u32 s1, $0xD;
	s1 =	sshrl.u32 s1, $0x2  }
0xb9: {  	s3 =	sand.u32 $0x4000, s31;
	s1 =	sadd.s32 s1, s30  }
0xba: {  	s0 =	sor.u32 s3, s0;
	s1 =	sshll.u32 s1, $0x11  }
0xbb: {  	s0 =	sor.u32 s1, s0  }
0xbc: {  	s0 =	sadd.s32 $0x8F2B, s0  }
0xbd: {  	[sflag:s0] =	ssyncadd.remote.s32 $0x1  }
0xbe: {  	_ =	sfence.sel $0xFFFF  }
0xbf: {  	[dreg:$0x0] =	wrdreg $0xFFFFFFFF;
	(pc) =	sbr.abs _section_cstart, $3  }
0xc0: {  	[dreg:$0x1] =	wrdreg $0xFFFFFFFF  }
0xc1: {  	_ =	task.clear_ibuf [dreg:s6], $0x2FFFF;
	_ =	strace $0x9FFFFFFF  }
0xc2: {  	(tm) =	ssettm $0x7FFFFFFF  }
0xc3: {  	_ =	shalt  }
tec
execute0_lowered:
.L_overlay_start_1:
0x0: {  	(tag) =	ssettag $0x1  }
0x1: {  	s3 =	rddreg [dreg:$0x0];
	s0 =	srdreg.scid  }
0x2: {  	s5 =	rddreg [dreg:$0x1];
	s1 =	stileid.u32;
	s2 =	simm.s32 $0x0  }
0x3: {  	s10 =	simm.s32 $0x1;
	s13 =	simm.s32 $0x0;
	s7 =	smul.u32 $0x14000, s1  }
0x4: {  	s4 =	sand.u32 $0x1, s0;
	s0 =	rddreg [dreg:$0x2];
	s8 =	smul.u32 $0x50000, s1  }
0x5: {  	[smem:$0x7FF] =	sst s2;
	s11 =	sshll.u32 s1, $0x6;
	s6 =	smul.u32 $0x140000, s4  }
0x6: {  	_ =	strace $0x8000004A;
	s4 =	ssub.s32 $0x2, s4;
	s11 =	sor.u32 $0x1C01, s11  }
0x7: {  	s9 =	sshrl.u32 s4, $0x1;
	s8 =	sshrl.u32 s8, $0x2;
	s6 =	sadd.s32 s7, s6  }
0x8: {  	s12 =	sadd.s32 s7, s5;
	s9 =	ssub.s32 s4, s9;
	s6 =	sshrl.u32 s6, $0x3  }
0x9: {  	s12 =	sshrl.u32 s12, $0x3;
	s6 =	sadd.s32 s6, s3;
	s3 =	sadd.s32 s8, s5  }
0xa: {  	s5 =	smax.u32 s9, $0x1;
	s4 =	sadd.s32 $0x175400, s6;
	s6 =	sadd.s32 $0x4000, s3  }
0xb: {  	v0 =	vimm.f32 $0.0e+00;
	s7 =	sadd.s32 $0x8000, s3;
	s8 =	sadd.s32 $0xC000, s3;
	s9 =	sadd.s32 $0x10000, s3  }
.LBB2_1:
0xc: {  	s14 =	simm.s32 $0x0;
	s15 =	simm.s32 $0x200  }
.LBB2_2:
0xd: {  	p0 =	sne.s32 s15, $0xFE00;
	[tilespmem:s14+$0x70] =	vst v0  }
0xe: {  	[tilespmem:s14+$0x0] =	vst v0  }
0xf: {  	[tilespmem:s14+$0x10] =	vst v0  }
.Ltmp0:
0x10: {  	[tilespmem:s14+$0x20] =	vst v0;
	(pc) =	sbr.rel @p0 .LBB2_2-.Ltmp0, $4  }
0x11: {  	[tilespmem:s14+$0x30] =	vst v0  }
0x12: {  	[tilespmem:s14+$0x40] =	vst v0  }
0x13: {  	[tilespmem:s14+$0x50] =	vst v0  }
0x14: {  	[tilespmem:s14+$0x60] =	vst v0;
	s14 =	sshra.s32 s15, $0x2;
	s15 =	sadd.s32 $0x200, s15  }
0x15: {  	[tilespmem:s14+$0x70] =	vst v0  }
0x16: {  	[tilespmem:s14+$0x0] =	vst v0  }
0x17: {  	[tilespmem:s14+$0x10] =	vst v0  }
0x18: {  	[tilespmem:s14+$0x20] =	vst v0  }
0x19: {  	[tilespmem:s14+$0x30] =	vst v0  }
0x1a: {  	[tilespmem:s14+$0x40] =	vst v0  }
0x1b: {  	[tilespmem:s14+$0x50] =	vst v0  }
0x1c: {  	[tilespmem:s14+$0x60] =	vst v0  }
0x1d: {  	[spmem:s3] =	stream.linear.scatter [tilespmem:s2], [sflag:$0x1], $0x4000, $0x38;
	[tilespmem:$0x18000] =	vst v63  }
0x1e: {  	_ =	swait.ge [sflag:s10], $0x4000  }
0x1f: {  	[sflag:s10] =	ssyncset.done $0x0  }
0x20: {  	[sflag:s10] =	ssyncadd.s32 $0xFFFFC000  }
0x21: {  	[spmem:s6] =	stream.linear.scatter [tilespmem:s2], [sflag:$0x1], $0x4000, $0x38;
	[tilespmem:$0x18000] =	vst v63  }
0x22: {  	_ =	swait.ge [sflag:s10], $0x4000  }
0x23: {  	[sflag:s10] =	ssyncset.done $0x0  }
0x24: {  	[sflag:s10] =	ssyncadd.s32 $0xFFFFC000  }
0x25: {  	[spmem:s7] =	stream.linear.scatter [tilespmem:s2], [sflag:$0x1], $0x4000, $0x38;
	[tilespmem:$0x18000] =	vst v63  }
0x26: {  	_ =	swait.ge [sflag:s10], $0x4000  }
0x27: {  	[sflag:s10] =	ssyncset.done $0x0  }
0x28: {  	[sflag:s10] =	ssyncadd.s32 $0xFFFFC000  }
0x29: {  	[spmem:s8] =	stream.linear.scatter [tilespmem:s2], [sflag:$0x1], $0x4000, $0x38;
	[tilespmem:$0x18000] =	vst v63  }
0x2a: {  	_ =	swait.ge [sflag:s10], $0x4000  }
0x2b: {  	[sflag:s10] =	ssyncset.done $0x0  }
0x2c: {  	[sflag:s10] =	ssyncadd.s32 $0xFFFFC000  }
0x2d: {  	[spmem:s9] =	stream.linear.scatter [tilespmem:s2], [sflag:$0x1], $0x4000, $0x38;
	[tilespmem:$0x18000] =	vst v63  }
0x2e: {  	_ =	swait.ge [sflag:s10], $0x4000  }
0x2f: {  	[sflag:s10] =	ssyncset.done $0x0  }
0x30: {  	s13 =	sadd.s32 $0x1, s13;
	[sflag:s10] =	ssyncadd.s32 $0xFFFFC000  }
0x31: {  	p0 =	sne.s32 s13, s5;
	[bflag:$0x0] =	sbarrier.arrive $0xFFFF  }
.Ltmp1:
0x32: {  	[bflag:$0x0] =	sbarrier.arrive $0xFFFF;
	(pc) =	sbr.rel @p0 .LBB2_1-.Ltmp1, $4  }
0x33: {  	[hbm:s4], [sflag:s11] =	dma.local [spmem:s12], $0x2800  }
0x34: {  	_ =	swait.ge [sflag:s10], $0x2800  }
0x35: {  	[sflag:s10] =	ssyncset.done $0x0  }
0x36: {  	[sflag:s10] =	ssyncadd.s32 $0xFFFFD800  }
0x37: {  	_ =	sfence.sel $0x180000  }
0x38: {  	[bflag:$0x0] =	sbarrier.arrive $0xFFFF  }
0x39: {  	p0 =	sne.s32 s1, $0x0;
	_ =	strace $0x9000004A  }
0x3a: {  	s0 =	sadd.s32 @!p0 $0x100000, s0;
	[bflag:$0x2] =	sbarrier.arrive $0xFFFF  }
0x3b: {  	[sflag:s0] =	ssyncadd.tile.s32 @!p0 $0x1;
	_ =	shalt  }
.Lfunc_end2:
_tile_overlayer_lowered:
.L_overlay_start_2:
0x3c: {  	(tag) =	ssettag $0x2  }
0x3d: {  	s0 =	rddreg [dreg:$0x0];
	s2 =	stileid.u32  }
0x3e: {  	s1 =	rddreg [dreg:$0x1];
	p0 =	sne.s32 s2, $0x0  }
0x3f: {  	s3 =	rddreg [dreg:$0x2];
	[bflag:$0x3] =	sbarrier.arrive $0xFFFF;
	s2 =	simm.s32 @!p0 $0x1C01  }
0x40: {  	[timem:s3], [sflag:s2] =	dma.local @!p0 [hbm:s0], s1  }
0x41: {  	s0 =	simm.s32 @!p0 $0x1  }
0x42: {  	_ =	swait.ge @!p0 [sflag:s0], s1  }
0x43: {  	s1 =	ssub.s32 @!p0 $0x0, s1;
	[sflag:s0] =	ssyncset.done @!p0 $0x0  }
0x44: {  	[sflag:s0] =	ssyncadd.s32 @!p0 s1  }
0x45: {  	[bflag:$0x3] =	sbarrier.arrive $0xFFFF  }
0x46: {  	_ =	shalt  }

// kernel: kernel.15.cloned.1.call-start
scs
__scs_entry_jumppad:
0x0: {  	(pc) =	sbr.rel $0x88, $3  }
0x1: {  	(tag) =	ssettag $0x0;
	lr =	simm.s32 $0x1  }
0x2: {  	[smem:$0x3F98] =	sst lr;
	_ =	strace $0xD0000000  }
0x3: {  	_ = 	snop  }
0x4: {  	_ = 	snop  }
0x5: {  	_ = 	snop  }
0x6: {  	_ = 	snop  }
0x7: {  	_ = 	snop  }
__scs_overlays_trampoline_lowered:
0x8: {  	[smem:$0x3FA7] =	sst s0  }
0x9: {  	[smem:$0x3FA8] =	sst s1  }
0xa: {  	[smem:$0x3FA9] =	sst s2  }
0xb: {  	[smem:$0x3FAA] =	sst s3  }
0xc: {  	[smem:$0x3FAB] =	sst s4  }
0xd: {  	[smem:$0x3FAC] =	sst s5  }
0xe: {  	[smem:$0x3FAD] =	sst s6  }
0xf: {  	[smem:$0x3FAE] =	sst s7  }
0x10: {  	[smem:$0x3FAF] =	sst s8  }
0x11: {  	[smem:$0x3FB0] =	sst s9;
	s0 =	simm.s32 @!p0 $0x0  }
0x12: {  	s1 =	sld [smem:$0x3F96];
	s0 =	simm.s32 @p0 $0x1  }
0x13: {  	[smem:$0x3FB1] =	sst s0;
	s0 =	simm.s32 @!p1 $0x0  }
0x14: {  	s2 =	sld [smem:$0x3F95];
	s0 =	simm.s32 @p1 $0x1  }
0x15: {  	[smem:$0x3FB2] =	sst s0;
	s0 =	simm.s32 @!p2 $0x0  }
0x16: {  	s3 =	sld [smem:$0x3FDB];
	s0 =	simm.s32 @p2 $0x1  }
0x17: {  	s4 =	simm.s32 $0x1BF5;
	[smem:$0x3FB4] =	sst s0  }
0x18: {  	s0 =	sld [smem:$0x3F97];
	_ =	swait.ge [sflag:s4], $0x0  }
0x19: {  	s7 =	sld [smem:$0x3F98]  }
0x1a: {  	s8 =	sadd.s32 $0xFFFFE003, lr  }
0x1b: {  	s9 =	sadd.s32 $0xFFFFFEF7, lr;
	s5 =	simm.s32 $0xFFFFFFFF;
	p2 =	slt.u32 s8, $0xFFFFF086  }
0x1c: {  	p1 =	slt.u32 s9, $0xF7A;
	s5 =	simm.s32 @!p2 $0x0  }
0x1d: {  	s5 =	simm.s32 @p1 $0x1;
	p0 =	seq.s32 s7, s2  }
0x1e: {  	s7 =	smul.u32 @!p0 $0xF7A, s2;
	p2 =	seq.s32 @!p0 s5, $0x0  }
0x1f: {  	s9 =	smul.u32 $0xF7A, s1;
	s8 =	simm.s32 @!p0 $0x1BF5;
	p2 =	por !p2, p0  }
0x20: {  	[sflag:s8] =	ssyncset.s32 @!p0 $0xFFFFF086;
	s6 =	sadd.s32 @!p0 s3, s7;
	s7 =	simm.s32 @!p0 $0x108  }
0x21: {  	s3 =	sadd.s32 s3, s9;
	s6 =	sadd.s32 @!p0 $0x88, s6;
	s7 =	simm.s32 @p2 $0x1082  }
0x22: {  	[simem:s7], [sflag:s8] =	dma.local @!p0 [hbm:s6], $0xF7A  }
0x23: {  	s9 =	sor.u32 $0xD0000000, s2;
	s6 =	simm.s32 $0x108;
	_ =	swait.ge @!p0 [sflag:s8], $0x0  }
0x24: {  	s3 =	sadd.s32 $0x88, s3;
	s6 =	simm.s32 @!p1 $0x1082;
	[sflag:s4] =	ssyncset.s32 $0xFFFFF086  }
0x25: {  	[simem:s6], [sflag:s4] =	dma.local [hbm:s3], $0xF7A  }
0x26: {  	[smem:$0x3F98] =	sst s1;
	(tag) =	ssettag s2;
	_ =	strace s9  }
0x27: {  	s1 =	sld [smem:$0x3FA8]  }
0x28: {  	s2 =	sld [smem:$0x3FA9]  }
0x29: {  	s4 =	sld [smem:$0x3FAB]  }
0x2a: {  	p0 =	seq.s32 s5, $0x0;
	s5 =	sld [smem:$0x3FAC]  }
0x2b: {  	s6 =	sld [smem:$0x3FAD]  }
0x2c: {  	s7 =	sld [smem:$0x3FAE]  }
0x2d: {  	s3 =	simm.s32 $0x108;
	s8 =	sld [smem:$0x3FAF]  }
0x2e: {  	s3 =	simm.s32 @!p0 $0x1082;
	s9 =	sld [smem:$0x3FB0]  }
0x2f: {  	lr =	sadd.s32 s0, s3;
	s0 =	sld [smem:$0x3FA7]  }
0x30: {  	s3 =	sld [smem:$0x3FAA]  }
0x31: {  	[smem:$0x3FB3] =	sst s10  }
0x32: {  	s10 =	sld [smem:$0x3FB1];
	_ =	sdelay $0x3  }
0x33: {  	p0 =	seq.s32 s10, $0x1;
	s10 =	sld [smem:$0x3FB3];
	_ =	sdelay $0x3  }
0x34: {  	[smem:$0x3FB3] =	sst s10  }
0x35: {  	s10 =	sld [smem:$0x3FB2];
	_ =	sdelay $0x3  }
0x36: {  	p1 =	seq.s32 s10, $0x1;
	s10 =	sld [smem:$0x3FB3];
	_ =	sdelay $0x3  }
0x37: {  	[smem:$0x3FB3] =	sst s10  }
0x38: {  	s10 =	sld [smem:$0x3FB4]  }
0x39: {  	_ = 	snop;
	(pc) =	sbr.ind lr, $3  }
0x3a: {  	_ = 	snop  }
0x3b: {  	_ = 	snop  }
0x3c: {  	p2 =	seq.s32 s10, $0x1;
	s10 =	sld [smem:$0x3FB3]  }
0x3d: {  	_ =	shalt  }
0x3e: {  	_ =	shalt  }
0x3f: {  	_ =	shalt  }
0x40: {  	_ =	shalt  }
0x41: {  	_ =	shalt  }
0x42: {  	_ =	shalt  }
0x43: {  	_ =	shalt  }
0x44: {  	_ =	shalt  }
0x45: {  	_ =	shalt  }
0x46: {  	_ =	shalt  }
0x47: {  	_ =	shalt  }
0x48: {  	_ =	shalt  }
0x49: {  	_ =	shalt  }
0x4a: {  	_ =	shalt  }
0x4b: {  	_ =	shalt  }
0x4c: {  	_ =	shalt  }
0x4d: {  	_ =	shalt  }
0x4e: {  	_ =	shalt  }
0x4f: {  	_ =	shalt  }
0x50: {  	_ =	shalt  }
0x51: {  	_ =	shalt  }
0x52: {  	_ =	shalt  }
0x53: {  	_ =	shalt  }
0x54: {  	_ =	shalt  }
0x55: {  	_ =	shalt  }
0x56: {  	_ =	shalt  }
0x57: {  	_ =	shalt  }
0x58: {  	_ =	shalt  }
0x59: {  	_ =	shalt  }
0x5a: {  	_ =	shalt  }
0x5b: {  	_ =	shalt  }
0x5c: {  	_ =	shalt  }
0x5d: {  	_ =	shalt  }
0x5e: {  	_ =	shalt  }
0x5f: {  	_ =	shalt  }
0x60: {  	_ =	shalt  }
0x61: {  	_ =	shalt  }
0x62: {  	_ =	shalt  }
0x63: {  	_ =	shalt  }
0x64: {  	_ =	shalt  }
0x65: {  	_ =	shalt  }
0x66: {  	_ =	shalt  }
0x67: {  	_ =	shalt  }
0x68: {  	_ =	shalt  }
0x69: {  	_ =	shalt  }
0x6a: {  	_ =	shalt  }
0x6b: {  	_ =	shalt  }
0x6c: {  	_ =	shalt  }
0x6d: {  	_ =	shalt  }
0x6e: {  	_ =	shalt  }
0x6f: {  	_ =	shalt  }
0x70: {  	_ =	shalt  }
0x71: {  	_ =	shalt  }
0x72: {  	_ =	shalt  }
0x73: {  	_ =	shalt  }
0x74: {  	_ =	shalt  }
0x75: {  	_ =	shalt  }
0x76: {  	_ =	shalt  }
0x77: {  	_ =	shalt  }
0x78: {  	_ =	shalt  }
0x79: {  	_ =	shalt  }
0x7a: {  	_ =	shalt  }
0x7b: {  	_ =	shalt  }
0x7c: {  	_ =	shalt  }
0x7d: {  	_ =	shalt  }
0x7e: {  	_ =	shalt  }
0x7f: {  	_ =	shalt  }
0x80: {  	_ =	shalt  }
0x81: {  	_ =	shalt  }
0x82: {  	_ =	shalt  }
0x83: {  	_ =	shalt  }
0x84: {  	_ =	shalt  }
0x85: {  	_ =	shalt  }
0x86: {  	_ =	shalt  }
0x87: {  	_ =	shalt  }
.Lfunc_end0:
.L_simem_size_0:
called_computation.2_lowered:
.L_overlay_start_0:
0x88: {  	s2 =	sld [smem:$0x3FD9]  }
0x89: {  	s3 =	sld [smem:$0x3FFE];
	_ =	sdelay $0x1  }
0x8a: {  	s1 =	srdreg.scid  }
0x8b: {  	s0 =	sand.u32 $0x1, s1  }
0x8c: {  	s17 =	sshll.u32 s0, $0xA;
	s2 =	sadd.s32 s3, s2  }
0x8d: {  	s2 =	sadd.s32 s2, s17  }
0x8e: {  	[smem:$0x3FBF] =	sst s2  }
0x8f: {  	_ = 	snop  }
0x90: {  	s2 =	sld [smem:$0x3FD0];
	(tm) =	ssettm $0x1  }
0x91: {  	s18 =	sld [smem:$0x3FFB];
	_ =	sdelay $0x3  }
0x92: {  	_ =	strace s18  }
0x93: {  	s3 =	sld [smem:$0x3FFC];
	_ =	sdelay $0x3  }
0x94: {  	_ =	strace s3  }
0x95: {  	s3 =	sld [smem:$0x3FFD];
	_ =	sdelay $0x3  }
0x96: {  	_ =	strace s3  }
0x97: {  	_ =	strace $0x8FFFFFFF  }
0x98: {  	s19 =	sld [smem:$0x3FDB];
	_ =	sdelay $0x1  }
0x99: {  	s4 =	simm.s32 $_scs_section_size  }
0x9a: {  	s5 =	simm.s32 $_size__tile_overlayer_lowered;
	s6 =	simm.s32 $_tile_overlayer_lowered  }
0x9b: {  	s22 =	simm.s32 $0x1BFF;
	s21 =	sshll.u32 s6, $0x1;
	s3 =	sadd.s32 s4, s19  }
0x9c: {  	s7 =	simm.s32 $0x0;
	s20 =	sshll.u32 s5, $0x1;
	s5 =	sadd.s32 s21, s3  }
0x9d: {  	[timem:s7], [sflag:s22] =	dma.local [hbm:s5], s20  }
0x9e: {  	_ =	swait.ge [sflag:s22], s20  }
0x9f: {  	s4 =	ssub.s32 $0x0, s20;
	[sflag:s22] =	ssyncset.done $0x0  }
0xa0: {  	[sflag:s22] =	ssyncadd.s32 s4;
	_ =	sdelay $0x1  }
0xa1: {  	s23 =	simm.s32 $0x1B8B  }
0xa2: {  	_ =	swait.ge [sflag:s23], $0x1  }
0xa3: {  	[sflag:s23] =	ssyncset.done $0x0  }
0xa4: {  	s25 =	simm.s32 $0x1B8E;
	s24 =	sld [smem:$0x3FFE];
	[sflag:s23] =	ssyncadd.s32 $0xFFFFFFFF  }
0xa5: {  	s26 =	simm.s32 $execute0_lowered;
	[smem:$0x3FD2] =	sst s25  }
0xa6: {  	s5 =	sshll.u32 s26, $0x1;
	_ =	strace $0x8000004C;
	[dreg:$0x1] =	wrdreg $0xFFFFFFFF  }
0xa7: {  	s28 =	simm.s32 $_size_execute0_lowered;
	s3 =	sadd.s32 s3, s5;
	[dreg:$0x0] =	wrdreg $0x0  }
0xa8: {  	s5 =	sshll.u32 s28, $0x1;
	[dreg:$0x2] =	wrdreg s3  }
0xa9: {  	[dreg:$0x3] =	wrdreg s5  }
0xaa: {  	[dreg:$0x4] =	wrdreg $0xC0  }
0xab: {  	_ =	task [dreg:s7], $0x5FFFF  }
0xac: {  	[dreg:$0x1] =	wrdreg $0xFFFFFFFF  }
0xad: {  	[dreg:$0x0] =	wrdreg $0x60  }
0xae: {  	[dreg:$0x2] =	wrdreg s24  }
0xaf: {  	[dreg:$0x3] =	wrdreg s2  }
0xb0: {  	[dreg:$0x4] =	wrdreg $0x28000  }
0xb1: {  	[dreg:$0x5] =	wrdreg $0x9  }
0xb2: {  	_ =	task.clear_ibuf [dreg:s7], $0x6FFFF;
	_ =	strace $0x9000004C  }
0xb3: {  	s29 =	simm.s32 $0x9;
	_ =	strace $0x8000004E  }
0xb4: {  	_ =	swait.ge [sflag:s29], $0x1  }
0xb5: {  	[sflag:s29] =	ssyncadd.s32 $0xFFFFFFFF  }
0xb6: {  	_ =	strace $0x9000004E  }
0xb7: {  	_ =	sfence  }
0xb8: {  	s30 =	sld [smem:$0x0];
	_ =	sdelay $0x2  }
0xb9: {  	s31 =	sshll.u32 s1, $0xD;
	s1 =	sshrl.u32 s1, $0x2  }
0xba: {  	s3 =	sand.u32 $0x4000, s31;
	s1 =	sadd.s32 s1, s30  }
0xbb: {  	s0 =	sor.u32 s3, s0;
	s1 =	sshll.u32 s1, $0x11  }
0xbc: {  	s0 =	sor.u32 s1, s0  }
0xbd: {  	s0 =	sadd.s32 $0x8F2B, s0  }
0xbe: {  	[sflag:s0] =	ssyncadd.remote.s32 $0x1  }
0xbf: {  	_ =	sfence.sel $0xFFFF  }
0xc0: {  	[dreg:$0x0] =	wrdreg $0xFFFFFFFF;
	(pc) =	sbr.abs _section_cstart, $3  }
0xc1: {  	[dreg:$0x1] =	wrdreg $0xFFFFFFFF  }
0xc2: {  	_ =	task.clear_ibuf [dreg:s7], $0x2FFFF;
	_ =	strace $0x9FFFFFFF  }
0xc3: {  	(tm) =	ssettm $0x7FFFFFFF  }
tec
execute0_lowered:
.L_overlay_start_1:
0x0: {  	(tag) =	ssettag $0x1  }
0x1: {  	s0 =	rddreg [dreg:$0x0]  }
0x2: {  	s1 =	rddreg [dreg:$0x1]  }
0x3: {  	s2 =	rddreg [dreg:$0x2];
	s3 =	srdreg.scid  }
0x4: {  	s22 =	simm.s32 $0x0;
	s12 =	stileid.u32;
	s18 =	simm.s32 $0x1800  }
0x5: {  	s19 =	simm.s32 $0x6;
	s20 =	simm.s32 $0x80;
	s21 =	simm.s32 $0x1000  }
0x6: {  	s31 =	simm.s32 $0x1700;
	s14 =	simm.s32 $0x2000;
	s15 =	simm.s32 $0x2  }
0x7: {  	s16 =	simm.s32 $0x3;
	s17 =	simm.s32 $0x4;
	s4 =	sand.u32 $0x1, s3  }
0x8: {  	[smem:$0x7FF] =	sst s22;
	s5 =	smul.u32 $0x2800, s12;
	s6 =	sadd.s32 $0x10A00, s0  }
0x9: {  	s7 =	sadd.s32 $0xBA00, s0;
	s8 =	sadd.s32 $0x1A00, s0;
	s10 =	smul.u32 $0x30, s12  }
0xa: {  	s9 =	sadd.s32 $0x15A00, s0;
	s11 =	smul.u32 $0xA000, s12;
	s12 =	sshll.u32 s12, $0x5  }
0xb: {  	s3 =	smul.u32 $0x28000, s4;
	_ =	strace $0x8000004D;
	s23 =	ssub.s32 $0x2, s4  }
0xc: {  	p0 =	seq.s32 s4, $0x0;
	s10 =	sadd.s32 $0x200, s10;
	s13 =	sshrl.u32 s23, $0x1  }
0xd: {  	s11 =	sshrl.u32 s11, $0x2;
	s25 =	sadd.s32 s5, s2;
	s3 =	sadd.s32 s5, s3  }
0xe: {  	s12 =	smov.u32 @p0 s10;
	s24 =	sadd.s32 s11, s2;
	s3 =	sshrl.u32 s3, $0x3  }
0xf: {  	s11 =	sshll.u32 s12, $0x7;
	s26 =	sadd.s32 $0x800, s24;
	[dreg:$0x5] =	wrdreg s24  }
0x10: {  	s28 =	sadd.s32 $0x1000, s24;
	s29 =	sadd.s32 $0x1800, s24;
	[dreg:$0x8] =	wrdreg s26  }
0x11: {  	s30 =	sadd.s32 $0x2000, s24;
	s12 =	simm.s32 $0x1;
	[dreg:$0x9] =	wrdreg s28  }
.Ltmp0:
0x12: {  	s0 =	sadd.s32 s3, s0;
	[dreg:$0xa] =	wrdreg s29;
	(pc) =	sbr.rel .LBB2_1-.Ltmp0, $4  }
0x13: {  	s3 =	ssub.s32 s23, s13;
	[dreg:$0xb] =	wrdreg s30;
	s0 =	sadd.s32 $0x41A00, s0  }
0x14: {  	s13 =	simm.s32 $0x800;
	s3 =	smax.u32 s3, $0x1;
	[dreg:$0x6] =	wrdreg s0  }
0x15: {  	v1 =	vimm.s32 $0x0;
	vm0 =	vcmask $0x300;
	[dreg:$0x7] =	wrdreg s3;
	s0 =	sshrl.u32 s25, $0x3;
	s3 =	simm.s32 $0x1780  }
0x16: {  	v0 =	vimm.f32 $0.0e+00;
	v1 =	vsel vm0, $0x3, v1;
	s25 =	simm.s32 $0x5;
	[dreg:$0xc] =	wrdreg s0;
	s0 =	simm.s32 $0x780  }
.LBB2_12:
0x17: {  	s5 =	stileid.u32;
	[bflag:$0x0] =	sbarrier.arrive $0xFFFF  }
0x18: {  	s5 =	sshll.u32 s5, $0x6;
	s10 =	rddreg [dreg:$0x6]  }
0x19: {  	s22 =	rddreg [dreg:$0xc];
	s5 =	sor.u32 $0x1C06, s5  }
0x1a: {  	[hbm:s10], [sflag:s5] =	dma.local [spmem:s22], $0x500  }
0x1b: {  	_ =	swait.ge [sflag:s19], $0x500  }
0x1c: {  	s29 =	rddreg [dreg:$0x4]  }
0x1d: {  	s30 =	rddreg [dreg:$0x7];
	s22 =	sadd.s32 $0x1, s29  }
0x1e: {  	p0 =	sne.s32 s22, s30  }
.Ltmp1:
0x1f: {  	_ = 	snop;
	(pc) =	sbr.rel @!p0 .LBB2_13-.Ltmp1, $3  }
0x20: {  	_ =	sdelay $0x1  }
0x21: {  	[sflag:s19] =	ssyncset.done $0x0  }
0x22: {  	[sflag:s19] =	ssyncadd.s32 $0xFFFFFB00  }
.LBB2_1:
0x23: {  	[dreg:$0x4] =	wrdreg s22;
	s5 =	simm.s32 $0x40;
	s10 =	simm.s32 $0x0  }
.LBB2_2:
0x24: {  	p0 =	sne.s32 s5, $0x1FC0;
	[tilespmem:s10+$0x1800] =	vst v0;
	s10 =	smov.u32 s5;
	s5 =	sadd.s32 $0x40, s5  }
.Ltmp2:
0x25: {  	(pc) =	sbr.rel @p0 .LBB2_2-.Ltmp2, $2  }
0x26: {  	_ =	sdelay $0x2  }
0x27: {  	s10 =	sshra.s32 s10, $0x2  }
0x28: {  	[tilespmem:s10+$0x1800] =	vst v0;
	s5 =	rddreg [dreg:$0x5]  }
0x29: {  	[spmem:s5] =	stream.linear.scatter [tilespmem:s18], [sflag:$0x6], $0x800, $0x38;
	[tilespmem:$0x5000] =	vst v63  }
0x2a: {  	_ =	swait.ge [sflag:s19], $0x800  }
0x2b: {  	[sflag:s19] =	ssyncset.done $0x0  }
0x2c: {  	s26 =	rddreg [dreg:$0x8];
	[sflag:s19] =	ssyncadd.s32 $0xFFFFF800  }
0x2d: {  	[spmem:s26] =	stream.linear.scatter [tilespmem:s18], [sflag:$0x6], $0x800, $0x38;
	[tilespmem:$0x5000] =	vst v63  }
0x2e: {  	_ =	swait.ge [sflag:s19], $0x800  }
0x2f: {  	[sflag:s19] =	ssyncset.done $0x0  }
0x30: {  	s28 =	rddreg [dreg:$0x9];
	[sflag:s19] =	ssyncadd.s32 $0xFFFFF800  }
0x31: {  	[spmem:s28] =	stream.linear.scatter [tilespmem:s18], [sflag:$0x6], $0x800, $0x38;
	[tilespmem:$0x5000] =	vst v63  }
0x32: {  	_ =	swait.ge [sflag:s19], $0x800  }
0x33: {  	[sflag:s19] =	ssyncset.done $0x0  }
0x34: {  	s29 =	rddreg [dreg:$0xa];
	[sflag:s19] =	ssyncadd.s32 $0xFFFFF800  }
0x35: {  	[spmem:s29] =	stream.linear.scatter [tilespmem:s18], [sflag:$0x6], $0x800, $0x38;
	[tilespmem:$0x5000] =	vst v63  }
0x36: {  	_ =	swait.ge [sflag:s19], $0x800  }
0x37: {  	[sflag:s19] =	ssyncset.done $0x0  }
0x38: {  	s30 =	rddreg [dreg:$0xb];
	[sflag:s19] =	ssyncadd.s32 $0xFFFFF800  }
0x39: {  	[spmem:s30] =	stream.linear.scatter [tilespmem:s18], [sflag:$0x6], $0x800, $0x38;
	[tilespmem:$0x5000] =	vst v63  }
.Ltmp3:
0x3a: {  	_ =	swait.ge [sflag:s19], $0x800;
	(pc) =	sbr.rel .LBB2_4-.Ltmp3, $4  }
0x3b: {  	[sflag:s19] =	ssyncset.done $0x0  }
0x3c: {  	[sflag:s19] =	ssyncadd.s32 $0xFFFFF800  }
0x3d: {  	[bflag:$0x0] =	sbarrier.arrive $0xFFFF  }
0x3e: {  	s10 =	simm.s32 $0x0;
	s5 =	simm.s32 $0x0  }
.LBB2_11:
0x3f: {  	s5 =	sadd.s32 $0x1, s5  }
0x40: {  	s22 =	sxor.u32 s5, s4  }
0x41: {  	p0 =	sne.s32 s22, $0x3  }
.Ltmp4:
0x42: {  	_ = 	snop;
	(pc) =	sbr.rel @!p0 .LBB2_12-.Ltmp4, $4  }
0x43: {  	_ = 	snop  }
0x44: {  	_ =	swait.ge [sflag:s25], $0x800  }
0x45: {  	[sflag:s25] =	ssyncset.done $0x0  }
0x46: {  	[sflag:s25] =	ssyncadd.s32 $0xFFFFF800  }
.LBB2_4:
0x47: {  	s22 =	sshll.u32 s5, $0xB  }
0x48: {  	s22 =	sadd.s32 s11, s22  }
0x49: {  	s22 =	sshrl.u32 s22, $0x3  }
0x4a: {  	s23 =	sadd.s32 s8, s22  }
0x4b: {  	[tilespmem:s10], [sflag:$0x6] =	stream.linear.gather [hbm4b:s23+s10], $0x800, $0x38;
	[tilespmem:$0x5000] =	vst v63  }
0x4c: {  	_ =	swait.ge [sflag:s19], $0x800  }
0x4d: {  	[sflag:s19] =	ssyncset.done $0x0  }
0x4e: {  	[sflag:s19] =	ssyncadd.s32 $0xFFFFF800  }
0x4f: {  	[tilespmem:s21], [sflag:$0x1] =	stream.indirect.gather [hbm4b:s1+s20], $0x1, s10, s20, $0xb8;
	[tilespmem:$0x5000] =	vst v63  }
0x50: {  	s29 =	simm.s32 $0x1080  }
0x51: {  	[tilespmem:s29], [sflag:$0x1] =	stream.indirect.gather [hbm4b:s1+s20], $0x1, s20, s20, $0xb8;
	[tilespmem:$0x5000] =	vst v63  }
0x52: {  	s30 =	simm.s32 $0x100;
	s24 =	simm.s32 $0x1100  }
0x53: {  	[tilespmem:s24], [sflag:$0x1] =	stream.indirect.gather [hbm4b:s1+s20], $0x1, s30, s20, $0xb8;
	[tilespmem:$0x5000] =	vst v63  }
0x54: {  	s26 =	simm.s32 $0x180;
	s28 =	simm.s32 $0x1180  }
0x55: {  	[tilespmem:s28], [sflag:$0x1] =	stream.indirect.gather [hbm4b:s1+s20], $0x1, s26, s20, $0xb8;
	[tilespmem:$0x5000] =	vst v63  }
0x56: {  	s29 =	simm.s32 $0x200;
	s30 =	simm.s32 $0x1200  }
0x57: {  	[tilespmem:s30], [sflag:$0x1] =	stream.indirect.gather [hbm4b:s1+s20], $0x1, s29, s20, $0xb8;
	[tilespmem:$0x5000] =	vst v63  }
0x58: {  	s26 =	simm.s32 $0x280;
	s28 =	simm.s32 $0x1280  }
0x59: {  	[tilespmem:s28], [sflag:$0x1] =	stream.indirect.gather [hbm4b:s1+s20], $0x1, s26, s20, $0xb8;
	[tilespmem:$0x5000] =	vst v63  }
0x5a: {  	s29 =	simm.s32 $0x300;
	s30 =	simm.s32 $0x1300  }
0x5b: {  	[tilespmem:s30], [sflag:$0x1] =	stream.indirect.gather [hbm4b:s1+s20], $0x1, s29, s20, $0xb8;
	[tilespmem:$0x5000] =	vst v63  }
0x5c: {  	s26 =	simm.s32 $0x380;
	s28 =	simm.s32 $0x1380  }
0x5d: {  	[tilespmem:s28], [sflag:$0x1] =	stream.indirect.gather [hbm4b:s1+s20], $0x1, s26, s20, $0xb8;
	[tilespmem:$0x5000] =	vst v63  }
0x5e: {  	s29 =	simm.s32 $0x400;
	s30 =	simm.s32 $0x1400  }
0x5f: {  	[tilespmem:s30], [sflag:$0x1] =	stream.indirect.gather [hbm4b:s1+s20], $0x1, s29, s20, $0xb8;
	[tilespmem:$0x5000] =	vst v63  }
0x60: {  	s26 =	simm.s32 $0x480;
	s28 =	simm.s32 $0x1480  }
0x61: {  	[tilespmem:s28], [sflag:$0x1] =	stream.indirect.gather [hbm4b:s1+s20], $0x1, s26, s20, $0xb8;
	[tilespmem:$0x5000] =	vst v63  }
0x62: {  	s29 =	simm.s32 $0x500;
	s30 =	simm.s32 $0x1500  }
0x63: {  	[tilespmem:s30], [sflag:$0x1] =	stream.indirect.gather [hbm4b:s1+s20], $0x1, s29, s20, $0xb8;
	[tilespmem:$0x5000] =	vst v63  }
0x64: {  	s26 =	simm.s32 $0x580;
	s28 =	simm.s32 $0x1580  }
0x65: {  	[tilespmem:s28], [sflag:$0x1] =	stream.indirect.gather [hbm4b:s1+s20], $0x1, s26, s20, $0xb8;
	[tilespmem:$0x5000] =	vst v63  }
0x66: {  	s29 =	simm.s32 $0x600;
	s30 =	simm.s32 $0x1600  }
0x67: {  	[tilespmem:s30], [sflag:$0x1] =	stream.indirect.gather [hbm4b:s1+s20], $0x1, s29, s20, $0xb8;
	[tilespmem:$0x5000] =	vst v63  }
0x68: {  	s26 =	simm.s32 $0x680;
	s28 =	simm.s32 $0x1680  }
0x69: {  	[tilespmem:s28], [sflag:$0x1] =	stream.indirect.gather [hbm4b:s1+s20], $0x1, s26, s20, $0xb8;
	[tilespmem:$0x5000] =	vst v63  }
0x6a: {  	s29 =	simm.s32 $0x700  }
0x6b: {  	[tilespmem:s31], [sflag:$0x1] =	stream.indirect.gather [hbm4b:s1+s20], $0x1, s29, s20, $0xb8;
	[tilespmem:$0x5000] =	vst v63  }
0x6c: {  	_ = 	snop  }
0x6d: {  	[tilespmem:s3], [sflag:$0x1] =	stream.indirect.gather [hbm4b:s1+s20], $0x1, s0, s20, $0xb8;
	[tilespmem:$0x5000] =	vst v63  }
0x6e: {  	_ =	swait.ge [sflag:s12], $0x80  }
0x6f: {  	[sflag:s12] =	ssyncset.done $0x0  }
0x70: {  	[sflag:s12] =	ssyncadd.s32 $0xFFFFFF80  }
0x71: {  	_ =	swait.ge [sflag:s12], $0x80  }
0x72: {  	[sflag:s12] =	ssyncset.done $0x0  }
0x73: {  	[sflag:s12] =	ssyncadd.s32 $0xFFFFFF80  }
0x74: {  	_ =	swait.ge [sflag:s12], $0x80  }
0x75: {  	[sflag:s12] =	ssyncset.done $0x0  }
0x76: {  	[sflag:s12] =	ssyncadd.s32 $0xFFFFFF80  }
0x77: {  	_ =	swait.ge [sflag:s12], $0x80  }
0x78: {  	[sflag:s12] =	ssyncset.done $0x0  }
0x79: {  	[sflag:s12] =	ssyncadd.s32 $0xFFFFFF80  }
0x7a: {  	_ =	swait.ge [sflag:s12], $0x80  }
0x7b: {  	[sflag:s12] =	ssyncset.done $0x0  }
0x7c: {  	[sflag:s12] =	ssyncadd.s32 $0xFFFFFF80  }
0x7d: {  	_ =	swait.ge [sflag:s12], $0x80  }
0x7e: {  	[sflag:s12] =	ssyncset.done $0x0  }
0x7f: {  	[sflag:s12] =	ssyncadd.s32 $0xFFFFFF80  }
0x80: {  	_ =	swait.ge [sflag:s12], $0x80  }
0x81: {  	[sflag:s12] =	ssyncset.done $0x0  }
0x82: {  	[sflag:s12] =	ssyncadd.s32 $0xFFFFFF80  }
0x83: {  	_ =	swait.ge [sflag:s12], $0x80  }
0x84: {  	[sflag:s12] =	ssyncset.done $0x0  }
0x85: {  	[sflag:s12] =	ssyncadd.s32 $0xFFFFFF80  }
0x86: {  	_ =	swait.ge [sflag:s12], $0x80  }
0x87: {  	[sflag:s12] =	ssyncset.done $0x0  }
0x88: {  	[sflag:s12] =	ssyncadd.s32 $0xFFFFFF80  }
0x89: {  	_ =	swait.ge [sflag:s12], $0x80  }
0x8a: {  	[sflag:s12] =	ssyncset.done $0x0  }
0x8b: {  	[sflag:s12] =	ssyncadd.s32 $0xFFFFFF80  }
0x8c: {  	_ =	swait.ge [sflag:s12], $0x80  }
0x8d: {  	[sflag:s12] =	ssyncset.done $0x0  }
0x8e: {  	[sflag:s12] =	ssyncadd.s32 $0xFFFFFF80  }
0x8f: {  	_ =	swait.ge [sflag:s12], $0x80  }
0x90: {  	[sflag:s12] =	ssyncset.done $0x0  }
0x91: {  	[sflag:s12] =	ssyncadd.s32 $0xFFFFFF80  }
0x92: {  	_ =	swait.ge [sflag:s12], $0x80  }
0x93: {  	[sflag:s12] =	ssyncset.done $0x0  }
0x94: {  	[sflag:s12] =	ssyncadd.s32 $0xFFFFFF80  }
0x95: {  	_ =	swait.ge [sflag:s12], $0x80  }
0x96: {  	[sflag:s12] =	ssyncset.done $0x0  }
0x97: {  	[sflag:s12] =	ssyncadd.s32 $0xFFFFFF80  }
0x98: {  	_ =	swait.ge [sflag:s12], $0x80  }
0x99: {  	[sflag:s12] =	ssyncset.done $0x0  }
0x9a: {  	[sflag:s12] =	ssyncadd.s32 $0xFFFFFF80  }
0x9b: {  	_ =	swait.ge [sflag:s12], $0x80  }
0x9c: {  	[sflag:s12] =	ssyncset.done $0x0  }
0x9d: {  	s30 =	sadd.s32 s6, s22;
	[sflag:s12] =	ssyncadd.s32 $0xFFFFFF80  }
0x9e: {  	[tilespmem:s10], [sflag:$0x6] =	stream.linear.gather [hbm4b:s30+s10], $0x800, $0x38;
	[tilespmem:$0x5000] =	vst v63  }
0x9f: {  	_ =	swait.ge [sflag:s19], $0x800  }
0xa0: {  	[sflag:s19] =	ssyncset.done $0x0  }
0xa1: {  	s22 =	sadd.s32 s7, s22;
	[sflag:s19] =	ssyncadd.s32 $0xFFFFF800  }
0xa2: {  	[tilespmem:s13], [sflag:$0x6] =	stream.linear.gather [hbm4b:s22+s10], $0x800, $0x38;
	[tilespmem:$0x5000] =	vst v63  }
0xa3: {  	_ =	swait.ge [sflag:s19], $0x800  }
0xa4: {  	[sflag:s19] =	ssyncset.done $0x0  }
0xa5: {  	[sflag:s19] =	ssyncadd.s32 $0xFFFFF800  }
0xa6: {  	[tilespmem:s18], [sflag:$0x2] =	stream.indirect.gather [hbm4b:s9+s20], $0x10, s10, s20, $0xb8;
	[tilespmem:$0x5000] =	vst v63  }
0xa7: {  	s22 =	simm.s32 $0x0  }
0xa8: {  	[tilespmem:s14], [sflag:$0x3] =	stream.indirect.gather [hbm4b:s9+s20], $0x10, s20, s20, $0xb8;
	[tilespmem:$0x5000] =	vst v63  }
.LBB2_5:
0xa9: {  	s23 =	simm.s32 $0x0  }
0xaa: {  	v2 =	vmov s23  }
0xab: {  	s24 =	sshll.u32 s22, $0x8;
	v3 =	vshrl.u32 v2, $0x3  }
0xac: {  	v2 =	vmov s24;
	v3 =	vshll.u32 v3, v1  }
0xad: {  	v3 =	vadd.s32 v2, v3  }
0xae: {  	v3 =	vbroadcast v3, $0x0;
	_ =	sdelay $0x1  }
0xaf: {  	_ =	swait.ge [sflag:s15], $0x800  }
0xb0: {  	[sflag:s15] =	ssyncset.done $0x0  }
0xb1: {  	s26 =	simm.s32 $0x1;
	s23 =	simm.s32 $0x1840;
	[sflag:s15] =	ssyncadd.s32 $0xFFFFF800  }
0xb2: {  	v4 =	vmov s26;
	v6 =	vld [tilespmem:s23+$0xFFFFFFC0]  }
0xb3: {  	v4 =	vshrl.u32 v4, $0x3;
	v5 =	vld.idx.msk [tilespmem:v3+s21+$0x0], $0xffff  }
0xb4: {  	v4 =	vshll.u32 v4, v1;
	v3 =	vor.u32 $0x1, v2  }
0xb5: {  	v4 =	vadd.s32 v4, v3  }
0xb6: {  	v4 =	vbroadcast v4, $0x0;
	_ =	sdelay $0x1  }
0xb7: {  	v5 =	vmul.f32 v6, v5  }
0xb8: {  	s24 =	simm.s32 $0x2  }
0xb9: {  	[tilespmem:s23+$0xFFFFFFC0] =	vst v5;
	v5 =	vmov s24  }
0xba: {  	v7 =	vld [tilespmem:s23+$0xFFFFFFD0];
	v5 =	vshrl.u32 v5, $0x3  }
0xbb: {  	v6 =	vld.idx.msk [tilespmem:v4+s21+$0x0], $0xffff;
	v4 =	vor.u32 $0x2, v2;
	v5 =	vshll.u32 v5, v1  }
0xbc: {  	v5 =	vadd.s32 v5, v4  }
0xbd: {  	v5 =	vbroadcast v5, $0x0;
	_ =	sdelay $0x2  }
0xbe: {  	v6 =	vmul.f32 v7, v6  }
0xbf: {  	s30 =	simm.s32 $0x3  }
0xc0: {  	v8 =	vld [tilespmem:s23+$0xFFFFFFE0];
	[tilespmem:s23+$0xFFFFFFD0] =	vst v6;
	v6 =	vmov s30  }
0xc1: {  	v6 =	vshrl.u32 v6, $0x3;
	v7 =	vld.idx.msk [tilespmem:v5+s21+$0x0], $0xffff  }
0xc2: {  	v5 =	vor.u32 $0x3, v2;
	v6 =	vshll.u32 v6, v1  }
0xc3: {  	v6 =	vadd.s32 v6, v5  }
0xc4: {  	v6 =	vbroadcast v6, $0x0;
	_ =	sdelay $0x1  }
0xc5: {  	v7 =	vmul.f32 v8, v7  }
0xc6: {  	s26 =	simm.s32 $0x4  }
0xc7: {  	[tilespmem:s23+$0xFFFFFFE0] =	vst v7;
	v7 =	vmov s26  }
0xc8: {  	v9 =	vld [tilespmem:s23+$0xFFFFFFF0];
	v7 =	vshrl.u32 v7, $0x3  }
0xc9: {  	v8 =	vld.idx.msk [tilespmem:v6+s21+$0x0], $0xffff;
	v6 =	vor.u32 $0x4, v2;
	v7 =	vshll.u32 v7, v1  }
0xca: {  	v7 =	vadd.s32 v7, v6  }
0xcb: {  	v7 =	vbroadcast v7, $0x0;
	_ =	sdelay $0x2  }
0xcc: {  	v8 =	vmul.f32 v9, v8  }
0xcd: {  	s30 =	simm.s32 $0x5  }
0xce: {  	v10 =	vld [tilespmem:s23+$0x0];
	[tilespmem:s23+$0xFFFFFFF0] =	vst v8;
	v8 =	vmov s30  }
0xcf: {  	v8 =	vshrl.u32 v8, $0x3;
	v9 =	vld.idx.msk [tilespmem:v7+s21+$0x0], $0xffff  }
0xd0: {  	v7 =	vor.u32 $0x5, v2;
	v8 =	vshll.u32 v8, v1  }
0xd1: {  	v8 =	vadd.s32 v8, v7  }
0xd2: {  	v8 =	vbroadcast v8, $0x0;
	_ =	sdelay $0x1  }
0xd3: {  	v9 =	vmul.f32 v10, v9  }
0xd4: {  	s26 =	simm.s32 $0x6  }
0xd5: {  	[tilespmem:s23+$0x0] =	vst v9;
	v9 =	vmov s26  }
0xd6: {  	v11 =	vld [tilespmem:s23+$0x10];
	v9 =	vshrl.u32 v9, $0x3  }
0xd7: {  	v10 =	vld.idx.msk [tilespmem:v8+s21+$0x0], $0xffff;
	v8 =	vor.u32 $0x6, v2;
	v9 =	vshll.u32 v9, v1  }
0xd8: {  	v9 =	vadd.s32 v9, v8  }
0xd9: {  	v9 =	vbroadcast v9, $0x0;
	_ =	sdelay $0x2  }
0xda: {  	v10 =	vmul.f32 v11, v10;
	_ =	sdelay $0x1  }
0xdb: {  	s30 =	simm.s32 $0x7;
	[tilespmem:s23+$0x10] =	vst v10  }
0xdc: {  	v11 =	vld.idx.msk [tilespmem:v9+s21+$0x0], $0xffff;
	v9 =	vmov s30  }
0xdd: {  	v10 =	vshrl.u32 v9, $0x3  }
0xde: {  	v12 =	vld [tilespmem:s23+$0x20];
	v9 =	vor.u32 $0x7, v2;
	v10 =	vshll.u32 v10, v1  }
0xdf: {  	v10 =	vadd.s32 v10, v9  }
0xe0: {  	v10 =	vbroadcast v10, $0x0;
	_ =	sdelay $0x2  }
0xe1: {  	s29 =	simm.s32 $0x8;
	v11 =	vmul.f32 v12, v11  }
0xe2: {  	s28 =	simm.s32 $0x17;
	s24 =	sshll.u32 s22, $0x1;
	s26 =	simm.s32 $0xF  }
.LBB2_6:
0xe3: {  	p0 =	sne.s32 s28, $0x7F;
	v12 =	vmov s29;
	[tilespmem:s23+$0x20] =	vst v11  }
0xe4: {  	v11 =	vshrl.u32 v12, $0x3;
	v10 =	vld.idx.msk [tilespmem:v10+s21+$0x0], $0xffff  }
0xe5: {  	v11 =	vshll.u32 v11, v1;
	v12 =	vld [tilespmem:s23+$0x30]  }
0xe6: {  	v11 =	vadd.s32 v2, v11  }
0xe7: {  	v11 =	vbroadcast v11, $0x0;
	_ =	sdelay $0x2  }
0xe8: {  	v10 =	vmul.f32 v12, v10  }
0xe9: {  	s29 =	sadd.s32 $0xFFFFFFFA, s26  }
0xea: {  	v12 =	vmov s29;
	[tilespmem:s23+$0x30] =	vst v10  }
0xeb: {  	s23 =	sadd.s32 $0x80, s23;
	v10 =	vld.idx.msk [tilespmem:v11+s21+$0x0], $0xffff;
	v11 =	vshrl.u32 v12, $0x3  }
0xec: {  	v12 =	vld [tilespmem:s23+$0xFFFFFFC0];
	v11 =	vshll.u32 v11, v1  }
0xed: {  	v11 =	vadd.s32 v11, v3  }
0xee: {  	v11 =	vbroadcast v11, $0x0;
	_ =	sdelay $0x2  }
0xef: {  	v10 =	vmul.f32 v12, v10  }
0xf0: {  	s29 =	sadd.s32 $0xFFFFFFFB, s26  }
0xf1: {  	[tilespmem:s23+$0xFFFFFFC0] =	vst v10;
	v10 =	vmov s29  }
0xf2: {  	v11 =	vld.idx.msk [tilespmem:v11+s21+$0x0], $0xffff;
	v10 =	vshrl.u32 v10, $0x3  }
0xf3: {  	v12 =	vld [tilespmem:s23+$0xFFFFFFD0];
	v10 =	vshll.u32 v10, v1  }
0xf4: {  	v10 =	vadd.s32 v10, v4  }
0xf5: {  	v10 =	vbroadcast v10, $0x0;
	_ =	sdelay $0x2  }
0xf6: {  	v11 =	vmul.f32 v12, v11  }
0xf7: {  	s29 =	sadd.s32 $0xFFFFFFFC, s26  }
0xf8: {  	[tilespmem:s23+$0xFFFFFFD0] =	vst v11;
	v11 =	vmov s29  }
0xf9: {  	v10 =	vld.idx.msk [tilespmem:v10+s21+$0x0], $0xffff;
	v11 =	vshrl.u32 v11, $0x3  }
0xfa: {  	v12 =	vld [tilespmem:s23+$0xFFFFFFE0];
	v11 =	vshll.u32 v11, v1  }
0xfb: {  	v11 =	vadd.s32 v11, v5  }
0xfc: {  	v11 =	vbroadcast v11, $0x0;
	_ =	sdelay $0x2  }
0xfd: {  	v10 =	vmul.f32 v12, v10  }
0xfe: {  	s29 =	sadd.s32 $0xFFFFFFFD, s26  }
0xff: {  	[tilespmem:s23+$0xFFFFFFE0] =	vst v10;
	v10 =	vmov s29  }
0x100: {  	v11 =	vld.idx.msk [tilespmem:v11+s21+$0x0], $0xffff;
	v10 =	vshrl.u32 v10, $0x3  }
0x101: {  	v12 =	vld [tilespmem:s23+$0xFFFFFFF0];
	v10 =	vshll.u32 v10, v1  }
0x102: {  	v10 =	vadd.s32 v10, v6  }
0x103: {  	v10 =	vbroadcast v10, $0x0;
	_ =	sdelay $0x2  }
0x104: {  	v11 =	vmul.f32 v12, v11  }
0x105: {  	s29 =	sadd.s32 $0xFFFFFFFE, s26  }
0x106: {  	[tilespmem:s23+$0xFFFFFFF0] =	vst v11;
	v11 =	vmov s29  }
0x107: {  	v10 =	vld.idx.msk [tilespmem:v10+s21+$0x0], $0xffff;
	v11 =	vshrl.u32 v11, $0x3  }
0x108: {  	v12 =	vld [tilespmem:s23+$0x0];
	v11 =	vshll.u32 v11, v1  }
0x109: {  	v11 =	vadd.s32 v11, v7  }
0x10a: {  	v11 =	vbroadcast v11, $0x0;
	_ =	sdelay $0x2  }
0x10b: {  	v10 =	vmul.f32 v12, v10  }
0x10c: {  	s29 =	sadd.s32 $0xFFFFFFFF, s26  }
0x10d: {  	[tilespmem:s23+$0x0] =	vst v10;
	v10 =	vmov s29  }
0x10e: {  	v11 =	vld.idx.msk [tilespmem:v11+s21+$0x0], $0xffff;
	v10 =	vshrl.u32 v10, $0x3  }
0x10f: {  	v12 =	vld [tilespmem:s23+$0x10];
	v10 =	vshll.u32 v10, v1  }
0x110: {  	v10 =	vadd.s32 v10, v8  }
0x111: {  	v10 =	vbroadcast v10, $0x0;
	_ =	sdelay $0x2  }
0x112: {  	v11 =	vmul.f32 v12, v11;
	_ =	sdelay $0x1  }
0x113: {  	[tilespmem:s23+$0x10] =	vst v11;
	v11 =	vmov s26;
	s26 =	smov.u32 s28  }
0x114: {  	v12 =	vld.idx.msk [tilespmem:v10+s21+$0x0], $0xffff;
	v10 =	vshrl.u32 v11, $0x3  }
0x115: {  	v11 =	vld [tilespmem:s23+$0x20];
	v10 =	vshll.u32 v10, v1  }
0x116: {  	v10 =	vadd.s32 v10, v9  }
.Ltmp5:
0x117: {  	v10 =	vbroadcast v10, $0x0;
	(pc) =	sbr.rel @p0 .LBB2_6-.Ltmp5, $3  }
0x118: {  	_ =	sdelay $0x1  }
0x119: {  	v11 =	vmul.f32 v11, v12  }
0x11a: {  	s28 =	sadd.s32 $0x8, s28;
	s29 =	sadd.s32 $0xFFFFFFF9, s26  }
0x11b: {  	_ =	sdelay $0x1  }
0x11c: {  	v12 =	vmov s29  }
0x11d: {  	[tilespmem:s23+$0x20] =	vst v11;
	v62 =	vld [tilespmem:s23+$0x30];
	v11 =	vshrl.u32 v12, $0x3  }
0x11e: {  	v10 =	vld.idx.msk [tilespmem:v10+s21+$0x0], $0xffff;
	v11 =	vshll.u32 v11, v1  }
0x11f: {  	v2 =	vadd.s32 v2, v11  }
0x120: {  	v2 =	vbroadcast v2, $0x0;
	_ =	sdelay $0x2  }
0x121: {  	s28 =	sadd.s32 $0xFFFFFFFA, s26;
	v10 =	vmul.f32 v62, v10  }
0x122: {  	v11 =	vmov s28;
	s28 =	sadd.s32 $0x80, s23  }
0x123: {  	[tilespmem:s23+$0x30] =	vst v10;
	v10 =	vshrl.u32 v11, $0x3;
	v11 =	vld [tilespmem:s28+$0xFFFFFFC0]  }
0x124: {  	v10 =	vshll.u32 v10, v1;
	v2 =	vld.idx.msk [tilespmem:v2+s21+$0x0], $0xffff  }
0x125: {  	v3 =	vadd.s32 v10, v3  }
0x126: {  	v3 =	vbroadcast v3, $0x0;
	_ =	sdelay $0x2  }
0x127: {  	v2 =	vmul.f32 v11, v2  }
0x128: {  	s23 =	sadd.s32 $0xFFFFFFFB, s26  }
0x129: {  	v10 =	vld [tilespmem:s28+$0xFFFFFFD0];
	[tilespmem:s28+$0xFFFFFFC0] =	vst v2;
	v2 =	vmov s23  }
0x12a: {  	v3 =	vld.idx.msk [tilespmem:v3+s21+$0x0], $0xffff;
	v2 =	vshrl.u32 v2, $0x3  }
0x12b: {  	v2 =	vshll.u32 v2, v1  }
0x12c: {  	v2 =	vadd.s32 v2, v4  }
0x12d: {  	v2 =	vbroadcast v2, $0x0;
	_ =	sdelay $0x1  }
0x12e: {  	v3 =	vmul.f32 v10, v3  }
0x12f: {  	s23 =	sadd.s32 $0xFFFFFFFC, s26  }
0x130: {  	[tilespmem:s28+$0xFFFFFFD0] =	vst v3;
	v3 =	vmov s23  }
0x131: {  	v4 =	vld [tilespmem:s28+$0xFFFFFFE0];
	v3 =	vshrl.u32 v3, $0x3  }
0x132: {  	v2 =	vld.idx.msk [tilespmem:v2+s21+$0x0], $0xffff;
	v3 =	vshll.u32 v3, v1  }
0x133: {  	v3 =	vadd.s32 v3, v5  }
0x134: {  	v3 =	vbroadcast v3, $0x0;
	_ =	sdelay $0x2  }
0x135: {  	v2 =	vmul.f32 v4, v2  }
0x136: {  	s23 =	sadd.s32 $0xFFFFFFFD, s26  }
0x137: {  	v4 =	vld [tilespmem:s28+$0xFFFFFFF0];
	[tilespmem:s28+$0xFFFFFFE0] =	vst v2;
	v2 =	vmov s23  }
0x138: {  	v3 =	vld.idx.msk [tilespmem:v3+s21+$0x0], $0xffff;
	v2 =	vshrl.u32 v2, $0x3  }
0x139: {  	v2 =	vshll.u32 v2, v1  }
0x13a: {  	v2 =	vadd.s32 v2, v6  }
0x13b: {  	v2 =	vbroadcast v2, $0x0;
	_ =	sdelay $0x1  }
0x13c: {  	v3 =	vmul.f32 v4, v3  }
0x13d: {  	s23 =	sadd.s32 $0xFFFFFFFE, s26  }
0x13e: {  	[tilespmem:s28+$0xFFFFFFF0] =	vst v3;
	v3 =	vmov s23  }
0x13f: {  	v4 =	vld [tilespmem:s28+$0x0];
	v3 =	vshrl.u32 v3, $0x3  }
0x140: {  	v2 =	vld.idx.msk [tilespmem:v2+s21+$0x0], $0xffff;
	v3 =	vshll.u32 v3, v1  }
0x141: {  	v3 =	vadd.s32 v3, v7  }
0x142: {  	v3 =	vbroadcast v3, $0x0;
	_ =	sdelay $0x2  }
0x143: {  	v2 =	vmul.f32 v4, v2  }
0x144: {  	s23 =	sadd.s32 $0xFFFFFFFF, s26  }
0x145: {  	v4 =	vld [tilespmem:s28+$0x10];
	[tilespmem:s28+$0x0] =	vst v2;
	v2 =	vmov s23  }
0x146: {  	v3 =	vld.idx.msk [tilespmem:v3+s21+$0x0], $0xffff;
	v2 =	vshrl.u32 v2, $0x3  }
0x147: {  	v2 =	vshll.u32 v2, v1  }
0x148: {  	v2 =	vadd.s32 v2, v8  }
0x149: {  	v2 =	vbroadcast v2, $0x0;
	_ =	sdelay $0x1  }
0x14a: {  	v3 =	vmul.f32 v4, v3;
	_ =	sdelay $0x1  }
0x14b: {  	[tilespmem:s28+$0x10] =	vst v3;
	v3 =	vmov s26  }
0x14c: {  	v4 =	vld [tilespmem:s28+$0x20];
	v3 =	vshrl.u32 v3, $0x3  }
0x14d: {  	v2 =	vld.idx.msk [tilespmem:v2+s21+$0x0], $0xffff;
	v3 =	vshll.u32 v3, v1  }
0x14e: {  	v3 =	vadd.s32 v3, v9  }
0x14f: {  	v3 =	vbroadcast v3, $0x0;
	_ =	sdelay $0x2  }
0x150: {  	v2 =	vmul.f32 v4, v2;
	_ =	sdelay $0x1  }
0x151: {  	v4 =	vld [tilespmem:s28+$0x30];
	[tilespmem:s28+$0x20] =	vst v2  }
0x152: {  	v3 =	vld.idx.msk [tilespmem:v3+s21+$0x0], $0xffff  }
0x153: {  	s26 =	simm.s32 $0x0  }
0x154: {  	s24 =	sor.u32 $0x1, s24;
	v2 =	vmov s26  }
0x155: {  	s24 =	sshll.u32 s24, $0x7;
	v5 =	vshrl.u32 v2, $0x3  }
0x156: {  	v2 =	vmov s24;
	v5 =	vshll.u32 v5, v1  }
0x157: {  	s26 =	sshll.u32 s22, $0xA;
	v3 =	vmul.f32 v4, v3;
	v4 =	vadd.s32 v2, v5  }
0x158: {  	s23 =	sshrl.u32 s26, $0x2;
	v4 =	vbroadcast v4, $0x0  }
0x159: {  	s26 =	sadd.s32 $0x800, s23;
	[tilespmem:s28+$0x30] =	vst v3  }
0x15a: {  	[spmem:s2] =	stream.indirect.scatter.add.f32 [tilespmem:s18], [sflag:$0x4], $0x10, s26, s20, $0xb8;
	[tilespmem:$0x5000] =	vst v63  }
0x15b: {  	_ =	swait.ge [sflag:s16], $0x800  }
0x15c: {  	[sflag:s16] =	ssyncset.done $0x0  }
0x15d: {  	s26 =	simm.s32 $0x1;
	[sflag:s16] =	ssyncadd.s32 $0xFFFFF800  }
0x15e: {  	v3 =	vmov s26;
	s26 =	simm.s32 $0x2040;
	v4 =	vld.idx.msk [tilespmem:v4+s21+$0x0], $0xffff  }
0x15f: {  	v5 =	vshrl.u32 v3, $0x3;
	v6 =	vld [tilespmem:s26+$0xFFFFFFC0]  }
0x160: {  	v3 =	vor.u32 $0x1, v2;
	v5 =	vshll.u32 v5, v1  }
0x161: {  	v5 =	vadd.s32 v5, v3  }
0x162: {  	v5 =	vbroadcast v5, $0x0;
	_ =	sdelay $0x1  }
0x163: {  	v4 =	vmul.f32 v6, v4  }
0x164: {  	s28 =	simm.s32 $0x2  }
0x165: {  	[tilespmem:s26+$0xFFFFFFC0] =	vst v4;
	v4 =	vmov s28  }
0x166: {  	v7 =	vld [tilespmem:s26+$0xFFFFFFD0];
	v6 =	vshrl.u32 v4, $0x3  }
0x167: {  	v5 =	vld.idx.msk [tilespmem:v5+s21+$0x0], $0xffff;
	v4 =	vor.u32 $0x2, v2;
	v6 =	vshll.u32 v6, v1  }
0x168: {  	v6 =	vadd.s32 v6, v4  }
0x169: {  	v6 =	vbroadcast v6, $0x0;
	_ =	sdelay $0x2  }
0x16a: {  	v5 =	vmul.f32 v7, v5  }
0x16b: {  	s28 =	simm.s32 $0x3  }
0x16c: {  	v8 =	vld [tilespmem:s26+$0xFFFFFFE0];
	[tilespmem:s26+$0xFFFFFFD0] =	vst v5;
	v5 =	vmov s28  }
0x16d: {  	v7 =	vshrl.u32 v5, $0x3;
	v6 =	vld.idx.msk [tilespmem:v6+s21+$0x0], $0xffff  }
0x16e: {  	v5 =	vor.u32 $0x3, v2;
	v7 =	vshll.u32 v7, v1  }
0x16f: {  	v7 =	vadd.s32 v7, v5  }
0x170: {  	v7 =	vbroadcast v7, $0x0;
	_ =	sdelay $0x1  }
0x171: {  	v6 =	vmul.f32 v8, v6  }
0x172: {  	s28 =	simm.s32 $0x4  }
0x173: {  	[tilespmem:s26+$0xFFFFFFE0] =	vst v6;
	v6 =	vmov s28  }
0x174: {  	v9 =	vld [tilespmem:s26+$0xFFFFFFF0];
	v8 =	vshrl.u32 v6, $0x3  }
0x175: {  	v7 =	vld.idx.msk [tilespmem:v7+s21+$0x0], $0xffff;
	v6 =	vor.u32 $0x4, v2;
	v8 =	vshll.u32 v8, v1  }
0x176: {  	v8 =	vadd.s32 v8, v6  }
0x177: {  	v8 =	vbroadcast v8, $0x0;
	_ =	sdelay $0x2  }
0x178: {  	v7 =	vmul.f32 v9, v7  }
0x179: {  	s28 =	simm.s32 $0x5  }
0x17a: {  	v10 =	vld [tilespmem:s26+$0x0];
	[tilespmem:s26+$0xFFFFFFF0] =	vst v7;
	v7 =	vmov s28  }
0x17b: {  	v9 =	vshrl.u32 v7, $0x3;
	v8 =	vld.idx.msk [tilespmem:v8+s21+$0x0], $0xffff  }
0x17c: {  	v7 =	vor.u32 $0x5, v2;
	v9 =	vshll.u32 v9, v1  }
0x17d: {  	v9 =	vadd.s32 v9, v7  }
0x17e: {  	v9 =	vbroadcast v9, $0x0;
	_ =	sdelay $0x1  }
0x17f: {  	v8 =	vmul.f32 v10, v8  }
0x180: {  	s28 =	simm.s32 $0x6  }
0x181: {  	[tilespmem:s26+$0x0] =	vst v8;
	v8 =	vmov s28  }
0x182: {  	v11 =	vld [tilespmem:s26+$0x10];
	v10 =	vshrl.u32 v8, $0x3  }
0x183: {  	v9 =	vld.idx.msk [tilespmem:v9+s21+$0x0], $0xffff;
	v8 =	vor.u32 $0x6, v2;
	v10 =	vshll.u32 v10, v1  }
0x184: {  	v10 =	vadd.s32 v10, v8  }
0x185: {  	v10 =	vbroadcast v10, $0x0;
	_ =	sdelay $0x2  }
0x186: {  	v9 =	vmul.f32 v11, v9  }
0x187: {  	s28 =	simm.s32 $0x7  }
0x188: {  	[tilespmem:s26+$0x10] =	vst v9;
	v9 =	vmov s28  }
0x189: {  	v11 =	vld.idx.msk [tilespmem:v10+s21+$0x0], $0xffff;
	v10 =	vshrl.u32 v9, $0x3  }
0x18a: {  	v63 =	vld [tilespmem:s26+$0x20];
	v9 =	vor.u32 $0x7, v2;
	v10 =	vshll.u32 v10, v1  }
0x18b: {  	v10 =	vadd.s32 v10, v9  }
0x18c: {  	v10 =	vbroadcast v10, $0x0;
	_ =	sdelay $0x2  }
0x18d: {  	v11 =	vmul.f32 v63, v11  }
0x18e: {  	s30 =	simm.s32 $0x8;
	s29 =	simm.s32 $0x17;
	s28 =	simm.s32 $0xF  }
.LBB2_8:
0x18f: {  	p0 =	sne.s32 s29, $0x7F;
	v12 =	vmov s30;
	[tilespmem:s26+$0x20] =	vst v11  }
0x190: {  	v11 =	vshrl.u32 v12, $0x3;
	v10 =	vld.idx.msk [tilespmem:v10+s21+$0x0], $0xffff  }
0x191: {  	v11 =	vshll.u32 v11, v1;
	v12 =	vld [tilespmem:s26+$0x30]  }
0x192: {  	v11 =	vadd.s32 v2, v11  }
0x193: {  	v11 =	vbroadcast v11, $0x0;
	_ =	sdelay $0x2  }
0x194: {  	v10 =	vmul.f32 v12, v10  }
0x195: {  	s30 =	sadd.s32 $0xFFFFFFFA, s28  }
0x196: {  	v12 =	vmov s30;
	[tilespmem:s26+$0x30] =	vst v10  }
0x197: {  	s26 =	sadd.s32 $0x80, s26;
	v10 =	vld.idx.msk [tilespmem:v11+s21+$0x0], $0xffff;
	v11 =	vshrl.u32 v12, $0x3  }
0x198: {  	v12 =	vld [tilespmem:s26+$0xFFFFFFC0];
	v11 =	vshll.u32 v11, v1  }
0x199: {  	v11 =	vadd.s32 v11, v3  }
0x19a: {  	v11 =	vbroadcast v11, $0x0;
	_ =	sdelay $0x2  }
0x19b: {  	v10 =	vmul.f32 v12, v10  }
0x19c: {  	s30 =	sadd.s32 $0xFFFFFFFB, s28  }
0x19d: {  	[tilespmem:s26+$0xFFFFFFC0] =	vst v10;
	v10 =	vmov s30  }
0x19e: {  	v11 =	vld.idx.msk [tilespmem:v11+s21+$0x0], $0xffff;
	v10 =	vshrl.u32 v10, $0x3  }
0x19f: {  	v12 =	vld [tilespmem:s26+$0xFFFFFFD0];
	v10 =	vshll.u32 v10, v1  }
0x1a0: {  	v10 =	vadd.s32 v10, v4  }
0x1a1: {  	v10 =	vbroadcast v10, $0x0;
	_ =	sdelay $0x2  }
0x1a2: {  	v11 =	vmul.f32 v12, v11  }
0x1a3: {  	s30 =	sadd.s32 $0xFFFFFFFC, s28  }
0x1a4: {  	[tilespmem:s26+$0xFFFFFFD0] =	vst v11;
	v11 =	vmov s30  }
0x1a5: {  	v10 =	vld.idx.msk [tilespmem:v10+s21+$0x0], $0xffff;
	v11 =	vshrl.u32 v11, $0x3  }
0x1a6: {  	v12 =	vld [tilespmem:s26+$0xFFFFFFE0];
	v11 =	vshll.u32 v11, v1  }
0x1a7: {  	v11 =	vadd.s32 v11, v5  }
0x1a8: {  	v11 =	vbroadcast v11, $0x0;
	_ =	sdelay $0x2  }
0x1a9: {  	v10 =	vmul.f32 v12, v10  }
0x1aa: {  	s30 =	sadd.s32 $0xFFFFFFFD, s28  }
0x1ab: {  	[tilespmem:s26+$0xFFFFFFE0] =	vst v10;
	v10 =	vmov s30  }
0x1ac: {  	v11 =	vld.idx.msk [tilespmem:v11+s21+$0x0], $0xffff;
	v10 =	vshrl.u32 v10, $0x3  }
0x1ad: {  	v12 =	vld [tilespmem:s26+$0xFFFFFFF0];
	v10 =	vshll.u32 v10, v1  }
0x1ae: {  	v10 =	vadd.s32 v10, v6  }
0x1af: {  	v10 =	vbroadcast v10, $0x0;
	_ =	sdelay $0x2  }
0x1b0: {  	v11 =	vmul.f32 v12, v11  }
0x1b1: {  	s30 =	sadd.s32 $0xFFFFFFFE, s28  }
0x1b2: {  	[tilespmem:s26+$0xFFFFFFF0] =	vst v11;
	v11 =	vmov s30  }
0x1b3: {  	v10 =	vld.idx.msk [tilespmem:v10+s21+$0x0], $0xffff;
	v11 =	vshrl.u32 v11, $0x3  }
0x1b4: {  	v12 =	vld [tilespmem:s26+$0x0];
	v11 =	vshll.u32 v11, v1  }
0x1b5: {  	v11 =	vadd.s32 v11, v7  }
0x1b6: {  	v11 =	vbroadcast v11, $0x0;
	_ =	sdelay $0x2  }
0x1b7: {  	v10 =	vmul.f32 v12, v10  }
0x1b8: {  	s30 =	sadd.s32 $0xFFFFFFFF, s28  }
0x1b9: {  	[tilespmem:s26+$0x0] =	vst v10;
	v10 =	vmov s30  }
0x1ba: {  	v11 =	vld.idx.msk [tilespmem:v11+s21+$0x0], $0xffff;
	v10 =	vshrl.u32 v10, $0x3  }
0x1bb: {  	v12 =	vld [tilespmem:s26+$0x10];
	v10 =	vshll.u32 v10, v1  }
0x1bc: {  	v10 =	vadd.s32 v10, v8  }
0x1bd: {  	v10 =	vbroadcast v10, $0x0;
	_ =	sdelay $0x2  }
0x1be: {  	v11 =	vmul.f32 v12, v11;
	_ =	sdelay $0x1  }
0x1bf: {  	[tilespmem:s26+$0x10] =	vst v11;
	v11 =	vmov s28;
	s28 =	smov.u32 s29  }
0x1c0: {  	v12 =	vld.idx.msk [tilespmem:v10+s21+$0x0], $0xffff;
	v10 =	vshrl.u32 v11, $0x3  }
0x1c1: {  	v11 =	vld [tilespmem:s26+$0x20];
	v10 =	vshll.u32 v10, v1  }
0x1c2: {  	v10 =	vadd.s32 v10, v9  }
.Ltmp6:
0x1c3: {  	v10 =	vbroadcast v10, $0x0;
	(pc) =	sbr.rel @p0 .LBB2_8-.Ltmp6, $3  }
0x1c4: {  	_ =	sdelay $0x1  }
0x1c5: {  	v11 =	vmul.f32 v11, v12  }
0x1c6: {  	s29 =	sadd.s32 $0x8, s29;
	s30 =	sadd.s32 $0xFFFFFFF9, s28  }
0x1c7: {  	_ =	sdelay $0x2  }
0x1c8: {  	v12 =	vmov s30;
	[tilespmem:s26+$0x20] =	vst v11;
	v54 =	vld [tilespmem:s26+$0x30]  }
0x1c9: {  	v53 =	vshrl.u32 v12, $0x3;
	v10 =	vld.idx.msk [tilespmem:v10+s21+$0x0], $0xffff  }
0x1ca: {  	v11 =	vshll.u32 v53, v1  }
0x1cb: {  	v2 =	vadd.s32 v2, v11  }
0x1cc: {  	v2 =	vbroadcast v2, $0x0;
	_ =	sdelay $0x1  }
0x1cd: {  	v10 =	vmul.f32 v54, v10  }
0x1ce: {  	s29 =	sadd.s32 $0xFFFFFFFA, s28  }
0x1cf: {  	v55 =	vmov s29;
	[tilespmem:s26+$0x30] =	vst v10;
	s26 =	sadd.s32 $0x80, s26  }
0x1d0: {  	v56 =	vshrl.u32 v55, $0x3;
	v57 =	vld [tilespmem:s26+$0xFFFFFFC0]  }
0x1d1: {  	v10 =	vshll.u32 v56, v1;
	v2 =	vld.idx.msk [tilespmem:v2+s21+$0x0], $0xffff  }
0x1d2: {  	v3 =	vadd.s32 v10, v3  }
0x1d3: {  	v3 =	vbroadcast v3, $0x0;
	_ =	sdelay $0x2  }
0x1d4: {  	v2 =	vmul.f32 v57, v2  }
0x1d5: {  	s30 =	sadd.s32 $0xFFFFFFFB, s28  }
0x1d6: {  	v58 =	vld [tilespmem:s26+$0xFFFFFFD0];
	[tilespmem:s26+$0xFFFFFFC0] =	vst v2;
	v2 =	vmov s30  }
0x1d7: {  	v3 =	vld.idx.msk [tilespmem:v3+s21+$0x0], $0xffff;
	v2 =	vshrl.u32 v2, $0x3  }
0x1d8: {  	v2 =	vshll.u32 v2, v1  }
0x1d9: {  	v2 =	vadd.s32 v2, v4  }
0x1da: {  	v2 =	vbroadcast v2, $0x0;
	_ =	sdelay $0x1  }
0x1db: {  	v3 =	vmul.f32 v58, v3  }
0x1dc: {  	s30 =	sadd.s32 $0xFFFFFFFC, s28  }
0x1dd: {  	[tilespmem:s26+$0xFFFFFFD0] =	vst v3;
	v3 =	vmov s30  }
0x1de: {  	v59 =	vld [tilespmem:s26+$0xFFFFFFE0];
	v3 =	vshrl.u32 v3, $0x3  }
0x1df: {  	v2 =	vld.idx.msk [tilespmem:v2+s21+$0x0], $0xffff;
	v3 =	vshll.u32 v3, v1  }
0x1e0: {  	v3 =	vadd.s32 v3, v5  }
0x1e1: {  	v3 =	vbroadcast v3, $0x0;
	_ =	sdelay $0x2  }
0x1e2: {  	v2 =	vmul.f32 v59, v2  }
0x1e3: {  	s30 =	sadd.s32 $0xFFFFFFFD, s28  }
0x1e4: {  	v60 =	vld [tilespmem:s26+$0xFFFFFFF0];
	[tilespmem:s26+$0xFFFFFFE0] =	vst v2;
	v2 =	vmov s30  }
0x1e5: {  	v3 =	vld.idx.msk [tilespmem:v3+s21+$0x0], $0xffff;
	v2 =	vshrl.u32 v2, $0x3  }
0x1e6: {  	v2 =	vshll.u32 v2, v1  }
0x1e7: {  	v2 =	vadd.s32 v2, v6  }
0x1e8: {  	v2 =	vbroadcast v2, $0x0;
	_ =	sdelay $0x1  }
0x1e9: {  	v3 =	vmul.f32 v60, v3  }
0x1ea: {  	s30 =	sadd.s32 $0xFFFFFFFE, s28  }
0x1eb: {  	[tilespmem:s26+$0xFFFFFFF0] =	vst v3;
	v3 =	vmov s30  }
0x1ec: {  	v61 =	vld [tilespmem:s26+$0x0];
	v3 =	vshrl.u32 v3, $0x3  }
0x1ed: {  	v2 =	vld.idx.msk [tilespmem:v2+s21+$0x0], $0xffff;
	v3 =	vshll.u32 v3, v1  }
0x1ee: {  	v3 =	vadd.s32 v3, v7  }
0x1ef: {  	v3 =	vbroadcast v3, $0x0;
	_ =	sdelay $0x2  }
0x1f0: {  	v2 =	vmul.f32 v61, v2  }
0x1f1: {  	s30 =	sadd.s32 $0xFFFFFFFF, s28  }
0x1f2: {  	v62 =	vld [tilespmem:s26+$0x10];
	[tilespmem:s26+$0x0] =	vst v2;
	v2 =	vmov s30  }
0x1f3: {  	v3 =	vld.idx.msk [tilespmem:v3+s21+$0x0], $0xffff;
	v2 =	vshrl.u32 v2, $0x3  }
0x1f4: {  	v2 =	vshll.u32 v2, v1  }
0x1f5: {  	v2 =	vadd.s32 v2, v8  }
0x1f6: {  	v2 =	vbroadcast v2, $0x0;
	_ =	sdelay $0x1  }
0x1f7: {  	v3 =	vmul.f32 v62, v3;
	_ =	sdelay $0x1  }
0x1f8: {  	[tilespmem:s26+$0x10] =	vst v3;
	v3 =	vmov s28  }
0x1f9: {  	v63 =	vld [tilespmem:s26+$0x20];
	v3 =	vshrl.u32 v3, $0x3  }
0x1fa: {  	v2 =	vld.idx.msk [tilespmem:v2+s21+$0x0], $0xffff;
	v3 =	vshll.u32 v3, v1  }
0x1fb: {  	v3 =	vadd.s32 v3, v9  }
0x1fc: {  	v3 =	vbroadcast v3, $0x0;
	_ =	sdelay $0x2  }
0x1fd: {  	v2 =	vmul.f32 v63, v2;
	_ =	sdelay $0x1  }
0x1fe: {  	[tilespmem:s26+$0x20] =	vst v2  }
0x1ff: {  	v2 =	vld.idx.msk [tilespmem:v3+s21+$0x0], $0xffff  }
0x200: {  	v3 =	vld [tilespmem:s26+$0x30];
	_ =	sdelay $0x4  }
0x201: {  	v2 =	vmul.f32 v3, v2  }
0x202: {  	s24 =	sand.u32 $0x3FFFFF80, s24;
	p0 =	seq.s32 s22, $0x7  }
.Ltmp7:
0x203: {  	s24 =	sadd.s32 $0x800, s24;
	[tilespmem:s26+$0x30] =	vst v2;
	(pc) =	sbr.rel @p0 .LBB2_11-.Ltmp7, $4  }
0x204: {  	[spmem:s2] =	stream.indirect.scatter.add.f32 [tilespmem:s14], [sflag:$0x5], $0x10, s24, s20, $0xb8;
	[tilespmem:$0x5000] =	vst v63  }
0x205: {  	_ =	swait.ge [sflag:s17], $0x800  }
0x206: {  	[sflag:s17] =	ssyncset.done $0x0  }
0x207: {  	[sflag:s17] =	ssyncadd.s32 $0xFFFFF800  }
0x208: {  	s24 =	sadd.s32 $0x100, s23  }
0x209: {  	[tilespmem:s18], [sflag:$0x2] =	stream.indirect.gather [hbm4b:s9+s20], $0x10, s24, s20, $0xb8;
	[tilespmem:$0x5000] =	vst v63  }
.Ltmp8:
0x20a: {  	_ = 	snop;
	(pc) =	sbr.rel .LBB2_5-.Ltmp8, $4  }
0x20b: {  	_ =	swait.ge [sflag:s25], $0x800  }
0x20c: {  	[sflag:s25] =	ssyncset.done $0x0  }
0x20d: {  	s30 =	sadd.s32 $0x180, s23;
	s22 =	sadd.s32 $0x1, s22;
	[sflag:s25] =	ssyncadd.s32 $0xFFFFF800  }
0x20e: {  	[tilespmem:s14], [sflag:$0x3] =	stream.indirect.gather [hbm4b:s9+s20], $0x10, s30, s20, $0xb8;
	[tilespmem:$0x5000] =	vst v63  }
.LBB2_13:
0x20f: {  	_ =	sfence.sel $0x180000  }
0x210: {  	[bflag:$0x0] =	sbarrier.arrive $0xFFFF  }
0x211: {  	_ =	strace $0x9000004D  }
0x212: {  	s0 =	stileid.u32;
	[bflag:$0x2] =	sbarrier.arrive $0xFFFF  }
0x213: {  	p0 =	sne.s32 s0, $0x0;
	s0 =	rddreg [dreg:$0x3]  }
0x214: {  	s0 =	sadd.s32 @!p0 $0x100000, s0  }
0x215: {  	[sflag:s0] =	ssyncadd.tile.s32 @!p0 $0x1;
	_ =	shalt  }
.Lfunc_end2:
_tile_overlayer_lowered:
.L_overlay_start_2:
0x216: {  	(tag) =	ssettag $0x2  }
0x217: {  	s0 =	rddreg [dreg:$0x0];
	s2 =	stileid.u32  }
0x218: {  	s1 =	rddreg [dreg:$0x1];
	p0 =	sne.s32 s2, $0x0  }
0x219: {  	s3 =	rddreg [dreg:$0x2];
	[bflag:$0x3] =	sbarrier.arrive $0xFFFF;
	s2 =	simm.s32 @!p0 $0x1C06  }
0x21a: {  	[timem:s3], [sflag:s2] =	dma.local @!p0 [hbm:s0], s1  }
0x21b: {  	s0 =	simm.s32 @!p0 $0x6  }
0x21c: {  	_ =	swait.ge @!p0 [sflag:s0], s1  }
0x21d: {  	s1 =	ssub.s32 @!p0 $0x0, s1;
	[sflag:s0] =	ssyncset.done @!p0 $0x0  }
0x21e: {  	[sflag:s0] =	ssyncadd.s32 @!p0 s1  }
0x21f: {  	[bflag:$0x3] =	sbarrier.arrive $0xFFFF  }
0x220: {  	_ =	shalt  }

// kernel: kernel.9.cloned.1.call-start
scs
__scs_entry_jumppad:
0x0: {  	(pc) =	sbr.rel $0x88, $3  }
0x1: {  	(tag) =	ssettag $0x0;
	lr =	simm.s32 $0x1  }
0x2: {  	[smem:$0x3F98] =	sst lr;
	_ =	strace $0xD0000000  }
0x3: {  	_ = 	snop  }
0x4: {  	_ = 	snop  }
0x5: {  	_ = 	snop  }
0x6: {  	_ = 	snop  }
0x7: {  	_ = 	snop  }
__scs_overlays_trampoline_lowered:
0x8: {  	[smem:$0x3FA7] =	sst s0  }
0x9: {  	[smem:$0x3FA8] =	sst s1  }
0xa: {  	[smem:$0x3FA9] =	sst s2  }
0xb: {  	[smem:$0x3FAA] =	sst s3  }
0xc: {  	[smem:$0x3FAB] =	sst s4  }
0xd: {  	[smem:$0x3FAC] =	sst s5  }
0xe: {  	[smem:$0x3FAD] =	sst s6  }
0xf: {  	[smem:$0x3FAE] =	sst s7  }
0x10: {  	[smem:$0x3FAF] =	sst s8  }
0x11: {  	[smem:$0x3FB0] =	sst s9;
	s0 =	simm.s32 @!p0 $0x0  }
0x12: {  	s1 =	sld [smem:$0x3F96];
	s0 =	simm.s32 @p0 $0x1  }
0x13: {  	[smem:$0x3FB1] =	sst s0;
	s0 =	simm.s32 @!p1 $0x0  }
0x14: {  	s2 =	sld [smem:$0x3F95];
	s0 =	simm.s32 @p1 $0x1  }
0x15: {  	[smem:$0x3FB2] =	sst s0;
	s0 =	simm.s32 @!p2 $0x0  }
0x16: {  	s3 =	sld [smem:$0x3FDB];
	s0 =	simm.s32 @p2 $0x1  }
0x17: {  	s4 =	simm.s32 $0x1BF5;
	[smem:$0x3FB4] =	sst s0  }
0x18: {  	s0 =	sld [smem:$0x3F97];
	_ =	swait.ge [sflag:s4], $0x0  }
0x19: {  	s7 =	sld [smem:$0x3F98]  }
0x1a: {  	s8 =	sadd.s32 $0xFFFFE003, lr  }
0x1b: {  	s9 =	sadd.s32 $0xFFFFFEF7, lr;
	s5 =	simm.s32 $0xFFFFFFFF;
	p2 =	slt.u32 s8, $0xFFFFF086  }
0x1c: {  	p1 =	slt.u32 s9, $0xF7A;
	s5 =	simm.s32 @!p2 $0x0  }
0x1d: {  	s5 =	simm.s32 @p1 $0x1;
	p0 =	seq.s32 s7, s2  }
0x1e: {  	s7 =	smul.u32 @!p0 $0xF7A, s2;
	p2 =	seq.s32 @!p0 s5, $0x0  }
0x1f: {  	s9 =	smul.u32 $0xF7A, s1;
	s8 =	simm.s32 @!p0 $0x1BF5;
	p2 =	por !p2, p0  }
0x20: {  	[sflag:s8] =	ssyncset.s32 @!p0 $0xFFFFF086;
	s6 =	sadd.s32 @!p0 s3, s7;
	s7 =	simm.s32 @!p0 $0x108  }
0x21: {  	s3 =	sadd.s32 s3, s9;
	s6 =	sadd.s32 @!p0 $0x88, s6;
	s7 =	simm.s32 @p2 $0x1082  }
0x22: {  	[simem:s7], [sflag:s8] =	dma.local @!p0 [hbm:s6], $0xF7A  }
0x23: {  	s9 =	sor.u32 $0xD0000000, s2;
	s6 =	simm.s32 $0x108;
	_ =	swait.ge @!p0 [sflag:s8], $0x0  }
0x24: {  	s3 =	sadd.s32 $0x88, s3;
	s6 =	simm.s32 @!p1 $0x1082;
	[sflag:s4] =	ssyncset.s32 $0xFFFFF086  }
0x25: {  	[simem:s6], [sflag:s4] =	dma.local [hbm:s3], $0xF7A  }
0x26: {  	[smem:$0x3F98] =	sst s1;
	(tag) =	ssettag s2;
	_ =	strace s9  }
0x27: {  	s1 =	sld [smem:$0x3FA8]  }
0x28: {  	s2 =	sld [smem:$0x3FA9]  }
0x29: {  	s4 =	sld [smem:$0x3FAB]  }
0x2a: {  	p0 =	seq.s32 s5, $0x0;
	s5 =	sld [smem:$0x3FAC]  }
0x2b: {  	s6 =	sld [smem:$0x3FAD]  }
0x2c: {  	s7 =	sld [smem:$0x3FAE]  }
0x2d: {  	s3 =	simm.s32 $0x108;
	s8 =	sld [smem:$0x3FAF]  }
0x2e: {  	s3 =	simm.s32 @!p0 $0x1082;
	s9 =	sld [smem:$0x3FB0]  }
0x2f: {  	lr =	sadd.s32 s0, s3;
	s0 =	sld [smem:$0x3FA7]  }
0x30: {  	s3 =	sld [smem:$0x3FAA]  }
0x31: {  	[smem:$0x3FB3] =	sst s10  }
0x32: {  	s10 =	sld [smem:$0x3FB1];
	_ =	sdelay $0x3  }
0x33: {  	p0 =	seq.s32 s10, $0x1;
	s10 =	sld [smem:$0x3FB3];
	_ =	sdelay $0x3  }
0x34: {  	[smem:$0x3FB3] =	sst s10  }
0x35: {  	s10 =	sld [smem:$0x3FB2];
	_ =	sdelay $0x3  }
0x36: {  	p1 =	seq.s32 s10, $0x1;
	s10 =	sld [smem:$0x3FB3];
	_ =	sdelay $0x3  }
0x37: {  	[smem:$0x3FB3] =	sst s10  }
0x38: {  	s10 =	sld [smem:$0x3FB4]  }
0x39: {  	_ = 	snop;
	(pc) =	sbr.ind lr, $3  }
0x3a: {  	_ = 	snop  }
0x3b: {  	_ = 	snop  }
0x3c: {  	p2 =	seq.s32 s10, $0x1;
	s10 =	sld [smem:$0x3FB3]  }
0x3d: {  	_ =	shalt  }
0x3e: {  	_ =	shalt  }
0x3f: {  	_ =	shalt  }
0x40: {  	_ =	shalt  }
0x41: {  	_ =	shalt  }
0x42: {  	_ =	shalt  }
0x43: {  	_ =	shalt  }
0x44: {  	_ =	shalt  }
0x45: {  	_ =	shalt  }
0x46: {  	_ =	shalt  }
0x47: {  	_ =	shalt  }
0x48: {  	_ =	shalt  }
0x49: {  	_ =	shalt  }
0x4a: {  	_ =	shalt  }
0x4b: {  	_ =	shalt  }
0x4c: {  	_ =	shalt  }
0x4d: {  	_ =	shalt  }
0x4e: {  	_ =	shalt  }
0x4f: {  	_ =	shalt  }
0x50: {  	_ =	shalt  }
0x51: {  	_ =	shalt  }
0x52: {  	_ =	shalt  }
0x53: {  	_ =	shalt  }
0x54: {  	_ =	shalt  }
0x55: {  	_ =	shalt  }
0x56: {  	_ =	shalt  }
0x57: {  	_ =	shalt  }
0x58: {  	_ =	shalt  }
0x59: {  	_ =	shalt  }
0x5a: {  	_ =	shalt  }
0x5b: {  	_ =	shalt  }
0x5c: {  	_ =	shalt  }
0x5d: {  	_ =	shalt  }
0x5e: {  	_ =	shalt  }
0x5f: {  	_ =	shalt  }
0x60: {  	_ =	shalt  }
0x61: {  	_ =	shalt  }
0x62: {  	_ =	shalt  }
0x63: {  	_ =	shalt  }
0x64: {  	_ =	shalt  }
0x65: {  	_ =	shalt  }
0x66: {  	_ =	shalt  }
0x67: {  	_ =	shalt  }
0x68: {  	_ =	shalt  }
0x69: {  	_ =	shalt  }
0x6a: {  	_ =	shalt  }
0x6b: {  	_ =	shalt  }
0x6c: {  	_ =	shalt  }
0x6d: {  	_ =	shalt  }
0x6e: {  	_ =	shalt  }
0x6f: {  	_ =	shalt  }
0x70: {  	_ =	shalt  }
0x71: {  	_ =	shalt  }
0x72: {  	_ =	shalt  }
0x73: {  	_ =	shalt  }
0x74: {  	_ =	shalt  }
0x75: {  	_ =	shalt  }
0x76: {  	_ =	shalt  }
0x77: {  	_ =	shalt  }
0x78: {  	_ =	shalt  }
0x79: {  	_ =	shalt  }
0x7a: {  	_ =	shalt  }
0x7b: {  	_ =	shalt  }
0x7c: {  	_ =	shalt  }
0x7d: {  	_ =	shalt  }
0x7e: {  	_ =	shalt  }
0x7f: {  	_ =	shalt  }
0x80: {  	_ =	shalt  }
0x81: {  	_ =	shalt  }
0x82: {  	_ =	shalt  }
0x83: {  	_ =	shalt  }
0x84: {  	_ =	shalt  }
0x85: {  	_ =	shalt  }
0x86: {  	_ =	shalt  }
0x87: {  	_ =	shalt  }
.Lfunc_end0:
.L_simem_size_0:
called_computation_lowered:
.L_overlay_start_0:
0x88: {  	s2 =	sld [smem:$0x3FD9]  }
0x89: {  	s3 =	sld [smem:$0x3FFE];
	_ =	sdelay $0x1  }
0x8a: {  	s1 =	srdreg.scid  }
0x8b: {  	s0 =	sand.u32 $0x1, s1  }
0x8c: {  	s16 =	sshll.u32 s0, $0xA;
	s2 =	sadd.s32 s3, s2  }
0x8d: {  	s2 =	sadd.s32 s2, s16  }
0x8e: {  	[smem:$0x3FBF] =	sst s2  }
0x8f: {  	_ = 	snop  }
0x90: {  	(tm) =	ssettm $0x1  }
0x91: {  	s17 =	sld [smem:$0x3FFB];
	_ =	sdelay $0x3  }
0x92: {  	_ =	strace s17  }
0x93: {  	s2 =	sld [smem:$0x3FFC];
	_ =	sdelay $0x3  }
0x94: {  	_ =	strace s2  }
0x95: {  	s2 =	sld [smem:$0x3FFD];
	_ =	sdelay $0x3  }
0x96: {  	_ =	strace s2  }
0x97: {  	_ =	strace $0x8FFFFFFF  }
0x98: {  	s18 =	sld [smem:$0x3FDB];
	_ =	sdelay $0x1  }
0x99: {  	s19 =	simm.s32 $_scs_section_size  }
0x9a: {  	s4 =	simm.s32 $_size__tile_overlayer_lowered;
	s5 =	simm.s32 $_tile_overlayer_lowered  }
0x9b: {  	s22 =	simm.s32 $0x1BFF;
	s21 =	sshll.u32 s5, $0x1;
	s2 =	sadd.s32 s19, s18  }
0x9c: {  	s6 =	simm.s32 $0x0;
	s20 =	sshll.u32 s4, $0x1;
	s4 =	sadd.s32 s21, s2  }
0x9d: {  	[timem:s6], [sflag:s22] =	dma.local [hbm:s4], s20  }
0x9e: {  	_ =	swait.ge [sflag:s22], s20  }
0x9f: {  	s3 =	ssub.s32 $0x0, s20;
	[sflag:s22] =	ssyncset.done $0x0  }
0xa0: {  	[sflag:s22] =	ssyncadd.s32 s3;
	_ =	sdelay $0x1  }
0xa1: {  	s23 =	simm.s32 $0x1B8B  }
0xa2: {  	_ =	swait.ge [sflag:s23], $0x1  }
0xa3: {  	[sflag:s23] =	ssyncset.done $0x0  }
0xa4: {  	s25 =	simm.s32 $0x1B8E;
	s24 =	sld [smem:$0x3FFE];
	[sflag:s23] =	ssyncadd.s32 $0xFFFFFFFF  }
0xa5: {  	s26 =	simm.s32 $execute0_lowered;
	[smem:$0x3FD2] =	sst s25  }
0xa6: {  	s4 =	sshll.u32 s26, $0x1;
	_ =	strace $0x80000046;
	[dreg:$0x1] =	wrdreg $0xFFFFFFFF  }
0xa7: {  	s28 =	simm.s32 $_size_execute0_lowered;
	s2 =	sadd.s32 s2, s4;
	[dreg:$0x0] =	wrdreg $0x0  }
0xa8: {  	s4 =	sshll.u32 s28, $0x1;
	[dreg:$0x2] =	wrdreg s2  }
0xa9: {  	[dreg:$0x3] =	wrdreg s4  }
0xaa: {  	[dreg:$0x4] =	wrdreg $0xC0  }
0xab: {  	_ =	task [dreg:s6], $0x5FFFF  }
0xac: {  	[dreg:$0x1] =	wrdreg $0xFFFFFFFF  }
0xad: {  	[dreg:$0x0] =	wrdreg $0x60  }
0xae: {  	[dreg:$0x2] =	wrdreg s24  }
0xaf: {  	[dreg:$0x3] =	wrdreg $0x28800  }
0xb0: {  	[dreg:$0x4] =	wrdreg $0x9  }
0xb1: {  	_ =	task.clear_ibuf [dreg:s6], $0x5FFFF;
	_ =	strace $0x90000046  }
0xb2: {  	s29 =	simm.s32 $0x9;
	_ =	strace $0x80000048  }
0xb3: {  	_ =	swait.ge [sflag:s29], $0x1  }
0xb4: {  	[sflag:s29] =	ssyncadd.s32 $0xFFFFFFFF  }
0xb5: {  	_ =	strace $0x90000048  }
0xb6: {  	_ =	sfence  }
0xb7: {  	s30 =	sld [smem:$0x0];
	_ =	sdelay $0x2  }
0xb8: {  	s31 =	sshll.u32 s1, $0xD;
	s1 =	sshrl.u32 s1, $0x2  }
0xb9: {  	s3 =	sand.u32 $0x4000, s31;
	s1 =	sadd.s32 s1, s30  }
0xba: {  	s0 =	sor.u32 s3, s0;
	s1 =	sshll.u32 s1, $0x11  }
0xbb: {  	s0 =	sor.u32 s1, s0  }
0xbc: {  	s0 =	sadd.s32 $0x8F2B, s0  }
0xbd: {  	[sflag:s0] =	ssyncadd.remote.s32 $0x1  }
0xbe: {  	_ =	sfence.sel $0xFFFF  }
0xbf: {  	[dreg:$0x0] =	wrdreg $0xFFFFFFFF;
	(pc) =	sbr.abs _section_cstart, $3  }
0xc0: {  	[dreg:$0x1] =	wrdreg $0xFFFFFFFF  }
0xc1: {  	_ =	task.clear_ibuf [dreg:s6], $0x2FFFF;
	_ =	strace $0x9FFFFFFF  }
0xc2: {  	(tm) =	ssettm $0x7FFFFFFF  }
0xc3: {  	_ =	shalt  }
tec
execute0_lowered:
.L_overlay_start_1:
0x0: {  	(tag) =	ssettag $0x1  }
0x1: {  	s1 =	srdreg.scid;
	s4 =	rddreg [dreg:$0x0]  }
0x2: {  	s0 =	stileid.u32;
	s2 =	rddreg [dreg:$0x1];
	s3 =	simm.s32 $0x0  }
0x3: {  	s10 =	simm.s32 $0x80;
	s5 =	sand.u32 $0x1, s1;
	s1 =	rddreg [dreg:$0x2]  }
0x4: {  	s11 =	simm.s32 $0x1400;
	s6 =	smul.u32 $0x1400, s0;
	[smem:$0x7FF] =	sst s3  }
0x5: {  	s12 =	sshll.u32 s0, $0x6;
	s7 =	sshll.u32 s5, $0x4;
	s8 =	smul.u32 $0x14000, s5  }
0x6: {  	_ =	strace $0x80000047;
	s5 =	ssub.s32 $0x2, s5;
	s7 =	sor.u32 s0, s7  }
0x7: {  	s31 =	sshrl.u32 s5, $0x1;
	s7 =	smul.u32 $0x280, s7;
	s8 =	sadd.s32 s6, s8  }
0x8: {  	s12 =	sor.u32 $0x1C01, s12;
	s9 =	ssub.s32 s5, s31;
	s8 =	sshrl.u32 s8, $0x3  }
0x9: {  	s7 =	sadd.s32 s7, s4;
	s8 =	sadd.s32 s8, s4;
	s4 =	sadd.s32 s6, s2  }
0xa: {  	s5 =	sadd.s32 $0x1A00, s7;
	s6 =	sadd.s32 $0x6A00, s8;
	s7 =	smax.u32 s9, $0x1  }
0xb: {  	v0 =	vimm.f32 $0.0e+00;
	v1 =	vimm.f32 $1.000000000e+00;
	s8 =	simm.s32 $0x1480;
	s9 =	simm.s32 $0x1;
	s13 =	sshrl.u32 s4, $0x3  }
.LBB2_1:
0xc: {  	s14 =	simm.s32 $0x40;
	s15 =	simm.s32 $0x0  }
.LBB2_2:
0xd: {  	p0 =	sne.s32 s14, $0x4FC0;
	[tilespmem:s15+$0x1480] =	vst v0;
	s15 =	smov.u32 s14;
	s14 =	sadd.s32 $0x40, s14  }
.Ltmp0:
0xe: {  	(pc) =	sbr.rel @p0 .LBB2_2-.Ltmp0, $2  }
0xf: {  	_ =	sdelay $0x2  }
0x10: {  	s15 =	sshra.s32 s15, $0x2  }
0x11: {  	[tilespmem:s15+$0x1480] =	vst v0  }
0x12: {  	[tilespmem:$0x1400] =	vst v1  }
0x13: {  	[tilespmem:$0x1410] =	vst v1  }
0x14: {  	[tilespmem:$0x1420] =	vst v1  }
0x15: {  	[tilespmem:$0x1430] =	vst v1  }
0x16: {  	[tilespmem:$0x1440] =	vst v1  }
0x17: {  	[tilespmem:$0x1450] =	vst v1  }
0x18: {  	[tilespmem:$0x1460] =	vst v1  }
0x19: {  	[tilespmem:$0x1470] =	vst v1  }
0x1a: {  	[spmem:s4] =	stream.linear.scatter [tilespmem:s8], [sflag:$0x1], $0x1400, $0x38;
	[tilespmem:$0x3C80] =	vst v63  }
0x1b: {  	_ =	swait.ge [sflag:s9], $0x1400  }
0x1c: {  	[sflag:s9] =	ssyncset.done $0x0  }
0x1d: {  	[sflag:s9] =	ssyncadd.s32 $0xFFFFEC00  }
0x1e: {  	s14 =	simm.s32 $0x0;
	[bflag:$0x0] =	sbarrier.arrive $0xFFFF  }
0x1f: {  	[tilespmem:s14], [sflag:$0x1] =	stream.linear.gather [hbm4b:s5+s14], $0x1400, $0x38;
	[tilespmem:$0x3C80] =	vst v63  }
0x20: {  	_ =	swait.ge [sflag:s9], $0x1400  }
0x21: {  	[sflag:s9] =	ssyncset.done $0x0  }
0x22: {  	s31 =	simm.s32 $0x0;
	[sflag:s9] =	ssyncadd.s32 $0xFFFFEC00  }
0x23: {  	[spmem:s2] =	stream.indirect.scatter.add.f32 [tilespmem:s11], [sflag:$0x1], $0x1, s31, s10, $0xb8;
	[tilespmem:$0x3C80] =	vst v63  }
0x24: {  	_ =	swait.ge [sflag:s9], $0x80  }
0x25: {  	s14 =	simm.s32 $0x200;
	[sflag:s9] =	ssyncset.done $0x0  }
.LBB2_4:
0x26: {  	s15 =	sshra.s32 s14, $0x2;
	[sflag:s9] =	ssyncadd.s32 $0xFFFFFF80;
	p0 =	sne.s32 s14, $0x4E00  }
0x27: {  	[spmem:s2] =	stream.indirect.scatter.add.f32 [tilespmem:s11], [sflag:$0x1], $0x1, s15, s10, $0xb8;
	[tilespmem:$0x3C80] =	vst v63  }
.Ltmp1:
0x28: {  	_ = 	snop;
	(pc) =	sbr.rel @p0 .LBB2_4-.Ltmp1, $4  }
0x29: {  	_ = 	snop  }
0x2a: {  	s14 =	sadd.s32 $0x200, s14  }
0x2b: {  	_ =	swait.ge [sflag:s9], $0x80  }
0x2c: {  	[sflag:s9] =	ssyncset.done $0x0  }
0x2d: {  	s3 =	sadd.s32 $0x1, s3  }
0x2e: {  	[sflag:s9] =	ssyncadd.s32 $0xFFFFFF80;
	p0 =	sne.s32 s3, s7  }
.Ltmp2:
0x2f: {  	[bflag:$0x0] =	sbarrier.arrive $0xFFFF;
	(pc) =	sbr.rel @p0 .LBB2_1-.Ltmp2, $4  }
0x30: {  	[hbm:s6], [sflag:s12] =	dma.local [spmem:s13], $0x280  }
0x31: {  	_ =	swait.ge [sflag:s9], $0x280  }
0x32: {  	[sflag:s9] =	ssyncset.done $0x0  }
0x33: {  	[sflag:s9] =	ssyncadd.s32 $0xFFFFFD80  }
0x34: {  	_ =	sfence.sel $0x180000  }
0x35: {  	[bflag:$0x0] =	sbarrier.arrive $0xFFFF  }
0x36: {  	p0 =	sne.s32 s0, $0x0;
	_ =	strace $0x90000047  }
0x37: {  	s0 =	sadd.s32 @!p0 $0x100000, s1;
	[bflag:$0x2] =	sbarrier.arrive $0xFFFF  }
0x38: {  	[sflag:s0] =	ssyncadd.tile.s32 @!p0 $0x1;
	_ =	shalt  }
.Lfunc_end2:
_tile_overlayer_lowered:
.L_overlay_start_2:
0x39: {  	(tag) =	ssettag $0x2  }
0x3a: {  	s0 =	rddreg [dreg:$0x0];
	s2 =	stileid.u32  }
0x3b: {  	s1 =	rddreg [dreg:$0x1];
	p0 =	sne.s32 s2, $0x0  }
0x3c: {  	s3 =	rddreg [dreg:$0x2];
	[bflag:$0x3] =	sbarrier.arrive $0xFFFF;
	s2 =	simm.s32 @!p0 $0x1C01  }
0x3d: {  	[timem:s3], [sflag:s2] =	dma.local @!p0 [hbm:s0], s1  }
0x3e: {  	s0 =	simm.s32 @!p0 $0x1  }
0x3f: {  	_ =	swait.ge @!p0 [sflag:s0], s1  }
0x40: {  	s1 =	ssub.s32 @!p0 $0x0, s1;
	[sflag:s0] =	ssyncset.done @!p0 $0x0  }
0x41: {  	[sflag:s0] =	ssyncadd.s32 @!p0 s1  }
0x42: {  	[bflag:$0x3] =	sbarrier.arrive $0xFFFF  }
0x43: {  	_ =	shalt  }

</sc_bundles>
